<compile_context>
chip_gen: v7x
topology: tpu7x:2x2x1
jax: 0.10.2.dev20260603
libtpu: 0.0.44.dev20260713+nightly
codegen_flags: <defaults>
</compile_context>

<pallas_src>
import functools

import jax
import jax.numpy as jnp
from jax import lax
from jax.experimental import pallas as pl
from jax.experimental.pallas import tpu as pltpu
from jax.experimental.pallas import tpu_sc as plsc

N = 10000
NPAD = 10112
EDGES = 330000
K = 128
NC, NS = 2, 16
NW = NC * NS
CHUNKS = (-(-EDGES // (NW * K)) + 1) // 2 * 2
EPT = CHUNKS * K
EP = EPT * NW
RPT = NPAD // NS


def _sc_edge_layer(F, H, ACC, BF16=False):
    C = F // H

    NJ = F // 16
    _gdt = jnp.int32 if BF16 else jnp.float32
    FW = F // 2 if BF16 else F

    def body(xl, xrp, attb, srcp, dstp, zrs, out,
             acc_sh, att_vm, sidx_all, didx_all,
             xl_rows0, xl_rows1, xr_rows0, xr_rows1, nd0, nd1,
             gat_sem0, gat_sem1, scat_sem0, scat_sem1):
        cid = lax.axis_index("c")
        sid = lax.axis_index("s")
        wid = cid * NS + sid
        xl_rows = (xl_rows0, xl_rows1)
        xr_rows = (xr_rows0, xr_rows1)
        nd = (nd0, nd1)
        gat_sem = (gat_sem0, gat_sem1)
        scat_sem = (scat_sem0, scat_sem1)

        pltpu.sync_copy(attb, att_vm)
        pltpu.sync_copy(srcp.at[wid], sidx_all)
        pltpu.sync_copy(dstp.at[wid], didx_all)

        pltpu.sync_copy(zrs.at[pl.ds(sid * RPT, RPT)],
                        acc_sh.at[pl.ds(sid * RPT, RPT)])

        plsc.subcore_barrier()

        def issue_gathers(i, b):
            pltpu.async_copy(xl.at[sidx_all.at[i]], xl_rows[b], gat_sem[b])
            pltpu.async_copy(xrp.at[didx_all.at[i]], xr_rows[b], gat_sem[b])

        lane = lax.iota(jnp.int32, 16)
        patd = (lane & 1) * 8

        def _swap(v, d):
            return v.at[lane ^ d].get(mode="promise_in_bounds")

        def compute(b):
            avs = [att_vm[pl.ds(16 * j, 16)] for j in range(NJ)]

            def load_pairs(e):
                if not BF16:
                    return (
                        [xl_rows[b][e, pl.ds(16 * j, 16)] for j in range(NJ)],
                        [xr_rows[b][e, pl.ds(16 * j, 16)] for j in range(NJ)])
                vls, vrs = [], []
                for q in range(NJ // 2):
                    l32 = xl_rows[b][e, pl.ds(16 * q, 16)]
                    r32 = xr_rows[b][e, pl.ds(16 * q, 16)]
                    vls.append(plsc.bitcast(
                        lax.shift_left(l32, 16), jnp.float32))
                    vrs.append(plsc.bitcast(
                        lax.shift_left(r32, 16), jnp.float32))
                    vls.append(plsc.bitcast(
                        l32 & jnp.int32(-65536), jnp.float32))
                    vrs.append(plsc.bitcast(
                        r32 & jnp.int32(-65536), jnp.float32))
                return vls, vrs

            def edge(e):
                vls, vrs = load_pairs(e)
                ws = []
                for j in range(NJ):
                    u = vls[j] + vrs[j]
                    lk = jnp.maximum(u, 0.2 * u)
                    p = lk * avs[j]
                    p = p + _swap(p, 1)
                    p = p + _swap(p, 2)
                    p = p + _swap(p, 4)
                    if H == 1:
                        p = p + _swap(p, 8)
                    w = jnp.exp(p)
                    ws.append(w)
                for j in range(NJ):
                    nd[b][e, pl.ds(16 * j, 16)] = vls[j] * ws[j]
                if H == 1:
                    nd[b][e, pl.ds(16, 16)] = ws[0]
                else:
                    d16 = ws[0].at[patd].get(mode="promise_in_bounds")
                    for j in range(1, NJ):
                        d16 = jnp.where(
                            (lane >> 1) == j,
                            ws[j].at[patd].get(mode="promise_in_bounds"),
                            d16)
                    nd[b][e, pl.ds(F, 16)] = d16

            def e_body(e2, _, b=b):
                edge(2 * e2)
                edge(2 * e2 + 1)
                return 0

            lax.fori_loop(0, K // 2, e_body, 0)

        def wait_gathers(b):
            pltpu.make_async_copy(
                xl.at[pl.ds(0, K)], xl_rows[b], gat_sem[b]).wait()
            pltpu.make_async_copy(
                xrp.at[pl.ds(0, K)], xr_rows[b], gat_sem[b]).wait()

        def wait_scatter(b):
            pltpu.make_async_copy(
                zrs.at[pl.ds(0, K)], acc_sh.at[pl.ds(0, K)],
                scat_sem[b]).wait()

        def step(i, b):
            @pl.when(i + 1 < CHUNKS)
            def _():
                issue_gathers(i + 1, 1 - b)
            wait_gathers(b)

            @pl.when(i >= 2)
            def _():
                wait_scatter(b)
            compute(b)
            pltpu.async_copy(nd[b], acc_sh.at[didx_all.at[i]], scat_sem[b],
                             add=True)

        issue_gathers(0, 0)

        def group_body(g, _):
            step(2 * g, 0)
            step(2 * g + 1, 1)
            return 0

        lax.fori_loop(0, CHUNKS // 2, group_body, 0)
        wait_scatter(0)
        wait_scatter(1)
        plsc.subcore_barrier()
        pltpu.sync_copy(acc_sh.at[pl.ds(sid * RPT, RPT)],
                        out.at[cid, pl.ds(sid * RPT, RPT)])

    mesh = plsc.VectorSubcoreMesh(core_axis_name="c", subcore_axis_name="s",
                                  num_cores=NC, num_subcores=NS)
    return pl.kernel(
        body,
        out_type=jax.ShapeDtypeStruct((NC, NPAD, ACC), jnp.float32),
        mesh=mesh,
        scratch_types=[
            pltpu.VMEM_SHARED((NPAD, ACC), jnp.float32),
            pltpu.VMEM((F,), jnp.float32),
            pltpu.VMEM((CHUNKS, K), jnp.int32),
            pltpu.VMEM((CHUNKS, K), jnp.int32),
            pltpu.VMEM((K, FW), _gdt),
            pltpu.VMEM((K, FW), _gdt),
            pltpu.VMEM((K, FW), _gdt),
            pltpu.VMEM((K, FW), _gdt),
            pltpu.VMEM((K, ACC), jnp.float32),
            pltpu.VMEM((K, ACC), jnp.float32),
            pltpu.SemaphoreType.DMA,
            pltpu.SemaphoreType.DMA,
            pltpu.SemaphoreType.DMA,
            pltpu.SemaphoreType.DMA,
        ],
        compiler_params=pltpu.CompilerParams(needs_layout_passes=False,
                                             use_tc_tiling_on_sc=False),
    )


def _tc_entry(x, W1l, W1r, odt=jnp.float32):
    F = W1l.shape[1]

    def body(x_ref, wl_ref, wr_ref, xl_ref, xrp_ref):
        xv = x_ref[...]
        xl_ref[...] = jnp.dot(
            xv, wl_ref[...], preferred_element_type=jnp.float32).astype(odt)
        xr = jnp.dot(xv, wr_ref[...],
                     preferred_element_type=jnp.float32).astype(odt)
        xrp_ref[...] = jnp.concatenate(
            [xr, jnp.zeros((NPAD - N, F), odt)], axis=0)

    return pl.pallas_call(
        body,
        out_shape=[jax.ShapeDtypeStruct((N, F), odt),
                   jax.ShapeDtypeStruct((NPAD, F), odt)],
    )(x, W1l, W1r)


def _tc_mid(acc, b, expand, Wl, Wr, Fp, H, odt=jnp.float32):
    F = Wl.shape[1]

    def body(acc_ref, b_ref, ex_ref, wl_ref, wr_ref, xl_ref, xrp_ref):
        s = acc_ref[0] + acc_ref[1]
        num = s[:N, :Fp]
        den = s[:N, Fp:Fp + H]
        den_f = jnp.dot(den, ex_ref[...], preferred_element_type=jnp.float32)
        hm = num / (den_f + 1e-16) + b_ref[...]
        hm = jnp.where(hm > 0, hm, jnp.exp(jnp.minimum(hm, 0.0)) - 1.0)
        xl_ref[...] = jnp.dot(
            hm, wl_ref[...], preferred_element_type=jnp.float32).astype(odt)
        xr = jnp.dot(hm, wr_ref[...],
                     preferred_element_type=jnp.float32).astype(odt)
        xrp_ref[...] = jnp.concatenate(
            [xr, jnp.zeros((NPAD - N, F), odt)], axis=0)

    return pl.pallas_call(
        body,
        out_shape=[jax.ShapeDtypeStruct((N, F), odt),
                   jax.ShapeDtypeStruct((NPAD, F), odt)],
    )(acc, b, expand, Wl, Wr)


def _tc_final(acc, b, Fp):
    def body(acc_ref, b_ref, out_ref, lsm_ref):
        s = acc_ref[0] + acc_ref[1]
        num = s[:N, :Fp]
        den = s[:N, Fp:Fp + 1]
        den_f = jnp.dot(den, jnp.ones((1, Fp), jnp.float32),
                        preferred_element_type=jnp.float32)
        o = num / (den_f + 1e-16) + b_ref[...]
        out_ref[...] = o
        m = jnp.max(o, axis=1, keepdims=True)
        z = o - m
        lsm_ref[...] = z - jnp.log(jnp.sum(jnp.exp(z), axis=1, keepdims=True))

    return pl.pallas_call(
        body,
        out_shape=[jax.ShapeDtypeStruct((N, Fp), jnp.float32),
                   jax.ShapeDtypeStruct((N, Fp), jnp.float32)],
    )(acc, b)


def kernel(x, edge_index, W1l, W1r, att1, b1, W2l, W2r, att2, b2,
           W3l, W3r, att3, b3):
    loop = jnp.arange(N, dtype=edge_index.dtype)
    src = jnp.concatenate([edge_index[0], loop])
    dst = jnp.concatenate([edge_index[1], loop])
    npad_e = EP - EDGES
    srcp = jnp.concatenate([src, jnp.zeros((npad_e,), jnp.int32)])
    dstp = jnp.concatenate([dst, jnp.full((npad_e,), N, jnp.int32)])
    srcp = srcp.reshape(NW, CHUNKS, K)
    dstp = dstp.reshape(NW, CHUNKS, K)

    ex8 = jnp.repeat(jnp.eye(8, dtype=jnp.float32), 8, axis=1)
    z80 = jnp.zeros((NPAD, 80), jnp.float32)
    z32 = jnp.zeros((NPAD, 32), jnp.float32)

    xl1, xr1 = _tc_entry(x, W1l, W1r)
    a1 = _sc_edge_layer(64, 8, 80)(
        xl1, xr1, att1.reshape(-1), srcp, dstp, z80)
    xl2, xr2 = _tc_mid(a1, b1, ex8, W2l, W2r, 64, 8)
    a2 = _sc_edge_layer(64, 8, 80)(
        xl2, xr2, att2.reshape(-1), srcp, dstp, z80)
    xl3, xr3 = _tc_mid(a2, b2, ex8, W3l, W3r, 64, 8)
    a3 = _sc_edge_layer(16, 1, 32)(xl3, xr3, att3.reshape(-1), srcp, dstp, z32)
    out, lsm = _tc_final(a3, b3, 16)
    return (out, lsm)

# --- scband reference (transcript-rebuilt; emitter-appended) ---
"""Pipeline reference for scband-gat-15968688407067 (READ-ONLY COPY).

The authoritative reference and input builder live on the scoring server;
editing this copy changes nothing except your own understanding.
"""

import jax, jax.numpy as jnp
import numpy as np

N = 10000
E = 320000
DIM_IN = 128
DIM_G = 8
DIM_H = 8
DIM_OUT = 16
H1, H2, H3 = 8, 8, 1


def _glorot(key, shape):
    fan_in = shape[0]
    return jax.random.normal(key, shape, dtype=jnp.float32) / jnp.sqrt(jnp.float32(fan_in))


def setup_inputs(seed: int = 0):
    key = jax.random.key(seed)
    ks = jax.random.split(key, 16)
    inp = {}
    inp['x'] = jax.random.normal(ks[0], (N, DIM_IN), dtype=jnp.float32)
    inp['edge_index'] = jax.random.randint(ks[1], (2, E), 0, N, dtype=jnp.int32)
    inp['W1l'] = _glorot(ks[2], (DIM_IN, H1 * DIM_G))
    inp['W1r'] = _glorot(ks[3], (DIM_IN, H1 * DIM_G))
    inp['att1'] = _glorot(ks[4], (H1, DIM_G))
    inp['b1'] = jnp.zeros((H1 * DIM_G,), dtype=jnp.float32)
    inp['W2l'] = _glorot(ks[5], (H1 * DIM_G, H2 * DIM_H))
    inp['W2r'] = _glorot(ks[6], (H1 * DIM_G, H2 * DIM_H))
    inp['att2'] = _glorot(ks[7], (H2, DIM_H))
    inp['b2'] = jnp.zeros((H2 * DIM_H,), dtype=jnp.float32)
    inp['W3l'] = _glorot(ks[8], (H2 * DIM_H, H3 * DIM_OUT))
    inp['W3r'] = _glorot(ks[9], (H2 * DIM_H, H3 * DIM_OUT))
    inp['att3'] = _glorot(ks[10], (H3, DIM_OUT))
    inp['b3'] = jnp.zeros((H3 * DIM_OUT,), dtype=jnp.float32)
    return inp


def _gatv2_layer(h, src, dst, Wl, Wr, att, b, heads, ch):
    n = h.shape[0]
    xl = (h @ Wl).reshape(n, heads, ch)
    xr = (h @ Wr).reshape(n, heads, ch)
    e = jax.nn.leaky_relu(xl[src] + xr[dst], negative_slope=0.2)
    logits = jnp.einsum('ehc,hc->eh', e, att)
    m = jax.ops.segment_max(logits, dst, num_segments=n)
    m = jnp.where(jnp.isfinite(m), m, 0.0)
    a = jnp.exp(logits - m[dst])
    s = jax.ops.segment_sum(a, dst, num_segments=n)
    a = a / (s[dst] + 1e-16)
    out = jax.ops.segment_sum(xl[src] * a[:, :, None], dst, num_segments=n)
    return out.reshape(n, heads * ch) + b


def reference(x, edge_index, W1l, W1r, att1, b1, W2l, W2r, att2, b2, W3l, W3r, att3, b3):
    n = x.shape[0]
    loop = jnp.arange(n, dtype=edge_index.dtype)
    src = jnp.concatenate([edge_index[0], loop])
    dst = jnp.concatenate([edge_index[1], loop])
    h = jax.nn.elu(_gatv2_layer(x, src, dst, W1l, W1r, att1, b1, H1, DIM_G))
    h = jax.nn.elu(_gatv2_layer(h, src, dst, W2l, W2r, att2, b2, H2, DIM_H))
    out = _gatv2_layer(h, src, dst, W3l, W3r, att3, b3, H3, DIM_OUT)
    return (out, jax.nn.log_softmax(out, axis=1))

if __name__ == "__main__":
    import jax
    _d = setup_inputs()
    print(jax.jit(kernel)(*tuple(_d.values())))

</pallas_src>

<mosaic_0001>
#map = affine_map<(d0, d1) -> (0, 0)>
#map1 = affine_map<(d0, d1) -> (0)>
#map2 = affine_map<(d0, d1) -> (0, 0, 0)>
module attributes {stable_mosaic.version = 14 : i64} {
  func.func @body(%arg0: i32, %arg1: i32, %arg2: memref<10000x64xf32, #tpu.memory_space<hbm>>, %arg3: memref<10112x64xf32, #tpu.memory_space<hbm>>, %arg4: memref<64xf32, #tpu.memory_space<hbm>>, %arg5: memref<32x82x128xi32, #tpu.memory_space<hbm>>, %arg6: memref<32x82x128xi32, #tpu.memory_space<hbm>>, %arg7: memref<10112x80xf32, #tpu.memory_space<hbm>>, %arg8: memref<2x10112x80xf32, #tpu.memory_space<hbm>>, %arg9: memref<10112x80xf32, #tpu.memory_space<vmem_shared>>, %arg10: memref<64xf32, #tpu.memory_space<vmem>>, %arg11: memref<82x128xi32, #tpu.memory_space<vmem>>, %arg12: memref<82x128xi32, #tpu.memory_space<vmem>>, %arg13: memref<128x64xf32, #tpu.memory_space<vmem>>, %arg14: memref<128x64xf32, #tpu.memory_space<vmem>>, %arg15: memref<128x64xf32, #tpu.memory_space<vmem>>, %arg16: memref<128x64xf32, #tpu.memory_space<vmem>>, %arg17: memref<128x80xf32, #tpu.memory_space<vmem>>, %arg18: memref<128x80xf32, #tpu.memory_space<vmem>>, %arg19: memref<!tpu.dma_semaphore, #tpu.memory_space<semaphore_mem>>, %arg20: memref<!tpu.dma_semaphore, #tpu.memory_space<semaphore_mem>>, %arg21: memref<!tpu.dma_semaphore, #tpu.memory_space<semaphore_mem>>, %arg22: memref<!tpu.dma_semaphore, #tpu.memory_space<semaphore_mem>>) attributes {dimension_semantics = [#tpu.dimension_semantics<core_parallel>, #tpu.dimension_semantics<subcore_parallel>], iteration_bounds = array<i64: 2, 16>, scalar_prefetch = 0 : i64, scratch_operands = 14 : i64, tpu.core_type = #tpu.core_type<sc_vector_subcore>, window_params = [{transform_indices = #map}, {transform_indices = #map}, {transform_indices = #map1}, {transform_indices = #map2}, {transform_indices = #map2}, {transform_indices = #map}, {transform_indices = #map2}]} {
    %mul3A = arith.constant 16 : i32
    %mul3A_0 = arith.muli %arg0, %mul3A : i32
    %add3A = arith.addi %mul3A_0, %arg1 : i32
    "tpu.region"() ({
      %run_scoped3A = tpu.sem_alloc : memref<!tpu.dma_semaphore, #tpu.memory_space<semaphore_mem>>
      tpu.enqueue_dma source(%arg4 : memref<64xf32, #tpu.memory_space<hbm>>) target(%arg10 : memref<64xf32, #tpu.memory_space<vmem>>) target_semaphore(%run_scoped3A : memref<!tpu.dma_semaphore, #tpu.memory_space<semaphore_mem>>)
      tpu.wait_dma2 semaphore(%run_scoped3A : memref<!tpu.dma_semaphore, #tpu.memory_space<semaphore_mem>>) src(%arg4 : memref<64xf32, #tpu.memory_space<hbm>>) dst(%arg10 : memref<64xf32, #tpu.memory_space<vmem>>)
      tpu.yield
    }) : () -> ()
    "tpu.region"() ({
      %run_scoped3A = tpu.sem_alloc : memref<!tpu.dma_semaphore, #tpu.memory_space<semaphore_mem>>
      %dma_start3A_45 = arith.constant 0 : i32
      %dma_start3A_46 = arith.constant 0 : i32
      %dma_start3A_47 = tpu.memref_slice %arg5[%add3A, %dma_start3A_45, %dma_start3A_46] : memref<32x82x128xi32, #tpu.memory_space<hbm>> -> memref<1x82x128xi32, #tpu.memory_space<hbm>>
      %dma_start3A_48 = tpu.memref_squeeze %dma_start3A_47 : memref<1x82x128xi32, #tpu.memory_space<hbm>> -> memref<82x128xi32, #tpu.memory_space<hbm>>
      %dma_start3A_49 = arith.constant 0 : i32
      %dma_start3A_50 = arith.constant 0 : i32
      %dma_start3A_51 = tpu.memref_slice %arg5[%add3A, %dma_start3A_49, %dma_start3A_50] : memref<32x82x128xi32, #tpu.memory_space<hbm>> -> memref<1x82x128xi32, #tpu.memory_space<hbm>>
      %dma_start3A_52 = tpu.memref_squeeze %dma_start3A_51 : memref<1x82x128xi32, #tpu.memory_space<hbm>> -> memref<82x128xi32, #tpu.memory_space<hbm>>
      tpu.enqueue_dma source(%dma_start3A_52 : memref<82x128xi32, #tpu.memory_space<hbm>>) target(%arg11 : memref<82x128xi32, #tpu.memory_space<vmem>>) target_semaphore(%run_scoped3A : memref<!tpu.dma_semaphore, #tpu.memory_space<semaphore_mem>>)
      %dma_wait3A_53 = arith.constant 0 : i32
      %dma_wait3A_54 = arith.constant 0 : i32
      %dma_wait3A_55 = tpu.memref_slice %arg5[%add3A, %dma_wait3A_53, %dma_wait3A_54] : memref<32x82x128xi32, #tpu.memory_space<hbm>> -> memref<1x82x128xi32, #tpu.memory_space<hbm>>
      %dma_wait3A_56 = tpu.memref_squeeze %dma_wait3A_55 : memref<1x82x128xi32, #tpu.memory_space<hbm>> -> memref<82x128xi32, #tpu.memory_space<hbm>>
      %dma_wait3A_57 = arith.constant 0 : i32
      %dma_wait3A_58 = arith.constant 0 : i32
      %dma_wait3A_59 = tpu.memref_slice %arg5[%add3A, %dma_wait3A_57, %dma_wait3A_58] : memref<32x82x128xi32, #tpu.memory_space<hbm>> -> memref<1x82x128xi32, #tpu.memory_space<hbm>>
      %dma_wait3A_60 = tpu.memref_squeeze %dma_wait3A_59 : memref<1x82x128xi32, #tpu.memory_space<hbm>> -> memref<82x128xi32, #tpu.memory_space<hbm>>
      tpu.wait_dma2 semaphore(%run_scoped3A : memref<!tpu.dma_semaphore, #tpu.memory_space<semaphore_mem>>) src(%dma_wait3A_60 : memref<82x128xi32, #tpu.memory_space<hbm>>) dst(%arg11 : memref<82x128xi32, #tpu.memory_space<vmem>>)
      tpu.yield
    }) : () -> ()
    "tpu.region"() ({
      %run_scoped3A = tpu.sem_alloc : memref<!tpu.dma_semaphore, #tpu.memory_space<semaphore_mem>>
      %dma_start3A_45 = arith.constant 0 : i32
      %dma_start3A_46 = arith.constant 0 : i32
      %dma_start3A_47 = tpu.memref_slice %arg6[%add3A, %dma_start3A_45, %dma_start3A_46] : memref<32x82x128xi32, #tpu.memory_space<hbm>> -> memref<1x82x128xi32, #tpu.memory_space<hbm>>
      %dma_start3A_48 = tpu.memref_squeeze %dma_start3A_47 : memref<1x82x128xi32, #tpu.memory_space<hbm>> -> memref<82x128xi32, #tpu.memory_space<hbm>>
      %dma_start3A_49 = arith.constant 0 : i32
      %dma_start3A_50 = arith.constant 0 : i32
      %dma_start3A_51 = tpu.memref_slice %arg6[%add3A, %dma_start3A_49, %dma_start3A_50] : memref<32x82x128xi32, #tpu.memory_space<hbm>> -> memref<1x82x128xi32, #tpu.memory_space<hbm>>
      %dma_start3A_52 = tpu.memref_squeeze %dma_start3A_51 : memref<1x82x128xi32, #tpu.memory_space<hbm>> -> memref<82x128xi32, #tpu.memory_space<hbm>>
      tpu.enqueue_dma source(%dma_start3A_52 : memref<82x128xi32, #tpu.memory_space<hbm>>) target(%arg12 : memref<82x128xi32, #tpu.memory_space<vmem>>) target_semaphore(%run_scoped3A : memref<!tpu.dma_semaphore, #tpu.memory_space<semaphore_mem>>)
      %dma_wait3A_53 = arith.constant 0 : i32
      %dma_wait3A_54 = arith.constant 0 : i32
      %dma_wait3A_55 = tpu.memref_slice %arg6[%add3A, %dma_wait3A_53, %dma_wait3A_54] : memref<32x82x128xi32, #tpu.memory_space<hbm>> -> memref<1x82x128xi32, #tpu.memory_space<hbm>>
      %dma_wait3A_56 = tpu.memref_squeeze %dma_wait3A_55 : memref<1x82x128xi32, #tpu.memory_space<hbm>> -> memref<82x128xi32, #tpu.memory_space<hbm>>
      %dma_wait3A_57 = arith.constant 0 : i32
      %dma_wait3A_58 = arith.constant 0 : i32
      %dma_wait3A_59 = tpu.memref_slice %arg6[%add3A, %dma_wait3A_57, %dma_wait3A_58] : memref<32x82x128xi32, #tpu.memory_space<hbm>> -> memref<1x82x128xi32, #tpu.memory_space<hbm>>
      %dma_wait3A_60 = tpu.memref_squeeze %dma_wait3A_59 : memref<1x82x128xi32, #tpu.memory_space<hbm>> -> memref<82x128xi32, #tpu.memory_space<hbm>>
      tpu.wait_dma2 semaphore(%run_scoped3A : memref<!tpu.dma_semaphore, #tpu.memory_space<semaphore_mem>>) src(%dma_wait3A_60 : memref<82x128xi32, #tpu.memory_space<hbm>>) dst(%arg12 : memref<82x128xi32, #tpu.memory_space<vmem>>)
      tpu.yield
    }) : () -> ()
    %mul3A_1 = arith.constant 632 : i32
    %mul3A_2 = arith.muli %arg1, %mul3A_1 : i32
    %mul3A_3 = arith.constant 632 : i32
    %mul3A_4 = arith.muli %arg1, %mul3A_3 : i32
    "tpu.region"() ({
      %run_scoped3A = tpu.sem_alloc : memref<!tpu.dma_semaphore, #tpu.memory_space<semaphore_mem>>
      %dma_start3A_45 = arith.constant 0 : i32
      %dma_start3A_46 = tpu.memref_slice %arg9[%mul3A_4, %dma_start3A_45] : memref<10112x80xf32, #tpu.memory_space<vmem_shared>> -> memref<632x80xf32, #tpu.memory_space<vmem_shared>>
      %dma_start3A_47 = arith.constant 0 : i32
      %dma_start3A_48 = tpu.memref_slice %arg7[%mul3A_2, %dma_start3A_47] : memref<10112x80xf32, #tpu.memory_space<hbm>> -> memref<632x80xf32, #tpu.memory_space<hbm>>
      tpu.enqueue_dma source(%dma_start3A_48 : memref<632x80xf32, #tpu.memory_space<hbm>>) target(%dma_start3A_46 : memref<632x80xf32, #tpu.memory_space<vmem_shared>>) target_semaphore(%run_scoped3A : memref<!tpu.dma_semaphore, #tpu.memory_space<semaphore_mem>>)
      %dma_wait3A_49 = arith.constant 0 : i32
      %dma_wait3A_50 = tpu.memref_slice %arg9[%mul3A_4, %dma_wait3A_49] : memref<10112x80xf32, #tpu.memory_space<vmem_shared>> -> memref<632x80xf32, #tpu.memory_space<vmem_shared>>
      %dma_wait3A_51 = arith.constant 0 : i32
      %dma_wait3A_52 = tpu.memref_slice %arg7[%mul3A_2, %dma_wait3A_51] : memref<10112x80xf32, #tpu.memory_space<hbm>> -> memref<632x80xf32, #tpu.memory_space<hbm>>
      tpu.wait_dma2 semaphore(%run_scoped3A : memref<!tpu.dma_semaphore, #tpu.memory_space<semaphore_mem>>) src(%dma_wait3A_52 : memref<632x80xf32, #tpu.memory_space<hbm>>) dst(%dma_wait3A_50 : memref<632x80xf32, #tpu.memory_space<vmem_shared>>)
      tpu.yield
    }) : () -> ()
    %barrier3A = arith.constant 0 : index
    tpu.barrier barrier_id(%barrier3A)
    %iota3A = tpu.iota {dimensions = array<i32: 0>} : vector<16xi32>
    %and3A = arith.constant 1 : i32
    %and3A_5 = vector.broadcast %and3A : i32 to vector<16xi32>
    %and3A_6 = arith.andi %iota3A, %and3A_5 : vector<16xi32>
    %mul3A_7 = arith.constant 8 : i32
    %mul3A_8 = vector.broadcast %mul3A_7 : i32 to vector<16xi32>
    %mul3A_9 = arith.muli %and3A_6, %mul3A_8 : vector<16xi32>
    %dma_start3A = arith.constant 0 : i32
    %dma_start3A_10 = arith.constant 0 : i32
    %dma_start3A_11 = tpu.memref_slice %arg11[%dma_start3A, %dma_start3A_10] : memref<82x128xi32, #tpu.memory_space<vmem>> -> memref<1x128xi32, #tpu.memory_space<vmem>>
    %dma_start3A_12 = tpu.memref_squeeze %dma_start3A_11 : memref<1x128xi32, #tpu.memory_space<vmem>> -> memref<128xi32, #tpu.memory_space<vmem>>
    %dma_start3A_13 = arith.constant 0 : i32
    %dma_start3A_14 = arith.constant 0 : i32
    %dma_start3A_15 = tpu.memref_slice %arg2[%dma_start3A_13, %dma_start3A_14] : memref<10000x64xf32, #tpu.memory_space<hbm>> -> memref<10000x64xf32, #tpu.memory_space<hbm>>
    tpu.enqueue_indirect_dma source(%dma_start3A_15 : memref<10000x64xf32, #tpu.memory_space<hbm>>) target(%arg13 : memref<128x64xf32, #tpu.memory_space<vmem>>) offsets(%dma_start3A_12 : memref<128xi32, #tpu.memory_space<vmem>>) semaphore(%arg19 : memref<!tpu.dma_semaphore, #tpu.memory_space<semaphore_mem>>)
    %dma_start3A_16 = arith.constant 0 : i32
    %dma_start3A_17 = arith.constant 0 : i32
    %dma_start3A_18 = tpu.memref_slice %arg12[%dma_start3A_16, %dma_start3A_17] : memref<82x128xi32, #tpu.memory_space<vmem>> -> memref<1x128xi32, #tpu.memory_space<vmem>>
    %dma_start3A_19 = tpu.memref_squeeze %dma_start3A_18 : memref<1x128xi32, #tpu.memory_space<vmem>> -> memref<128xi32, #tpu.memory_space<vmem>>
    %dma_start3A_20 = arith.constant 0 : i32
    %dma_start3A_21 = arith.constant 0 : i32
    %dma_start3A_22 = tpu.memref_slice %arg3[%dma_start3A_20, %dma_start3A_21] : memref<10112x64xf32, #tpu.memory_space<hbm>> -> memref<10112x64xf32, #tpu.memory_space<hbm>>
    tpu.enqueue_indirect_dma source(%dma_start3A_22 : memref<10112x64xf32, #tpu.memory_space<hbm>>) target(%arg15 : memref<128x64xf32, #tpu.memory_space<vmem>>) offsets(%dma_start3A_19 : memref<128xi32, #tpu.memory_space<vmem>>) semaphore(%arg19 : memref<!tpu.dma_semaphore, #tpu.memory_space<semaphore_mem>>)
    %scan3A = arith.constant 0 : i32
    %scan3A_23 = arith.constant 0 : i32
    %scan3A_24 = arith.constant 41 : i32
    %scan3A_25 = arith.addi %scan3A_23, %scan3A_24 : i32
    %scan3A_26 = arith.constant 1 : i32
    %scan3A_27 = scf.for %scan3A_45 = %scan3A_23 to %scan3A_25 step %scan3A_26 iter_args(%scan3A_46 = %scan3A) -> (i32)  : i32 {
      %mul3A_47 = arith.constant 2 : i32
      %mul3A_48 = arith.muli %mul3A_47, %scan3A_45 : i32
      %add3A_49 = arith.constant 1 : i32
      %add3A_50 = arith.addi %mul3A_48, %add3A_49 : i32
      %lt3A = arith.constant 82 : i32
      %lt3A_51 = arith.cmpi slt, %add3A_50, %lt3A : i32
      %convert_element_type3A = arith.extui %lt3A_51 : i1 to i32
      %cond3A = arith.constant 0 : i32
      %cond3A_52 = arith.cmpi ne, %convert_element_type3A, %cond3A : i32
      scf.if %cond3A_52 {
        %add3A_139 = arith.constant 1 : i32
        %add3A_140 = arith.addi %mul3A_48, %add3A_139 : i32
        %dma_start3A_141 = arith.constant 0 : i32
        %dma_start3A_142 = tpu.memref_slice %arg11[%add3A_140, %dma_start3A_141] : memref<82x128xi32, #tpu.memory_space<vmem>> -> memref<1x128xi32, #tpu.memory_space<vmem>>
        %dma_start3A_143 = tpu.memref_squeeze %dma_start3A_142 : memref<1x128xi32, #tpu.memory_space<vmem>> -> memref<128xi32, #tpu.memory_space<vmem>>
        %dma_start3A_144 = arith.constant 0 : i32
        %dma_start3A_145 = arith.constant 0 : i32
        %dma_start3A_146 = tpu.memref_slice %arg2[%dma_start3A_144, %dma_start3A_145] : memref<10000x64xf32, #tpu.memory_space<hbm>> -> memref<10000x64xf32, #tpu.memory_space<hbm>>
        tpu.enqueue_indirect_dma source(%dma_start3A_146 : memref<10000x64xf32, #tpu.memory_space<hbm>>) target(%arg14 : memref<128x64xf32, #tpu.memory_space<vmem>>) offsets(%dma_start3A_143 : memref<128xi32, #tpu.memory_space<vmem>>) semaphore(%arg20 : memref<!tpu.dma_semaphore, #tpu.memory_space<semaphore_mem>>)
        %dma_start3A_147 = arith.constant 0 : i32
        %dma_start3A_148 = tpu.memref_slice %arg12[%add3A_140, %dma_start3A_147] : memref<82x128xi32, #tpu.memory_space<vmem>> -> memref<1x128xi32, #tpu.memory_space<vmem>>
        %dma_start3A_149 = tpu.memref_squeeze %dma_start3A_148 : memref<1x128xi32, #tpu.memory_space<vmem>> -> memref<128xi32, #tpu.memory_space<vmem>>
        %dma_start3A_150 = arith.constant 0 : i32
        %dma_start3A_151 = arith.constant 0 : i32
        %dma_start3A_152 = tpu.memref_slice %arg3[%dma_start3A_150, %dma_start3A_151] : memref<10112x64xf32, #tpu.memory_space<hbm>> -> memref<10112x64xf32, #tpu.memory_space<hbm>>
        tpu.enqueue_indirect_dma source(%dma_start3A_152 : memref<10112x64xf32, #tpu.memory_space<hbm>>) target(%arg16 : memref<128x64xf32, #tpu.memory_space<vmem>>) offsets(%dma_start3A_149 : memref<128xi32, #tpu.memory_space<vmem>>) semaphore(%arg20 : memref<!tpu.dma_semaphore, #tpu.memory_space<semaphore_mem>>)
      } else {
      }
      %dma_wait3A_53 = arith.constant 0 : i32
      %dma_wait3A_54 = arith.constant 0 : i32
      %dma_wait3A_55 = tpu.memref_slice %arg2[%dma_wait3A_53, %dma_wait3A_54] : memref<10000x64xf32, #tpu.memory_space<hbm>> -> memref<128x64xf32, #tpu.memory_space<hbm>>
      %dma_wait3A_56 = arith.constant 0 : i32
      %dma_wait3A_57 = arith.constant 0 : i32
      %dma_wait3A_58 = tpu.memref_slice %arg2[%dma_wait3A_56, %dma_wait3A_57] : memref<10000x64xf32, #tpu.memory_space<hbm>> -> memref<128x64xf32, #tpu.memory_space<hbm>>
      tpu.wait_dma2 semaphore(%arg19 : memref<!tpu.dma_semaphore, #tpu.memory_space<semaphore_mem>>) src(%dma_wait3A_58 : memref<128x64xf32, #tpu.memory_space<hbm>>) dst(%arg13 : memref<128x64xf32, #tpu.memory_space<vmem>>)
      %dma_wait3A_59 = arith.constant 0 : i32
      %dma_wait3A_60 = arith.constant 0 : i32
      %dma_wait3A_61 = tpu.memref_slice %arg3[%dma_wait3A_59, %dma_wait3A_60] : memref<10112x64xf32, #tpu.memory_space<hbm>> -> memref<128x64xf32, #tpu.memory_space<hbm>>
      %dma_wait3A_62 = arith.constant 0 : i32
      %dma_wait3A_63 = arith.constant 0 : i32
      %dma_wait3A_64 = tpu.memref_slice %arg3[%dma_wait3A_62, %dma_wait3A_63] : memref<10112x64xf32, #tpu.memory_space<hbm>> -> memref<128x64xf32, #tpu.memory_space<hbm>>
      tpu.wait_dma2 semaphore(%arg19 : memref<!tpu.dma_semaphore, #tpu.memory_space<semaphore_mem>>) src(%dma_wait3A_64 : memref<128x64xf32, #tpu.memory_space<hbm>>) dst(%arg15 : memref<128x64xf32, #tpu.memory_space<vmem>>)
      %ge3A = arith.constant 2 : i32
      %ge3A_65 = arith.cmpi sge, %mul3A_48, %ge3A : i32
      %convert_element_type3A_66 = arith.extui %ge3A_65 : i1 to i32
      %cond3A_67 = arith.constant 0 : i32
      %cond3A_68 = arith.cmpi ne, %convert_element_type3A_66, %cond3A_67 : i32
      scf.if %cond3A_68 {
        %dma_wait3A_139 = arith.constant 0 : i32
        %dma_wait3A_140 = arith.constant 0 : i32
        %dma_wait3A_141 = tpu.memref_slice %arg9[%dma_wait3A_139, %dma_wait3A_140] : memref<10112x80xf32, #tpu.memory_space<vmem_shared>> -> memref<128x80xf32, #tpu.memory_space<vmem_shared>>
        %dma_wait3A_142 = arith.constant 0 : i32
        %dma_wait3A_143 = arith.constant 0 : i32
        %dma_wait3A_144 = tpu.memref_slice %arg7[%dma_wait3A_142, %dma_wait3A_143] : memref<10112x80xf32, #tpu.memory_space<hbm>> -> memref<128x80xf32, #tpu.memory_space<hbm>>
        tpu.wait_dma2 semaphore(%arg21 : memref<!tpu.dma_semaphore, #tpu.memory_space<semaphore_mem>>) src(%dma_wait3A_144 : memref<128x80xf32, #tpu.memory_space<hbm>>) dst(%dma_wait3A_141 : memref<128x80xf32, #tpu.memory_space<vmem_shared>>)
      } else {
      }
      %get3A = arith.constant 0 : index
      %get3A_69 = tpu.vector_load %arg10[%get3A] {strides = array<i32>} : memref<64xf32, #tpu.memory_space<vmem>>, vector<16xf32>,
      %get3A_70 = arith.constant 16 : index
      %get3A_71 = tpu.vector_load %arg10[%get3A_70] {strides = array<i32>} : memref<64xf32, #tpu.memory_space<vmem>>, vector<16xf32>,
      %get3A_72 = arith.constant 32 : index
      %get3A_73 = tpu.vector_load %arg10[%get3A_72] {strides = array<i32>} : memref<64xf32, #tpu.memory_space<vmem>>, vector<16xf32>,
      %get3A_74 = arith.constant 48 : index
      %get3A_75 = tpu.vector_load %arg10[%get3A_74] {strides = array<i32>} : memref<64xf32, #tpu.memory_space<vmem>>, vector<16xf32>,
      %scan3A_76 = arith.constant 0 : i32
      %scan3A_77 = arith.constant 0 : i32
      %scan3A_78 = arith.constant 64 : i32
      %scan3A_79 = arith.addi %scan3A_77, %scan3A_78 : i32
      %scan3A_80 = arith.constant 1 : i32
      %scan3A_81 = scf.for %scan3A_139 = %scan3A_77 to %scan3A_79 step %scan3A_80 iter_args(%scan3A_140 = %scan3A_76) -> (i32)  : i32 {
        %mul3A_141 = arith.constant 2 : i32
        %mul3A_142 = arith.muli %mul3A_141, %scan3A_139 : i32
        %get3A_143 = arith.index_cast %mul3A_142 : i32 to index
        %get3A_144 = arith.constant 0 : index
        %get3A_145 = tpu.vector_load %arg13[%get3A_143, %get3A_144] {strides = array<i32>} : memref<128x64xf32, #tpu.memory_space<vmem>>, vector<16xf32>,
        %get3A_146 = arith.index_cast %mul3A_142 : i32 to index
        %get3A_147 = arith.constant 16 : index
        %get3A_148 = tpu.vector_load %arg13[%get3A_146, %get3A_147] {strides = array<i32>} : memref<128x64xf32, #tpu.memory_space<vmem>>, vector<16xf32>,
        %get3A_149 = arith.index_cast %mul3A_142 : i32 to index
        %get3A_150 = arith.constant 32 : index
        %get3A_151 = tpu.vector_load %arg13[%get3A_149, %get3A_150] {strides = array<i32>} : memref<128x64xf32, #tpu.memory_space<vmem>>, vector<16xf32>,
        %get3A_152 = arith.index_cast %mul3A_142 : i32 to index
        %get3A_153 = arith.constant 48 : index
        %get3A_154 = tpu.vector_load %arg13[%get3A_152, %get3A_153] {strides = array<i32>} : memref<128x64xf32, #tpu.memory_space<vmem>>, vector<16xf32>,
        %get3A_155 = arith.index_cast %mul3A_142 : i32 to index
        %get3A_156 = arith.constant 0 : index
        %get3A_157 = tpu.vector_load %arg15[%get3A_155, %get3A_156] {strides = array<i32>} : memref<128x64xf32, #tpu.memory_space<vmem>>, vector<16xf32>,
        %get3A_158 = arith.index_cast %mul3A_142 : i32 to index
        %get3A_159 = arith.constant 16 : index
        %get3A_160 = tpu.vector_load %arg15[%get3A_158, %get3A_159] {strides = array<i32>} : memref<128x64xf32, #tpu.memory_space<vmem>>, vector<16xf32>,
        %get3A_161 = arith.index_cast %mul3A_142 : i32 to index
        %get3A_162 = arith.constant 32 : index
        %get3A_163 = tpu.vector_load %arg15[%get3A_161, %get3A_162] {strides = array<i32>} : memref<128x64xf32, #tpu.memory_space<vmem>>, vector<16xf32>,
        %get3A_164 = arith.index_cast %mul3A_142 : i32 to index
        %get3A_165 = arith.constant 48 : index
        %get3A_166 = tpu.vector_load %arg15[%get3A_164, %get3A_165] {strides = array<i32>} : memref<128x64xf32, #tpu.memory_space<vmem>>, vector<16xf32>,
        %add3A_167 = arith.addf %get3A_145, %get3A_157 : vector<16xf32>
        %mul3A_168 = arith.constant 2.000000e-01 : f32
        %mul3A_169 = vector.broadcast %mul3A_168 : f32 to vector<16xf32>
        %mul3A_170 = arith.mulf %mul3A_169, %add3A_167 : vector<16xf32>
        %max3A = arith.maximumf %add3A_167, %mul3A_170 : vector<16xf32>
        %mul3A_171 = arith.mulf %max3A, %get3A_69 : vector<16xf32>
        %xor3A = arith.constant 1 : i32
        %xor3A_172 = vector.broadcast %xor3A : i32 to vector<16xi32>
        %xor3A_173 = arith.xori %iota3A, %xor3A_172 : vector<16xi32>
        %lt3A_174 = arith.constant 0 : i32
        %lt3A_175 = vector.broadcast %lt3A_174 : i32 to vector<16xi32>
        %lt3A_176 = arith.cmpi slt, %xor3A_173, %lt3A_175 : vector<16xi32>
        %add3A_177 = arith.constant 16 : i32
        %add3A_178 = vector.broadcast %add3A_177 : i32 to vector<16xi32>
        %add3A_179 = arith.addi %xor3A_173, %add3A_178 : vector<16xi32>
        %select_n3A = arith.select %lt3A_176, %add3A_179, %xor3A_173 : vector<16xi1>, vector<16xi32>
        %broadcast_in_dim3A = vector.shape_cast %select_n3A : vector<16xi32> to vector<16x1xi32>
        %gather3A = vector.shape_cast %broadcast_in_dim3A : vector<16x1xi32> to vector<16xi32>
        %gather3A_180 = tpu.dynamic_gather %mul3A_171[%gather3A] in [0] : vector<16xf32>, vector<16xi32> -> vector<16xf32>
        %add3A_181 = arith.addf %mul3A_171, %gather3A_180 : vector<16xf32>
        %xor3A_182 = arith.constant 2 : i32
        %xor3A_183 = vector.broadcast %xor3A_182 : i32 to vector<16xi32>
        %xor3A_184 = arith.xori %iota3A, %xor3A_183 : vector<16xi32>
        %lt3A_185 = arith.constant 0 : i32
        %lt3A_186 = vector.broadcast %lt3A_185 : i32 to vector<16xi32>
        %lt3A_187 = arith.cmpi slt, %xor3A_184, %lt3A_186 : vector<16xi32>
        %add3A_188 = arith.constant 16 : i32
        %add3A_189 = vector.broadcast %add3A_188 : i32 to vector<16xi32>
        %add3A_190 = arith.addi %xor3A_184, %add3A_189 : vector<16xi32>
        %select_n3A_191 = arith.select %lt3A_187, %add3A_190, %xor3A_184 : vector<16xi1>, vector<16xi32>
        %broadcast_in_dim3A_192 = vector.shape_cast %select_n3A_191 : vector<16xi32> to vector<16x1xi32>
        %gather3A_193 = vector.shape_cast %broadcast_in_dim3A_192 : vector<16x1xi32> to vector<16xi32>
        %gather3A_194 = tpu.dynamic_gather %add3A_181[%gather3A_193] in [0] : vector<16xf32>, vector<16xi32> -> vector<16xf32>
        %add3A_195 = arith.addf %add3A_181, %gather3A_194 : vector<16xf32>
        %xor3A_196 = arith.constant 4 : i32
        %xor3A_197 = vector.broadcast %xor3A_196 : i32 to vector<16xi32>
        %xor3A_198 = arith.xori %iota3A, %xor3A_197 : vector<16xi32>
        %lt3A_199 = arith.constant 0 : i32
        %lt3A_200 = vector.broadcast %lt3A_199 : i32 to vector<16xi32>
        %lt3A_201 = arith.cmpi slt, %xor3A_198, %lt3A_200 : vector<16xi32>
        %add3A_202 = arith.constant 16 : i32
        %add3A_203 = vector.broadcast %add3A_202 : i32 to vector<16xi32>
        %add3A_204 = arith.addi %xor3A_198, %add3A_203 : vector<16xi32>
        %select_n3A_205 = arith.select %lt3A_201, %add3A_204, %xor3A_198 : vector<16xi1>, vector<16xi32>
        %broadcast_in_dim3A_206 = vector.shape_cast %select_n3A_205 : vector<16xi32> to vector<16x1xi32>
        %gather3A_207 = vector.shape_cast %broadcast_in_dim3A_206 : vector<16x1xi32> to vector<16xi32>
        %gather3A_208 = tpu.dynamic_gather %add3A_195[%gather3A_207] in [0] : vector<16xf32>, vector<16xi32> -> vector<16xf32>
        %add3A_209 = arith.addf %add3A_195, %gather3A_208 : vector<16xf32>
        %exp3A = math.exp %add3A_209 : vector<16xf32>
        %add3A_210 = arith.addf %get3A_148, %get3A_160 : vector<16xf32>
        %mul3A_211 = arith.constant 2.000000e-01 : f32
        %mul3A_212 = vector.broadcast %mul3A_211 : f32 to vector<16xf32>
        %mul3A_213 = arith.mulf %mul3A_212, %add3A_210 : vector<16xf32>
        %max3A_214 = arith.maximumf %add3A_210, %mul3A_213 : vector<16xf32>
        %mul3A_215 = arith.mulf %max3A_214, %get3A_71 : vector<16xf32>
        %xor3A_216 = arith.constant 1 : i32
        %xor3A_217 = vector.broadcast %xor3A_216 : i32 to vector<16xi32>
        %xor3A_218 = arith.xori %iota3A, %xor3A_217 : vector<16xi32>
        %lt3A_219 = arith.constant 0 : i32
        %lt3A_220 = vector.broadcast %lt3A_219 : i32 to vector<16xi32>
        %lt3A_221 = arith.cmpi slt, %xor3A_218, %lt3A_220 : vector<16xi32>
        %add3A_222 = arith.constant 16 : i32
        %add3A_223 = vector.broadcast %add3A_222 : i32 to vector<16xi32>
        %add3A_224 = arith.addi %xor3A_218, %add3A_223 : vector<16xi32>
        %select_n3A_225 = arith.select %lt3A_221, %add3A_224, %xor3A_218 : vector<16xi1>, vector<16xi32>
        %broadcast_in_dim3A_226 = vector.shape_cast %select_n3A_225 : vector<16xi32> to vector<16x1xi32>
        %gather3A_227 = vector.shape_cast %broadcast_in_dim3A_226 : vector<16x1xi32> to vector<16xi32>
        %gather3A_228 = tpu.dynamic_gather %mul3A_215[%gather3A_227] in [0] : vector<16xf32>, vector<16xi32> -> vector<16xf32>
        %add3A_229 = arith.addf %mul3A_215, %gather3A_228 : vector<16xf32>
        %xor3A_230 = arith.constant 2 : i32
        %xor3A_231 = vector.broadcast %xor3A_230 : i32 to vector<16xi32>
        %xor3A_232 = arith.xori %iota3A, %xor3A_231 : vector<16xi32>
        %lt3A_233 = arith.constant 0 : i32
        %lt3A_234 = vector.broadcast %lt3A_233 : i32 to vector<16xi32>
        %lt3A_235 = arith.cmpi slt, %xor3A_232, %lt3A_234 : vector<16xi32>
        %add3A_236 = arith.constant 16 : i32
        %add3A_237 = vector.broadcast %add3A_236 : i32 to vector<16xi32>
        %add3A_238 = arith.addi %xor3A_232, %add3A_237 : vector<16xi32>
        %select_n3A_239 = arith.select %lt3A_235, %add3A_238, %xor3A_232 : vector<16xi1>, vector<16xi32>
        %broadcast_in_dim3A_240 = vector.shape_cast %select_n3A_239 : vector<16xi32> to vector<16x1xi32>
        %gather3A_241 = vector.shape_cast %broadcast_in_dim3A_240 : vector<16x1xi32> to vector<16xi32>
        %gather3A_242 = tpu.dynamic_gather %add3A_229[%gather3A_241] in [0] : vector<16xf32>, vector<16xi32> -> vector<16xf32>
        %add3A_243 = arith.addf %add3A_229, %gather3A_242 : vector<16xf32>
        %xor3A_244 = arith.constant 4 : i32
        %xor3A_245 = vector.broadcast %xor3A_244 : i32 to vector<16xi32>
        %xor3A_246 = arith.xori %iota3A, %xor3A_245 : vector<16xi32>
        %lt3A_247 = arith.constant 0 : i32
        %lt3A_248 = vector.broadcast %lt3A_247 : i32 to vector<16xi32>
        %lt3A_249 = arith.cmpi slt, %xor3A_246, %lt3A_248 : vector<16xi32>
        %add3A_250 = arith.constant 16 : i32
        %add3A_251 = vector.broadcast %add3A_250 : i32 to vector<16xi32>
        %add3A_252 = arith.addi %xor3A_246, %add3A_251 : vector<16xi32>
        %select_n3A_253 = arith.select %lt3A_249, %add3A_252, %xor3A_246 : vector<16xi1>, vector<16xi32>
        %broadcast_in_dim3A_254 = vector.shape_cast %select_n3A_253 : vector<16xi32> to vector<16x1xi32>
        %gather3A_255 = vector.shape_cast %broadcast_in_dim3A_254 : vector<16x1xi32> to vector<16xi32>
        %gather3A_256 = tpu.dynamic_gather %add3A_243[%gather3A_255] in [0] : vector<16xf32>, vector<16xi32> -> vector<16xf32>
        %add3A_257 = arith.addf %add3A_243, %gather3A_256 : vector<16xf32>
        %exp3A_258 = math.exp %add3A_257 : vector<16xf32>
        %add3A_259 = arith.addf %get3A_151, %get3A_163 : vector<16xf32>
        %mul3A_260 = arith.constant 2.000000e-01 : f32
        %mul3A_261 = vector.broadcast %mul3A_260 : f32 to vector<16xf32>
        %mul3A_262 = arith.mulf %mul3A_261, %add3A_259 : vector<16xf32>
        %max3A_263 = arith.maximumf %add3A_259, %mul3A_262 : vector<16xf32>
        %mul3A_264 = arith.mulf %max3A_263, %get3A_73 : vector<16xf32>
        %xor3A_265 = arith.constant 1 : i32
        %xor3A_266 = vector.broadcast %xor3A_265 : i32 to vector<16xi32>
        %xor3A_267 = arith.xori %iota3A, %xor3A_266 : vector<16xi32>
        %lt3A_268 = arith.constant 0 : i32
        %lt3A_269 = vector.broadcast %lt3A_268 : i32 to vector<16xi32>
        %lt3A_270 = arith.cmpi slt, %xor3A_267, %lt3A_269 : vector<16xi32>
        %add3A_271 = arith.constant 16 : i32
        %add3A_272 = vector.broadcast %add3A_271 : i32 to vector<16xi32>
        %add3A_273 = arith.addi %xor3A_267, %add3A_272 : vector<16xi32>
        %select_n3A_274 = arith.select %lt3A_270, %add3A_273, %xor3A_267 : vector<16xi1>, vector<16xi32>
        %broadcast_in_dim3A_275 = vector.shape_cast %select_n3A_274 : vector<16xi32> to vector<16x1xi32>
        %gather3A_276 = vector.shape_cast %broadcast_in_dim3A_275 : vector<16x1xi32> to vector<16xi32>
        %gather3A_277 = tpu.dynamic_gather %mul3A_264[%gather3A_276] in [0] : vector<16xf32>, vector<16xi32> -> vector<16xf32>
        %add3A_278 = arith.addf %mul3A_264, %gather3A_277 : vector<16xf32>
        %xor3A_279 = arith.constant 2 : i32
        %xor3A_280 = vector.broadcast %xor3A_279 : i32 to vector<16xi32>
        %xor3A_281 = arith.xori %iota3A, %xor3A_280 : vector<16xi32>
        %lt3A_282 = arith.constant 0 : i32
        %lt3A_283 = vector.broadcast %lt3A_282 : i32 to vector<16xi32>
        %lt3A_284 = arith.cmpi slt, %xor3A_281, %lt3A_283 : vector<16xi32>
        %add3A_285 = arith.constant 16 : i32
        %add3A_286 = vector.broadcast %add3A_285 : i32 to vector<16xi32>
        %add3A_287 = arith.addi %xor3A_281, %add3A_286 : vector<16xi32>
        %select_n3A_288 = arith.select %lt3A_284, %add3A_287, %xor3A_281 : vector<16xi1>, vector<16xi32>
        %broadcast_in_dim3A_289 = vector.shape_cast %select_n3A_288 : vector<16xi32> to vector<16x1xi32>
        %gather3A_290 = vector.shape_cast %broadcast_in_dim3A_289 : vector<16x1xi32> to vector<16xi32>
        %gather3A_291 = tpu.dynamic_gather %add3A_278[%gather3A_290] in [0] : vector<16xf32>, vector<16xi32> -> vector<16xf32>
        %add3A_292 = arith.addf %add3A_278, %gather3A_291 : vector<16xf32>
        %xor3A_293 = arith.constant 4 : i32
        %xor3A_294 = vector.broadcast %xor3A_293 : i32 to vector<16xi32>
        %xor3A_295 = arith.xori %iota3A, %xor3A_294 : vector<16xi32>
        %lt3A_296 = arith.constant 0 : i32
        %lt3A_297 = vector.broadcast %lt3A_296 : i32 to vector<16xi32>
        %lt3A_298 = arith.cmpi slt, %xor3A_295, %lt3A_297 : vector<16xi32>
        %add3A_299 = arith.constant 16 : i32
        %add3A_300 = vector.broadcast %add3A_299 : i32 to vector<16xi32>
        %add3A_301 = arith.addi %xor3A_295, %add3A_300 : vector<16xi32>
        %select_n3A_302 = arith.select %lt3A_298, %add3A_301, %xor3A_295 : vector<16xi1>, vector<16xi32>
        %broadcast_in_dim3A_303 = vector.shape_cast %select_n3A_302 : vector<16xi32> to vector<16x1xi32>
        %gather3A_304 = vector.shape_cast %broadcast_in_dim3A_303 : vector<16x1xi32> to vector<16xi32>
        %gather3A_305 = tpu.dynamic_gather %add3A_292[%gather3A_304] in [0] : vector<16xf32>, vector<16xi32> -> vector<16xf32>
        %add3A_306 = arith.addf %add3A_292, %gather3A_305 : vector<16xf32>
        %exp3A_307 = math.exp %add3A_306 : vector<16xf32>
        %add3A_308 = arith.addf %get3A_154, %get3A_166 : vector<16xf32>
        %mul3A_309 = arith.constant 2.000000e-01 : f32
        %mul3A_310 = vector.broadcast %mul3A_309 : f32 to vector<16xf32>
        %mul3A_311 = arith.mulf %mul3A_310, %add3A_308 : vector<16xf32>
        %max3A_312 = arith.maximumf %add3A_308, %mul3A_311 : vector<16xf32>
        %mul3A_313 = arith.mulf %max3A_312, %get3A_75 : vector<16xf32>
        %xor3A_314 = arith.constant 1 : i32
        %xor3A_315 = vector.broadcast %xor3A_314 : i32 to vector<16xi32>
        %xor3A_316 = arith.xori %iota3A, %xor3A_315 : vector<16xi32>
        %lt3A_317 = arith.constant 0 : i32
        %lt3A_318 = vector.broadcast %lt3A_317 : i32 to vector<16xi32>
        %lt3A_319 = arith.cmpi slt, %xor3A_316, %lt3A_318 : vector<16xi32>
        %add3A_320 = arith.constant 16 : i32
        %add3A_321 = vector.broadcast %add3A_320 : i32 to vector<16xi32>
        %add3A_322 = arith.addi %xor3A_316, %add3A_321 : vector<16xi32>
        %select_n3A_323 = arith.select %lt3A_319, %add3A_322, %xor3A_316 : vector<16xi1>, vector<16xi32>
        %broadcast_in_dim3A_324 = vector.shape_cast %select_n3A_323 : vector<16xi32> to vector<16x1xi32>
        %gather3A_325 = vector.shape_cast %broadcast_in_dim3A_324 : vector<16x1xi32> to vector<16xi32>
        %gather3A_326 = tpu.dynamic_gather %mul3A_313[%gather3A_325] in [0] : vector<16xf32>, vector<16xi32> -> vector<16xf32>
        %add3A_327 = arith.addf %mul3A_313, %gather3A_326 : vector<16xf32>
        %xor3A_328 = arith.constant 2 : i32
        %xor3A_329 = vector.broadcast %xor3A_328 : i32 to vector<16xi32>
        %xor3A_330 = arith.xori %iota3A, %xor3A_329 : vector<16xi32>
        %lt3A_331 = arith.constant 0 : i32
        %lt3A_332 = vector.broadcast %lt3A_331 : i32 to vector<16xi32>
        %lt3A_333 = arith.cmpi slt, %xor3A_330, %lt3A_332 : vector<16xi32>
        %add3A_334 = arith.constant 16 : i32
        %add3A_335 = vector.broadcast %add3A_334 : i32 to vector<16xi32>
        %add3A_336 = arith.addi %xor3A_330, %add3A_335 : vector<16xi32>
        %select_n3A_337 = arith.select %lt3A_333, %add3A_336, %xor3A_330 : vector<16xi1>, vector<16xi32>
        %broadcast_in_dim3A_338 = vector.shape_cast %select_n3A_337 : vector<16xi32> to vector<16x1xi32>
        %gather3A_339 = vector.shape_cast %broadcast_in_dim3A_338 : vector<16x1xi32> to vector<16xi32>
        %gather3A_340 = tpu.dynamic_gather %add3A_327[%gather3A_339] in [0] : vector<16xf32>, vector<16xi32> -> vector<16xf32>
        %add3A_341 = arith.addf %add3A_327, %gather3A_340 : vector<16xf32>
        %xor3A_342 = arith.constant 4 : i32
        %xor3A_343 = vector.broadcast %xor3A_342 : i32 to vector<16xi32>
        %xor3A_344 = arith.xori %iota3A, %xor3A_343 : vector<16xi32>
        %lt3A_345 = arith.constant 0 : i32
        %lt3A_346 = vector.broadcast %lt3A_345 : i32 to vector<16xi32>
        %lt3A_347 = arith.cmpi slt, %xor3A_344, %lt3A_346 : vector<16xi32>
        %add3A_348 = arith.constant 16 : i32
        %add3A_349 = vector.broadcast %add3A_348 : i32 to vector<16xi32>
        %add3A_350 = arith.addi %xor3A_344, %add3A_349 : vector<16xi32>
        %select_n3A_351 = arith.select %lt3A_347, %add3A_350, %xor3A_344 : vector<16xi1>, vector<16xi32>
        %broadcast_in_dim3A_352 = vector.shape_cast %select_n3A_351 : vector<16xi32> to vector<16x1xi32>
        %gather3A_353 = vector.shape_cast %broadcast_in_dim3A_352 : vector<16x1xi32> to vector<16xi32>
        %gather3A_354 = tpu.dynamic_gather %add3A_341[%gather3A_353] in [0] : vector<16xf32>, vector<16xi32> -> vector<16xf32>
        %add3A_355 = arith.addf %add3A_341, %gather3A_354 : vector<16xf32>
        %exp3A_356 = math.exp %add3A_355 : vector<16xf32>
        %mul3A_357 = arith.mulf %get3A_145, %exp3A : vector<16xf32>
        %swap3A = arith.index_cast %mul3A_142 : i32 to index
        %swap3A_358 = arith.constant 0 : index
        %swap3A_359 = tpu.vector_load %arg17[%swap3A, %swap3A_358] {strides = array<i32>} : memref<128x80xf32, #tpu.memory_space<vmem>>, vector<16xf32>,
        tpu.vector_store %arg17[%swap3A, %swap3A_358], %mul3A_357 {strides = array<i32>} : memref<128x80xf32, #tpu.memory_space<vmem>>, vector<16xf32>,
        %mul3A_360 = arith.mulf %get3A_148, %exp3A_258 : vector<16xf32>
        %swap3A_361 = arith.index_cast %mul3A_142 : i32 to index
        %swap3A_362 = arith.constant 16 : index
        %swap3A_363 = tpu.vector_load %arg17[%swap3A_361, %swap3A_362] {strides = array<i32>} : memref<128x80xf32, #tpu.memory_space<vmem>>, vector<16xf32>,
        tpu.vector_store %arg17[%swap3A_361, %swap3A_362], %mul3A_360 {strides = array<i32>} : memref<128x80xf32, #tpu.memory_space<vmem>>, vector<16xf32>,
        %mul3A_364 = arith.mulf %get3A_151, %exp3A_307 : vector<16xf32>
        %swap3A_365 = arith.index_cast %mul3A_142 : i32 to index
        %swap3A_366 = arith.constant 32 : index
        %swap3A_367 = tpu.vector_load %arg17[%swap3A_365, %swap3A_366] {strides = array<i32>} : memref<128x80xf32, #tpu.memory_space<vmem>>, vector<16xf32>,
        tpu.vector_store %arg17[%swap3A_365, %swap3A_366], %mul3A_364 {strides = array<i32>} : memref<128x80xf32, #tpu.memory_space<vmem>>, vector<16xf32>,
        %mul3A_368 = arith.mulf %get3A_154, %exp3A_356 : vector<16xf32>
        %swap3A_369 = arith.index_cast %mul3A_142 : i32 to index
        %swap3A_370 = arith.constant 48 : index
        %swap3A_371 = tpu.vector_load %arg17[%swap3A_369, %swap3A_370] {strides = array<i32>} : memref<128x80xf32, #tpu.memory_space<vmem>>, vector<16xf32>,
        tpu.vector_store %arg17[%swap3A_369, %swap3A_370], %mul3A_368 {strides = array<i32>} : memref<128x80xf32, #tpu.memory_space<vmem>>, vector<16xf32>,
        %lt3A_372 = arith.constant 0 : i32
        %lt3A_373 = vector.broadcast %lt3A_372 : i32 to vector<16xi32>
        %lt3A_374 = arith.cmpi slt, %mul3A_9, %lt3A_373 : vector<16xi32>
        %add3A_375 = arith.constant 16 : i32
        %add3A_376 = vector.broadcast %add3A_375 : i32 to vector<16xi32>
        %add3A_377 = arith.addi %mul3A_9, %add3A_376 : vector<16xi32>
        %select_n3A_378 = arith.select %lt3A_374, %add3A_377, %mul3A_9 : vector<16xi1>, vector<16xi32>
        %broadcast_in_dim3A_379 = vector.shape_cast %select_n3A_378 : vector<16xi32> to vector<16x1xi32>
        %gather3A_380 = vector.shape_cast %broadcast_in_dim3A_379 : vector<16x1xi32> to vector<16xi32>
        %gather3A_381 = tpu.dynamic_gather %exp3A[%gather3A_380] in [0] : vector<16xf32>, vector<16xi32> -> vector<16xf32>
        %shift_right_arithmetic3A = arith.constant 1 : i32
        %shift_right_arithmetic3A_382 = vector.broadcast %shift_right_arithmetic3A : i32 to vector<16xi32>
        %shift_right_arithmetic3A_383 = arith.shrsi %iota3A, %shift_right_arithmetic3A_382 : vector<16xi32>
        %eq3A = arith.constant 1 : i32
        %eq3A_384 = vector.broadcast %eq3A : i32 to vector<16xi32>
        %eq3A_385 = arith.cmpi eq, %shift_right_arithmetic3A_383, %eq3A_384 : vector<16xi32>
        %lt3A_386 = arith.constant 0 : i32
        %lt3A_387 = vector.broadcast %lt3A_386 : i32 to vector<16xi32>
        %lt3A_388 = arith.cmpi slt, %mul3A_9, %lt3A_387 : vector<16xi32>
        %add3A_389 = arith.constant 16 : i32
        %add3A_390 = vector.broadcast %add3A_389 : i32 to vector<16xi32>
        %add3A_391 = arith.addi %mul3A_9, %add3A_390 : vector<16xi32>
        %select_n3A_392 = arith.select %lt3A_388, %add3A_391, %mul3A_9 : vector<16xi1>, vector<16xi32>
        %broadcast_in_dim3A_393 = vector.shape_cast %select_n3A_392 : vector<16xi32> to vector<16x1xi32>
        %gather3A_394 = vector.shape_cast %broadcast_in_dim3A_393 : vector<16x1xi32> to vector<16xi32>
        %gather3A_395 = tpu.dynamic_gather %exp3A_258[%gather3A_394] in [0] : vector<16xf32>, vector<16xi32> -> vector<16xf32>
        %select_n3A_396 = arith.select %eq3A_385, %gather3A_395, %gather3A_381 : vector<16xi1>, vector<16xf32>
        %shift_right_arithmetic3A_397 = arith.constant 1 : i32
        %shift_right_arithmetic3A_398 = vector.broadcast %shift_right_arithmetic3A_397 : i32 to vector<16xi32>
        %shift_right_arithmetic3A_399 = arith.shrsi %iota3A, %shift_right_arithmetic3A_398 : vector<16xi32>
        %eq3A_400 = arith.constant 2 : i32
        %eq3A_401 = vector.broadcast %eq3A_400 : i32 to vector<16xi32>
        %eq3A_402 = arith.cmpi eq, %shift_right_arithmetic3A_399, %eq3A_401 : vector<16xi32>
        %lt3A_403 = arith.constant 0 : i32
        %lt3A_404 = vector.broadcast %lt3A_403 : i32 to vector<16xi32>
        %lt3A_405 = arith.cmpi slt, %mul3A_9, %lt3A_404 : vector<16xi32>
        %add3A_406 = arith.constant 16 : i32
        %add3A_407 = vector.broadcast %add3A_406 : i32 to vector<16xi32>
        %add3A_408 = arith.addi %mul3A_9, %add3A_407 : vector<16xi32>
        %select_n3A_409 = arith.select %lt3A_405, %add3A_408, %mul3A_9 : vector<16xi1>, vector<16xi32>
        %broadcast_in_dim3A_410 = vector.shape_cast %select_n3A_409 : vector<16xi32> to vector<16x1xi32>
        %gather3A_411 = vector.shape_cast %broadcast_in_dim3A_410 : vector<16x1xi32> to vector<16xi32>
        %gather3A_412 = tpu.dynamic_gather %exp3A_307[%gather3A_411] in [0] : vector<16xf32>, vector<16xi32> -> vector<16xf32>
        %select_n3A_413 = arith.select %eq3A_402, %gather3A_412, %select_n3A_396 : vector<16xi1>, vector<16xf32>
        %shift_right_arithmetic3A_414 = arith.constant 1 : i32
        %shift_right_arithmetic3A_415 = vector.broadcast %shift_right_arithmetic3A_414 : i32 to vector<16xi32>
        %shift_right_arithmetic3A_416 = arith.shrsi %iota3A, %shift_right_arithmetic3A_415 : vector<16xi32>
        %eq3A_417 = arith.constant 3 : i32
        %eq3A_418 = vector.broadcast %eq3A_417 : i32 to vector<16xi32>
        %eq3A_419 = arith.cmpi eq, %shift_right_arithmetic3A_416, %eq3A_418 : vector<16xi32>
        %lt3A_420 = arith.constant 0 : i32
        %lt3A_421 = vector.broadcast %lt3A_420 : i32 to vector<16xi32>
        %lt3A_422 = arith.cmpi slt, %mul3A_9, %lt3A_421 : vector<16xi32>
        %add3A_423 = arith.constant 16 : i32
        %add3A_424 = vector.broadcast %add3A_423 : i32 to vector<16xi32>
        %add3A_425 = arith.addi %mul3A_9, %add3A_424 : vector<16xi32>
        %select_n3A_426 = arith.select %lt3A_422, %add3A_425, %mul3A_9 : vector<16xi1>, vector<16xi32>
        %broadcast_in_dim3A_427 = vector.shape_cast %select_n3A_426 : vector<16xi32> to vector<16x1xi32>
        %gather3A_428 = vector.shape_cast %broadcast_in_dim3A_427 : vector<16x1xi32> to vector<16xi32>
        %gather3A_429 = tpu.dynamic_gather %exp3A_356[%gather3A_428] in [0] : vector<16xf32>, vector<16xi32> -> vector<16xf32>
        %select_n3A_430 = arith.select %eq3A_419, %gather3A_429, %select_n3A_413 : vector<16xi1>, vector<16xf32>
        %swap3A_431 = arith.index_cast %mul3A_142 : i32 to index
        %swap3A_432 = arith.constant 64 : index
        %swap3A_433 = tpu.vector_load %arg17[%swap3A_431, %swap3A_432] {strides = array<i32>} : memref<128x80xf32, #tpu.memory_space<vmem>>, vector<16xf32>,
        tpu.vector_store %arg17[%swap3A_431, %swap3A_432], %select_n3A_430 {strides = array<i32>} : memref<128x80xf32, #tpu.memory_space<vmem>>, vector<16xf32>,
        %mul3A_434 = arith.constant 2 : i32
        %mul3A_435 = arith.muli %mul3A_434, %scan3A_139 : i32
        %add3A_436 = arith.constant 1 : i32
        %add3A_437 = arith.addi %mul3A_435, %add3A_436 : i32
        %get3A_438 = arith.index_cast %add3A_437 : i32 to index
        %get3A_439 = arith.constant 0 : index
        %get3A_440 = tpu.vector_load %arg13[%get3A_438, %get3A_439] {strides = array<i32>} : memref<128x64xf32, #tpu.memory_space<vmem>>, vector<16xf32>,
        %get3A_441 = arith.index_cast %add3A_437 : i32 to index
        %get3A_442 = arith.constant 16 : index
        %get3A_443 = tpu.vector_load %arg13[%get3A_441, %get3A_442] {strides = array<i32>} : memref<128x64xf32, #tpu.memory_space<vmem>>, vector<16xf32>,
        %get3A_444 = arith.index_cast %add3A_437 : i32 to index
        %get3A_445 = arith.constant 32 : index
        %get3A_446 = tpu.vector_load %arg13[%get3A_444, %get3A_445] {strides = array<i32>} : memref<128x64xf32, #tpu.memory_space<vmem>>, vector<16xf32>,
        %get3A_447 = arith.index_cast %add3A_437 : i32 to index
        %get3A_448 = arith.constant 48 : index
        %get3A_449 = tpu.vector_load %arg13[%get3A_447, %get3A_448] {strides = array<i32>} : memref<128x64xf32, #tpu.memory_space<vmem>>, vector<16xf32>,
        %get3A_450 = arith.index_cast %add3A_437 : i32 to index
        %get3A_451 = arith.constant 0 : index
        %get3A_452 = tpu.vector_load %arg15[%get3A_450, %get3A_451] {strides = array<i32>} : memref<128x64xf32, #tpu.memory_space<vmem>>, vector<16xf32>,
        %get3A_453 = arith.index_cast %add3A_437 : i32 to index
        %get3A_454 = arith.constant 16 : index
        %get3A_455 = tpu.vector_load %arg15[%get3A_453, %get3A_454] {strides = array<i32>} : memref<128x64xf32, #tpu.memory_space<vmem>>, vector<16xf32>,
        %get3A_456 = arith.index_cast %add3A_437 : i32 to index
        %get3A_457 = arith.constant 32 : index
        %get3A_458 = tpu.vector_load %arg15[%get3A_456, %get3A_457] {strides = array<i32>} : memref<128x64xf32, #tpu.memory_space<vmem>>, vector<16xf32>,
        %get3A_459 = arith.index_cast %add3A_437 : i32 to index
        %get3A_460 = arith.constant 48 : index
        %get3A_461 = tpu.vector_load %arg15[%get3A_459, %get3A_460] {strides = array<i32>} : memref<128x64xf32, #tpu.memory_space<vmem>>, vector<16xf32>,
        %add3A_462 = arith.addf %get3A_440, %get3A_452 : vector<16xf32>
        %mul3A_463 = arith.constant 2.000000e-01 : f32
        %mul3A_464 = vector.broadcast %mul3A_463 : f32 to vector<16xf32>
        %mul3A_465 = arith.mulf %mul3A_464, %add3A_462 : vector<16xf32>
        %max3A_466 = arith.maximumf %add3A_462, %mul3A_465 : vector<16xf32>
        %mul3A_467 = arith.mulf %max3A_466, %get3A_69 : vector<16xf32>
        %xor3A_468 = arith.constant 1 : i32
        %xor3A_469 = vector.broadcast %xor3A_468 : i32 to vector<16xi32>
        %xor3A_470 = arith.xori %iota3A, %xor3A_469 : vector<16xi32>
        %lt3A_471 = arith.constant 0 : i32
        %lt3A_472 = vector.broadcast %lt3A_471 : i32 to vector<16xi32>
        %lt3A_473 = arith.cmpi slt, %xor3A_470, %lt3A_472 : vector<16xi32>
        %add3A_474 = arith.constant 16 : i32
        %add3A_475 = vector.broadcast %add3A_474 : i32 to vector<16xi32>
        %add3A_476 = arith.addi %xor3A_470, %add3A_475 : vector<16xi32>
        %select_n3A_477 = arith.select %lt3A_473, %add3A_476, %xor3A_470 : vector<16xi1>, vector<16xi32>
        %broadcast_in_dim3A_478 = vector.shape_cast %select_n3A_477 : vector<16xi32> to vector<16x1xi32>
        %gather3A_479 = vector.shape_cast %broadcast_in_dim3A_478 : vector<16x1xi32> to vector<16xi32>
        %gather3A_480 = tpu.dynamic_gather %mul3A_467[%gather3A_479] in [0] : vector<16xf32>, vector<16xi32> -> vector<16xf32>
        %add3A_481 = arith.addf %mul3A_467, %gather3A_480 : vector<16xf32>
        %xor3A_482 = arith.constant 2 : i32
        %xor3A_483 = vector.broadcast %xor3A_482 : i32 to vector<16xi32>
        %xor3A_484 = arith.xori %iota3A, %xor3A_483 : vector<16xi32>
        %lt3A_485 = arith.constant 0 : i32
        %lt3A_486 = vector.broadcast %lt3A_485 : i32 to vector<16xi32>
        %lt3A_487 = arith.cmpi slt, %xor3A_484, %lt3A_486 : vector<16xi32>
        %add3A_488 = arith.constant 16 : i32
        %add3A_489 = vector.broadcast %add3A_488 : i32 to vector<16xi32>
        %add3A_490 = arith.addi %xor3A_484, %add3A_489 : vector<16xi32>
        %select_n3A_491 = arith.select %lt3A_487, %add3A_490, %xor3A_484 : vector<16xi1>, vector<16xi32>
        %broadcast_in_dim3A_492 = vector.shape_cast %select_n3A_491 : vector<16xi32> to vector<16x1xi32>
        %gather3A_493 = vector.shape_cast %broadcast_in_dim3A_492 : vector<16x1xi32> to vector<16xi32>
        %gather3A_494 = tpu.dynamic_gather %add3A_481[%gather3A_493] in [0] : vector<16xf32>, vector<16xi32> -> vector<16xf32>
        %add3A_495 = arith.addf %add3A_481, %gather3A_494 : vector<16xf32>
        %xor3A_496 = arith.constant 4 : i32
        %xor3A_497 = vector.broadcast %xor3A_496 : i32 to vector<16xi32>
        %xor3A_498 = arith.xori %iota3A, %xor3A_497 : vector<16xi32>
        %lt3A_499 = arith.constant 0 : i32
        %lt3A_500 = vector.broadcast %lt3A_499 : i32 to vector<16xi32>
        %lt3A_501 = arith.cmpi slt, %xor3A_498, %lt3A_500 : vector<16xi32>
        %add3A_502 = arith.constant 16 : i32
        %add3A_503 = vector.broadcast %add3A_502 : i32 to vector<16xi32>
        %add3A_504 = arith.addi %xor3A_498, %add3A_503 : vector<16xi32>
        %select_n3A_505 = arith.select %lt3A_501, %add3A_504, %xor3A_498 : vector<16xi1>, vector<16xi32>
        %broadcast_in_dim3A_506 = vector.shape_cast %select_n3A_505 : vector<16xi32> to vector<16x1xi32>
        %gather3A_507 = vector.shape_cast %broadcast_in_dim3A_506 : vector<16x1xi32> to vector<16xi32>
        %gather3A_508 = tpu.dynamic_gather %add3A_495[%gather3A_507] in [0] : vector<16xf32>, vector<16xi32> -> vector<16xf32>
        %add3A_509 = arith.addf %add3A_495, %gather3A_508 : vector<16xf32>
        %exp3A_510 = math.exp %add3A_509 : vector<16xf32>
        %add3A_511 = arith.addf %get3A_443, %get3A_455 : vector<16xf32>
        %mul3A_512 = arith.constant 2.000000e-01 : f32
        %mul3A_513 = vector.broadcast %mul3A_512 : f32 to vector<16xf32>
        %mul3A_514 = arith.mulf %mul3A_513, %add3A_511 : vector<16xf32>
        %max3A_515 = arith.maximumf %add3A_511, %mul3A_514 : vector<16xf32>
        %mul3A_516 = arith.mulf %max3A_515, %get3A_71 : vector<16xf32>
        %xor3A_517 = arith.constant 1 : i32
        %xor3A_518 = vector.broadcast %xor3A_517 : i32 to vector<16xi32>
        %xor3A_519 = arith.xori %iota3A, %xor3A_518 : vector<16xi32>
        %lt3A_520 = arith.constant 0 : i32
        %lt3A_521 = vector.broadcast %lt3A_520 : i32 to vector<16xi32>
        %lt3A_522 = arith.cmpi slt, %xor3A_519, %lt3A_521 : vector<16xi32>
        %add3A_523 = arith.constant 16 : i32
        %add3A_524 = vector.broadcast %add3A_523 : i32 to vector<16xi32>
        %add3A_525 = arith.addi %xor3A_519, %add3A_524 : vector<16xi32>
        %select_n3A_526 = arith.select %lt3A_522, %add3A_525, %xor3A_519 : vector<16xi1>, vector<16xi32>
        %broadcast_in_dim3A_527 = vector.shape_cast %select_n3A_526 : vector<16xi32> to vector<16x1xi32>
        %gather3A_528 = vector.shape_cast %broadcast_in_dim3A_527 : vector<16x1xi32> to vector<16xi32>
        %gather3A_529 = tpu.dynamic_gather %mul3A_516[%gather3A_528] in [0] : vector<16xf32>, vector<16xi32> -> vector<16xf32>
        %add3A_530 = arith.addf %mul3A_516, %gather3A_529 : vector<16xf32>
        %xor3A_531 = arith.constant 2 : i32
        %xor3A_532 = vector.broadcast %xor3A_531 : i32 to vector<16xi32>
        %xor3A_533 = arith.xori %iota3A, %xor3A_532 : vector<16xi32>
        %lt3A_534 = arith.constant 0 : i32
        %lt3A_535 = vector.broadcast %lt3A_534 : i32 to vector<16xi32>
        %lt3A_536 = arith.cmpi slt, %xor3A_533, %lt3A_535 : vector<16xi32>
        %add3A_537 = arith.constant 16 : i32
        %add3A_538 = vector.broadcast %add3A_537 : i32 to vector<16xi32>
        %add3A_539 = arith.addi %xor3A_533, %add3A_538 : vector<16xi32>
        %select_n3A_540 = arith.select %lt3A_536, %add3A_539, %xor3A_533 : vector<16xi1>, vector<16xi32>
        %broadcast_in_dim3A_541 = vector.shape_cast %select_n3A_540 : vector<16xi32> to vector<16x1xi32>
        %gather3A_542 = vector.shape_cast %broadcast_in_dim3A_541 : vector<16x1xi32> to vector<16xi32>
        %gather3A_543 = tpu.dynamic_gather %add3A_530[%gather3A_542] in [0] : vector<16xf32>, vector<16xi32> -> vector<16xf32>
        %add3A_544 = arith.addf %add3A_530, %gather3A_543 : vector<16xf32>
        %xor3A_545 = arith.constant 4 : i32
        %xor3A_546 = vector.broadcast %xor3A_545 : i32 to vector<16xi32>
        %xor3A_547 = arith.xori %iota3A, %xor3A_546 : vector<16xi32>
        %lt3A_548 = arith.constant 0 : i32
        %lt3A_549 = vector.broadcast %lt3A_548 : i32 to vector<16xi32>
        %lt3A_550 = arith.cmpi slt, %xor3A_547, %lt3A_549 : vector<16xi32>
        %add3A_551 = arith.constant 16 : i32
        %add3A_552 = vector.broadcast %add3A_551 : i32 to vector<16xi32>
        %add3A_553 = arith.addi %xor3A_547, %add3A_552 : vector<16xi32>
        %select_n3A_554 = arith.select %lt3A_550, %add3A_553, %xor3A_547 : vector<16xi1>, vector<16xi32>
        %broadcast_in_dim3A_555 = vector.shape_cast %select_n3A_554 : vector<16xi32> to vector<16x1xi32>
        %gather3A_556 = vector.shape_cast %broadcast_in_dim3A_555 : vector<16x1xi32> to vector<16xi32>
        %gather3A_557 = tpu.dynamic_gather %add3A_544[%gather3A_556] in [0] : vector<16xf32>, vector<16xi32> -> vector<16xf32>
        %add3A_558 = arith.addf %add3A_544, %gather3A_557 : vector<16xf32>
        %exp3A_559 = math.exp %add3A_558 : vector<16xf32>
        %add3A_560 = arith.addf %get3A_446, %get3A_458 : vector<16xf32>
        %mul3A_561 = arith.constant 2.000000e-01 : f32
        %mul3A_562 = vector.broadcast %mul3A_561 : f32 to vector<16xf32>
        %mul3A_563 = arith.mulf %mul3A_562, %add3A_560 : vector<16xf32>
        %max3A_564 = arith.maximumf %add3A_560, %mul3A_563 : vector<16xf32>
        %mul3A_565 = arith.mulf %max3A_564, %get3A_73 : vector<16xf32>
        %xor3A_566 = arith.constant 1 : i32
        %xor3A_567 = vector.broadcast %xor3A_566 : i32 to vector<16xi32>
        %xor3A_568 = arith.xori %iota3A, %xor3A_567 : vector<16xi32>
        %lt3A_569 = arith.constant 0 : i32
        %lt3A_570 = vector.broadcast %lt3A_569 : i32 to vector<16xi32>
        %lt3A_571 = arith.cmpi slt, %xor3A_568, %lt3A_570 : vector<16xi32>
        %add3A_572 = arith.constant 16 : i32
        %add3A_573 = vector.broadcast %add3A_572 : i32 to vector<16xi32>
        %add3A_574 = arith.addi %xor3A_568, %add3A_573 : vector<16xi32>
        %select_n3A_575 = arith.select %lt3A_571, %add3A_574, %xor3A_568 : vector<16xi1>, vector<16xi32>
        %broadcast_in_dim3A_576 = vector.shape_cast %select_n3A_575 : vector<16xi32> to vector<16x1xi32>
        %gather3A_577 = vector.shape_cast %broadcast_in_dim3A_576 : vector<16x1xi32> to vector<16xi32>
        %gather3A_578 = tpu.dynamic_gather %mul3A_565[%gather3A_577] in [0] : vector<16xf32>, vector<16xi32> -> vector<16xf32>
        %add3A_579 = arith.addf %mul3A_565, %gather3A_578 : vector<16xf32>
        %xor3A_580 = arith.constant 2 : i32
        %xor3A_581 = vector.broadcast %xor3A_580 : i32 to vector<16xi32>
        %xor3A_582 = arith.xori %iota3A, %xor3A_581 : vector<16xi32>
        %lt3A_583 = arith.constant 0 : i32
        %lt3A_584 = vector.broadcast %lt3A_583 : i32 to vector<16xi32>
        %lt3A_585 = arith.cmpi slt, %xor3A_582, %lt3A_584 : vector<16xi32>
        %add3A_586 = arith.constant 16 : i32
        %add3A_587 = vector.broadcast %add3A_586 : i32 to vector<16xi32>
        %add3A_588 = arith.addi %xor3A_582, %add3A_587 : vector<16xi32>
        %select_n3A_589 = arith.select %lt3A_585, %add3A_588, %xor3A_582 : vector<16xi1>, vector<16xi32>
        %broadcast_in_dim3A_590 = vector.shape_cast %select_n3A_589 : vector<16xi32> to vector<16x1xi32>
        %gather3A_591 = vector.shape_cast %broadcast_in_dim3A_590 : vector<16x1xi32> to vector<16xi32>
        %gather3A_592 = tpu.dynamic_gather %add3A_579[%gather3A_591] in [0] : vector<16xf32>, vector<16xi32> -> vector<16xf32>
        %add3A_593 = arith.addf %add3A_579, %gather3A_592 : vector<16xf32>
        %xor3A_594 = arith.constant 4 : i32
        %xor3A_595 = vector.broadcast %xor3A_594 : i32 to vector<16xi32>
        %xor3A_596 = arith.xori %iota3A, %xor3A_595 : vector<16xi32>
        %lt3A_597 = arith.constant 0 : i32
        %lt3A_598 = vector.broadcast %lt3A_597 : i32 to vector<16xi32>
        %lt3A_599 = arith.cmpi slt, %xor3A_596, %lt3A_598 : vector<16xi32>
        %add3A_600 = arith.constant 16 : i32
        %add3A_601 = vector.broadcast %add3A_600 : i32 to vector<16xi32>
        %add3A_602 = arith.addi %xor3A_596, %add3A_601 : vector<16xi32>
        %select_n3A_603 = arith.select %lt3A_599, %add3A_602, %xor3A_596 : vector<16xi1>, vector<16xi32>
        %broadcast_in_dim3A_604 = vector.shape_cast %select_n3A_603 : vector<16xi32> to vector<16x1xi32>
        %gather3A_605 = vector.shape_cast %broadcast_in_dim3A_604 : vector<16x1xi32> to vector<16xi32>
        %gather3A_606 = tpu.dynamic_gather %add3A_593[%gather3A_605] in [0] : vector<16xf32>, vector<16xi32> -> vector<16xf32>
        %add3A_607 = arith.addf %add3A_593, %gather3A_606 : vector<16xf32>
        %exp3A_608 = math.exp %add3A_607 : vector<16xf32>
        %add3A_609 = arith.addf %get3A_449, %get3A_461 : vector<16xf32>
        %mul3A_610 = arith.constant 2.000000e-01 : f32
        %mul3A_611 = vector.broadcast %mul3A_610 : f32 to vector<16xf32>
        %mul3A_612 = arith.mulf %mul3A_611, %add3A_609 : vector<16xf32>
        %max3A_613 = arith.maximumf %add3A_609, %mul3A_612 : vector<16xf32>
        %mul3A_614 = arith.mulf %max3A_613, %get3A_75 : vector<16xf32>
        %xor3A_615 = arith.constant 1 : i32
        %xor3A_616 = vector.broadcast %xor3A_615 : i32 to vector<16xi32>
        %xor3A_617 = arith.xori %iota3A, %xor3A_616 : vector<16xi32>
        %lt3A_618 = arith.constant 0 : i32
        %lt3A_619 = vector.broadcast %lt3A_618 : i32 to vector<16xi32>
        %lt3A_620 = arith.cmpi slt, %xor3A_617, %lt3A_619 : vector<16xi32>
        %add3A_621 = arith.constant 16 : i32
        %add3A_622 = vector.broadcast %add3A_621 : i32 to vector<16xi32>
        %add3A_623 = arith.addi %xor3A_617, %add3A_622 : vector<16xi32>
        %select_n3A_624 = arith.select %lt3A_620, %add3A_623, %xor3A_617 : vector<16xi1>, vector<16xi32>
        %broadcast_in_dim3A_625 = vector.shape_cast %select_n3A_624 : vector<16xi32> to vector<16x1xi32>
        %gather3A_626 = vector.shape_cast %broadcast_in_dim3A_625 : vector<16x1xi32> to vector<16xi32>
        %gather3A_627 = tpu.dynamic_gather %mul3A_614[%gather3A_626] in [0] : vector<16xf32>, vector<16xi32> -> vector<16xf32>
        %add3A_628 = arith.addf %mul3A_614, %gather3A_627 : vector<16xf32>
        %xor3A_629 = arith.constant 2 : i32
        %xor3A_630 = vector.broadcast %xor3A_629 : i32 to vector<16xi32>
        %xor3A_631 = arith.xori %iota3A, %xor3A_630 : vector<16xi32>
        %lt3A_632 = arith.constant 0 : i32
        %lt3A_633 = vector.broadcast %lt3A_632 : i32 to vector<16xi32>
        %lt3A_634 = arith.cmpi slt, %xor3A_631, %lt3A_633 : vector<16xi32>
        %add3A_635 = arith.constant 16 : i32
        %add3A_636 = vector.broadcast %add3A_635 : i32 to vector<16xi32>
        %add3A_637 = arith.addi %xor3A_631, %add3A_636 : vector<16xi32>
        %select_n3A_638 = arith.select %lt3A_634, %add3A_637, %xor3A_631 : vector<16xi1>, vector<16xi32>
        %broadcast_in_dim3A_639 = vector.shape_cast %select_n3A_638 : vector<16xi32> to vector<16x1xi32>
        %gather3A_640 = vector.shape_cast %broadcast_in_dim3A_639 : vector<16x1xi32> to vector<16xi32>
        %gather3A_641 = tpu.dynamic_gather %add3A_628[%gather3A_640] in [0] : vector<16xf32>, vector<16xi32> -> vector<16xf32>
        %add3A_642 = arith.addf %add3A_628, %gather3A_641 : vector<16xf32>
        %xor3A_643 = arith.constant 4 : i32
        %xor3A_644 = vector.broadcast %xor3A_643 : i32 to vector<16xi32>
        %xor3A_645 = arith.xori %iota3A, %xor3A_644 : vector<16xi32>
        %lt3A_646 = arith.constant 0 : i32
        %lt3A_647 = vector.broadcast %lt3A_646 : i32 to vector<16xi32>
        %lt3A_648 = arith.cmpi slt, %xor3A_645, %lt3A_647 : vector<16xi32>
        %add3A_649 = arith.constant 16 : i32
        %add3A_650 = vector.broadcast %add3A_649 : i32 to vector<16xi32>
        %add3A_651 = arith.addi %xor3A_645, %add3A_650 : vector<16xi32>
        %select_n3A_652 = arith.select %lt3A_648, %add3A_651, %xor3A_645 : vector<16xi1>, vector<16xi32>
        %broadcast_in_dim3A_653 = vector.shape_cast %select_n3A_652 : vector<16xi32> to vector<16x1xi32>
        %gather3A_654 = vector.shape_cast %broadcast_in_dim3A_653 : vector<16x1xi32> to vector<16xi32>
        %gather3A_655 = tpu.dynamic_gather %add3A_642[%gather3A_654] in [0] : vector<16xf32>, vector<16xi32> -> vector<16xf32>
        %add3A_656 = arith.addf %add3A_642, %gather3A_655 : vector<16xf32>
        %exp3A_657 = math.exp %add3A_656 : vector<16xf32>
        %mul3A_658 = arith.mulf %get3A_440, %exp3A_510 : vector<16xf32>
        %swap3A_659 = arith.index_cast %add3A_437 : i32 to index
        %swap3A_660 = arith.constant 0 : index
        %swap3A_661 = tpu.vector_load %arg17[%swap3A_659, %swap3A_660] {strides = array<i32>} : memref<128x80xf32, #tpu.memory_space<vmem>>, vector<16xf32>,
        tpu.vector_store %arg17[%swap3A_659, %swap3A_660], %mul3A_658 {strides = array<i32>} : memref<128x80xf32, #tpu.memory_space<vmem>>, vector<16xf32>,
        %mul3A_662 = arith.mulf %get3A_443, %exp3A_559 : vector<16xf32>
        %swap3A_663 = arith.index_cast %add3A_437 : i32 to index
        %swap3A_664 = arith.constant 16 : index
        %swap3A_665 = tpu.vector_load %arg17[%swap3A_663, %swap3A_664] {strides = array<i32>} : memref<128x80xf32, #tpu.memory_space<vmem>>, vector<16xf32>,
        tpu.vector_store %arg17[%swap3A_663, %swap3A_664], %mul3A_662 {strides = array<i32>} : memref<128x80xf32, #tpu.memory_space<vmem>>, vector<16xf32>,
        %mul3A_666 = arith.mulf %get3A_446, %exp3A_608 : vector<16xf32>
        %swap3A_667 = arith.index_cast %add3A_437 : i32 to index
        %swap3A_668 = arith.constant 32 : index
        %swap3A_669 = tpu.vector_load %arg17[%swap3A_667, %swap3A_668] {strides = array<i32>} : memref<128x80xf32, #tpu.memory_space<vmem>>, vector<16xf32>,
        tpu.vector_store %arg17[%swap3A_667, %swap3A_668], %mul3A_666 {strides = array<i32>} : memref<128x80xf32, #tpu.memory_space<vmem>>, vector<16xf32>,
        %mul3A_670 = arith.mulf %get3A_449, %exp3A_657 : vector<16xf32>
        %swap3A_671 = arith.index_cast %add3A_437 : i32 to index
        %swap3A_672 = arith.constant 48 : index
        %swap3A_673 = tpu.vector_load %arg17[%swap3A_671, %swap3A_672] {strides = array<i32>} : memref<128x80xf32, #tpu.memory_space<vmem>>, vector<16xf32>,
        tpu.vector_store %arg17[%swap3A_671, %swap3A_672], %mul3A_670 {strides = array<i32>} : memref<128x80xf32, #tpu.memory_space<vmem>>, vector<16xf32>,
        %lt3A_674 = arith.constant 0 : i32
        %lt3A_675 = vector.broadcast %lt3A_674 : i32 to vector<16xi32>
        %lt3A_676 = arith.cmpi slt, %mul3A_9, %lt3A_675 : vector<16xi32>
        %add3A_677 = arith.constant 16 : i32
        %add3A_678 = vector.broadcast %add3A_677 : i32 to vector<16xi32>
        %add3A_679 = arith.addi %mul3A_9, %add3A_678 : vector<16xi32>
        %select_n3A_680 = arith.select %lt3A_676, %add3A_679, %mul3A_9 : vector<16xi1>, vector<16xi32>
        %broadcast_in_dim3A_681 = vector.shape_cast %select_n3A_680 : vector<16xi32> to vector<16x1xi32>
        %gather3A_682 = vector.shape_cast %broadcast_in_dim3A_681 : vector<16x1xi32> to vector<16xi32>
        %gather3A_683 = tpu.dynamic_gather %exp3A_510[%gather3A_682] in [0] : vector<16xf32>, vector<16xi32> -> vector<16xf32>
        %shift_right_arithmetic3A_684 = arith.constant 1 : i32
        %shift_right_arithmetic3A_685 = vector.broadcast %shift_right_arithmetic3A_684 : i32 to vector<16xi32>
        %shift_right_arithmetic3A_686 = arith.shrsi %iota3A, %shift_right_arithmetic3A_685 : vector<16xi32>
        %eq3A_687 = arith.constant 1 : i32
        %eq3A_688 = vector.broadcast %eq3A_687 : i32 to vector<16xi32>
        %eq3A_689 = arith.cmpi eq, %shift_right_arithmetic3A_686, %eq3A_688 : vector<16xi32>
        %lt3A_690 = arith.constant 0 : i32
        %lt3A_691 = vector.broadcast %lt3A_690 : i32 to vector<16xi32>
        %lt3A_692 = arith.cmpi slt, %mul3A_9, %lt3A_691 : vector<16xi32>
        %add3A_693 = arith.constant 16 : i32
        %add3A_694 = vector.broadcast %add3A_693 : i32 to vector<16xi32>
        %add3A_695 = arith.addi %mul3A_9, %add3A_694 : vector<16xi32>
        %select_n3A_696 = arith.select %lt3A_692, %add3A_695, %mul3A_9 : vector<16xi1>, vector<16xi32>
        %broadcast_in_dim3A_697 = vector.shape_cast %select_n3A_696 : vector<16xi32> to vector<16x1xi32>
        %gather3A_698 = vector.shape_cast %broadcast_in_dim3A_697 : vector<16x1xi32> to vector<16xi32>
        %gather3A_699 = tpu.dynamic_gather %exp3A_559[%gather3A_698] in [0] : vector<16xf32>, vector<16xi32> -> vector<16xf32>
        %select_n3A_700 = arith.select %eq3A_689, %gather3A_699, %gather3A_683 : vector<16xi1>, vector<16xf32>
        %shift_right_arithmetic3A_701 = arith.constant 1 : i32
        %shift_right_arithmetic3A_702 = vector.broadcast %shift_right_arithmetic3A_701 : i32 to vector<16xi32>
        %shift_right_arithmetic3A_703 = arith.shrsi %iota3A, %shift_right_arithmetic3A_702 : vector<16xi32>
        %eq3A_704 = arith.constant 2 : i32
        %eq3A_705 = vector.broadcast %eq3A_704 : i32 to vector<16xi32>
        %eq3A_706 = arith.cmpi eq, %shift_right_arithmetic3A_703, %eq3A_705 : vector<16xi32>
        %lt3A_707 = arith.constant 0 : i32
        %lt3A_708 = vector.broadcast %lt3A_707 : i32 to vector<16xi32>
        %lt3A_709 = arith.cmpi slt, %mul3A_9, %lt3A_708 : vector<16xi32>
        %add3A_710 = arith.constant 16 : i32
        %add3A_711 = vector.broadcast %add3A_710 : i32 to vector<16xi32>
        %add3A_712 = arith.addi %mul3A_9, %add3A_711 : vector<16xi32>
        %select_n3A_713 = arith.select %lt3A_709, %add3A_712, %mul3A_9 : vector<16xi1>, vector<16xi32>
        %broadcast_in_dim3A_714 = vector.shape_cast %select_n3A_713 : vector<16xi32> to vector<16x1xi32>
        %gather3A_715 = vector.shape_cast %broadcast_in_dim3A_714 : vector<16x1xi32> to vector<16xi32>
        %gather3A_716 = tpu.dynamic_gather %exp3A_608[%gather3A_715] in [0] : vector<16xf32>, vector<16xi32> -> vector<16xf32>
        %select_n3A_717 = arith.select %eq3A_706, %gather3A_716, %select_n3A_700 : vector<16xi1>, vector<16xf32>
        %shift_right_arithmetic3A_718 = arith.constant 1 : i32
        %shift_right_arithmetic3A_719 = vector.broadcast %shift_right_arithmetic3A_718 : i32 to vector<16xi32>
        %shift_right_arithmetic3A_720 = arith.shrsi %iota3A, %shift_right_arithmetic3A_719 : vector<16xi32>
        %eq3A_721 = arith.constant 3 : i32
        %eq3A_722 = vector.broadcast %eq3A_721 : i32 to vector<16xi32>
        %eq3A_723 = arith.cmpi eq, %shift_right_arithmetic3A_720, %eq3A_722 : vector<16xi32>
        %lt3A_724 = arith.constant 0 : i32
        %lt3A_725 = vector.broadcast %lt3A_724 : i32 to vector<16xi32>
        %lt3A_726 = arith.cmpi slt, %mul3A_9, %lt3A_725 : vector<16xi32>
        %add3A_727 = arith.constant 16 : i32
        %add3A_728 = vector.broadcast %add3A_727 : i32 to vector<16xi32>
        %add3A_729 = arith.addi %mul3A_9, %add3A_728 : vector<16xi32>
        %select_n3A_730 = arith.select %lt3A_726, %add3A_729, %mul3A_9 : vector<16xi1>, vector<16xi32>
        %broadcast_in_dim3A_731 = vector.shape_cast %select_n3A_730 : vector<16xi32> to vector<16x1xi32>
        %gather3A_732 = vector.shape_cast %broadcast_in_dim3A_731 : vector<16x1xi32> to vector<16xi32>
        %gather3A_733 = tpu.dynamic_gather %exp3A_657[%gather3A_732] in [0] : vector<16xf32>, vector<16xi32> -> vector<16xf32>
        %select_n3A_734 = arith.select %eq3A_723, %gather3A_733, %select_n3A_717 : vector<16xi1>, vector<16xf32>
        %swap3A_735 = arith.index_cast %add3A_437 : i32 to index
        %swap3A_736 = arith.constant 64 : index
        %swap3A_737 = tpu.vector_load %arg17[%swap3A_735, %swap3A_736] {strides = array<i32>} : memref<128x80xf32, #tpu.memory_space<vmem>>, vector<16xf32>,
        tpu.vector_store %arg17[%swap3A_735, %swap3A_736], %select_n3A_734 {strides = array<i32>} : memref<128x80xf32, #tpu.memory_space<vmem>>, vector<16xf32>,
        %scan3A_738 = arith.constant 0 : i32
        scf.yield %scan3A_738 : i32
      }
      %scan3A_82 = arith.constant 64 : i32
      %dma_start3A_83 = arith.constant 0 : i32
      %dma_start3A_84 = tpu.memref_slice %arg12[%mul3A_48, %dma_start3A_83] : memref<82x128xi32, #tpu.memory_space<vmem>> -> memref<1x128xi32, #tpu.memory_space<vmem>>
      %dma_start3A_85 = tpu.memref_squeeze %dma_start3A_84 : memref<1x128xi32, #tpu.memory_space<vmem>> -> memref<128xi32, #tpu.memory_space<vmem>>
      %dma_start3A_86 = arith.constant 0 : i32
      %dma_start3A_87 = arith.constant 0 : i32
      %dma_start3A_88 = tpu.memref_slice %arg9[%dma_start3A_86, %dma_start3A_87] : memref<10112x80xf32, #tpu.memory_space<vmem_shared>> -> memref<10112x80xf32, #tpu.memory_space<vmem_shared>>
      tpu.enqueue_indirect_dma source(%arg17 : memref<128x80xf32, #tpu.memory_space<vmem>>) target(%dma_start3A_88 : memref<10112x80xf32, #tpu.memory_space<vmem_shared>>) offsets(%dma_start3A_85 : memref<128xi32, #tpu.memory_space<vmem>>) semaphore(%arg21 : memref<!tpu.dma_semaphore, #tpu.memory_space<semaphore_mem>>) {add = true}
      %mul3A_89 = arith.constant 2 : i32
      %mul3A_90 = arith.muli %mul3A_89, %scan3A_45 : i32
      %add3A_91 = arith.constant 1 : i32
      %add3A_92 = arith.addi %mul3A_90, %add3A_91 : i32
      %add3A_93 = arith.constant 1 : i32
      %add3A_94 = arith.addi %add3A_92, %add3A_93 : i32
      %lt3A_95 = arith.constant 82 : i32
      %lt3A_96 = arith.cmpi slt, %add3A_94, %lt3A_95 : i32
      %convert_element_type3A_97 = arith.extui %lt3A_96 : i1 to i32
      %cond3A_98 = arith.constant 0 : i32
      %cond3A_99 = arith.cmpi ne, %convert_element_type3A_97, %cond3A_98 : i32
      scf.if %cond3A_99 {
        %add3A_139 = arith.constant 1 : i32
        %add3A_140 = arith.addi %add3A_92, %add3A_139 : i32
        %dma_start3A_141 = arith.constant 0 : i32
        %dma_start3A_142 = tpu.memref_slice %arg11[%add3A_140, %dma_start3A_141] : memref<82x128xi32, #tpu.memory_space<vmem>> -> memref<1x128xi32, #tpu.memory_space<vmem>>
        %dma_start3A_143 = tpu.memref_squeeze %dma_start3A_142 : memref<1x128xi32, #tpu.memory_space<vmem>> -> memref<128xi32, #tpu.memory_space<vmem>>
        %dma_start3A_144 = arith.constant 0 : i32
        %dma_start3A_145 = arith.constant 0 : i32
        %dma_start3A_146 = tpu.memref_slice %arg2[%dma_start3A_144, %dma_start3A_145] : memref<10000x64xf32, #tpu.memory_space<hbm>> -> memref<10000x64xf32, #tpu.memory_space<hbm>>
        tpu.enqueue_indirect_dma source(%dma_start3A_146 : memref<10000x64xf32, #tpu.memory_space<hbm>>) target(%arg13 : memref<128x64xf32, #tpu.memory_space<vmem>>) offsets(%dma_start3A_143 : memref<128xi32, #tpu.memory_space<vmem>>) semaphore(%arg19 : memref<!tpu.dma_semaphore, #tpu.memory_space<semaphore_mem>>)
        %dma_start3A_147 = arith.constant 0 : i32
        %dma_start3A_148 = tpu.memref_slice %arg12[%add3A_140, %dma_start3A_147] : memref<82x128xi32, #tpu.memory_space<vmem>> -> memref<1x128xi32, #tpu.memory_space<vmem>>
        %dma_start3A_149 = tpu.memref_squeeze %dma_start3A_148 : memref<1x128xi32, #tpu.memory_space<vmem>> -> memref<128xi32, #tpu.memory_space<vmem>>
        %dma_start3A_150 = arith.constant 0 : i32
        %dma_start3A_151 = arith.constant 0 : i32
        %dma_start3A_152 = tpu.memref_slice %arg3[%dma_start3A_150, %dma_start3A_151] : memref<10112x64xf32, #tpu.memory_space<hbm>> -> memref<10112x64xf32, #tpu.memory_space<hbm>>
        tpu.enqueue_indirect_dma source(%dma_start3A_152 : memref<10112x64xf32, #tpu.memory_space<hbm>>) target(%arg15 : memref<128x64xf32, #tpu.memory_space<vmem>>) offsets(%dma_start3A_149 : memref<128xi32, #tpu.memory_space<vmem>>) semaphore(%arg19 : memref<!tpu.dma_semaphore, #tpu.memory_space<semaphore_mem>>)
      } else {
      }
      %dma_wait3A_100 = arith.constant 0 : i32
      %dma_wait3A_101 = arith.constant 0 : i32
      %dma_wait3A_102 = tpu.memref_slice %arg2[%dma_wait3A_100, %dma_wait3A_101] : memref<10000x64xf32, #tpu.memory_space<hbm>> -> memref<128x64xf32, #tpu.memory_space<hbm>>
      %dma_wait3A_103 = arith.constant 0 : i32
      %dma_wait3A_104 = arith.constant 0 : i32
      %dma_wait3A_105 = tpu.memref_slice %arg2[%dma_wait3A_103, %dma_wait3A_104] : memref<10000x64xf32, #tpu.memory_space<hbm>> -> memref<128x64xf32, #tpu.memory_space<hbm>>
      tpu.wait_dma2 semaphore(%arg20 : memref<!tpu.dma_semaphore, #tpu.memory_space<semaphore_mem>>) src(%dma_wait3A_105 : memref<128x64xf32, #tpu.memory_space<hbm>>) dst(%arg14 : memref<128x64xf32, #tpu.memory_space<vmem>>)
      %dma_wait3A_106 = arith.constant 0 : i32
      %dma_wait3A_107 = arith.constant 0 : i32
      %dma_wait3A_108 = tpu.memref_slice %arg3[%dma_wait3A_106, %dma_wait3A_107] : memref<10112x64xf32, #tpu.memory_space<hbm>> -> memref<128x64xf32, #tpu.memory_space<hbm>>
      %dma_wait3A_109 = arith.constant 0 : i32
      %dma_wait3A_110 = arith.constant 0 : i32
      %dma_wait3A_111 = tpu.memref_slice %arg3[%dma_wait3A_109, %dma_wait3A_110] : memref<10112x64xf32, #tpu.memory_space<hbm>> -> memref<128x64xf32, #tpu.memory_space<hbm>>
      tpu.wait_dma2 semaphore(%arg20 : memref<!tpu.dma_semaphore, #tpu.memory_space<semaphore_mem>>) src(%dma_wait3A_111 : memref<128x64xf32, #tpu.memory_space<hbm>>) dst(%arg16 : memref<128x64xf32, #tpu.memory_space<vmem>>)
      %ge3A_112 = arith.constant 2 : i32
      %ge3A_113 = arith.cmpi sge, %add3A_92, %ge3A_112 : i32
      %convert_element_type3A_114 = arith.extui %ge3A_113 : i1 to i32
      %cond3A_115 = arith.constant 0 : i32
      %cond3A_116 = arith.cmpi ne, %convert_element_type3A_114, %cond3A_115 : i32
      scf.if %cond3A_116 {
        %dma_wait3A_139 = arith.constant 0 : i32
        %dma_wait3A_140 = arith.constant 0 : i32
        %dma_wait3A_141 = tpu.memref_slice %arg9[%dma_wait3A_139, %dma_wait3A_140] : memref<10112x80xf32, #tpu.memory_space<vmem_shared>> -> memref<128x80xf32, #tpu.memory_space<vmem_shared>>
        %dma_wait3A_142 = arith.constant 0 : i32
        %dma_wait3A_143 = arith.constant 0 : i32
        %dma_wait3A_144 = tpu.memref_slice %arg7[%dma_wait3A_142, %dma_wait3A_143] : memref<10112x80xf32, #tpu.memory_space<hbm>> -> memref<128x80xf32, #tpu.memory_space<hbm>>
        tpu.wait_dma2 semaphore(%arg22 : memref<!tpu.dma_semaphore, #tpu.memory_space<semaphore_mem>>) src(%dma_wait3A_144 : memref<128x80xf32, #tpu.memory_space<hbm>>) dst(%dma_wait3A_141 : memref<128x80xf32, #tpu.memory_space<vmem_shared>>)
      } else {
      }
      %get3A_117 = arith.constant 0 : index
      %get3A_118 = tpu.vector_load %arg10[%get3A_117] {strides = array<i32>} : memref<64xf32, #tpu.memory_space<vmem>>, vector<16xf32>,
      %get3A_119 = arith.constant 16 : index
      %get3A_120 = tpu.vector_load %arg10[%get3A_119] {strides = array<i32>} : memref<64xf32, #tpu.memory_space<vmem>>, vector<16xf32>,
      %get3A_121 = arith.constant 32 : index
      %get3A_122 = tpu.vector_load %arg10[%get3A_121] {strides = array<i32>} : memref<64xf32, #tpu.memory_space<vmem>>, vector<16xf32>,
      %get3A_123 = arith.constant 48 : index
      %get3A_124 = tpu.vector_load %arg10[%get3A_123] {strides = array<i32>} : memref<64xf32, #tpu.memory_space<vmem>>, vector<16xf32>,
      %scan3A_125 = arith.constant 0 : i32
      %scan3A_126 = arith.constant 0 : i32
      %scan3A_127 = arith.constant 64 : i32
      %scan3A_128 = arith.addi %scan3A_126, %scan3A_127 : i32
      %scan3A_129 = arith.constant 1 : i32
      %scan3A_130 = scf.for %scan3A_139 = %scan3A_126 to %scan3A_128 step %scan3A_129 iter_args(%scan3A_140 = %scan3A_125) -> (i32)  : i32 {
        %mul3A_141 = arith.constant 2 : i32
        %mul3A_142 = arith.muli %mul3A_141, %scan3A_139 : i32
        %get3A_143 = arith.index_cast %mul3A_142 : i32 to index
        %get3A_144 = arith.constant 0 : index
        %get3A_145 = tpu.vector_load %arg14[%get3A_143, %get3A_144] {strides = array<i32>} : memref<128x64xf32, #tpu.memory_space<vmem>>, vector<16xf32>,
        %get3A_146 = arith.index_cast %mul3A_142 : i32 to index
        %get3A_147 = arith.constant 16 : index
        %get3A_148 = tpu.vector_load %arg14[%get3A_146, %get3A_147] {strides = array<i32>} : memref<128x64xf32, #tpu.memory_space<vmem>>, vector<16xf32>,
        %get3A_149 = arith.index_cast %mul3A_142 : i32 to index
        %get3A_150 = arith.constant 32 : index
        %get3A_151 = tpu.vector_load %arg14[%get3A_149, %get3A_150] {strides = array<i32>} : memref<128x64xf32, #tpu.memory_space<vmem>>, vector<16xf32>,
        %get3A_152 = arith.index_cast %mul3A_142 : i32 to index
        %get3A_153 = arith.constant 48 : index
        %get3A_154 = tpu.vector_load %arg14[%get3A_152, %get3A_153] {strides = array<i32>} : memref<128x64xf32, #tpu.memory_space<vmem>>, vector<16xf32>,
        %get3A_155 = arith.index_cast %mul3A_142 : i32 to index
        %get3A_156 = arith.constant 0 : index
        %get3A_157 = tpu.vector_load %arg16[%get3A_155, %get3A_156] {strides = array<i32>} : memref<128x64xf32, #tpu.memory_space<vmem>>, vector<16xf32>,
        %get3A_158 = arith.index_cast %mul3A_142 : i32 to index
        %get3A_159 = arith.constant 16 : index
        %get3A_160 = tpu.vector_load %arg16[%get3A_158, %get3A_159] {strides = array<i32>} : memref<128x64xf32, #tpu.memory_space<vmem>>, vector<16xf32>,
        %get3A_161 = arith.index_cast %mul3A_142 : i32 to index
        %get3A_162 = arith.constant 32 : index
        %get3A_163 = tpu.vector_load %arg16[%get3A_161, %get3A_162] {strides = array<i32>} : memref<128x64xf32, #tpu.memory_space<vmem>>, vector<16xf32>,
        %get3A_164 = arith.index_cast %mul3A_142 : i32 to index
        %get3A_165 = arith.constant 48 : index
        %get3A_166 = tpu.vector_load %arg16[%get3A_164, %get3A_165] {strides = array<i32>} : memref<128x64xf32, #tpu.memory_space<vmem>>, vector<16xf32>,
        %add3A_167 = arith.addf %get3A_145, %get3A_157 : vector<16xf32>
        %mul3A_168 = arith.constant 2.000000e-01 : f32
        %mul3A_169 = vector.broadcast %mul3A_168 : f32 to vector<16xf32>
        %mul3A_170 = arith.mulf %mul3A_169, %add3A_167 : vector<16xf32>
        %max3A = arith.maximumf %add3A_167, %mul3A_170 : vector<16xf32>
        %mul3A_171 = arith.mulf %max3A, %get3A_118 : vector<16xf32>
        %xor3A = arith.constant 1 : i32
        %xor3A_172 = vector.broadcast %xor3A : i32 to vector<16xi32>
        %xor3A_173 = arith.xori %iota3A, %xor3A_172 : vector<16xi32>
        %lt3A_174 = arith.constant 0 : i32
        %lt3A_175 = vector.broadcast %lt3A_174 : i32 to vector<16xi32>
        %lt3A_176 = arith.cmpi slt, %xor3A_173, %lt3A_175 : vector<16xi32>
        %add3A_177 = arith.constant 16 : i32
        %add3A_178 = vector.broadcast %add3A_177 : i32 to vector<16xi32>
        %add3A_179 = arith.addi %xor3A_173, %add3A_178 : vector<16xi32>
        %select_n3A = arith.select %lt3A_176, %add3A_179, %xor3A_173 : vector<16xi1>, vector<16xi32>
        %broadcast_in_dim3A = vector.shape_cast %select_n3A : vector<16xi32> to vector<16x1xi32>
        %gather3A = vector.shape_cast %broadcast_in_dim3A : vector<16x1xi32> to vector<16xi32>
        %gather3A_180 = tpu.dynamic_gather %mul3A_171[%gather3A] in [0] : vector<16xf32>, vector<16xi32> -> vector<16xf32>
        %add3A_181 = arith.addf %mul3A_171, %gather3A_180 : vector<16xf32>
        %xor3A_182 = arith.constant 2 : i32
        %xor3A_183 = vector.broadcast %xor3A_182 : i32 to vector<16xi32>
        %xor3A_184 = arith.xori %iota3A, %xor3A_183 : vector<16xi32>
        %lt3A_185 = arith.constant 0 : i32
        %lt3A_186 = vector.broadcast %lt3A_185 : i32 to vector<16xi32>
        %lt3A_187 = arith.cmpi slt, %xor3A_184, %lt3A_186 : vector<16xi32>
        %add3A_188 = arith.constant 16 : i32
        %add3A_189 = vector.broadcast %add3A_188 : i32 to vector<16xi32>
        %add3A_190 = arith.addi %xor3A_184, %add3A_189 : vector<16xi32>
        %select_n3A_191 = arith.select %lt3A_187, %add3A_190, %xor3A_184 : vector<16xi1>, vector<16xi32>
        %broadcast_in_dim3A_192 = vector.shape_cast %select_n3A_191 : vector<16xi32> to vector<16x1xi32>
        %gather3A_193 = vector.shape_cast %broadcast_in_dim3A_192 : vector<16x1xi32> to vector<16xi32>
        %gather3A_194 = tpu.dynamic_gather %add3A_181[%gather3A_193] in [0] : vector<16xf32>, vector<16xi32> -> vector<16xf32>
        %add3A_195 = arith.addf %add3A_181, %gather3A_194 : vector<16xf32>
        %xor3A_196 = arith.constant 4 : i32
        %xor3A_197 = vector.broadcast %xor3A_196 : i32 to vector<16xi32>
        %xor3A_198 = arith.xori %iota3A, %xor3A_197 : vector<16xi32>
        %lt3A_199 = arith.constant 0 : i32
        %lt3A_200 = vector.broadcast %lt3A_199 : i32 to vector<16xi32>
        %lt3A_201 = arith.cmpi slt, %xor3A_198, %lt3A_200 : vector<16xi32>
        %add3A_202 = arith.constant 16 : i32
        %add3A_203 = vector.broadcast %add3A_202 : i32 to vector<16xi32>
        %add3A_204 = arith.addi %xor3A_198, %add3A_203 : vector<16xi32>
        %select_n3A_205 = arith.select %lt3A_201, %add3A_204, %xor3A_198 : vector<16xi1>, vector<16xi32>
        %broadcast_in_dim3A_206 = vector.shape_cast %select_n3A_205 : vector<16xi32> to vector<16x1xi32>
        %gather3A_207 = vector.shape_cast %broadcast_in_dim3A_206 : vector<16x1xi32> to vector<16xi32>
        %gather3A_208 = tpu.dynamic_gather %add3A_195[%gather3A_207] in [0] : vector<16xf32>, vector<16xi32> -> vector<16xf32>
        %add3A_209 = arith.addf %add3A_195, %gather3A_208 : vector<16xf32>
        %exp3A = math.exp %add3A_209 : vector<16xf32>
        %add3A_210 = arith.addf %get3A_148, %get3A_160 : vector<16xf32>
        %mul3A_211 = arith.constant 2.000000e-01 : f32
        %mul3A_212 = vector.broadcast %mul3A_211 : f32 to vector<16xf32>
        %mul3A_213 = arith.mulf %mul3A_212, %add3A_210 : vector<16xf32>
        %max3A_214 = arith.maximumf %add3A_210, %mul3A_213 : vector<16xf32>
        %mul3A_215 = arith.mulf %max3A_214, %get3A_120 : vector<16xf32>
        %xor3A_216 = arith.constant 1 : i32
        %xor3A_217 = vector.broadcast %xor3A_216 : i32 to vector<16xi32>
        %xor3A_218 = arith.xori %iota3A, %xor3A_217 : vector<16xi32>
        %lt3A_219 = arith.constant 0 : i32
        %lt3A_220 = vector.broadcast %lt3A_219 : i32 to vector<16xi32>
        %lt3A_221 = arith.cmpi slt, %xor3A_218, %lt3A_220 : vector<16xi32>
        %add3A_222 = arith.constant 16 : i32
        %add3A_223 = vector.broadcast %add3A_222 : i32 to vector<16xi32>
        %add3A_224 = arith.addi %xor3A_218, %add3A_223 : vector<16xi32>
        %select_n3A_225 = arith.select %lt3A_221, %add3A_224, %xor3A_218 : vector<16xi1>, vector<16xi32>
        %broadcast_in_dim3A_226 = vector.shape_cast %select_n3A_225 : vector<16xi32> to vector<16x1xi32>
        %gather3A_227 = vector.shape_cast %broadcast_in_dim3A_226 : vector<16x1xi32> to vector<16xi32>
        %gather3A_228 = tpu.dynamic_gather %mul3A_215[%gather3A_227] in [0] : vector<16xf32>, vector<16xi32> -> vector<16xf32>
        %add3A_229 = arith.addf %mul3A_215, %gather3A_228 : vector<16xf32>
        %xor3A_230 = arith.constant 2 : i32
        %xor3A_231 = vector.broadcast %xor3A_230 : i32 to vector<16xi32>
        %xor3A_232 = arith.xori %iota3A, %xor3A_231 : vector<16xi32>
        %lt3A_233 = arith.constant 0 : i32
        %lt3A_234 = vector.broadcast %lt3A_233 : i32 to vector<16xi32>
        %lt3A_235 = arith.cmpi slt, %xor3A_232, %lt3A_234 : vector<16xi32>
        %add3A_236 = arith.constant 16 : i32
        %add3A_237 = vector.broadcast %add3A_236 : i32 to vector<16xi32>
        %add3A_238 = arith.addi %xor3A_232, %add3A_237 : vector<16xi32>
        %select_n3A_239 = arith.select %lt3A_235, %add3A_238, %xor3A_232 : vector<16xi1>, vector<16xi32>
        %broadcast_in_dim3A_240 = vector.shape_cast %select_n3A_239 : vector<16xi32> to vector<16x1xi32>
        %gather3A_241 = vector.shape_cast %broadcast_in_dim3A_240 : vector<16x1xi32> to vector<16xi32>
        %gather3A_242 = tpu.dynamic_gather %add3A_229[%gather3A_241] in [0] : vector<16xf32>, vector<16xi32> -> vector<16xf32>
        %add3A_243 = arith.addf %add3A_229, %gather3A_242 : vector<16xf32>
        %xor3A_244 = arith.constant 4 : i32
        %xor3A_245 = vector.broadcast %xor3A_244 : i32 to vector<16xi32>
        %xor3A_246 = arith.xori %iota3A, %xor3A_245 : vector<16xi32>
        %lt3A_247 = arith.constant 0 : i32
        %lt3A_248 = vector.broadcast %lt3A_247 : i32 to vector<16xi32>
        %lt3A_249 = arith.cmpi slt, %xor3A_246, %lt3A_248 : vector<16xi32>
        %add3A_250 = arith.constant 16 : i32
        %add3A_251 = vector.broadcast %add3A_250 : i32 to vector<16xi32>
        %add3A_252 = arith.addi %xor3A_246, %add3A_251 : vector<16xi32>
        %select_n3A_253 = arith.select %lt3A_249, %add3A_252, %xor3A_246 : vector<16xi1>, vector<16xi32>
        %broadcast_in_dim3A_254 = vector.shape_cast %select_n3A_253 : vector<16xi32> to vector<16x1xi32>
        %gather3A_255 = vector.shape_cast %broadcast_in_dim3A_254 : vector<16x1xi32> to vector<16xi32>
        %gather3A_256 = tpu.dynamic_gather %add3A_243[%gather3A_255] in [0] : vector<16xf32>, vector<16xi32> -> vector<16xf32>
        %add3A_257 = arith.addf %add3A_243, %gather3A_256 : vector<16xf32>
        %exp3A_258 = math.exp %add3A_257 : vector<16xf32>
        %add3A_259 = arith.addf %get3A_151, %get3A_163 : vector<16xf32>
        %mul3A_260 = arith.constant 2.000000e-01 : f32
        %mul3A_261 = vector.broadcast %mul3A_260 : f32 to vector<16xf32>
        %mul3A_262 = arith.mulf %mul3A_261, %add3A_259 : vector<16xf32>
        %max3A_263 = arith.maximumf %add3A_259, %mul3A_262 : vector<16xf32>
        %mul3A_264 = arith.mulf %max3A_263, %get3A_122 : vector<16xf32>
        %xor3A_265 = arith.constant 1 : i32
        %xor3A_266 = vector.broadcast %xor3A_265 : i32 to vector<16xi32>
        %xor3A_267 = arith.xori %iota3A, %xor3A_266 : vector<16xi32>
        %lt3A_268 = arith.constant 0 : i32
        %lt3A_269 = vector.broadcast %lt3A_268 : i32 to vector<16xi32>
        %lt3A_270 = arith.cmpi slt, %xor3A_267, %lt3A_269 : vector<16xi32>
        %add3A_271 = arith.constant 16 : i32
        %add3A_272 = vector.broadcast %add3A_271 : i32 to vector<16xi32>
        %add3A_273 = arith.addi %xor3A_267, %add3A_272 : vector<16xi32>
        %select_n3A_274 = arith.select %lt3A_270, %add3A_273, %xor3A_267 : vector<16xi1>, vector<16xi32>
        %broadcast_in_dim3A_275 = vector.shape_cast %select_n3A_274 : vector<16xi32> to vector<16x1xi32>
        %gather3A_276 = vector.shape_cast %broadcast_in_dim3A_275 : vector<16x1xi32> to vector<16xi32>
        %gather3A_277 = tpu.dynamic_gather %mul3A_264[%gather3A_276] in [0] : vector<16xf32>, vector<16xi32> -> vector<16xf32>
        %add3A_278 = arith.addf %mul3A_264, %gather3A_277 : vector<16xf32>
        %xor3A_279 = arith.constant 2 : i32
        %xor3A_280 = vector.broadcast %xor3A_279 : i32 to vector<16xi32>
        %xor3A_281 = arith.xori %iota3A, %xor3A_280 : vector<16xi32>
        %lt3A_282 = arith.constant 0 : i32
        %lt3A_283 = vector.broadcast %lt3A_282 : i32 to vector<16xi32>
        %lt3A_284 = arith.cmpi slt, %xor3A_281, %lt3A_283 : vector<16xi32>
        %add3A_285 = arith.constant 16 : i32
        %add3A_286 = vector.broadcast %add3A_285 : i32 to vector<16xi32>
        %add3A_287 = arith.addi %xor3A_281, %add3A_286 : vector<16xi32>
        %select_n3A_288 = arith.select %lt3A_284, %add3A_287, %xor3A_281 : vector<16xi1>, vector<16xi32>
        %broadcast_in_dim3A_289 = vector.shape_cast %select_n3A_288 : vector<16xi32> to vector<16x1xi32>
        %gather3A_290 = vector.shape_cast %broadcast_in_dim3A_289 : vector<16x1xi32> to vector<16xi32>
        %gather3A_291 = tpu.dynamic_gather %add3A_278[%gather3A_290] in [0] : vector<16xf32>, vector<16xi32> -> vector<16xf32>
        %add3A_292 = arith.addf %add3A_278, %gather3A_291 : vector<16xf32>
        %xor3A_293 = arith.constant 4 : i32
        %xor3A_294 = vector.broadcast %xor3A_293 : i32 to vector<16xi32>
        %xor3A_295 = arith.xori %iota3A, %xor3A_294 : vector<16xi32>
        %lt3A_296 = arith.constant 0 : i32
        %lt3A_297 = vector.broadcast %lt3A_296 : i32 to vector<16xi32>
        %lt3A_298 = arith.cmpi slt, %xor3A_295, %lt3A_297 : vector<16xi32>
        %add3A_299 = arith.constant 16 : i32
        %add3A_300 = vector.broadcast %add3A_299 : i32 to vector<16xi32>
        %add3A_301 = arith.addi %xor3A_295, %add3A_300 : vector<16xi32>
        %select_n3A_302 = arith.select %lt3A_298, %add3A_301, %xor3A_295 : vector<16xi1>, vector<16xi32>
        %broadcast_in_dim3A_303 = vector.shape_cast %select_n3A_302 : vector<16xi32> to vector<16x1xi32>
        %gather3A_304 = vector.shape_cast %broadcast_in_dim3A_303 : vector<16x1xi32> to vector<16xi32>
        %gather3A_305 = tpu.dynamic_gather %add3A_292[%gather3A_304] in [0] : vector<16xf32>, vector<16xi32> -> vector<16xf32>
        %add3A_306 = arith.addf %add3A_292, %gather3A_305 : vector<16xf32>
        %exp3A_307 = math.exp %add3A_306 : vector<16xf32>
        %add3A_308 = arith.addf %get3A_154, %get3A_166 : vector<16xf32>
        %mul3A_309 = arith.constant 2.000000e-01 : f32
        %mul3A_310 = vector.broadcast %mul3A_309 : f32 to vector<16xf32>
        %mul3A_311 = arith.mulf %mul3A_310, %add3A_308 : vector<16xf32>
        %max3A_312 = arith.maximumf %add3A_308, %mul3A_311 : vector<16xf32>
        %mul3A_313 = arith.mulf %max3A_312, %get3A_124 : vector<16xf32>
        %xor3A_314 = arith.constant 1 : i32
        %xor3A_315 = vector.broadcast %xor3A_314 : i32 to vector<16xi32>
        %xor3A_316 = arith.xori %iota3A, %xor3A_315 : vector<16xi32>
        %lt3A_317 = arith.constant 0 : i32
        %lt3A_318 = vector.broadcast %lt3A_317 : i32 to vector<16xi32>
        %lt3A_319 = arith.cmpi slt, %xor3A_316, %lt3A_318 : vector<16xi32>
        %add3A_320 = arith.constant 16 : i32
        %add3A_321 = vector.broadcast %add3A_320 : i32 to vector<16xi32>
        %add3A_322 = arith.addi %xor3A_316, %add3A_321 : vector<16xi32>
        %select_n3A_323 = arith.select %lt3A_319, %add3A_322, %xor3A_316 : vector<16xi1>, vector<16xi32>
        %broadcast_in_dim3A_324 = vector.shape_cast %select_n3A_323 : vector<16xi32> to vector<16x1xi32>
        %gather3A_325 = vector.shape_cast %broadcast_in_dim3A_324 : vector<16x1xi32> to vector<16xi32>
        %gather3A_326 = tpu.dynamic_gather %mul3A_313[%gather3A_325] in [0] : vector<16xf32>, vector<16xi32> -> vector<16xf32>
        %add3A_327 = arith.addf %mul3A_313, %gather3A_326 : vector<16xf32>
        %xor3A_328 = arith.constant 2 : i32
        %xor3A_329 = vector.broadcast %xor3A_328 : i32 to vector<16xi32>
        %xor3A_330 = arith.xori %iota3A, %xor3A_329 : vector<16xi32>
        %lt3A_331 = arith.constant 0 : i32
        %lt3A_332 = vector.broadcast %lt3A_331 : i32 to vector<16xi32>
        %lt3A_333 = arith.cmpi slt, %xor3A_330, %lt3A_332 : vector<16xi32>
        %add3A_334 = arith.constant 16 : i32
        %add3A_335 = vector.broadcast %add3A_334 : i32 to vector<16xi32>
        %add3A_336 = arith.addi %xor3A_330, %add3A_335 : vector<16xi32>
        %select_n3A_337 = arith.select %lt3A_333, %add3A_336, %xor3A_330 : vector<16xi1>, vector<16xi32>
        %broadcast_in_dim3A_338 = vector.shape_cast %select_n3A_337 : vector<16xi32> to vector<16x1xi32>
        %gather3A_339 = vector.shape_cast %broadcast_in_dim3A_338 : vector<16x1xi32> to vector<16xi32>
        %gather3A_340 = tpu.dynamic_gather %add3A_327[%gather3A_339] in [0] : vector<16xf32>, vector<16xi32> -> vector<16xf32>
        %add3A_341 = arith.addf %add3A_327, %gather3A_340 : vector<16xf32>
        %xor3A_342 = arith.constant 4 : i32
        %xor3A_343 = vector.broadcast %xor3A_342 : i32 to vector<16xi32>
        %xor3A_344 = arith.xori %iota3A, %xor3A_343 : vector<16xi32>
        %lt3A_345 = arith.constant 0 : i32
        %lt3A_346 = vector.broadcast %lt3A_345 : i32 to vector<16xi32>
        %lt3A_347 = arith.cmpi slt, %xor3A_344, %lt3A_346 : vector<16xi32>
        %add3A_348 = arith.constant 16 : i32
        %add3A_349 = vector.broadcast %add3A_348 : i32 to vector<16xi32>
        %add3A_350 = arith.addi %xor3A_344, %add3A_349 : vector<16xi32>
        %select_n3A_351 = arith.select %lt3A_347, %add3A_350, %xor3A_344 : vector<16xi1>, vector<16xi32>
        %broadcast_in_dim3A_352 = vector.shape_cast %select_n3A_351 : vector<16xi32> to vector<16x1xi32>
        %gather3A_353 = vector.shape_cast %broadcast_in_dim3A_352 : vector<16x1xi32> to vector<16xi32>
        %gather3A_354 = tpu.dynamic_gather %add3A_341[%gather3A_353] in [0] : vector<16xf32>, vector<16xi32> -> vector<16xf32>
        %add3A_355 = arith.addf %add3A_341, %gather3A_354 : vector<16xf32>
        %exp3A_356 = math.exp %add3A_355 : vector<16xf32>
        %mul3A_357 = arith.mulf %get3A_145, %exp3A : vector<16xf32>
        %swap3A = arith.index_cast %mul3A_142 : i32 to index
        %swap3A_358 = arith.constant 0 : index
        %swap3A_359 = tpu.vector_load %arg18[%swap3A, %swap3A_358] {strides = array<i32>} : memref<128x80xf32, #tpu.memory_space<vmem>>, vector<16xf32>,
        tpu.vector_store %arg18[%swap3A, %swap3A_358], %mul3A_357 {strides = array<i32>} : memref<128x80xf32, #tpu.memory_space<vmem>>, vector<16xf32>,
        %mul3A_360 = arith.mulf %get3A_148, %exp3A_258 : vector<16xf32>
        %swap3A_361 = arith.index_cast %mul3A_142 : i32 to index
        %swap3A_362 = arith.constant 16 : index
        %swap3A_363 = tpu.vector_load %arg18[%swap3A_361, %swap3A_362] {strides = array<i32>} : memref<128x80xf32, #tpu.memory_space<vmem>>, vector<16xf32>,
        tpu.vector_store %arg18[%swap3A_361, %swap3A_362], %mul3A_360 {strides = array<i32>} : memref<128x80xf32, #tpu.memory_space<vmem>>, vector<16xf32>,
        %mul3A_364 = arith.mulf %get3A_151, %exp3A_307 : vector<16xf32>
        %swap3A_365 = arith.index_cast %mul3A_142 : i32 to index
        %swap3A_366 = arith.constant 32 : index
        %swap3A_367 = tpu.vector_load %arg18[%swap3A_365, %swap3A_366] {strides = array<i32>} : memref<128x80xf32, #tpu.memory_space<vmem>>, vector<16xf32>,
        tpu.vector_store %arg18[%swap3A_365, %swap3A_366], %mul3A_364 {strides = array<i32>} : memref<128x80xf32, #tpu.memory_space<vmem>>, vector<16xf32>,
        %mul3A_368 = arith.mulf %get3A_154, %exp3A_356 : vector<16xf32>
        %swap3A_369 = arith.index_cast %mul3A_142 : i32 to index
        %swap3A_370 = arith.constant 48 : index
        %swap3A_371 = tpu.vector_load %arg18[%swap3A_369, %swap3A_370] {strides = array<i32>} : memref<128x80xf32, #tpu.memory_space<vmem>>, vector<16xf32>,
        tpu.vector_store %arg18[%swap3A_369, %swap3A_370], %mul3A_368 {strides = array<i32>} : memref<128x80xf32, #tpu.memory_space<vmem>>, vector<16xf32>,
        %lt3A_372 = arith.constant 0 : i32
        %lt3A_373 = vector.broadcast %lt3A_372 : i32 to vector<16xi32>
        %lt3A_374 = arith.cmpi slt, %mul3A_9, %lt3A_373 : vector<16xi32>
        %add3A_375 = arith.constant 16 : i32
        %add3A_376 = vector.broadcast %add3A_375 : i32 to vector<16xi32>
        %add3A_377 = arith.addi %mul3A_9, %add3A_376 : vector<16xi32>
        %select_n3A_378 = arith.select %lt3A_374, %add3A_377, %mul3A_9 : vector<16xi1>, vector<16xi32>
        %broadcast_in_dim3A_379 = vector.shape_cast %select_n3A_378 : vector<16xi32> to vector<16x1xi32>
        %gather3A_380 = vector.shape_cast %broadcast_in_dim3A_379 : vector<16x1xi32> to vector<16xi32>
        %gather3A_381 = tpu.dynamic_gather %exp3A[%gather3A_380] in [0] : vector<16xf32>, vector<16xi32> -> vector<16xf32>
        %shift_right_arithmetic3A = arith.constant 1 : i32
        %shift_right_arithmetic3A_382 = vector.broadcast %shift_right_arithmetic3A : i32 to vector<16xi32>
        %shift_right_arithmetic3A_383 = arith.shrsi %iota3A, %shift_right_arithmetic3A_382 : vector<16xi32>
        %eq3A = arith.constant 1 : i32
        %eq3A_384 = vector.broadcast %eq3A : i32 to vector<16xi32>
        %eq3A_385 = arith.cmpi eq, %shift_right_arithmetic3A_383, %eq3A_384 : vector<16xi32>
        %lt3A_386 = arith.constant 0 : i32
        %lt3A_387 = vector.broadcast %lt3A_386 : i32 to vector<16xi32>
        %lt3A_388 = arith.cmpi slt, %mul3A_9, %lt3A_387 : vector<16xi32>
        %add3A_389 = arith.constant 16 : i32
        %add3A_390 = vector.broadcast %add3A_389 : i32 to vector<16xi32>
        %add3A_391 = arith.addi %mul3A_9, %add3A_390 : vector<16xi32>
        %select_n3A_392 = arith.select %lt3A_388, %add3A_391, %mul3A_9 : vector<16xi1>, vector<16xi32>
        %broadcast_in_dim3A_393 = vector.shape_cast %select_n3A_392 : vector<16xi32> to vector<16x1xi32>
        %gather3A_394 = vector.shape_cast %broadcast_in_dim3A_393 : vector<16x1xi32> to vector<16xi32>
        %gather3A_395 = tpu.dynamic_gather %exp3A_258[%gather3A_394] in [0] : vector<16xf32>, vector<16xi32> -> vector<16xf32>
        %select_n3A_396 = arith.select %eq3A_385, %gather3A_395, %gather3A_381 : vector<16xi1>, vector<16xf32>
        %shift_right_arithmetic3A_397 = arith.constant 1 : i32
        %shift_right_arithmetic3A_398 = vector.broadcast %shift_right_arithmetic3A_397 : i32 to vector<16xi32>
        %shift_right_arithmetic3A_399 = arith.shrsi %iota3A, %shift_right_arithmetic3A_398 : vector<16xi32>
        %eq3A_400 = arith.constant 2 : i32
        %eq3A_401 = vector.broadcast %eq3A_400 : i32 to vector<16xi32>
        %eq3A_402 = arith.cmpi eq, %shift_right_arithmetic3A_399, %eq3A_401 : vector<16xi32>
        %lt3A_403 = arith.constant 0 : i32
        %lt3A_404 = vector.broadcast %lt3A_403 : i32 to vector<16xi32>
        %lt3A_405 = arith.cmpi slt, %mul3A_9, %lt3A_404 : vector<16xi32>
        %add3A_406 = arith.constant 16 : i32
        %add3A_407 = vector.broadcast %add3A_406 : i32 to vector<16xi32>
        %add3A_408 = arith.addi %mul3A_9, %add3A_407 : vector<16xi32>
        %select_n3A_409 = arith.select %lt3A_405, %add3A_408, %mul3A_9 : vector<16xi1>, vector<16xi32>
        %broadcast_in_dim3A_410 = vector.shape_cast %select_n3A_409 : vector<16xi32> to vector<16x1xi32>
        %gather3A_411 = vector.shape_cast %broadcast_in_dim3A_410 : vector<16x1xi32> to vector<16xi32>
        %gather3A_412 = tpu.dynamic_gather %exp3A_307[%gather3A_411] in [0] : vector<16xf32>, vector<16xi32> -> vector<16xf32>
        %select_n3A_413 = arith.select %eq3A_402, %gather3A_412, %select_n3A_396 : vector<16xi1>, vector<16xf32>
        %shift_right_arithmetic3A_414 = arith.constant 1 : i32
        %shift_right_arithmetic3A_415 = vector.broadcast %shift_right_arithmetic3A_414 : i32 to vector<16xi32>
        %shift_right_arithmetic3A_416 = arith.shrsi %iota3A, %shift_right_arithmetic3A_415 : vector<16xi32>
        %eq3A_417 = arith.constant 3 : i32
        %eq3A_418 = vector.broadcast %eq3A_417 : i32 to vector<16xi32>
        %eq3A_419 = arith.cmpi eq, %shift_right_arithmetic3A_416, %eq3A_418 : vector<16xi32>
        %lt3A_420 = arith.constant 0 : i32
        %lt3A_421 = vector.broadcast %lt3A_420 : i32 to vector<16xi32>
        %lt3A_422 = arith.cmpi slt, %mul3A_9, %lt3A_421 : vector<16xi32>
        %add3A_423 = arith.constant 16 : i32
        %add3A_424 = vector.broadcast %add3A_423 : i32 to vector<16xi32>
        %add3A_425 = arith.addi %mul3A_9, %add3A_424 : vector<16xi32>
        %select_n3A_426 = arith.select %lt3A_422, %add3A_425, %mul3A_9 : vector<16xi1>, vector<16xi32>
        %broadcast_in_dim3A_427 = vector.shape_cast %select_n3A_426 : vector<16xi32> to vector<16x1xi32>
        %gather3A_428 = vector.shape_cast %broadcast_in_dim3A_427 : vector<16x1xi32> to vector<16xi32>
        %gather3A_429 = tpu.dynamic_gather %exp3A_356[%gather3A_428] in [0] : vector<16xf32>, vector<16xi32> -> vector<16xf32>
        %select_n3A_430 = arith.select %eq3A_419, %gather3A_429, %select_n3A_413 : vector<16xi1>, vector<16xf32>
        %swap3A_431 = arith.index_cast %mul3A_142 : i32 to index
        %swap3A_432 = arith.constant 64 : index
        %swap3A_433 = tpu.vector_load %arg18[%swap3A_431, %swap3A_432] {strides = array<i32>} : memref<128x80xf32, #tpu.memory_space<vmem>>, vector<16xf32>,
        tpu.vector_store %arg18[%swap3A_431, %swap3A_432], %select_n3A_430 {strides = array<i32>} : memref<128x80xf32, #tpu.memory_space<vmem>>, vector<16xf32>,
        %mul3A_434 = arith.constant 2 : i32
        %mul3A_435 = arith.muli %mul3A_434, %scan3A_139 : i32
        %add3A_436 = arith.constant 1 : i32
        %add3A_437 = arith.addi %mul3A_435, %add3A_436 : i32
        %get3A_438 = arith.index_cast %add3A_437 : i32 to index
        %get3A_439 = arith.constant 0 : index
        %get3A_440 = tpu.vector_load %arg14[%get3A_438, %get3A_439] {strides = array<i32>} : memref<128x64xf32, #tpu.memory_space<vmem>>, vector<16xf32>,
        %get3A_441 = arith.index_cast %add3A_437 : i32 to index
        %get3A_442 = arith.constant 16 : index
        %get3A_443 = tpu.vector_load %arg14[%get3A_441, %get3A_442] {strides = array<i32>} : memref<128x64xf32, #tpu.memory_space<vmem>>, vector<16xf32>,
        %get3A_444 = arith.index_cast %add3A_437 : i32 to index
        %get3A_445 = arith.constant 32 : index
        %get3A_446 = tpu.vector_load %arg14[%get3A_444, %get3A_445] {strides = array<i32>} : memref<128x64xf32, #tpu.memory_space<vmem>>, vector<16xf32>,
        %get3A_447 = arith.index_cast %add3A_437 : i32 to index
        %get3A_448 = arith.constant 48 : index
        %get3A_449 = tpu.vector_load %arg14[%get3A_447, %get3A_448] {strides = array<i32>} : memref<128x64xf32, #tpu.memory_space<vmem>>, vector<16xf32>,
        %get3A_450 = arith.index_cast %add3A_437 : i32 to index
        %get3A_451 = arith.constant 0 : index
        %get3A_452 = tpu.vector_load %arg16[%get3A_450, %get3A_451] {strides = array<i32>} : memref<128x64xf32, #tpu.memory_space<vmem>>, vector<16xf32>,
        %get3A_453 = arith.index_cast %add3A_437 : i32 to index
        %get3A_454 = arith.constant 16 : index
        %get3A_455 = tpu.vector_load %arg16[%get3A_453, %get3A_454] {strides = array<i32>} : memref<128x64xf32, #tpu.memory_space<vmem>>, vector<16xf32>,
        %get3A_456 = arith.index_cast %add3A_437 : i32 to index
        %get3A_457 = arith.constant 32 : index
        %get3A_458 = tpu.vector_load %arg16[%get3A_456, %get3A_457] {strides = array<i32>} : memref<128x64xf32, #tpu.memory_space<vmem>>, vector<16xf32>,
        %get3A_459 = arith.index_cast %add3A_437 : i32 to index
        %get3A_460 = arith.constant 48 : index
        %get3A_461 = tpu.vector_load %arg16[%get3A_459, %get3A_460] {strides = array<i32>} : memref<128x64xf32, #tpu.memory_space<vmem>>, vector<16xf32>,
        %add3A_462 = arith.addf %get3A_440, %get3A_452 : vector<16xf32>
        %mul3A_463 = arith.constant 2.000000e-01 : f32
        %mul3A_464 = vector.broadcast %mul3A_463 : f32 to vector<16xf32>
        %mul3A_465 = arith.mulf %mul3A_464, %add3A_462 : vector<16xf32>
        %max3A_466 = arith.maximumf %add3A_462, %mul3A_465 : vector<16xf32>
        %mul3A_467 = arith.mulf %max3A_466, %get3A_118 : vector<16xf32>
        %xor3A_468 = arith.constant 1 : i32
        %xor3A_469 = vector.broadcast %xor3A_468 : i32 to vector<16xi32>
        %xor3A_470 = arith.xori %iota3A, %xor3A_469 : vector<16xi32>
        %lt3A_471 = arith.constant 0 : i32
        %lt3A_472 = vector.broadcast %lt3A_471 : i32 to vector<16xi32>
        %lt3A_473 = arith.cmpi slt, %xor3A_470, %lt3A_472 : vector<16xi32>
        %add3A_474 = arith.constant 16 : i32
        %add3A_475 = vector.broadcast %add3A_474 : i32 to vector<16xi32>
        %add3A_476 = arith.addi %xor3A_470, %add3A_475 : vector<16xi32>
        %select_n3A_477 = arith.select %lt3A_473, %add3A_476, %xor3A_470 : vector<16xi1>, vector<16xi32>
        %broadcast_in_dim3A_478 = vector.shape_cast %select_n3A_477 : vector<16xi32> to vector<16x1xi32>
        %gather3A_479 = vector.shape_cast %broadcast_in_dim3A_478 : vector<16x1xi32> to vector<16xi32>
        %gather3A_480 = tpu.dynamic_gather %mul3A_467[%gather3A_479] in [0] : vector<16xf32>, vector<16xi32> -> vector<16xf32>
        %add3A_481 = arith.addf %mul3A_467, %gather3A_480 : vector<16xf32>
        %xor3A_482 = arith.constant 2 : i32
        %xor3A_483 = vector.broadcast %xor3A_482 : i32 to vector<16xi32>
        %xor3A_484 = arith.xori %iota3A, %xor3A_483 : vector<16xi32>
        %lt3A_485 = arith.constant 0 : i32
        %lt3A_486 = vector.broadcast %lt3A_485 : i32 to vector<16xi32>
        %lt3A_487 = arith.cmpi slt, %xor3A_484, %lt3A_486 : vector<16xi32>
        %add3A_488 = arith.constant 16 : i32
        %add3A_489 = vector.broadcast %add3A_488 : i32 to vector<16xi32>
        %add3A_490 = arith.addi %xor3A_484, %add3A_489 : vector<16xi32>
        %select_n3A_491 = arith.select %lt3A_487, %add3A_490, %xor3A_484 : vector<16xi1>, vector<16xi32>
        %broadcast_in_dim3A_492 = vector.shape_cast %select_n3A_491 : vector<16xi32> to vector<16x1xi32>
        %gather3A_493 = vector.shape_cast %broadcast_in_dim3A_492 : vector<16x1xi32> to vector<16xi32>
        %gather3A_494 = tpu.dynamic_gather %add3A_481[%gather3A_493] in [0] : vector<16xf32>, vector<16xi32> -> vector<16xf32>
        %add3A_495 = arith.addf %add3A_481, %gather3A_494 : vector<16xf32>
        %xor3A_496 = arith.constant 4 : i32
        %xor3A_497 = vector.broadcast %xor3A_496 : i32 to vector<16xi32>
        %xor3A_498 = arith.xori %iota3A, %xor3A_497 : vector<16xi32>
        %lt3A_499 = arith.constant 0 : i32
        %lt3A_500 = vector.broadcast %lt3A_499 : i32 to vector<16xi32>
        %lt3A_501 = arith.cmpi slt, %xor3A_498, %lt3A_500 : vector<16xi32>
        %add3A_502 = arith.constant 16 : i32
        %add3A_503 = vector.broadcast %add3A_502 : i32 to vector<16xi32>
        %add3A_504 = arith.addi %xor3A_498, %add3A_503 : vector<16xi32>
        %select_n3A_505 = arith.select %lt3A_501, %add3A_504, %xor3A_498 : vector<16xi1>, vector<16xi32>
        %broadcast_in_dim3A_506 = vector.shape_cast %select_n3A_505 : vector<16xi32> to vector<16x1xi32>
        %gather3A_507 = vector.shape_cast %broadcast_in_dim3A_506 : vector<16x1xi32> to vector<16xi32>
        %gather3A_508 = tpu.dynamic_gather %add3A_495[%gather3A_507] in [0] : vector<16xf32>, vector<16xi32> -> vector<16xf32>
        %add3A_509 = arith.addf %add3A_495, %gather3A_508 : vector<16xf32>
        %exp3A_510 = math.exp %add3A_509 : vector<16xf32>
        %add3A_511 = arith.addf %get3A_443, %get3A_455 : vector<16xf32>
        %mul3A_512 = arith.constant 2.000000e-01 : f32
        %mul3A_513 = vector.broadcast %mul3A_512 : f32 to vector<16xf32>
        %mul3A_514 = arith.mulf %mul3A_513, %add3A_511 : vector<16xf32>
        %max3A_515 = arith.maximumf %add3A_511, %mul3A_514 : vector<16xf32>
        %mul3A_516 = arith.mulf %max3A_515, %get3A_120 : vector<16xf32>
        %xor3A_517 = arith.constant 1 : i32
        %xor3A_518 = vector.broadcast %xor3A_517 : i32 to vector<16xi32>
        %xor3A_519 = arith.xori %iota3A, %xor3A_518 : vector<16xi32>
        %lt3A_520 = arith.constant 0 : i32
        %lt3A_521 = vector.broadcast %lt3A_520 : i32 to vector<16xi32>
        %lt3A_522 = arith.cmpi slt, %xor3A_519, %lt3A_521 : vector<16xi32>
        %add3A_523 = arith.constant 16 : i32
        %add3A_524 = vector.broadcast %add3A_523 : i32 to vector<16xi32>
        %add3A_525 = arith.addi %xor3A_519, %add3A_524 : vector<16xi32>
        %select_n3A_526 = arith.select %lt3A_522, %add3A_525, %xor3A_519 : vector<16xi1>, vector<16xi32>
        %broadcast_in_dim3A_527 = vector.shape_cast %select_n3A_526 : vector<16xi32> to vector<16x1xi32>
        %gather3A_528 = vector.shape_cast %broadcast_in_dim3A_527 : vector<16x1xi32> to vector<16xi32>
        %gather3A_529 = tpu.dynamic_gather %mul3A_516[%gather3A_528] in [0] : vector<16xf32>, vector<16xi32> -> vector<16xf32>
        %add3A_530 = arith.addf %mul3A_516, %gather3A_529 : vector<16xf32>
        %xor3A_531 = arith.constant 2 : i32
        %xor3A_532 = vector.broadcast %xor3A_531 : i32 to vector<16xi32>
        %xor3A_533 = arith.xori %iota3A, %xor3A_532 : vector<16xi32>
        %lt3A_534 = arith.constant 0 : i32
        %lt3A_535 = vector.broadcast %lt3A_534 : i32 to vector<16xi32>
        %lt3A_536 = arith.cmpi slt, %xor3A_533, %lt3A_535 : vector<16xi32>
        %add3A_537 = arith.constant 16 : i32
        %add3A_538 = vector.broadcast %add3A_537 : i32 to vector<16xi32>
        %add3A_539 = arith.addi %xor3A_533, %add3A_538 : vector<16xi32>
        %select_n3A_540 = arith.select %lt3A_536, %add3A_539, %xor3A_533 : vector<16xi1>, vector<16xi32>
        %broadcast_in_dim3A_541 = vector.shape_cast %select_n3A_540 : vector<16xi32> to vector<16x1xi32>
        %gather3A_542 = vector.shape_cast %broadcast_in_dim3A_541 : vector<16x1xi32> to vector<16xi32>
        %gather3A_543 = tpu.dynamic_gather %add3A_530[%gather3A_542] in [0] : vector<16xf32>, vector<16xi32> -> vector<16xf32>
        %add3A_544 = arith.addf %add3A_530, %gather3A_543 : vector<16xf32>
        %xor3A_545 = arith.constant 4 : i32
        %xor3A_546 = vector.broadcast %xor3A_545 : i32 to vector<16xi32>
        %xor3A_547 = arith.xori %iota3A, %xor3A_546 : vector<16xi32>
        %lt3A_548 = arith.constant 0 : i32
        %lt3A_549 = vector.broadcast %lt3A_548 : i32 to vector<16xi32>
        %lt3A_550 = arith.cmpi slt, %xor3A_547, %lt3A_549 : vector<16xi32>
        %add3A_551 = arith.constant 16 : i32
        %add3A_552 = vector.broadcast %add3A_551 : i32 to vector<16xi32>
        %add3A_553 = arith.addi %xor3A_547, %add3A_552 : vector<16xi32>
        %select_n3A_554 = arith.select %lt3A_550, %add3A_553, %xor3A_547 : vector<16xi1>, vector<16xi32>
        %broadcast_in_dim3A_555 = vector.shape_cast %select_n3A_554 : vector<16xi32> to vector<16x1xi32>
        %gather3A_556 = vector.shape_cast %broadcast_in_dim3A_555 : vector<16x1xi32> to vector<16xi32>
        %gather3A_557 = tpu.dynamic_gather %add3A_544[%gather3A_556] in [0] : vector<16xf32>, vector<16xi32> -> vector<16xf32>
        %add3A_558 = arith.addf %add3A_544, %gather3A_557 : vector<16xf32>
        %exp3A_559 = math.exp %add3A_558 : vector<16xf32>
        %add3A_560 = arith.addf %get3A_446, %get3A_458 : vector<16xf32>
        %mul3A_561 = arith.constant 2.000000e-01 : f32
        %mul3A_562 = vector.broadcast %mul3A_561 : f32 to vector<16xf32>
        %mul3A_563 = arith.mulf %mul3A_562, %add3A_560 : vector<16xf32>
        %max3A_564 = arith.maximumf %add3A_560, %mul3A_563 : vector<16xf32>
        %mul3A_565 = arith.mulf %max3A_564, %get3A_122 : vector<16xf32>
        %xor3A_566 = arith.constant 1 : i32
        %xor3A_567 = vector.broadcast %xor3A_566 : i32 to vector<16xi32>
        %xor3A_568 = arith.xori %iota3A, %xor3A_567 : vector<16xi32>
        %lt3A_569 = arith.constant 0 : i32
        %lt3A_570 = vector.broadcast %lt3A_569 : i32 to vector<16xi32>
        %lt3A_571 = arith.cmpi slt, %xor3A_568, %lt3A_570 : vector<16xi32>
        %add3A_572 = arith.constant 16 : i32
        %add3A_573 = vector.broadcast %add3A_572 : i32 to vector<16xi32>
        %add3A_574 = arith.addi %xor3A_568, %add3A_573 : vector<16xi32>
        %select_n3A_575 = arith.select %lt3A_571, %add3A_574, %xor3A_568 : vector<16xi1>, vector<16xi32>
        %broadcast_in_dim3A_576 = vector.shape_cast %select_n3A_575 : vector<16xi32> to vector<16x1xi32>
        %gather3A_577 = vector.shape_cast %broadcast_in_dim3A_576 : vector<16x1xi32> to vector<16xi32>
        %gather3A_578 = tpu.dynamic_gather %mul3A_565[%gather3A_577] in [0] : vector<16xf32>, vector<16xi32> -> vector<16xf32>
        %add3A_579 = arith.addf %mul3A_565, %gather3A_578 : vector<16xf32>
        %xor3A_580 = arith.constant 2 : i32
        %xor3A_581 = vector.broadcast %xor3A_580 : i32 to vector<16xi32>
        %xor3A_582 = arith.xori %iota3A, %xor3A_581 : vector<16xi32>
        %lt3A_583 = arith.constant 0 : i32
        %lt3A_584 = vector.broadcast %lt3A_583 : i32 to vector<16xi32>
        %lt3A_585 = arith.cmpi slt, %xor3A_582, %lt3A_584 : vector<16xi32>
        %add3A_586 = arith.constant 16 : i32
        %add3A_587 = vector.broadcast %add3A_586 : i32 to vector<16xi32>
        %add3A_588 = arith.addi %xor3A_582, %add3A_587 : vector<16xi32>
        %select_n3A_589 = arith.select %lt3A_585, %add3A_588, %xor3A_582 : vector<16xi1>, vector<16xi32>
        %broadcast_in_dim3A_590 = vector.shape_cast %select_n3A_589 : vector<16xi32> to vector<16x1xi32>
        %gather3A_591 = vector.shape_cast %broadcast_in_dim3A_590 : vector<16x1xi32> to vector<16xi32>
        %gather3A_592 = tpu.dynamic_gather %add3A_579[%gather3A_591] in [0] : vector<16xf32>, vector<16xi32> -> vector<16xf32>
        %add3A_593 = arith.addf %add3A_579, %gather3A_592 : vector<16xf32>
        %xor3A_594 = arith.constant 4 : i32
        %xor3A_595 = vector.broadcast %xor3A_594 : i32 to vector<16xi32>
        %xor3A_596 = arith.xori %iota3A, %xor3A_595 : vector<16xi32>
        %lt3A_597 = arith.constant 0 : i32
        %lt3A_598 = vector.broadcast %lt3A_597 : i32 to vector<16xi32>
        %lt3A_599 = arith.cmpi slt, %xor3A_596, %lt3A_598 : vector<16xi32>
        %add3A_600 = arith.constant 16 : i32
        %add3A_601 = vector.broadcast %add3A_600 : i32 to vector<16xi32>
        %add3A_602 = arith.addi %xor3A_596, %add3A_601 : vector<16xi32>
        %select_n3A_603 = arith.select %lt3A_599, %add3A_602, %xor3A_596 : vector<16xi1>, vector<16xi32>
        %broadcast_in_dim3A_604 = vector.shape_cast %select_n3A_603 : vector<16xi32> to vector<16x1xi32>
        %gather3A_605 = vector.shape_cast %broadcast_in_dim3A_604 : vector<16x1xi32> to vector<16xi32>
        %gather3A_606 = tpu.dynamic_gather %add3A_593[%gather3A_605] in [0] : vector<16xf32>, vector<16xi32> -> vector<16xf32>
        %add3A_607 = arith.addf %add3A_593, %gather3A_606 : vector<16xf32>
        %exp3A_608 = math.exp %add3A_607 : vector<16xf32>
        %add3A_609 = arith.addf %get3A_449, %get3A_461 : vector<16xf32>
        %mul3A_610 = arith.constant 2.000000e-01 : f32
        %mul3A_611 = vector.broadcast %mul3A_610 : f32 to vector<16xf32>
        %mul3A_612 = arith.mulf %mul3A_611, %add3A_609 : vector<16xf32>
        %max3A_613 = arith.maximumf %add3A_609, %mul3A_612 : vector<16xf32>
        %mul3A_614 = arith.mulf %max3A_613, %get3A_124 : vector<16xf32>
        %xor3A_615 = arith.constant 1 : i32
        %xor3A_616 = vector.broadcast %xor3A_615 : i32 to vector<16xi32>
        %xor3A_617 = arith.xori %iota3A, %xor3A_616 : vector<16xi32>
        %lt3A_618 = arith.constant 0 : i32
        %lt3A_619 = vector.broadcast %lt3A_618 : i32 to vector<16xi32>
        %lt3A_620 = arith.cmpi slt, %xor3A_617, %lt3A_619 : vector<16xi32>
        %add3A_621 = arith.constant 16 : i32
        %add3A_622 = vector.broadcast %add3A_621 : i32 to vector<16xi32>
        %add3A_623 = arith.addi %xor3A_617, %add3A_622 : vector<16xi32>
        %select_n3A_624 = arith.select %lt3A_620, %add3A_623, %xor3A_617 : vector<16xi1>, vector<16xi32>
        %broadcast_in_dim3A_625 = vector.shape_cast %select_n3A_624 : vector<16xi32> to vector<16x1xi32>
        %gather3A_626 = vector.shape_cast %broadcast_in_dim3A_625 : vector<16x1xi32> to vector<16xi32>
        %gather3A_627 = tpu.dynamic_gather %mul3A_614[%gather3A_626] in [0] : vector<16xf32>, vector<16xi32> -> vector<16xf32>
        %add3A_628 = arith.addf %mul3A_614, %gather3A_627 : vector<16xf32>
        %xor3A_629 = arith.constant 2 : i32
        %xor3A_630 = vector.broadcast %xor3A_629 : i32 to vector<16xi32>
        %xor3A_631 = arith.xori %iota3A, %xor3A_630 : vector<16xi32>
        %lt3A_632 = arith.constant 0 : i32
        %lt3A_633 = vector.broadcast %lt3A_632 : i32 to vector<16xi32>
        %lt3A_634 = arith.cmpi slt, %xor3A_631, %lt3A_633 : vector<16xi32>
        %add3A_635 = arith.constant 16 : i32
        %add3A_636 = vector.broadcast %add3A_635 : i32 to vector<16xi32>
        %add3A_637 = arith.addi %xor3A_631, %add3A_636 : vector<16xi32>
        %select_n3A_638 = arith.select %lt3A_634, %add3A_637, %xor3A_631 : vector<16xi1>, vector<16xi32>
        %broadcast_in_dim3A_639 = vector.shape_cast %select_n3A_638 : vector<16xi32> to vector<16x1xi32>
        %gather3A_640 = vector.shape_cast %broadcast_in_dim3A_639 : vector<16x1xi32> to vector<16xi32>
        %gather3A_641 = tpu.dynamic_gather %add3A_628[%gather3A_640] in [0] : vector<16xf32>, vector<16xi32> -> vector<16xf32>
        %add3A_642 = arith.addf %add3A_628, %gather3A_641 : vector<16xf32>
        %xor3A_643 = arith.constant 4 : i32
        %xor3A_644 = vector.broadcast %xor3A_643 : i32 to vector<16xi32>
        %xor3A_645 = arith.xori %iota3A, %xor3A_644 : vector<16xi32>
        %lt3A_646 = arith.constant 0 : i32
        %lt3A_647 = vector.broadcast %lt3A_646 : i32 to vector<16xi32>
        %lt3A_648 = arith.cmpi slt, %xor3A_645, %lt3A_647 : vector<16xi32>
        %add3A_649 = arith.constant 16 : i32
        %add3A_650 = vector.broadcast %add3A_649 : i32 to vector<16xi32>
        %add3A_651 = arith.addi %xor3A_645, %add3A_650 : vector<16xi32>
        %select_n3A_652 = arith.select %lt3A_648, %add3A_651, %xor3A_645 : vector<16xi1>, vector<16xi32>
        %broadcast_in_dim3A_653 = vector.shape_cast %select_n3A_652 : vector<16xi32> to vector<16x1xi32>
        %gather3A_654 = vector.shape_cast %broadcast_in_dim3A_653 : vector<16x1xi32> to vector<16xi32>
        %gather3A_655 = tpu.dynamic_gather %add3A_642[%gather3A_654] in [0] : vector<16xf32>, vector<16xi32> -> vector<16xf32>
        %add3A_656 = arith.addf %add3A_642, %gather3A_655 : vector<16xf32>
        %exp3A_657 = math.exp %add3A_656 : vector<16xf32>
        %mul3A_658 = arith.mulf %get3A_440, %exp3A_510 : vector<16xf32>
        %swap3A_659 = arith.index_cast %add3A_437 : i32 to index
        %swap3A_660 = arith.constant 0 : index
        %swap3A_661 = tpu.vector_load %arg18[%swap3A_659, %swap3A_660] {strides = array<i32>} : memref<128x80xf32, #tpu.memory_space<vmem>>, vector<16xf32>,
        tpu.vector_store %arg18[%swap3A_659, %swap3A_660], %mul3A_658 {strides = array<i32>} : memref<128x80xf32, #tpu.memory_space<vmem>>, vector<16xf32>,
        %mul3A_662 = arith.mulf %get3A_443, %exp3A_559 : vector<16xf32>
        %swap3A_663 = arith.index_cast %add3A_437 : i32 to index
        %swap3A_664 = arith.constant 16 : index
        %swap3A_665 = tpu.vector_load %arg18[%swap3A_663, %swap3A_664] {strides = array<i32>} : memref<128x80xf32, #tpu.memory_space<vmem>>, vector<16xf32>,
        tpu.vector_store %arg18[%swap3A_663, %swap3A_664], %mul3A_662 {strides = array<i32>} : memref<128x80xf32, #tpu.memory_space<vmem>>, vector<16xf32>,
        %mul3A_666 = arith.mulf %get3A_446, %exp3A_608 : vector<16xf32>
        %swap3A_667 = arith.index_cast %add3A_437 : i32 to index
        %swap3A_668 = arith.constant 32 : index
        %swap3A_669 = tpu.vector_load %arg18[%swap3A_667, %swap3A_668] {strides = array<i32>} : memref<128x80xf32, #tpu.memory_space<vmem>>, vector<16xf32>,
        tpu.vector_store %arg18[%swap3A_667, %swap3A_668], %mul3A_666 {strides = array<i32>} : memref<128x80xf32, #tpu.memory_space<vmem>>, vector<16xf32>,
        %mul3A_670 = arith.mulf %get3A_449, %exp3A_657 : vector<16xf32>
        %swap3A_671 = arith.index_cast %add3A_437 : i32 to index
        %swap3A_672 = arith.constant 48 : index
        %swap3A_673 = tpu.vector_load %arg18[%swap3A_671, %swap3A_672] {strides = array<i32>} : memref<128x80xf32, #tpu.memory_space<vmem>>, vector<16xf32>,
        tpu.vector_store %arg18[%swap3A_671, %swap3A_672], %mul3A_670 {strides = array<i32>} : memref<128x80xf32, #tpu.memory_space<vmem>>, vector<16xf32>,
        %lt3A_674 = arith.constant 0 : i32
        %lt3A_675 = vector.broadcast %lt3A_674 : i32 to vector<16xi32>
        %lt3A_676 = arith.cmpi slt, %mul3A_9, %lt3A_675 : vector<16xi32>
        %add3A_677 = arith.constant 16 : i32
        %add3A_678 = vector.broadcast %add3A_677 : i32 to vector<16xi32>
        %add3A_679 = arith.addi %mul3A_9, %add3A_678 : vector<16xi32>
        %select_n3A_680 = arith.select %lt3A_676, %add3A_679, %mul3A_9 : vector<16xi1>, vector<16xi32>
        %broadcast_in_dim3A_681 = vector.shape_cast %select_n3A_680 : vector<16xi32> to vector<16x1xi32>
        %gather3A_682 = vector.shape_cast %broadcast_in_dim3A_681 : vector<16x1xi32> to vector<16xi32>
        %gather3A_683 = tpu.dynamic_gather %exp3A_510[%gather3A_682] in [0] : vector<16xf32>, vector<16xi32> -> vector<16xf32>
        %shift_right_arithmetic3A_684 = arith.constant 1 : i32
        %shift_right_arithmetic3A_685 = vector.broadcast %shift_right_arithmetic3A_684 : i32 to vector<16xi32>
        %shift_right_arithmetic3A_686 = arith.shrsi %iota3A, %shift_right_arithmetic3A_685 : vector<16xi32>
        %eq3A_687 = arith.constant 1 : i32
        %eq3A_688 = vector.broadcast %eq3A_687 : i32 to vector<16xi32>
        %eq3A_689 = arith.cmpi eq, %shift_right_arithmetic3A_686, %eq3A_688 : vector<16xi32>
        %lt3A_690 = arith.constant 0 : i32
        %lt3A_691 = vector.broadcast %lt3A_690 : i32 to vector<16xi32>
        %lt3A_692 = arith.cmpi slt, %mul3A_9, %lt3A_691 : vector<16xi32>
        %add3A_693 = arith.constant 16 : i32
        %add3A_694 = vector.broadcast %add3A_693 : i32 to vector<16xi32>
        %add3A_695 = arith.addi %mul3A_9, %add3A_694 : vector<16xi32>
        %select_n3A_696 = arith.select %lt3A_692, %add3A_695, %mul3A_9 : vector<16xi1>, vector<16xi32>
        %broadcast_in_dim3A_697 = vector.shape_cast %select_n3A_696 : vector<16xi32> to vector<16x1xi32>
        %gather3A_698 = vector.shape_cast %broadcast_in_dim3A_697 : vector<16x1xi32> to vector<16xi32>
        %gather3A_699 = tpu.dynamic_gather %exp3A_559[%gather3A_698] in [0] : vector<16xf32>, vector<16xi32> -> vector<16xf32>
        %select_n3A_700 = arith.select %eq3A_689, %gather3A_699, %gather3A_683 : vector<16xi1>, vector<16xf32>
        %shift_right_arithmetic3A_701 = arith.constant 1 : i32
        %shift_right_arithmetic3A_702 = vector.broadcast %shift_right_arithmetic3A_701 : i32 to vector<16xi32>
        %shift_right_arithmetic3A_703 = arith.shrsi %iota3A, %shift_right_arithmetic3A_702 : vector<16xi32>
        %eq3A_704 = arith.constant 2 : i32
        %eq3A_705 = vector.broadcast %eq3A_704 : i32 to vector<16xi32>
        %eq3A_706 = arith.cmpi eq, %shift_right_arithmetic3A_703, %eq3A_705 : vector<16xi32>
        %lt3A_707 = arith.constant 0 : i32
        %lt3A_708 = vector.broadcast %lt3A_707 : i32 to vector<16xi32>
        %lt3A_709 = arith.cmpi slt, %mul3A_9, %lt3A_708 : vector<16xi32>
        %add3A_710 = arith.constant 16 : i32
        %add3A_711 = vector.broadcast %add3A_710 : i32 to vector<16xi32>
        %add3A_712 = arith.addi %mul3A_9, %add3A_711 : vector<16xi32>
        %select_n3A_713 = arith.select %lt3A_709, %add3A_712, %mul3A_9 : vector<16xi1>, vector<16xi32>
        %broadcast_in_dim3A_714 = vector.shape_cast %select_n3A_713 : vector<16xi32> to vector<16x1xi32>
        %gather3A_715 = vector.shape_cast %broadcast_in_dim3A_714 : vector<16x1xi32> to vector<16xi32>
        %gather3A_716 = tpu.dynamic_gather %exp3A_608[%gather3A_715] in [0] : vector<16xf32>, vector<16xi32> -> vector<16xf32>
        %select_n3A_717 = arith.select %eq3A_706, %gather3A_716, %select_n3A_700 : vector<16xi1>, vector<16xf32>
        %shift_right_arithmetic3A_718 = arith.constant 1 : i32
        %shift_right_arithmetic3A_719 = vector.broadcast %shift_right_arithmetic3A_718 : i32 to vector<16xi32>
        %shift_right_arithmetic3A_720 = arith.shrsi %iota3A, %shift_right_arithmetic3A_719 : vector<16xi32>
        %eq3A_721 = arith.constant 3 : i32
        %eq3A_722 = vector.broadcast %eq3A_721 : i32 to vector<16xi32>
        %eq3A_723 = arith.cmpi eq, %shift_right_arithmetic3A_720, %eq3A_722 : vector<16xi32>
        %lt3A_724 = arith.constant 0 : i32
        %lt3A_725 = vector.broadcast %lt3A_724 : i32 to vector<16xi32>
        %lt3A_726 = arith.cmpi slt, %mul3A_9, %lt3A_725 : vector<16xi32>
        %add3A_727 = arith.constant 16 : i32
        %add3A_728 = vector.broadcast %add3A_727 : i32 to vector<16xi32>
        %add3A_729 = arith.addi %mul3A_9, %add3A_728 : vector<16xi32>
        %select_n3A_730 = arith.select %lt3A_726, %add3A_729, %mul3A_9 : vector<16xi1>, vector<16xi32>
        %broadcast_in_dim3A_731 = vector.shape_cast %select_n3A_730 : vector<16xi32> to vector<16x1xi32>
        %gather3A_732 = vector.shape_cast %broadcast_in_dim3A_731 : vector<16x1xi32> to vector<16xi32>
        %gather3A_733 = tpu.dynamic_gather %exp3A_657[%gather3A_732] in [0] : vector<16xf32>, vector<16xi32> -> vector<16xf32>
        %select_n3A_734 = arith.select %eq3A_723, %gather3A_733, %select_n3A_717 : vector<16xi1>, vector<16xf32>
        %swap3A_735 = arith.index_cast %add3A_437 : i32 to index
        %swap3A_736 = arith.constant 64 : index
        %swap3A_737 = tpu.vector_load %arg18[%swap3A_735, %swap3A_736] {strides = array<i32>} : memref<128x80xf32, #tpu.memory_space<vmem>>, vector<16xf32>,
        tpu.vector_store %arg18[%swap3A_735, %swap3A_736], %select_n3A_734 {strides = array<i32>} : memref<128x80xf32, #tpu.memory_space<vmem>>, vector<16xf32>,
        %scan3A_738 = arith.constant 0 : i32
        scf.yield %scan3A_738 : i32
      }
      %scan3A_131 = arith.constant 64 : i32
      %dma_start3A_132 = arith.constant 0 : i32
      %dma_start3A_133 = tpu.memref_slice %arg12[%add3A_92, %dma_start3A_132] : memref<82x128xi32, #tpu.memory_space<vmem>> -> memref<1x128xi32, #tpu.memory_space<vmem>>
      %dma_start3A_134 = tpu.memref_squeeze %dma_start3A_133 : memref<1x128xi32, #tpu.memory_space<vmem>> -> memref<128xi32, #tpu.memory_space<vmem>>
      %dma_start3A_135 = arith.constant 0 : i32
      %dma_start3A_136 = arith.constant 0 : i32
      %dma_start3A_137 = tpu.memref_slice %arg9[%dma_start3A_135, %dma_start3A_136] : memref<10112x80xf32, #tpu.memory_space<vmem_shared>> -> memref<10112x80xf32, #tpu.memory_space<vmem_shared>>
      tpu.enqueue_indirect_dma source(%arg18 : memref<128x80xf32, #tpu.memory_space<vmem>>) target(%dma_start3A_137 : memref<10112x80xf32, #tpu.memory_space<vmem_shared>>) offsets(%dma_start3A_134 : memref<128xi32, #tpu.memory_space<vmem>>) semaphore(%arg22 : memref<!tpu.dma_semaphore, #tpu.memory_space<semaphore_mem>>) {add = true}
      %scan3A_138 = arith.constant 0 : i32
      scf.yield %scan3A_138 : i32
    }
    %scan3A_28 = arith.constant 41 : i32
    %dma_wait3A = arith.constant 0 : i32
    %dma_wait3A_29 = arith.constant 0 : i32
    %dma_wait3A_30 = tpu.memref_slice %arg9[%dma_wait3A, %dma_wait3A_29] : memref<10112x80xf32, #tpu.memory_space<vmem_shared>> -> memref<128x80xf32, #tpu.memory_space<vmem_shared>>
    %dma_wait3A_31 = arith.constant 0 : i32
    %dma_wait3A_32 = arith.constant 0 : i32
    %dma_wait3A_33 = tpu.memref_slice %arg7[%dma_wait3A_31, %dma_wait3A_32] : memref<10112x80xf32, #tpu.memory_space<hbm>> -> memref<128x80xf32, #tpu.memory_space<hbm>>
    tpu.wait_dma2 semaphore(%arg21 : memref<!tpu.dma_semaphore, #tpu.memory_space<semaphore_mem>>) src(%dma_wait3A_33 : memref<128x80xf32, #tpu.memory_space<hbm>>) dst(%dma_wait3A_30 : memref<128x80xf32, #tpu.memory_space<vmem_shared>>)
    %dma_wait3A_34 = arith.constant 0 : i32
    %dma_wait3A_35 = arith.constant 0 : i32
    %dma_wait3A_36 = tpu.memref_slice %arg9[%dma_wait3A_34, %dma_wait3A_35] : memref<10112x80xf32, #tpu.memory_space<vmem_shared>> -> memref<128x80xf32, #tpu.memory_space<vmem_shared>>
    %dma_wait3A_37 = arith.constant 0 : i32
    %dma_wait3A_38 = arith.constant 0 : i32
    %dma_wait3A_39 = tpu.memref_slice %arg7[%dma_wait3A_37, %dma_wait3A_38] : memref<10112x80xf32, #tpu.memory_space<hbm>> -> memref<128x80xf32, #tpu.memory_space<hbm>>
    tpu.wait_dma2 semaphore(%arg22 : memref<!tpu.dma_semaphore, #tpu.memory_space<semaphore_mem>>) src(%dma_wait3A_39 : memref<128x80xf32, #tpu.memory_space<hbm>>) dst(%dma_wait3A_36 : memref<128x80xf32, #tpu.memory_space<vmem_shared>>)
    %barrier3A_40 = arith.constant 0 : index
    tpu.barrier barrier_id(%barrier3A_40)
    %mul3A_41 = arith.constant 632 : i32
    %mul3A_42 = arith.muli %arg1, %mul3A_41 : i32
    %mul3A_43 = arith.constant 632 : i32
    %mul3A_44 = arith.muli %arg1, %mul3A_43 : i32
    "tpu.region"() ({
      %run_scoped3A = tpu.sem_alloc : memref<!tpu.dma_semaphore, #tpu.memory_space<semaphore_mem>>
      %dma_start3A_45 = arith.constant 0 : i32
      %dma_start3A_46 = tpu.memref_slice %arg8[%arg0, %mul3A_44, %dma_start3A_45] : memref<2x10112x80xf32, #tpu.memory_space<hbm>> -> memref<1x632x80xf32, #tpu.memory_space<hbm>>
      %dma_start3A_47 = tpu.memref_squeeze %dma_start3A_46 : memref<1x632x80xf32, #tpu.memory_space<hbm>> -> memref<632x80xf32, #tpu.memory_space<hbm>>
      %dma_start3A_48 = arith.constant 0 : i32
      %dma_start3A_49 = tpu.memref_slice %arg9[%mul3A_42, %dma_start3A_48] : memref<10112x80xf32, #tpu.memory_space<vmem_shared>> -> memref<632x80xf32, #tpu.memory_space<vmem_shared>>
      tpu.enqueue_dma source(%dma_start3A_49 : memref<632x80xf32, #tpu.memory_space<vmem_shared>>) target(%dma_start3A_47 : memref<632x80xf32, #tpu.memory_space<hbm>>) target_semaphore(%run_scoped3A : memref<!tpu.dma_semaphore, #tpu.memory_space<semaphore_mem>>)
      %dma_wait3A_50 = arith.constant 0 : i32
      %dma_wait3A_51 = tpu.memref_slice %arg8[%arg0, %mul3A_44, %dma_wait3A_50] : memref<2x10112x80xf32, #tpu.memory_space<hbm>> -> memref<1x632x80xf32, #tpu.memory_space<hbm>>
      %dma_wait3A_52 = tpu.memref_squeeze %dma_wait3A_51 : memref<1x632x80xf32, #tpu.memory_space<hbm>> -> memref<632x80xf32, #tpu.memory_space<hbm>>
      %dma_wait3A_53 = arith.constant 0 : i32
      %dma_wait3A_54 = tpu.memref_slice %arg9[%mul3A_42, %dma_wait3A_53] : memref<10112x80xf32, #tpu.memory_space<vmem_shared>> -> memref<632x80xf32, #tpu.memory_space<vmem_shared>>
      tpu.wait_dma2 semaphore(%run_scoped3A : memref<!tpu.dma_semaphore, #tpu.memory_space<semaphore_mem>>) src(%dma_wait3A_54 : memref<632x80xf32, #tpu.memory_space<vmem_shared>>) dst(%dma_wait3A_52 : memref<632x80xf32, #tpu.memory_space<hbm>>)
      tpu.yield
    }) : () -> ()
    return
  }
}

#map = affine_map<(d0, d1) -> (0, 0)>
#map1 = affine_map<(d0, d1) -> (0)>
#map2 = affine_map<(d0, d1) -> (0, 0, 0)>
module attributes {stable_mosaic.version = 14 : i64} {
  func.func @body(%arg0: i32, %arg1: i32, %arg2: memref<10000x16xf32, #tpu.memory_space<hbm>>, %arg3: memref<10112x16xf32, #tpu.memory_space<hbm>>, %arg4: memref<16xf32, #tpu.memory_space<hbm>>, %arg5: memref<32x82x128xi32, #tpu.memory_space<hbm>>, %arg6: memref<32x82x128xi32, #tpu.memory_space<hbm>>, %arg7: memref<10112x32xf32, #tpu.memory_space<hbm>>, %arg8: memref<2x10112x32xf32, #tpu.memory_space<hbm>>, %arg9: memref<10112x32xf32, #tpu.memory_space<vmem_shared>>, %arg10: memref<16xf32, #tpu.memory_space<vmem>>, %arg11: memref<82x128xi32, #tpu.memory_space<vmem>>, %arg12: memref<82x128xi32, #tpu.memory_space<vmem>>, %arg13: memref<128x16xf32, #tpu.memory_space<vmem>>, %arg14: memref<128x16xf32, #tpu.memory_space<vmem>>, %arg15: memref<128x16xf32, #tpu.memory_space<vmem>>, %arg16: memref<128x16xf32, #tpu.memory_space<vmem>>, %arg17: memref<128x32xf32, #tpu.memory_space<vmem>>, %arg18: memref<128x32xf32, #tpu.memory_space<vmem>>, %arg19: memref<!tpu.dma_semaphore, #tpu.memory_space<semaphore_mem>>, %arg20: memref<!tpu.dma_semaphore, #tpu.memory_space<semaphore_mem>>, %arg21: memref<!tpu.dma_semaphore, #tpu.memory_space<semaphore_mem>>, %arg22: memref<!tpu.dma_semaphore, #tpu.memory_space<semaphore_mem>>) attributes {dimension_semantics = [#tpu.dimension_semantics<core_parallel>, #tpu.dimension_semantics<subcore_parallel>], iteration_bounds = array<i64: 2, 16>, scalar_prefetch = 0 : i64, scratch_operands = 14 : i64, tpu.core_type = #tpu.core_type<sc_vector_subcore>, window_params = [{transform_indices = #map}, {transform_indices = #map}, {transform_indices = #map1}, {transform_indices = #map2}, {transform_indices = #map2}, {transform_indices = #map}, {transform_indices = #map2}]} {
    %mul3A = arith.constant 16 : i32
    %mul3A_0 = arith.muli %arg0, %mul3A : i32
    %add3A = arith.addi %mul3A_0, %arg1 : i32
    "tpu.region"() ({
      %run_scoped3A = tpu.sem_alloc : memref<!tpu.dma_semaphore, #tpu.memory_space<semaphore_mem>>
      tpu.enqueue_dma source(%arg4 : memref<16xf32, #tpu.memory_space<hbm>>) target(%arg10 : memref<16xf32, #tpu.memory_space<vmem>>) target_semaphore(%run_scoped3A : memref<!tpu.dma_semaphore, #tpu.memory_space<semaphore_mem>>)
      tpu.wait_dma2 semaphore(%run_scoped3A : memref<!tpu.dma_semaphore, #tpu.memory_space<semaphore_mem>>) src(%arg4 : memref<16xf32, #tpu.memory_space<hbm>>) dst(%arg10 : memref<16xf32, #tpu.memory_space<vmem>>)
      tpu.yield
    }) : () -> ()
    "tpu.region"() ({
      %run_scoped3A = tpu.sem_alloc : memref<!tpu.dma_semaphore, #tpu.memory_space<semaphore_mem>>
      %dma_start3A_45 = arith.constant 0 : i32
      %dma_start3A_46 = arith.constant 0 : i32
      %dma_start3A_47 = tpu.memref_slice %arg5[%add3A, %dma_start3A_45, %dma_start3A_46] : memref<32x82x128xi32, #tpu.memory_space<hbm>> -> memref<1x82x128xi32, #tpu.memory_space<hbm>>
      %dma_start3A_48 = tpu.memref_squeeze %dma_start3A_47 : memref<1x82x128xi32, #tpu.memory_space<hbm>> -> memref<82x128xi32, #tpu.memory_space<hbm>>
      %dma_start3A_49 = arith.constant 0 : i32
      %dma_start3A_50 = arith.constant 0 : i32
      %dma_start3A_51 = tpu.memref_slice %arg5[%add3A, %dma_start3A_49, %dma_start3A_50] : memref<32x82x128xi32, #tpu.memory_space<hbm>> -> memref<1x82x128xi32, #tpu.memory_space<hbm>>
      %dma_start3A_52 = tpu.memref_squeeze %dma_start3A_51 : memref<1x82x128xi32, #tpu.memory_space<hbm>> -> memref<82x128xi32, #tpu.memory_space<hbm>>
      tpu.enqueue_dma source(%dma_start3A_52 : memref<82x128xi32, #tpu.memory_space<hbm>>) target(%arg11 : memref<82x128xi32, #tpu.memory_space<vmem>>) target_semaphore(%run_scoped3A : memref<!tpu.dma_semaphore, #tpu.memory_space<semaphore_mem>>)
      %dma_wait3A_53 = arith.constant 0 : i32
      %dma_wait3A_54 = arith.constant 0 : i32
      %dma_wait3A_55 = tpu.memref_slice %arg5[%add3A, %dma_wait3A_53, %dma_wait3A_54] : memref<32x82x128xi32, #tpu.memory_space<hbm>> -> memref<1x82x128xi32, #tpu.memory_space<hbm>>
      %dma_wait3A_56 = tpu.memref_squeeze %dma_wait3A_55 : memref<1x82x128xi32, #tpu.memory_space<hbm>> -> memref<82x128xi32, #tpu.memory_space<hbm>>
      %dma_wait3A_57 = arith.constant 0 : i32
      %dma_wait3A_58 = arith.constant 0 : i32
      %dma_wait3A_59 = tpu.memref_slice %arg5[%add3A, %dma_wait3A_57, %dma_wait3A_58] : memref<32x82x128xi32, #tpu.memory_space<hbm>> -> memref<1x82x128xi32, #tpu.memory_space<hbm>>
      %dma_wait3A_60 = tpu.memref_squeeze %dma_wait3A_59 : memref<1x82x128xi32, #tpu.memory_space<hbm>> -> memref<82x128xi32, #tpu.memory_space<hbm>>
      tpu.wait_dma2 semaphore(%run_scoped3A : memref<!tpu.dma_semaphore, #tpu.memory_space<semaphore_mem>>) src(%dma_wait3A_60 : memref<82x128xi32, #tpu.memory_space<hbm>>) dst(%arg11 : memref<82x128xi32, #tpu.memory_space<vmem>>)
      tpu.yield
    }) : () -> ()
    "tpu.region"() ({
      %run_scoped3A = tpu.sem_alloc : memref<!tpu.dma_semaphore, #tpu.memory_space<semaphore_mem>>
      %dma_start3A_45 = arith.constant 0 : i32
      %dma_start3A_46 = arith.constant 0 : i32
      %dma_start3A_47 = tpu.memref_slice %arg6[%add3A, %dma_start3A_45, %dma_start3A_46] : memref<32x82x128xi32, #tpu.memory_space<hbm>> -> memref<1x82x128xi32, #tpu.memory_space<hbm>>
      %dma_start3A_48 = tpu.memref_squeeze %dma_start3A_47 : memref<1x82x128xi32, #tpu.memory_space<hbm>> -> memref<82x128xi32, #tpu.memory_space<hbm>>
      %dma_start3A_49 = arith.constant 0 : i32
      %dma_start3A_50 = arith.constant 0 : i32
      %dma_start3A_51 = tpu.memref_slice %arg6[%add3A, %dma_start3A_49, %dma_start3A_50] : memref<32x82x128xi32, #tpu.memory_space<hbm>> -> memref<1x82x128xi32, #tpu.memory_space<hbm>>
      %dma_start3A_52 = tpu.memref_squeeze %dma_start3A_51 : memref<1x82x128xi32, #tpu.memory_space<hbm>> -> memref<82x128xi32, #tpu.memory_space<hbm>>
      tpu.enqueue_dma source(%dma_start3A_52 : memref<82x128xi32, #tpu.memory_space<hbm>>) target(%arg12 : memref<82x128xi32, #tpu.memory_space<vmem>>) target_semaphore(%run_scoped3A : memref<!tpu.dma_semaphore, #tpu.memory_space<semaphore_mem>>)
      %dma_wait3A_53 = arith.constant 0 : i32
      %dma_wait3A_54 = arith.constant 0 : i32
      %dma_wait3A_55 = tpu.memref_slice %arg6[%add3A, %dma_wait3A_53, %dma_wait3A_54] : memref<32x82x128xi32, #tpu.memory_space<hbm>> -> memref<1x82x128xi32, #tpu.memory_space<hbm>>
      %dma_wait3A_56 = tpu.memref_squeeze %dma_wait3A_55 : memref<1x82x128xi32, #tpu.memory_space<hbm>> -> memref<82x128xi32, #tpu.memory_space<hbm>>
      %dma_wait3A_57 = arith.constant 0 : i32
      %dma_wait3A_58 = arith.constant 0 : i32
      %dma_wait3A_59 = tpu.memref_slice %arg6[%add3A, %dma_wait3A_57, %dma_wait3A_58] : memref<32x82x128xi32, #tpu.memory_space<hbm>> -> memref<1x82x128xi32, #tpu.memory_space<hbm>>
      %dma_wait3A_60 = tpu.memref_squeeze %dma_wait3A_59 : memref<1x82x128xi32, #tpu.memory_space<hbm>> -> memref<82x128xi32, #tpu.memory_space<hbm>>
      tpu.wait_dma2 semaphore(%run_scoped3A : memref<!tpu.dma_semaphore, #tpu.memory_space<semaphore_mem>>) src(%dma_wait3A_60 : memref<82x128xi32, #tpu.memory_space<hbm>>) dst(%arg12 : memref<82x128xi32, #tpu.memory_space<vmem>>)
      tpu.yield
    }) : () -> ()
    %mul3A_1 = arith.constant 632 : i32
    %mul3A_2 = arith.muli %arg1, %mul3A_1 : i32
    %mul3A_3 = arith.constant 632 : i32
    %mul3A_4 = arith.muli %arg1, %mul3A_3 : i32
    "tpu.region"() ({
      %run_scoped3A = tpu.sem_alloc : memref<!tpu.dma_semaphore, #tpu.memory_space<semaphore_mem>>
      %dma_start3A_45 = arith.constant 0 : i32
      %dma_start3A_46 = tpu.memref_slice %arg9[%mul3A_4, %dma_start3A_45] : memref<10112x32xf32, #tpu.memory_space<vmem_shared>> -> memref<632x32xf32, #tpu.memory_space<vmem_shared>>
      %dma_start3A_47 = arith.constant 0 : i32
      %dma_start3A_48 = tpu.memref_slice %arg7[%mul3A_2, %dma_start3A_47] : memref<10112x32xf32, #tpu.memory_space<hbm>> -> memref<632x32xf32, #tpu.memory_space<hbm>>
      tpu.enqueue_dma source(%dma_start3A_48 : memref<632x32xf32, #tpu.memory_space<hbm>>) target(%dma_start3A_46 : memref<632x32xf32, #tpu.memory_space<vmem_shared>>) target_semaphore(%run_scoped3A : memref<!tpu.dma_semaphore, #tpu.memory_space<semaphore_mem>>)
      %dma_wait3A_49 = arith.constant 0 : i32
      %dma_wait3A_50 = tpu.memref_slice %arg9[%mul3A_4, %dma_wait3A_49] : memref<10112x32xf32, #tpu.memory_space<vmem_shared>> -> memref<632x32xf32, #tpu.memory_space<vmem_shared>>
      %dma_wait3A_51 = arith.constant 0 : i32
      %dma_wait3A_52 = tpu.memref_slice %arg7[%mul3A_2, %dma_wait3A_51] : memref<10112x32xf32, #tpu.memory_space<hbm>> -> memref<632x32xf32, #tpu.memory_space<hbm>>
      tpu.wait_dma2 semaphore(%run_scoped3A : memref<!tpu.dma_semaphore, #tpu.memory_space<semaphore_mem>>) src(%dma_wait3A_52 : memref<632x32xf32, #tpu.memory_space<hbm>>) dst(%dma_wait3A_50 : memref<632x32xf32, #tpu.memory_space<vmem_shared>>)
      tpu.yield
    }) : () -> ()
    %barrier3A = arith.constant 0 : index
    tpu.barrier barrier_id(%barrier3A)
    %iota3A = tpu.iota {dimensions = array<i32: 0>} : vector<16xi32>
    %and3A = arith.constant 1 : i32
    %and3A_5 = vector.broadcast %and3A : i32 to vector<16xi32>
    %and3A_6 = arith.andi %iota3A, %and3A_5 : vector<16xi32>
    %mul3A_7 = arith.constant 8 : i32
    %mul3A_8 = vector.broadcast %mul3A_7 : i32 to vector<16xi32>
    %mul3A_9 = arith.muli %and3A_6, %mul3A_8 : vector<16xi32>
    %dma_start3A = arith.constant 0 : i32
    %dma_start3A_10 = arith.constant 0 : i32
    %dma_start3A_11 = tpu.memref_slice %arg11[%dma_start3A, %dma_start3A_10] : memref<82x128xi32, #tpu.memory_space<vmem>> -> memref<1x128xi32, #tpu.memory_space<vmem>>
    %dma_start3A_12 = tpu.memref_squeeze %dma_start3A_11 : memref<1x128xi32, #tpu.memory_space<vmem>> -> memref<128xi32, #tpu.memory_space<vmem>>
    %dma_start3A_13 = arith.constant 0 : i32
    %dma_start3A_14 = arith.constant 0 : i32
    %dma_start3A_15 = tpu.memref_slice %arg2[%dma_start3A_13, %dma_start3A_14] : memref<10000x16xf32, #tpu.memory_space<hbm>> -> memref<10000x16xf32, #tpu.memory_space<hbm>>
    tpu.enqueue_indirect_dma source(%dma_start3A_15 : memref<10000x16xf32, #tpu.memory_space<hbm>>) target(%arg13 : memref<128x16xf32, #tpu.memory_space<vmem>>) offsets(%dma_start3A_12 : memref<128xi32, #tpu.memory_space<vmem>>) semaphore(%arg19 : memref<!tpu.dma_semaphore, #tpu.memory_space<semaphore_mem>>)
    %dma_start3A_16 = arith.constant 0 : i32
    %dma_start3A_17 = arith.constant 0 : i32
    %dma_start3A_18 = tpu.memref_slice %arg12[%dma_start3A_16, %dma_start3A_17] : memref<82x128xi32, #tpu.memory_space<vmem>> -> memref<1x128xi32, #tpu.memory_space<vmem>>
    %dma_start3A_19 = tpu.memref_squeeze %dma_start3A_18 : memref<1x128xi32, #tpu.memory_space<vmem>> -> memref<128xi32, #tpu.memory_space<vmem>>
    %dma_start3A_20 = arith.constant 0 : i32
    %dma_start3A_21 = arith.constant 0 : i32
    %dma_start3A_22 = tpu.memref_slice %arg3[%dma_start3A_20, %dma_start3A_21] : memref<10112x16xf32, #tpu.memory_space<hbm>> -> memref<10112x16xf32, #tpu.memory_space<hbm>>
    tpu.enqueue_indirect_dma source(%dma_start3A_22 : memref<10112x16xf32, #tpu.memory_space<hbm>>) target(%arg15 : memref<128x16xf32, #tpu.memory_space<vmem>>) offsets(%dma_start3A_19 : memref<128xi32, #tpu.memory_space<vmem>>) semaphore(%arg19 : memref<!tpu.dma_semaphore, #tpu.memory_space<semaphore_mem>>)
    %scan3A = arith.constant 0 : i32
    %scan3A_23 = arith.constant 0 : i32
    %scan3A_24 = arith.constant 41 : i32
    %scan3A_25 = arith.addi %scan3A_23, %scan3A_24 : i32
    %scan3A_26 = arith.constant 1 : i32
    %scan3A_27 = scf.for %scan3A_45 = %scan3A_23 to %scan3A_25 step %scan3A_26 iter_args(%scan3A_46 = %scan3A) -> (i32)  : i32 {
      %mul3A_47 = arith.constant 2 : i32
      %mul3A_48 = arith.muli %mul3A_47, %scan3A_45 : i32
      %add3A_49 = arith.constant 1 : i32
      %add3A_50 = arith.addi %mul3A_48, %add3A_49 : i32
      %lt3A = arith.constant 82 : i32
      %lt3A_51 = arith.cmpi slt, %add3A_50, %lt3A : i32
      %convert_element_type3A = arith.extui %lt3A_51 : i1 to i32
      %cond3A = arith.constant 0 : i32
      %cond3A_52 = arith.cmpi ne, %convert_element_type3A, %cond3A : i32
      scf.if %cond3A_52 {
        %add3A_127 = arith.constant 1 : i32
        %add3A_128 = arith.addi %mul3A_48, %add3A_127 : i32
        %dma_start3A_129 = arith.constant 0 : i32
        %dma_start3A_130 = tpu.memref_slice %arg11[%add3A_128, %dma_start3A_129] : memref<82x128xi32, #tpu.memory_space<vmem>> -> memref<1x128xi32, #tpu.memory_space<vmem>>
        %dma_start3A_131 = tpu.memref_squeeze %dma_start3A_130 : memref<1x128xi32, #tpu.memory_space<vmem>> -> memref<128xi32, #tpu.memory_space<vmem>>
        %dma_start3A_132 = arith.constant 0 : i32
        %dma_start3A_133 = arith.constant 0 : i32
        %dma_start3A_134 = tpu.memref_slice %arg2[%dma_start3A_132, %dma_start3A_133] : memref<10000x16xf32, #tpu.memory_space<hbm>> -> memref<10000x16xf32, #tpu.memory_space<hbm>>
        tpu.enqueue_indirect_dma source(%dma_start3A_134 : memref<10000x16xf32, #tpu.memory_space<hbm>>) target(%arg14 : memref<128x16xf32, #tpu.memory_space<vmem>>) offsets(%dma_start3A_131 : memref<128xi32, #tpu.memory_space<vmem>>) semaphore(%arg20 : memref<!tpu.dma_semaphore, #tpu.memory_space<semaphore_mem>>)
        %dma_start3A_135 = arith.constant 0 : i32
        %dma_start3A_136 = tpu.memref_slice %arg12[%add3A_128, %dma_start3A_135] : memref<82x128xi32, #tpu.memory_space<vmem>> -> memref<1x128xi32, #tpu.memory_space<vmem>>
        %dma_start3A_137 = tpu.memref_squeeze %dma_start3A_136 : memref<1x128xi32, #tpu.memory_space<vmem>> -> memref<128xi32, #tpu.memory_space<vmem>>
        %dma_start3A_138 = arith.constant 0 : i32
        %dma_start3A_139 = arith.constant 0 : i32
        %dma_start3A_140 = tpu.memref_slice %arg3[%dma_start3A_138, %dma_start3A_139] : memref<10112x16xf32, #tpu.memory_space<hbm>> -> memref<10112x16xf32, #tpu.memory_space<hbm>>
        tpu.enqueue_indirect_dma source(%dma_start3A_140 : memref<10112x16xf32, #tpu.memory_space<hbm>>) target(%arg16 : memref<128x16xf32, #tpu.memory_space<vmem>>) offsets(%dma_start3A_137 : memref<128xi32, #tpu.memory_space<vmem>>) semaphore(%arg20 : memref<!tpu.dma_semaphore, #tpu.memory_space<semaphore_mem>>)
      } else {
      }
      %dma_wait3A_53 = arith.constant 0 : i32
      %dma_wait3A_54 = arith.constant 0 : i32
      %dma_wait3A_55 = tpu.memref_slice %arg2[%dma_wait3A_53, %dma_wait3A_54] : memref<10000x16xf32, #tpu.memory_space<hbm>> -> memref<128x16xf32, #tpu.memory_space<hbm>>
      %dma_wait3A_56 = arith.constant 0 : i32
      %dma_wait3A_57 = arith.constant 0 : i32
      %dma_wait3A_58 = tpu.memref_slice %arg2[%dma_wait3A_56, %dma_wait3A_57] : memref<10000x16xf32, #tpu.memory_space<hbm>> -> memref<128x16xf32, #tpu.memory_space<hbm>>
      tpu.wait_dma2 semaphore(%arg19 : memref<!tpu.dma_semaphore, #tpu.memory_space<semaphore_mem>>) src(%dma_wait3A_58 : memref<128x16xf32, #tpu.memory_space<hbm>>) dst(%arg13 : memref<128x16xf32, #tpu.memory_space<vmem>>)
      %dma_wait3A_59 = arith.constant 0 : i32
      %dma_wait3A_60 = arith.constant 0 : i32
      %dma_wait3A_61 = tpu.memref_slice %arg3[%dma_wait3A_59, %dma_wait3A_60] : memref<10112x16xf32, #tpu.memory_space<hbm>> -> memref<128x16xf32, #tpu.memory_space<hbm>>
      %dma_wait3A_62 = arith.constant 0 : i32
      %dma_wait3A_63 = arith.constant 0 : i32
      %dma_wait3A_64 = tpu.memref_slice %arg3[%dma_wait3A_62, %dma_wait3A_63] : memref<10112x16xf32, #tpu.memory_space<hbm>> -> memref<128x16xf32, #tpu.memory_space<hbm>>
      tpu.wait_dma2 semaphore(%arg19 : memref<!tpu.dma_semaphore, #tpu.memory_space<semaphore_mem>>) src(%dma_wait3A_64 : memref<128x16xf32, #tpu.memory_space<hbm>>) dst(%arg15 : memref<128x16xf32, #tpu.memory_space<vmem>>)
      %ge3A = arith.constant 2 : i32
      %ge3A_65 = arith.cmpi sge, %mul3A_48, %ge3A : i32
      %convert_element_type3A_66 = arith.extui %ge3A_65 : i1 to i32
      %cond3A_67 = arith.constant 0 : i32
      %cond3A_68 = arith.cmpi ne, %convert_element_type3A_66, %cond3A_67 : i32
      scf.if %cond3A_68 {
        %dma_wait3A_127 = arith.constant 0 : i32
        %dma_wait3A_128 = arith.constant 0 : i32
        %dma_wait3A_129 = tpu.memref_slice %arg9[%dma_wait3A_127, %dma_wait3A_128] : memref<10112x32xf32, #tpu.memory_space<vmem_shared>> -> memref<128x32xf32, #tpu.memory_space<vmem_shared>>
        %dma_wait3A_130 = arith.constant 0 : i32
        %dma_wait3A_131 = arith.constant 0 : i32
        %dma_wait3A_132 = tpu.memref_slice %arg7[%dma_wait3A_130, %dma_wait3A_131] : memref<10112x32xf32, #tpu.memory_space<hbm>> -> memref<128x32xf32, #tpu.memory_space<hbm>>
        tpu.wait_dma2 semaphore(%arg21 : memref<!tpu.dma_semaphore, #tpu.memory_space<semaphore_mem>>) src(%dma_wait3A_132 : memref<128x32xf32, #tpu.memory_space<hbm>>) dst(%dma_wait3A_129 : memref<128x32xf32, #tpu.memory_space<vmem_shared>>)
      } else {
      }
      %get3A = arith.constant 0 : index
      %get3A_69 = tpu.vector_load %arg10[%get3A] {strides = array<i32>} : memref<16xf32, #tpu.memory_space<vmem>>, vector<16xf32>,
      %scan3A_70 = arith.constant 0 : i32
      %scan3A_71 = arith.constant 0 : i32
      %scan3A_72 = arith.constant 64 : i32
      %scan3A_73 = arith.addi %scan3A_71, %scan3A_72 : i32
      %scan3A_74 = arith.constant 1 : i32
      %scan3A_75 = scf.for %scan3A_127 = %scan3A_71 to %scan3A_73 step %scan3A_74 iter_args(%scan3A_128 = %scan3A_70) -> (i32)  : i32 {
        %mul3A_129 = arith.constant 2 : i32
        %mul3A_130 = arith.muli %mul3A_129, %scan3A_127 : i32
        %get3A_131 = arith.index_cast %mul3A_130 : i32 to index
        %get3A_132 = arith.constant 0 : index
        %get3A_133 = tpu.vector_load %arg13[%get3A_131, %get3A_132] {strides = array<i32>} : memref<128x16xf32, #tpu.memory_space<vmem>>, vector<16xf32>,
        %get3A_134 = arith.index_cast %mul3A_130 : i32 to index
        %get3A_135 = arith.constant 0 : index
        %get3A_136 = tpu.vector_load %arg15[%get3A_134, %get3A_135] {strides = array<i32>} : memref<128x16xf32, #tpu.memory_space<vmem>>, vector<16xf32>,
        %add3A_137 = arith.addf %get3A_133, %get3A_136 : vector<16xf32>
        %mul3A_138 = arith.constant 2.000000e-01 : f32
        %mul3A_139 = vector.broadcast %mul3A_138 : f32 to vector<16xf32>
        %mul3A_140 = arith.mulf %mul3A_139, %add3A_137 : vector<16xf32>
        %max3A = arith.maximumf %add3A_137, %mul3A_140 : vector<16xf32>
        %mul3A_141 = arith.mulf %max3A, %get3A_69 : vector<16xf32>
        %xor3A = arith.constant 1 : i32
        %xor3A_142 = vector.broadcast %xor3A : i32 to vector<16xi32>
        %xor3A_143 = arith.xori %iota3A, %xor3A_142 : vector<16xi32>
        %lt3A_144 = arith.constant 0 : i32
        %lt3A_145 = vector.broadcast %lt3A_144 : i32 to vector<16xi32>
        %lt3A_146 = arith.cmpi slt, %xor3A_143, %lt3A_145 : vector<16xi32>
        %add3A_147 = arith.constant 16 : i32
        %add3A_148 = vector.broadcast %add3A_147 : i32 to vector<16xi32>
        %add3A_149 = arith.addi %xor3A_143, %add3A_148 : vector<16xi32>
        %select_n3A = arith.select %lt3A_146, %add3A_149, %xor3A_143 : vector<16xi1>, vector<16xi32>
        %broadcast_in_dim3A = vector.shape_cast %select_n3A : vector<16xi32> to vector<16x1xi32>
        %gather3A = vector.shape_cast %broadcast_in_dim3A : vector<16x1xi32> to vector<16xi32>
        %gather3A_150 = tpu.dynamic_gather %mul3A_141[%gather3A] in [0] : vector<16xf32>, vector<16xi32> -> vector<16xf32>
        %add3A_151 = arith.addf %mul3A_141, %gather3A_150 : vector<16xf32>
        %xor3A_152 = arith.constant 2 : i32
        %xor3A_153 = vector.broadcast %xor3A_152 : i32 to vector<16xi32>
        %xor3A_154 = arith.xori %iota3A, %xor3A_153 : vector<16xi32>
        %lt3A_155 = arith.constant 0 : i32
        %lt3A_156 = vector.broadcast %lt3A_155 : i32 to vector<16xi32>
        %lt3A_157 = arith.cmpi slt, %xor3A_154, %lt3A_156 : vector<16xi32>
        %add3A_158 = arith.constant 16 : i32
        %add3A_159 = vector.broadcast %add3A_158 : i32 to vector<16xi32>
        %add3A_160 = arith.addi %xor3A_154, %add3A_159 : vector<16xi32>
        %select_n3A_161 = arith.select %lt3A_157, %add3A_160, %xor3A_154 : vector<16xi1>, vector<16xi32>
        %broadcast_in_dim3A_162 = vector.shape_cast %select_n3A_161 : vector<16xi32> to vector<16x1xi32>
        %gather3A_163 = vector.shape_cast %broadcast_in_dim3A_162 : vector<16x1xi32> to vector<16xi32>
        %gather3A_164 = tpu.dynamic_gather %add3A_151[%gather3A_163] in [0] : vector<16xf32>, vector<16xi32> -> vector<16xf32>
        %add3A_165 = arith.addf %add3A_151, %gather3A_164 : vector<16xf32>
        %xor3A_166 = arith.constant 4 : i32
        %xor3A_167 = vector.broadcast %xor3A_166 : i32 to vector<16xi32>
        %xor3A_168 = arith.xori %iota3A, %xor3A_167 : vector<16xi32>
        %lt3A_169 = arith.constant 0 : i32
        %lt3A_170 = vector.broadcast %lt3A_169 : i32 to vector<16xi32>
        %lt3A_171 = arith.cmpi slt, %xor3A_168, %lt3A_170 : vector<16xi32>
        %add3A_172 = arith.constant 16 : i32
        %add3A_173 = vector.broadcast %add3A_172 : i32 to vector<16xi32>
        %add3A_174 = arith.addi %xor3A_168, %add3A_173 : vector<16xi32>
        %select_n3A_175 = arith.select %lt3A_171, %add3A_174, %xor3A_168 : vector<16xi1>, vector<16xi32>
        %broadcast_in_dim3A_176 = vector.shape_cast %select_n3A_175 : vector<16xi32> to vector<16x1xi32>
        %gather3A_177 = vector.shape_cast %broadcast_in_dim3A_176 : vector<16x1xi32> to vector<16xi32>
        %gather3A_178 = tpu.dynamic_gather %add3A_165[%gather3A_177] in [0] : vector<16xf32>, vector<16xi32> -> vector<16xf32>
        %add3A_179 = arith.addf %add3A_165, %gather3A_178 : vector<16xf32>
        %xor3A_180 = arith.constant 8 : i32
        %xor3A_181 = vector.broadcast %xor3A_180 : i32 to vector<16xi32>
        %xor3A_182 = arith.xori %iota3A, %xor3A_181 : vector<16xi32>
        %lt3A_183 = arith.constant 0 : i32
        %lt3A_184 = vector.broadcast %lt3A_183 : i32 to vector<16xi32>
        %lt3A_185 = arith.cmpi slt, %xor3A_182, %lt3A_184 : vector<16xi32>
        %add3A_186 = arith.constant 16 : i32
        %add3A_187 = vector.broadcast %add3A_186 : i32 to vector<16xi32>
        %add3A_188 = arith.addi %xor3A_182, %add3A_187 : vector<16xi32>
        %select_n3A_189 = arith.select %lt3A_185, %add3A_188, %xor3A_182 : vector<16xi1>, vector<16xi32>
        %broadcast_in_dim3A_190 = vector.shape_cast %select_n3A_189 : vector<16xi32> to vector<16x1xi32>
        %gather3A_191 = vector.shape_cast %broadcast_in_dim3A_190 : vector<16x1xi32> to vector<16xi32>
        %gather3A_192 = tpu.dynamic_gather %add3A_179[%gather3A_191] in [0] : vector<16xf32>, vector<16xi32> -> vector<16xf32>
        %add3A_193 = arith.addf %add3A_179, %gather3A_192 : vector<16xf32>
        %exp3A = math.exp %add3A_193 : vector<16xf32>
        %mul3A_194 = arith.mulf %get3A_133, %exp3A : vector<16xf32>
        %swap3A = arith.index_cast %mul3A_130 : i32 to index
        %swap3A_195 = arith.constant 0 : index
        %swap3A_196 = tpu.vector_load %arg17[%swap3A, %swap3A_195] {strides = array<i32>} : memref<128x32xf32, #tpu.memory_space<vmem>>, vector<16xf32>,
        tpu.vector_store %arg17[%swap3A, %swap3A_195], %mul3A_194 {strides = array<i32>} : memref<128x32xf32, #tpu.memory_space<vmem>>, vector<16xf32>,
        %swap3A_197 = arith.index_cast %mul3A_130 : i32 to index
        %swap3A_198 = arith.constant 16 : index
        %swap3A_199 = tpu.vector_load %arg17[%swap3A_197, %swap3A_198] {strides = array<i32>} : memref<128x32xf32, #tpu.memory_space<vmem>>, vector<16xf32>,
        tpu.vector_store %arg17[%swap3A_197, %swap3A_198], %exp3A {strides = array<i32>} : memref<128x32xf32, #tpu.memory_space<vmem>>, vector<16xf32>,
        %mul3A_200 = arith.constant 2 : i32
        %mul3A_201 = arith.muli %mul3A_200, %scan3A_127 : i32
        %add3A_202 = arith.constant 1 : i32
        %add3A_203 = arith.addi %mul3A_201, %add3A_202 : i32
        %get3A_204 = arith.index_cast %add3A_203 : i32 to index
        %get3A_205 = arith.constant 0 : index
        %get3A_206 = tpu.vector_load %arg13[%get3A_204, %get3A_205] {strides = array<i32>} : memref<128x16xf32, #tpu.memory_space<vmem>>, vector<16xf32>,
        %get3A_207 = arith.index_cast %add3A_203 : i32 to index
        %get3A_208 = arith.constant 0 : index
        %get3A_209 = tpu.vector_load %arg15[%get3A_207, %get3A_208] {strides = array<i32>} : memref<128x16xf32, #tpu.memory_space<vmem>>, vector<16xf32>,
        %add3A_210 = arith.addf %get3A_206, %get3A_209 : vector<16xf32>
        %mul3A_211 = arith.constant 2.000000e-01 : f32
        %mul3A_212 = vector.broadcast %mul3A_211 : f32 to vector<16xf32>
        %mul3A_213 = arith.mulf %mul3A_212, %add3A_210 : vector<16xf32>
        %max3A_214 = arith.maximumf %add3A_210, %mul3A_213 : vector<16xf32>
        %mul3A_215 = arith.mulf %max3A_214, %get3A_69 : vector<16xf32>
        %xor3A_216 = arith.constant 1 : i32
        %xor3A_217 = vector.broadcast %xor3A_216 : i32 to vector<16xi32>
        %xor3A_218 = arith.xori %iota3A, %xor3A_217 : vector<16xi32>
        %lt3A_219 = arith.constant 0 : i32
        %lt3A_220 = vector.broadcast %lt3A_219 : i32 to vector<16xi32>
        %lt3A_221 = arith.cmpi slt, %xor3A_218, %lt3A_220 : vector<16xi32>
        %add3A_222 = arith.constant 16 : i32
        %add3A_223 = vector.broadcast %add3A_222 : i32 to vector<16xi32>
        %add3A_224 = arith.addi %xor3A_218, %add3A_223 : vector<16xi32>
        %select_n3A_225 = arith.select %lt3A_221, %add3A_224, %xor3A_218 : vector<16xi1>, vector<16xi32>
        %broadcast_in_dim3A_226 = vector.shape_cast %select_n3A_225 : vector<16xi32> to vector<16x1xi32>
        %gather3A_227 = vector.shape_cast %broadcast_in_dim3A_226 : vector<16x1xi32> to vector<16xi32>
        %gather3A_228 = tpu.dynamic_gather %mul3A_215[%gather3A_227] in [0] : vector<16xf32>, vector<16xi32> -> vector<16xf32>
        %add3A_229 = arith.addf %mul3A_215, %gather3A_228 : vector<16xf32>
        %xor3A_230 = arith.constant 2 : i32
        %xor3A_231 = vector.broadcast %xor3A_230 : i32 to vector<16xi32>
        %xor3A_232 = arith.xori %iota3A, %xor3A_231 : vector<16xi32>
        %lt3A_233 = arith.constant 0 : i32
        %lt3A_234 = vector.broadcast %lt3A_233 : i32 to vector<16xi32>
        %lt3A_235 = arith.cmpi slt, %xor3A_232, %lt3A_234 : vector<16xi32>
        %add3A_236 = arith.constant 16 : i32
        %add3A_237 = vector.broadcast %add3A_236 : i32 to vector<16xi32>
        %add3A_238 = arith.addi %xor3A_232, %add3A_237 : vector<16xi32>
        %select_n3A_239 = arith.select %lt3A_235, %add3A_238, %xor3A_232 : vector<16xi1>, vector<16xi32>
        %broadcast_in_dim3A_240 = vector.shape_cast %select_n3A_239 : vector<16xi32> to vector<16x1xi32>
        %gather3A_241 = vector.shape_cast %broadcast_in_dim3A_240 : vector<16x1xi32> to vector<16xi32>
        %gather3A_242 = tpu.dynamic_gather %add3A_229[%gather3A_241] in [0] : vector<16xf32>, vector<16xi32> -> vector<16xf32>
        %add3A_243 = arith.addf %add3A_229, %gather3A_242 : vector<16xf32>
        %xor3A_244 = arith.constant 4 : i32
        %xor3A_245 = vector.broadcast %xor3A_244 : i32 to vector<16xi32>
        %xor3A_246 = arith.xori %iota3A, %xor3A_245 : vector<16xi32>
        %lt3A_247 = arith.constant 0 : i32
        %lt3A_248 = vector.broadcast %lt3A_247 : i32 to vector<16xi32>
        %lt3A_249 = arith.cmpi slt, %xor3A_246, %lt3A_248 : vector<16xi32>
        %add3A_250 = arith.constant 16 : i32
        %add3A_251 = vector.broadcast %add3A_250 : i32 to vector<16xi32>
        %add3A_252 = arith.addi %xor3A_246, %add3A_251 : vector<16xi32>
        %select_n3A_253 = arith.select %lt3A_249, %add3A_252, %xor3A_246 : vector<16xi1>, vector<16xi32>
        %broadcast_in_dim3A_254 = vector.shape_cast %select_n3A_253 : vector<16xi32> to vector<16x1xi32>
        %gather3A_255 = vector.shape_cast %broadcast_in_dim3A_254 : vector<16x1xi32> to vector<16xi32>
        %gather3A_256 = tpu.dynamic_gather %add3A_243[%gather3A_255] in [0] : vector<16xf32>, vector<16xi32> -> vector<16xf32>
        %add3A_257 = arith.addf %add3A_243, %gather3A_256 : vector<16xf32>
        %xor3A_258 = arith.constant 8 : i32
        %xor3A_259 = vector.broadcast %xor3A_258 : i32 to vector<16xi32>
        %xor3A_260 = arith.xori %iota3A, %xor3A_259 : vector<16xi32>
        %lt3A_261 = arith.constant 0 : i32
        %lt3A_262 = vector.broadcast %lt3A_261 : i32 to vector<16xi32>
        %lt3A_263 = arith.cmpi slt, %xor3A_260, %lt3A_262 : vector<16xi32>
        %add3A_264 = arith.constant 16 : i32
        %add3A_265 = vector.broadcast %add3A_264 : i32 to vector<16xi32>
        %add3A_266 = arith.addi %xor3A_260, %add3A_265 : vector<16xi32>
        %select_n3A_267 = arith.select %lt3A_263, %add3A_266, %xor3A_260 : vector<16xi1>, vector<16xi32>
        %broadcast_in_dim3A_268 = vector.shape_cast %select_n3A_267 : vector<16xi32> to vector<16x1xi32>
        %gather3A_269 = vector.shape_cast %broadcast_in_dim3A_268 : vector<16x1xi32> to vector<16xi32>
        %gather3A_270 = tpu.dynamic_gather %add3A_257[%gather3A_269] in [0] : vector<16xf32>, vector<16xi32> -> vector<16xf32>
        %add3A_271 = arith.addf %add3A_257, %gather3A_270 : vector<16xf32>
        %exp3A_272 = math.exp %add3A_271 : vector<16xf32>
        %mul3A_273 = arith.mulf %get3A_206, %exp3A_272 : vector<16xf32>
        %swap3A_274 = arith.index_cast %add3A_203 : i32 to index
        %swap3A_275 = arith.constant 0 : index
        %swap3A_276 = tpu.vector_load %arg17[%swap3A_274, %swap3A_275] {strides = array<i32>} : memref<128x32xf32, #tpu.memory_space<vmem>>, vector<16xf32>,
        tpu.vector_store %arg17[%swap3A_274, %swap3A_275], %mul3A_273 {strides = array<i32>} : memref<128x32xf32, #tpu.memory_space<vmem>>, vector<16xf32>,
        %swap3A_277 = arith.index_cast %add3A_203 : i32 to index
        %swap3A_278 = arith.constant 16 : index
        %swap3A_279 = tpu.vector_load %arg17[%swap3A_277, %swap3A_278] {strides = array<i32>} : memref<128x32xf32, #tpu.memory_space<vmem>>, vector<16xf32>,
        tpu.vector_store %arg17[%swap3A_277, %swap3A_278], %exp3A_272 {strides = array<i32>} : memref<128x32xf32, #tpu.memory_space<vmem>>, vector<16xf32>,
        %scan3A_280 = arith.constant 0 : i32
        scf.yield %scan3A_280 : i32
      }
      %scan3A_76 = arith.constant 64 : i32
      %dma_start3A_77 = arith.constant 0 : i32
      %dma_start3A_78 = tpu.memref_slice %arg12[%mul3A_48, %dma_start3A_77] : memref<82x128xi32, #tpu.memory_space<vmem>> -> memref<1x128xi32, #tpu.memory_space<vmem>>
      %dma_start3A_79 = tpu.memref_squeeze %dma_start3A_78 : memref<1x128xi32, #tpu.memory_space<vmem>> -> memref<128xi32, #tpu.memory_space<vmem>>
      %dma_start3A_80 = arith.constant 0 : i32
      %dma_start3A_81 = arith.constant 0 : i32
      %dma_start3A_82 = tpu.memref_slice %arg9[%dma_start3A_80, %dma_start3A_81] : memref<10112x32xf32, #tpu.memory_space<vmem_shared>> -> memref<10112x32xf32, #tpu.memory_space<vmem_shared>>
      tpu.enqueue_indirect_dma source(%arg17 : memref<128x32xf32, #tpu.memory_space<vmem>>) target(%dma_start3A_82 : memref<10112x32xf32, #tpu.memory_space<vmem_shared>>) offsets(%dma_start3A_79 : memref<128xi32, #tpu.memory_space<vmem>>) semaphore(%arg21 : memref<!tpu.dma_semaphore, #tpu.memory_space<semaphore_mem>>) {add = true}
      %mul3A_83 = arith.constant 2 : i32
      %mul3A_84 = arith.muli %mul3A_83, %scan3A_45 : i32
      %add3A_85 = arith.constant 1 : i32
      %add3A_86 = arith.addi %mul3A_84, %add3A_85 : i32
      %add3A_87 = arith.constant 1 : i32
      %add3A_88 = arith.addi %add3A_86, %add3A_87 : i32
      %lt3A_89 = arith.constant 82 : i32
      %lt3A_90 = arith.cmpi slt, %add3A_88, %lt3A_89 : i32
      %convert_element_type3A_91 = arith.extui %lt3A_90 : i1 to i32
      %cond3A_92 = arith.constant 0 : i32
      %cond3A_93 = arith.cmpi ne, %convert_element_type3A_91, %cond3A_92 : i32
      scf.if %cond3A_93 {
        %add3A_127 = arith.constant 1 : i32
        %add3A_128 = arith.addi %add3A_86, %add3A_127 : i32
        %dma_start3A_129 = arith.constant 0 : i32
        %dma_start3A_130 = tpu.memref_slice %arg11[%add3A_128, %dma_start3A_129] : memref<82x128xi32, #tpu.memory_space<vmem>> -> memref<1x128xi32, #tpu.memory_space<vmem>>
        %dma_start3A_131 = tpu.memref_squeeze %dma_start3A_130 : memref<1x128xi32, #tpu.memory_space<vmem>> -> memref<128xi32, #tpu.memory_space<vmem>>
        %dma_start3A_132 = arith.constant 0 : i32
        %dma_start3A_133 = arith.constant 0 : i32
        %dma_start3A_134 = tpu.memref_slice %arg2[%dma_start3A_132, %dma_start3A_133] : memref<10000x16xf32, #tpu.memory_space<hbm>> -> memref<10000x16xf32, #tpu.memory_space<hbm>>
        tpu.enqueue_indirect_dma source(%dma_start3A_134 : memref<10000x16xf32, #tpu.memory_space<hbm>>) target(%arg13 : memref<128x16xf32, #tpu.memory_space<vmem>>) offsets(%dma_start3A_131 : memref<128xi32, #tpu.memory_space<vmem>>) semaphore(%arg19 : memref<!tpu.dma_semaphore, #tpu.memory_space<semaphore_mem>>)
        %dma_start3A_135 = arith.constant 0 : i32
        %dma_start3A_136 = tpu.memref_slice %arg12[%add3A_128, %dma_start3A_135] : memref<82x128xi32, #tpu.memory_space<vmem>> -> memref<1x128xi32, #tpu.memory_space<vmem>>
        %dma_start3A_137 = tpu.memref_squeeze %dma_start3A_136 : memref<1x128xi32, #tpu.memory_space<vmem>> -> memref<128xi32, #tpu.memory_space<vmem>>
        %dma_start3A_138 = arith.constant 0 : i32
        %dma_start3A_139 = arith.constant 0 : i32
        %dma_start3A_140 = tpu.memref_slice %arg3[%dma_start3A_138, %dma_start3A_139] : memref<10112x16xf32, #tpu.memory_space<hbm>> -> memref<10112x16xf32, #tpu.memory_space<hbm>>
        tpu.enqueue_indirect_dma source(%dma_start3A_140 : memref<10112x16xf32, #tpu.memory_space<hbm>>) target(%arg15 : memref<128x16xf32, #tpu.memory_space<vmem>>) offsets(%dma_start3A_137 : memref<128xi32, #tpu.memory_space<vmem>>) semaphore(%arg19 : memref<!tpu.dma_semaphore, #tpu.memory_space<semaphore_mem>>)
      } else {
      }
      %dma_wait3A_94 = arith.constant 0 : i32
      %dma_wait3A_95 = arith.constant 0 : i32
      %dma_wait3A_96 = tpu.memref_slice %arg2[%dma_wait3A_94, %dma_wait3A_95] : memref<10000x16xf32, #tpu.memory_space<hbm>> -> memref<128x16xf32, #tpu.memory_space<hbm>>
      %dma_wait3A_97 = arith.constant 0 : i32
      %dma_wait3A_98 = arith.constant 0 : i32
      %dma_wait3A_99 = tpu.memref_slice %arg2[%dma_wait3A_97, %dma_wait3A_98] : memref<10000x16xf32, #tpu.memory_space<hbm>> -> memref<128x16xf32, #tpu.memory_space<hbm>>
      tpu.wait_dma2 semaphore(%arg20 : memref<!tpu.dma_semaphore, #tpu.memory_space<semaphore_mem>>) src(%dma_wait3A_99 : memref<128x16xf32, #tpu.memory_space<hbm>>) dst(%arg14 : memref<128x16xf32, #tpu.memory_space<vmem>>)
      %dma_wait3A_100 = arith.constant 0 : i32
      %dma_wait3A_101 = arith.constant 0 : i32
      %dma_wait3A_102 = tpu.memref_slice %arg3[%dma_wait3A_100, %dma_wait3A_101] : memref<10112x16xf32, #tpu.memory_space<hbm>> -> memref<128x16xf32, #tpu.memory_space<hbm>>
      %dma_wait3A_103 = arith.constant 0 : i32
      %dma_wait3A_104 = arith.constant 0 : i32
      %dma_wait3A_105 = tpu.memref_slice %arg3[%dma_wait3A_103, %dma_wait3A_104] : memref<10112x16xf32, #tpu.memory_space<hbm>> -> memref<128x16xf32, #tpu.memory_space<hbm>>
      tpu.wait_dma2 semaphore(%arg20 : memref<!tpu.dma_semaphore, #tpu.memory_space<semaphore_mem>>) src(%dma_wait3A_105 : memref<128x16xf32, #tpu.memory_space<hbm>>) dst(%arg16 : memref<128x16xf32, #tpu.memory_space<vmem>>)
      %ge3A_106 = arith.constant 2 : i32
      %ge3A_107 = arith.cmpi sge, %add3A_86, %ge3A_106 : i32
      %convert_element_type3A_108 = arith.extui %ge3A_107 : i1 to i32
      %cond3A_109 = arith.constant 0 : i32
      %cond3A_110 = arith.cmpi ne, %convert_element_type3A_108, %cond3A_109 : i32
      scf.if %cond3A_110 {
        %dma_wait3A_127 = arith.constant 0 : i32
        %dma_wait3A_128 = arith.constant 0 : i32
        %dma_wait3A_129 = tpu.memref_slice %arg9[%dma_wait3A_127, %dma_wait3A_128] : memref<10112x32xf32, #tpu.memory_space<vmem_shared>> -> memref<128x32xf32, #tpu.memory_space<vmem_shared>>
        %dma_wait3A_130 = arith.constant 0 : i32
        %dma_wait3A_131 = arith.constant 0 : i32
        %dma_wait3A_132 = tpu.memref_slice %arg7[%dma_wait3A_130, %dma_wait3A_131] : memref<10112x32xf32, #tpu.memory_space<hbm>> -> memref<128x32xf32, #tpu.memory_space<hbm>>
        tpu.wait_dma2 semaphore(%arg22 : memref<!tpu.dma_semaphore, #tpu.memory_space<semaphore_mem>>) src(%dma_wait3A_132 : memref<128x32xf32, #tpu.memory_space<hbm>>) dst(%dma_wait3A_129 : memref<128x32xf32, #tpu.memory_space<vmem_shared>>)
      } else {
      }
      %get3A_111 = arith.constant 0 : index
      %get3A_112 = tpu.vector_load %arg10[%get3A_111] {strides = array<i32>} : memref<16xf32, #tpu.memory_space<vmem>>, vector<16xf32>,
      %scan3A_113 = arith.constant 0 : i32
      %scan3A_114 = arith.constant 0 : i32
      %scan3A_115 = arith.constant 64 : i32
      %scan3A_116 = arith.addi %scan3A_114, %scan3A_115 : i32
      %scan3A_117 = arith.constant 1 : i32
      %scan3A_118 = scf.for %scan3A_127 = %scan3A_114 to %scan3A_116 step %scan3A_117 iter_args(%scan3A_128 = %scan3A_113) -> (i32)  : i32 {
        %mul3A_129 = arith.constant 2 : i32
        %mul3A_130 = arith.muli %mul3A_129, %scan3A_127 : i32
        %get3A_131 = arith.index_cast %mul3A_130 : i32 to index
        %get3A_132 = arith.constant 0 : index
        %get3A_133 = tpu.vector_load %arg14[%get3A_131, %get3A_132] {strides = array<i32>} : memref<128x16xf32, #tpu.memory_space<vmem>>, vector<16xf32>,
        %get3A_134 = arith.index_cast %mul3A_130 : i32 to index
        %get3A_135 = arith.constant 0 : index
        %get3A_136 = tpu.vector_load %arg16[%get3A_134, %get3A_135] {strides = array<i32>} : memref<128x16xf32, #tpu.memory_space<vmem>>, vector<16xf32>,
        %add3A_137 = arith.addf %get3A_133, %get3A_136 : vector<16xf32>
        %mul3A_138 = arith.constant 2.000000e-01 : f32
        %mul3A_139 = vector.broadcast %mul3A_138 : f32 to vector<16xf32>
        %mul3A_140 = arith.mulf %mul3A_139, %add3A_137 : vector<16xf32>
        %max3A = arith.maximumf %add3A_137, %mul3A_140 : vector<16xf32>
        %mul3A_141 = arith.mulf %max3A, %get3A_112 : vector<16xf32>
        %xor3A = arith.constant 1 : i32
        %xor3A_142 = vector.broadcast %xor3A : i32 to vector<16xi32>
        %xor3A_143 = arith.xori %iota3A, %xor3A_142 : vector<16xi32>
        %lt3A_144 = arith.constant 0 : i32
        %lt3A_145 = vector.broadcast %lt3A_144 : i32 to vector<16xi32>
        %lt3A_146 = arith.cmpi slt, %xor3A_143, %lt3A_145 : vector<16xi32>
        %add3A_147 = arith.constant 16 : i32
        %add3A_148 = vector.broadcast %add3A_147 : i32 to vector<16xi32>
        %add3A_149 = arith.addi %xor3A_143, %add3A_148 : vector<16xi32>
        %select_n3A = arith.select %lt3A_146, %add3A_149, %xor3A_143 : vector<16xi1>, vector<16xi32>
        %broadcast_in_dim3A = vector.shape_cast %select_n3A : vector<16xi32> to vector<16x1xi32>
        %gather3A = vector.shape_cast %broadcast_in_dim3A : vector<16x1xi32> to vector<16xi32>
        %gather3A_150 = tpu.dynamic_gather %mul3A_141[%gather3A] in [0] : vector<16xf32>, vector<16xi32> -> vector<16xf32>
        %add3A_151 = arith.addf %mul3A_141, %gather3A_150 : vector<16xf32>
        %xor3A_152 = arith.constant 2 : i32
        %xor3A_153 = vector.broadcast %xor3A_152 : i32 to vector<16xi32>
        %xor3A_154 = arith.xori %iota3A, %xor3A_153 : vector<16xi32>
        %lt3A_155 = arith.constant 0 : i32
        %lt3A_156 = vector.broadcast %lt3A_155 : i32 to vector<16xi32>
        %lt3A_157 = arith.cmpi slt, %xor3A_154, %lt3A_156 : vector<16xi32>
        %add3A_158 = arith.constant 16 : i32
        %add3A_159 = vector.broadcast %add3A_158 : i32 to vector<16xi32>
        %add3A_160 = arith.addi %xor3A_154, %add3A_159 : vector<16xi32>
        %select_n3A_161 = arith.select %lt3A_157, %add3A_160, %xor3A_154 : vector<16xi1>, vector<16xi32>
        %broadcast_in_dim3A_162 = vector.shape_cast %select_n3A_161 : vector<16xi32> to vector<16x1xi32>
        %gather3A_163 = vector.shape_cast %broadcast_in_dim3A_162 : vector<16x1xi32> to vector<16xi32>
        %gather3A_164 = tpu.dynamic_gather %add3A_151[%gather3A_163] in [0] : vector<16xf32>, vector<16xi32> -> vector<16xf32>
        %add3A_165 = arith.addf %add3A_151, %gather3A_164 : vector<16xf32>
        %xor3A_166 = arith.constant 4 : i32
        %xor3A_167 = vector.broadcast %xor3A_166 : i32 to vector<16xi32>
        %xor3A_168 = arith.xori %iota3A, %xor3A_167 : vector<16xi32>
        %lt3A_169 = arith.constant 0 : i32
        %lt3A_170 = vector.broadcast %lt3A_169 : i32 to vector<16xi32>
        %lt3A_171 = arith.cmpi slt, %xor3A_168, %lt3A_170 : vector<16xi32>
        %add3A_172 = arith.constant 16 : i32
        %add3A_173 = vector.broadcast %add3A_172 : i32 to vector<16xi32>
        %add3A_174 = arith.addi %xor3A_168, %add3A_173 : vector<16xi32>
        %select_n3A_175 = arith.select %lt3A_171, %add3A_174, %xor3A_168 : vector<16xi1>, vector<16xi32>
        %broadcast_in_dim3A_176 = vector.shape_cast %select_n3A_175 : vector<16xi32> to vector<16x1xi32>
        %gather3A_177 = vector.shape_cast %broadcast_in_dim3A_176 : vector<16x1xi32> to vector<16xi32>
        %gather3A_178 = tpu.dynamic_gather %add3A_165[%gather3A_177] in [0] : vector<16xf32>, vector<16xi32> -> vector<16xf32>
        %add3A_179 = arith.addf %add3A_165, %gather3A_178 : vector<16xf32>
        %xor3A_180 = arith.constant 8 : i32
        %xor3A_181 = vector.broadcast %xor3A_180 : i32 to vector<16xi32>
        %xor3A_182 = arith.xori %iota3A, %xor3A_181 : vector<16xi32>
        %lt3A_183 = arith.constant 0 : i32
        %lt3A_184 = vector.broadcast %lt3A_183 : i32 to vector<16xi32>
        %lt3A_185 = arith.cmpi slt, %xor3A_182, %lt3A_184 : vector<16xi32>
        %add3A_186 = arith.constant 16 : i32
        %add3A_187 = vector.broadcast %add3A_186 : i32 to vector<16xi32>
        %add3A_188 = arith.addi %xor3A_182, %add3A_187 : vector<16xi32>
        %select_n3A_189 = arith.select %lt3A_185, %add3A_188, %xor3A_182 : vector<16xi1>, vector<16xi32>
        %broadcast_in_dim3A_190 = vector.shape_cast %select_n3A_189 : vector<16xi32> to vector<16x1xi32>
        %gather3A_191 = vector.shape_cast %broadcast_in_dim3A_190 : vector<16x1xi32> to vector<16xi32>
        %gather3A_192 = tpu.dynamic_gather %add3A_179[%gather3A_191] in [0] : vector<16xf32>, vector<16xi32> -> vector<16xf32>
        %add3A_193 = arith.addf %add3A_179, %gather3A_192 : vector<16xf32>
        %exp3A = math.exp %add3A_193 : vector<16xf32>
        %mul3A_194 = arith.mulf %get3A_133, %exp3A : vector<16xf32>
        %swap3A = arith.index_cast %mul3A_130 : i32 to index
        %swap3A_195 = arith.constant 0 : index
        %swap3A_196 = tpu.vector_load %arg18[%swap3A, %swap3A_195] {strides = array<i32>} : memref<128x32xf32, #tpu.memory_space<vmem>>, vector<16xf32>,
        tpu.vector_store %arg18[%swap3A, %swap3A_195], %mul3A_194 {strides = array<i32>} : memref<128x32xf32, #tpu.memory_space<vmem>>, vector<16xf32>,
        %swap3A_197 = arith.index_cast %mul3A_130 : i32 to index
        %swap3A_198 = arith.constant 16 : index
        %swap3A_199 = tpu.vector_load %arg18[%swap3A_197, %swap3A_198] {strides = array<i32>} : memref<128x32xf32, #tpu.memory_space<vmem>>, vector<16xf32>,
        tpu.vector_store %arg18[%swap3A_197, %swap3A_198], %exp3A {strides = array<i32>} : memref<128x32xf32, #tpu.memory_space<vmem>>, vector<16xf32>,
        %mul3A_200 = arith.constant 2 : i32
        %mul3A_201 = arith.muli %mul3A_200, %scan3A_127 : i32
        %add3A_202 = arith.constant 1 : i32
        %add3A_203 = arith.addi %mul3A_201, %add3A_202 : i32
        %get3A_204 = arith.index_cast %add3A_203 : i32 to index
        %get3A_205 = arith.constant 0 : index
        %get3A_206 = tpu.vector_load %arg14[%get3A_204, %get3A_205] {strides = array<i32>} : memref<128x16xf32, #tpu.memory_space<vmem>>, vector<16xf32>,
        %get3A_207 = arith.index_cast %add3A_203 : i32 to index
        %get3A_208 = arith.constant 0 : index
        %get3A_209 = tpu.vector_load %arg16[%get3A_207, %get3A_208] {strides = array<i32>} : memref<128x16xf32, #tpu.memory_space<vmem>>, vector<16xf32>,
        %add3A_210 = arith.addf %get3A_206, %get3A_209 : vector<16xf32>
        %mul3A_211 = arith.constant 2.000000e-01 : f32
        %mul3A_212 = vector.broadcast %mul3A_211 : f32 to vector<16xf32>
        %mul3A_213 = arith.mulf %mul3A_212, %add3A_210 : vector<16xf32>
        %max3A_214 = arith.maximumf %add3A_210, %mul3A_213 : vector<16xf32>
        %mul3A_215 = arith.mulf %max3A_214, %get3A_112 : vector<16xf32>
        %xor3A_216 = arith.constant 1 : i32
        %xor3A_217 = vector.broadcast %xor3A_216 : i32 to vector<16xi32>
        %xor3A_218 = arith.xori %iota3A, %xor3A_217 : vector<16xi32>
        %lt3A_219 = arith.constant 0 : i32
        %lt3A_220 = vector.broadcast %lt3A_219 : i32 to vector<16xi32>
        %lt3A_221 = arith.cmpi slt, %xor3A_218, %lt3A_220 : vector<16xi32>
        %add3A_222 = arith.constant 16 : i32
        %add3A_223 = vector.broadcast %add3A_222 : i32 to vector<16xi32>
        %add3A_224 = arith.addi %xor3A_218, %add3A_223 : vector<16xi32>
        %select_n3A_225 = arith.select %lt3A_221, %add3A_224, %xor3A_218 : vector<16xi1>, vector<16xi32>
        %broadcast_in_dim3A_226 = vector.shape_cast %select_n3A_225 : vector<16xi32> to vector<16x1xi32>
        %gather3A_227 = vector.shape_cast %broadcast_in_dim3A_226 : vector<16x1xi32> to vector<16xi32>
        %gather3A_228 = tpu.dynamic_gather %mul3A_215[%gather3A_227] in [0] : vector<16xf32>, vector<16xi32> -> vector<16xf32>
        %add3A_229 = arith.addf %mul3A_215, %gather3A_228 : vector<16xf32>
        %xor3A_230 = arith.constant 2 : i32
        %xor3A_231 = vector.broadcast %xor3A_230 : i32 to vector<16xi32>
        %xor3A_232 = arith.xori %iota3A, %xor3A_231 : vector<16xi32>
        %lt3A_233 = arith.constant 0 : i32
        %lt3A_234 = vector.broadcast %lt3A_233 : i32 to vector<16xi32>
        %lt3A_235 = arith.cmpi slt, %xor3A_232, %lt3A_234 : vector<16xi32>
        %add3A_236 = arith.constant 16 : i32
        %add3A_237 = vector.broadcast %add3A_236 : i32 to vector<16xi32>
        %add3A_238 = arith.addi %xor3A_232, %add3A_237 : vector<16xi32>
        %select_n3A_239 = arith.select %lt3A_235, %add3A_238, %xor3A_232 : vector<16xi1>, vector<16xi32>
        %broadcast_in_dim3A_240 = vector.shape_cast %select_n3A_239 : vector<16xi32> to vector<16x1xi32>
        %gather3A_241 = vector.shape_cast %broadcast_in_dim3A_240 : vector<16x1xi32> to vector<16xi32>
        %gather3A_242 = tpu.dynamic_gather %add3A_229[%gather3A_241] in [0] : vector<16xf32>, vector<16xi32> -> vector<16xf32>
        %add3A_243 = arith.addf %add3A_229, %gather3A_242 : vector<16xf32>
        %xor3A_244 = arith.constant 4 : i32
        %xor3A_245 = vector.broadcast %xor3A_244 : i32 to vector<16xi32>
        %xor3A_246 = arith.xori %iota3A, %xor3A_245 : vector<16xi32>
        %lt3A_247 = arith.constant 0 : i32
        %lt3A_248 = vector.broadcast %lt3A_247 : i32 to vector<16xi32>
        %lt3A_249 = arith.cmpi slt, %xor3A_246, %lt3A_248 : vector<16xi32>
        %add3A_250 = arith.constant 16 : i32
        %add3A_251 = vector.broadcast %add3A_250 : i32 to vector<16xi32>
        %add3A_252 = arith.addi %xor3A_246, %add3A_251 : vector<16xi32>
        %select_n3A_253 = arith.select %lt3A_249, %add3A_252, %xor3A_246 : vector<16xi1>, vector<16xi32>
        %broadcast_in_dim3A_254 = vector.shape_cast %select_n3A_253 : vector<16xi32> to vector<16x1xi32>
        %gather3A_255 = vector.shape_cast %broadcast_in_dim3A_254 : vector<16x1xi32> to vector<16xi32>
        %gather3A_256 = tpu.dynamic_gather %add3A_243[%gather3A_255] in [0] : vector<16xf32>, vector<16xi32> -> vector<16xf32>
        %add3A_257 = arith.addf %add3A_243, %gather3A_256 : vector<16xf32>
        %xor3A_258 = arith.constant 8 : i32
        %xor3A_259 = vector.broadcast %xor3A_258 : i32 to vector<16xi32>
        %xor3A_260 = arith.xori %iota3A, %xor3A_259 : vector<16xi32>
        %lt3A_261 = arith.constant 0 : i32
        %lt3A_262 = vector.broadcast %lt3A_261 : i32 to vector<16xi32>
        %lt3A_263 = arith.cmpi slt, %xor3A_260, %lt3A_262 : vector<16xi32>
        %add3A_264 = arith.constant 16 : i32
        %add3A_265 = vector.broadcast %add3A_264 : i32 to vector<16xi32>
        %add3A_266 = arith.addi %xor3A_260, %add3A_265 : vector<16xi32>
        %select_n3A_267 = arith.select %lt3A_263, %add3A_266, %xor3A_260 : vector<16xi1>, vector<16xi32>
        %broadcast_in_dim3A_268 = vector.shape_cast %select_n3A_267 : vector<16xi32> to vector<16x1xi32>
        %gather3A_269 = vector.shape_cast %broadcast_in_dim3A_268 : vector<16x1xi32> to vector<16xi32>
        %gather3A_270 = tpu.dynamic_gather %add3A_257[%gather3A_269] in [0] : vector<16xf32>, vector<16xi32> -> vector<16xf32>
        %add3A_271 = arith.addf %add3A_257, %gather3A_270 : vector<16xf32>
        %exp3A_272 = math.exp %add3A_271 : vector<16xf32>
        %mul3A_273 = arith.mulf %get3A_206, %exp3A_272 : vector<16xf32>
        %swap3A_274 = arith.index_cast %add3A_203 : i32 to index
        %swap3A_275 = arith.constant 0 : index
        %swap3A_276 = tpu.vector_load %arg18[%swap3A_274, %swap3A_275] {strides = array<i32>} : memref<128x32xf32, #tpu.memory_space<vmem>>, vector<16xf32>,
        tpu.vector_store %arg18[%swap3A_274, %swap3A_275], %mul3A_273 {strides = array<i32>} : memref<128x32xf32, #tpu.memory_space<vmem>>, vector<16xf32>,
        %swap3A_277 = arith.index_cast %add3A_203 : i32 to index
        %swap3A_278 = arith.constant 16 : index
        %swap3A_279 = tpu.vector_load %arg18[%swap3A_277, %swap3A_278] {strides = array<i32>} : memref<128x32xf32, #tpu.memory_space<vmem>>, vector<16xf32>,
        tpu.vector_store %arg18[%swap3A_277, %swap3A_278], %exp3A_272 {strides = array<i32>} : memref<128x32xf32, #tpu.memory_space<vmem>>, vector<16xf32>,
        %scan3A_280 = arith.constant 0 : i32
        scf.yield %scan3A_280 : i32
      }
      %scan3A_119 = arith.constant 64 : i32
      %dma_start3A_120 = arith.constant 0 : i32
      %dma_start3A_121 = tpu.memref_slice %arg12[%add3A_86, %dma_start3A_120] : memref<82x128xi32, #tpu.memory_space<vmem>> -> memref<1x128xi32, #tpu.memory_space<vmem>>
      %dma_start3A_122 = tpu.memref_squeeze %dma_start3A_121 : memref<1x128xi32, #tpu.memory_space<vmem>> -> memref<128xi32, #tpu.memory_space<vmem>>
      %dma_start3A_123 = arith.constant 0 : i32
      %dma_start3A_124 = arith.constant 0 : i32
      %dma_start3A_125 = tpu.memref_slice %arg9[%dma_start3A_123, %dma_start3A_124] : memref<10112x32xf32, #tpu.memory_space<vmem_shared>> -> memref<10112x32xf32, #tpu.memory_space<vmem_shared>>
      tpu.enqueue_indirect_dma source(%arg18 : memref<128x32xf32, #tpu.memory_space<vmem>>) target(%dma_start3A_125 : memref<10112x32xf32, #tpu.memory_space<vmem_shared>>) offsets(%dma_start3A_122 : memref<128xi32, #tpu.memory_space<vmem>>) semaphore(%arg22 : memref<!tpu.dma_semaphore, #tpu.memory_space<semaphore_mem>>) {add = true}
      %scan3A_126 = arith.constant 0 : i32
      scf.yield %scan3A_126 : i32
    }
    %scan3A_28 = arith.constant 41 : i32
    %dma_wait3A = arith.constant 0 : i32
    %dma_wait3A_29 = arith.constant 0 : i32
    %dma_wait3A_30 = tpu.memref_slice %arg9[%dma_wait3A, %dma_wait3A_29] : memref<10112x32xf32, #tpu.memory_space<vmem_shared>> -> memref<128x32xf32, #tpu.memory_space<vmem_shared>>
    %dma_wait3A_31 = arith.constant 0 : i32
    %dma_wait3A_32 = arith.constant 0 : i32
    %dma_wait3A_33 = tpu.memref_slice %arg7[%dma_wait3A_31, %dma_wait3A_32] : memref<10112x32xf32, #tpu.memory_space<hbm>> -> memref<128x32xf32, #tpu.memory_space<hbm>>
    tpu.wait_dma2 semaphore(%arg21 : memref<!tpu.dma_semaphore, #tpu.memory_space<semaphore_mem>>) src(%dma_wait3A_33 : memref<128x32xf32, #tpu.memory_space<hbm>>) dst(%dma_wait3A_30 : memref<128x32xf32, #tpu.memory_space<vmem_shared>>)
    %dma_wait3A_34 = arith.constant 0 : i32
    %dma_wait3A_35 = arith.constant 0 : i32
    %dma_wait3A_36 = tpu.memref_slice %arg9[%dma_wait3A_34, %dma_wait3A_35] : memref<10112x32xf32, #tpu.memory_space<vmem_shared>> -> memref<128x32xf32, #tpu.memory_space<vmem_shared>>
    %dma_wait3A_37 = arith.constant 0 : i32
    %dma_wait3A_38 = arith.constant 0 : i32
    %dma_wait3A_39 = tpu.memref_slice %arg7[%dma_wait3A_37, %dma_wait3A_38] : memref<10112x32xf32, #tpu.memory_space<hbm>> -> memref<128x32xf32, #tpu.memory_space<hbm>>
    tpu.wait_dma2 semaphore(%arg22 : memref<!tpu.dma_semaphore, #tpu.memory_space<semaphore_mem>>) src(%dma_wait3A_39 : memref<128x32xf32, #tpu.memory_space<hbm>>) dst(%dma_wait3A_36 : memref<128x32xf32, #tpu.memory_space<vmem_shared>>)
    %barrier3A_40 = arith.constant 0 : index
    tpu.barrier barrier_id(%barrier3A_40)
    %mul3A_41 = arith.constant 632 : i32
    %mul3A_42 = arith.muli %arg1, %mul3A_41 : i32
    %mul3A_43 = arith.constant 632 : i32
    %mul3A_44 = arith.muli %arg1, %mul3A_43 : i32
    "tpu.region"() ({
      %run_scoped3A = tpu.sem_alloc : memref<!tpu.dma_semaphore, #tpu.memory_space<semaphore_mem>>
      %dma_start3A_45 = arith.constant 0 : i32
      %dma_start3A_46 = tpu.memref_slice %arg8[%arg0, %mul3A_44, %dma_start3A_45] : memref<2x10112x32xf32, #tpu.memory_space<hbm>> -> memref<1x632x32xf32, #tpu.memory_space<hbm>>
      %dma_start3A_47 = tpu.memref_squeeze %dma_start3A_46 : memref<1x632x32xf32, #tpu.memory_space<hbm>> -> memref<632x32xf32, #tpu.memory_space<hbm>>
      %dma_start3A_48 = arith.constant 0 : i32
      %dma_start3A_49 = tpu.memref_slice %arg9[%mul3A_42, %dma_start3A_48] : memref<10112x32xf32, #tpu.memory_space<vmem_shared>> -> memref<632x32xf32, #tpu.memory_space<vmem_shared>>
      tpu.enqueue_dma source(%dma_start3A_49 : memref<632x32xf32, #tpu.memory_space<vmem_shared>>) target(%dma_start3A_47 : memref<632x32xf32, #tpu.memory_space<hbm>>) target_semaphore(%run_scoped3A : memref<!tpu.dma_semaphore, #tpu.memory_space<semaphore_mem>>)
      %dma_wait3A_50 = arith.constant 0 : i32
      %dma_wait3A_51 = tpu.memref_slice %arg8[%arg0, %mul3A_44, %dma_wait3A_50] : memref<2x10112x32xf32, #tpu.memory_space<hbm>> -> memref<1x632x32xf32, #tpu.memory_space<hbm>>
      %dma_wait3A_52 = tpu.memref_squeeze %dma_wait3A_51 : memref<1x632x32xf32, #tpu.memory_space<hbm>> -> memref<632x32xf32, #tpu.memory_space<hbm>>
      %dma_wait3A_53 = arith.constant 0 : i32
      %dma_wait3A_54 = tpu.memref_slice %arg9[%mul3A_42, %dma_wait3A_53] : memref<10112x32xf32, #tpu.memory_space<vmem_shared>> -> memref<632x32xf32, #tpu.memory_space<vmem_shared>>
      tpu.wait_dma2 semaphore(%run_scoped3A : memref<!tpu.dma_semaphore, #tpu.memory_space<semaphore_mem>>) src(%dma_wait3A_54 : memref<632x32xf32, #tpu.memory_space<vmem_shared>>) dst(%dma_wait3A_52 : memref<632x32xf32, #tpu.memory_space<hbm>>)
      tpu.yield
    }) : () -> ()
    return
  }
}

#map = affine_map<(d0, d1) -> (0, 0)>
#map1 = affine_map<(d0, d1) -> (0)>
#map2 = affine_map<(d0, d1) -> (0, 0, 0)>
module attributes {stable_mosaic.version = 14 : i64} {
  func.func @body(%arg0: i32, %arg1: i32, %arg2: memref<10000x64xf32, #tpu.memory_space<hbm>>, %arg3: memref<10112x64xf32, #tpu.memory_space<hbm>>, %arg4: memref<64xf32, #tpu.memory_space<hbm>>, %arg5: memref<32x82x128xi32, #tpu.memory_space<hbm>>, %arg6: memref<32x82x128xi32, #tpu.memory_space<hbm>>, %arg7: memref<10112x80xf32, #tpu.memory_space<hbm>>, %arg8: memref<2x10112x80xf32, #tpu.memory_space<hbm>>, %arg9: memref<10112x80xf32, #tpu.memory_space<vmem_shared>>, %arg10: memref<64xf32, #tpu.memory_space<vmem>>, %arg11: memref<82x128xi32, #tpu.memory_space<vmem>>, %arg12: memref<82x128xi32, #tpu.memory_space<vmem>>, %arg13: memref<128x64xf32, #tpu.memory_space<vmem>>, %arg14: memref<128x64xf32, #tpu.memory_space<vmem>>, %arg15: memref<128x64xf32, #tpu.memory_space<vmem>>, %arg16: memref<128x64xf32, #tpu.memory_space<vmem>>, %arg17: memref<128x80xf32, #tpu.memory_space<vmem>>, %arg18: memref<128x80xf32, #tpu.memory_space<vmem>>, %arg19: memref<!tpu.dma_semaphore, #tpu.memory_space<semaphore_mem>>, %arg20: memref<!tpu.dma_semaphore, #tpu.memory_space<semaphore_mem>>, %arg21: memref<!tpu.dma_semaphore, #tpu.memory_space<semaphore_mem>>, %arg22: memref<!tpu.dma_semaphore, #tpu.memory_space<semaphore_mem>>) attributes {dimension_semantics = [#tpu.dimension_semantics<core_parallel>, #tpu.dimension_semantics<subcore_parallel>], iteration_bounds = array<i64: 2, 16>, scalar_prefetch = 0 : i64, scratch_operands = 14 : i64, tpu.core_type = #tpu.core_type<sc_vector_subcore>, window_params = [{transform_indices = #map}, {transform_indices = #map}, {transform_indices = #map1}, {transform_indices = #map2}, {transform_indices = #map2}, {transform_indices = #map}, {transform_indices = #map2}]} {
    %mul3A = arith.constant 16 : i32
    %mul3A_0 = arith.muli %arg0, %mul3A : i32
    %add3A = arith.addi %mul3A_0, %arg1 : i32
    "tpu.region"() ({
      %run_scoped3A = tpu.sem_alloc : memref<!tpu.dma_semaphore, #tpu.memory_space<semaphore_mem>>
      tpu.enqueue_dma source(%arg4 : memref<64xf32, #tpu.memory_space<hbm>>) target(%arg10 : memref<64xf32, #tpu.memory_space<vmem>>) target_semaphore(%run_scoped3A : memref<!tpu.dma_semaphore, #tpu.memory_space<semaphore_mem>>)
      tpu.wait_dma2 semaphore(%run_scoped3A : memref<!tpu.dma_semaphore, #tpu.memory_space<semaphore_mem>>) src(%arg4 : memref<64xf32, #tpu.memory_space<hbm>>) dst(%arg10 : memref<64xf32, #tpu.memory_space<vmem>>)
      tpu.yield
    }) : () -> ()
    "tpu.region"() ({
      %run_scoped3A = tpu.sem_alloc : memref<!tpu.dma_semaphore, #tpu.memory_space<semaphore_mem>>
      %dma_start3A_45 = arith.constant 0 : i32
      %dma_start3A_46 = arith.constant 0 : i32
      %dma_start3A_47 = tpu.memref_slice %arg5[%add3A, %dma_start3A_45, %dma_start3A_46] : memref<32x82x128xi32, #tpu.memory_space<hbm>> -> memref<1x82x128xi32, #tpu.memory_space<hbm>>
      %dma_start3A_48 = tpu.memref_squeeze %dma_start3A_47 : memref<1x82x128xi32, #tpu.memory_space<hbm>> -> memref<82x128xi32, #tpu.memory_space<hbm>>
      %dma_start3A_49 = arith.constant 0 : i32
      %dma_start3A_50 = arith.constant 0 : i32
      %dma_start3A_51 = tpu.memref_slice %arg5[%add3A, %dma_start3A_49, %dma_start3A_50] : memref<32x82x128xi32, #tpu.memory_space<hbm>> -> memref<1x82x128xi32, #tpu.memory_space<hbm>>
      %dma_start3A_52 = tpu.memref_squeeze %dma_start3A_51 : memref<1x82x128xi32, #tpu.memory_space<hbm>> -> memref<82x128xi32, #tpu.memory_space<hbm>>
      tpu.enqueue_dma source(%dma_start3A_52 : memref<82x128xi32, #tpu.memory_space<hbm>>) target(%arg11 : memref<82x128xi32, #tpu.memory_space<vmem>>) target_semaphore(%run_scoped3A : memref<!tpu.dma_semaphore, #tpu.memory_space<semaphore_mem>>)
      %dma_wait3A_53 = arith.constant 0 : i32
      %dma_wait3A_54 = arith.constant 0 : i32
      %dma_wait3A_55 = tpu.memref_slice %arg5[%add3A, %dma_wait3A_53, %dma_wait3A_54] : memref<32x82x128xi32, #tpu.memory_space<hbm>> -> memref<1x82x128xi32, #tpu.memory_space<hbm>>
      %dma_wait3A_56 = tpu.memref_squeeze %dma_wait3A_55 : memref<1x82x128xi32, #tpu.memory_space<hbm>> -> memref<82x128xi32, #tpu.memory_space<hbm>>
      %dma_wait3A_57 = arith.constant 0 : i32
      %dma_wait3A_58 = arith.constant 0 : i32
      %dma_wait3A_59 = tpu.memref_slice %arg5[%add3A, %dma_wait3A_57, %dma_wait3A_58] : memref<32x82x128xi32, #tpu.memory_space<hbm>> -> memref<1x82x128xi32, #tpu.memory_space<hbm>>
      %dma_wait3A_60 = tpu.memref_squeeze %dma_wait3A_59 : memref<1x82x128xi32, #tpu.memory_space<hbm>> -> memref<82x128xi32, #tpu.memory_space<hbm>>
      tpu.wait_dma2 semaphore(%run_scoped3A : memref<!tpu.dma_semaphore, #tpu.memory_space<semaphore_mem>>) src(%dma_wait3A_60 : memref<82x128xi32, #tpu.memory_space<hbm>>) dst(%arg11 : memref<82x128xi32, #tpu.memory_space<vmem>>)
      tpu.yield
    }) : () -> ()
    "tpu.region"() ({
      %run_scoped3A = tpu.sem_alloc : memref<!tpu.dma_semaphore, #tpu.memory_space<semaphore_mem>>
      %dma_start3A_45 = arith.constant 0 : i32
      %dma_start3A_46 = arith.constant 0 : i32
      %dma_start3A_47 = tpu.memref_slice %arg6[%add3A, %dma_start3A_45, %dma_start3A_46] : memref<32x82x128xi32, #tpu.memory_space<hbm>> -> memref<1x82x128xi32, #tpu.memory_space<hbm>>
      %dma_start3A_48 = tpu.memref_squeeze %dma_start3A_47 : memref<1x82x128xi32, #tpu.memory_space<hbm>> -> memref<82x128xi32, #tpu.memory_space<hbm>>
      %dma_start3A_49 = arith.constant 0 : i32
      %dma_start3A_50 = arith.constant 0 : i32
      %dma_start3A_51 = tpu.memref_slice %arg6[%add3A, %dma_start3A_49, %dma_start3A_50] : memref<32x82x128xi32, #tpu.memory_space<hbm>> -> memref<1x82x128xi32, #tpu.memory_space<hbm>>
      %dma_start3A_52 = tpu.memref_squeeze %dma_start3A_51 : memref<1x82x128xi32, #tpu.memory_space<hbm>> -> memref<82x128xi32, #tpu.memory_space<hbm>>
      tpu.enqueue_dma source(%dma_start3A_52 : memref<82x128xi32, #tpu.memory_space<hbm>>) target(%arg12 : memref<82x128xi32, #tpu.memory_space<vmem>>) target_semaphore(%run_scoped3A : memref<!tpu.dma_semaphore, #tpu.memory_space<semaphore_mem>>)
      %dma_wait3A_53 = arith.constant 0 : i32
      %dma_wait3A_54 = arith.constant 0 : i32
      %dma_wait3A_55 = tpu.memref_slice %arg6[%add3A, %dma_wait3A_53, %dma_wait3A_54] : memref<32x82x128xi32, #tpu.memory_space<hbm>> -> memref<1x82x128xi32, #tpu.memory_space<hbm>>
      %dma_wait3A_56 = tpu.memref_squeeze %dma_wait3A_55 : memref<1x82x128xi32, #tpu.memory_space<hbm>> -> memref<82x128xi32, #tpu.memory_space<hbm>>
      %dma_wait3A_57 = arith.constant 0 : i32
      %dma_wait3A_58 = arith.constant 0 : i32
      %dma_wait3A_59 = tpu.memref_slice %arg6[%add3A, %dma_wait3A_57, %dma_wait3A_58] : memref<32x82x128xi32, #tpu.memory_space<hbm>> -> memref<1x82x128xi32, #tpu.memory_space<hbm>>
      %dma_wait3A_60 = tpu.memref_squeeze %dma_wait3A_59 : memref<1x82x128xi32, #tpu.memory_space<hbm>> -> memref<82x128xi32, #tpu.memory_space<hbm>>
      tpu.wait_dma2 semaphore(%run_scoped3A : memref<!tpu.dma_semaphore, #tpu.memory_space<semaphore_mem>>) src(%dma_wait3A_60 : memref<82x128xi32, #tpu.memory_space<hbm>>) dst(%arg12 : memref<82x128xi32, #tpu.memory_space<vmem>>)
      tpu.yield
    }) : () -> ()
    %mul3A_1 = arith.constant 632 : i32
    %mul3A_2 = arith.muli %arg1, %mul3A_1 : i32
    %mul3A_3 = arith.constant 632 : i32
    %mul3A_4 = arith.muli %arg1, %mul3A_3 : i32
    "tpu.region"() ({
      %run_scoped3A = tpu.sem_alloc : memref<!tpu.dma_semaphore, #tpu.memory_space<semaphore_mem>>
      %dma_start3A_45 = arith.constant 0 : i32
      %dma_start3A_46 = tpu.memref_slice %arg9[%mul3A_4, %dma_start3A_45] : memref<10112x80xf32, #tpu.memory_space<vmem_shared>> -> memref<632x80xf32, #tpu.memory_space<vmem_shared>>
      %dma_start3A_47 = arith.constant 0 : i32
      %dma_start3A_48 = tpu.memref_slice %arg7[%mul3A_2, %dma_start3A_47] : memref<10112x80xf32, #tpu.memory_space<hbm>> -> memref<632x80xf32, #tpu.memory_space<hbm>>
      tpu.enqueue_dma source(%dma_start3A_48 : memref<632x80xf32, #tpu.memory_space<hbm>>) target(%dma_start3A_46 : memref<632x80xf32, #tpu.memory_space<vmem_shared>>) target_semaphore(%run_scoped3A : memref<!tpu.dma_semaphore, #tpu.memory_space<semaphore_mem>>)
      %dma_wait3A_49 = arith.constant 0 : i32
      %dma_wait3A_50 = tpu.memref_slice %arg9[%mul3A_4, %dma_wait3A_49] : memref<10112x80xf32, #tpu.memory_space<vmem_shared>> -> memref<632x80xf32, #tpu.memory_space<vmem_shared>>
      %dma_wait3A_51 = arith.constant 0 : i32
      %dma_wait3A_52 = tpu.memref_slice %arg7[%mul3A_2, %dma_wait3A_51] : memref<10112x80xf32, #tpu.memory_space<hbm>> -> memref<632x80xf32, #tpu.memory_space<hbm>>
      tpu.wait_dma2 semaphore(%run_scoped3A : memref<!tpu.dma_semaphore, #tpu.memory_space<semaphore_mem>>) src(%dma_wait3A_52 : memref<632x80xf32, #tpu.memory_space<hbm>>) dst(%dma_wait3A_50 : memref<632x80xf32, #tpu.memory_space<vmem_shared>>)
      tpu.yield
    }) : () -> ()
    %barrier3A = arith.constant 0 : index
    tpu.barrier barrier_id(%barrier3A)
    %iota3A = tpu.iota {dimensions = array<i32: 0>} : vector<16xi32>
    %and3A = arith.constant 1 : i32
    %and3A_5 = vector.broadcast %and3A : i32 to vector<16xi32>
    %and3A_6 = arith.andi %iota3A, %and3A_5 : vector<16xi32>
    %mul3A_7 = arith.constant 8 : i32
    %mul3A_8 = vector.broadcast %mul3A_7 : i32 to vector<16xi32>
    %mul3A_9 = arith.muli %and3A_6, %mul3A_8 : vector<16xi32>
    %dma_start3A = arith.constant 0 : i32
    %dma_start3A_10 = arith.constant 0 : i32
    %dma_start3A_11 = tpu.memref_slice %arg11[%dma_start3A, %dma_start3A_10] : memref<82x128xi32, #tpu.memory_space<vmem>> -> memref<1x128xi32, #tpu.memory_space<vmem>>
    %dma_start3A_12 = tpu.memref_squeeze %dma_start3A_11 : memref<1x128xi32, #tpu.memory_space<vmem>> -> memref<128xi32, #tpu.memory_space<vmem>>
    %dma_start3A_13 = arith.constant 0 : i32
    %dma_start3A_14 = arith.constant 0 : i32
    %dma_start3A_15 = tpu.memref_slice %arg2[%dma_start3A_13, %dma_start3A_14] : memref<10000x64xf32, #tpu.memory_space<hbm>> -> memref<10000x64xf32, #tpu.memory_space<hbm>>
    tpu.enqueue_indirect_dma source(%dma_start3A_15 : memref<10000x64xf32, #tpu.memory_space<hbm>>) target(%arg13 : memref<128x64xf32, #tpu.memory_space<vmem>>) offsets(%dma_start3A_12 : memref<128xi32, #tpu.memory_space<vmem>>) semaphore(%arg19 : memref<!tpu.dma_semaphore, #tpu.memory_space<semaphore_mem>>)
    %dma_start3A_16 = arith.constant 0 : i32
    %dma_start3A_17 = arith.constant 0 : i32
    %dma_start3A_18 = tpu.memref_slice %arg12[%dma_start3A_16, %dma_start3A_17] : memref<82x128xi32, #tpu.memory_space<vmem>> -> memref<1x128xi32, #tpu.memory_space<vmem>>
    %dma_start3A_19 = tpu.memref_squeeze %dma_start3A_18 : memref<1x128xi32, #tpu.memory_space<vmem>> -> memref<128xi32, #tpu.memory_space<vmem>>
    %dma_start3A_20 = arith.constant 0 : i32
    %dma_start3A_21 = arith.constant 0 : i32
    %dma_start3A_22 = tpu.memref_slice %arg3[%dma_start3A_20, %dma_start3A_21] : memref<10112x64xf32, #tpu.memory_space<hbm>> -> memref<10112x64xf32, #tpu.memory_space<hbm>>
    tpu.enqueue_indirect_dma source(%dma_start3A_22 : memref<10112x64xf32, #tpu.memory_space<hbm>>) target(%arg15 : memref<128x64xf32, #tpu.memory_space<vmem>>) offsets(%dma_start3A_19 : memref<128xi32, #tpu.memory_space<vmem>>) semaphore(%arg19 : memref<!tpu.dma_semaphore, #tpu.memory_space<semaphore_mem>>)
    %scan3A = arith.constant 0 : i32
    %scan3A_23 = arith.constant 0 : i32
    %scan3A_24 = arith.constant 41 : i32
    %scan3A_25 = arith.addi %scan3A_23, %scan3A_24 : i32
    %scan3A_26 = arith.constant 1 : i32
    %scan3A_27 = scf.for %scan3A_45 = %scan3A_23 to %scan3A_25 step %scan3A_26 iter_args(%scan3A_46 = %scan3A) -> (i32)  : i32 {
      %mul3A_47 = arith.constant 2 : i32
      %mul3A_48 = arith.muli %mul3A_47, %scan3A_45 : i32
      %add3A_49 = arith.constant 1 : i32
      %add3A_50 = arith.addi %mul3A_48, %add3A_49 : i32
      %lt3A = arith.constant 82 : i32
      %lt3A_51 = arith.cmpi slt, %add3A_50, %lt3A : i32
      %convert_element_type3A = arith.extui %lt3A_51 : i1 to i32
      %cond3A = arith.constant 0 : i32
      %cond3A_52 = arith.cmpi ne, %convert_element_type3A, %cond3A : i32
      scf.if %cond3A_52 {
        %add3A_139 = arith.constant 1 : i32
        %add3A_140 = arith.addi %mul3A_48, %add3A_139 : i32
        %dma_start3A_141 = arith.constant 0 : i32
        %dma_start3A_142 = tpu.memref_slice %arg11[%add3A_140, %dma_start3A_141] : memref<82x128xi32, #tpu.memory_space<vmem>> -> memref<1x128xi32, #tpu.memory_space<vmem>>
        %dma_start3A_143 = tpu.memref_squeeze %dma_start3A_142 : memref<1x128xi32, #tpu.memory_space<vmem>> -> memref<128xi32, #tpu.memory_space<vmem>>
        %dma_start3A_144 = arith.constant 0 : i32
        %dma_start3A_145 = arith.constant 0 : i32
        %dma_start3A_146 = tpu.memref_slice %arg2[%dma_start3A_144, %dma_start3A_145] : memref<10000x64xf32, #tpu.memory_space<hbm>> -> memref<10000x64xf32, #tpu.memory_space<hbm>>
        tpu.enqueue_indirect_dma source(%dma_start3A_146 : memref<10000x64xf32, #tpu.memory_space<hbm>>) target(%arg14 : memref<128x64xf32, #tpu.memory_space<vmem>>) offsets(%dma_start3A_143 : memref<128xi32, #tpu.memory_space<vmem>>) semaphore(%arg20 : memref<!tpu.dma_semaphore, #tpu.memory_space<semaphore_mem>>)
        %dma_start3A_147 = arith.constant 0 : i32
        %dma_start3A_148 = tpu.memref_slice %arg12[%add3A_140, %dma_start3A_147] : memref<82x128xi32, #tpu.memory_space<vmem>> -> memref<1x128xi32, #tpu.memory_space<vmem>>
        %dma_start3A_149 = tpu.memref_squeeze %dma_start3A_148 : memref<1x128xi32, #tpu.memory_space<vmem>> -> memref<128xi32, #tpu.memory_space<vmem>>
        %dma_start3A_150 = arith.constant 0 : i32
        %dma_start3A_151 = arith.constant 0 : i32
        %dma_start3A_152 = tpu.memref_slice %arg3[%dma_start3A_150, %dma_start3A_151] : memref<10112x64xf32, #tpu.memory_space<hbm>> -> memref<10112x64xf32, #tpu.memory_space<hbm>>
        tpu.enqueue_indirect_dma source(%dma_start3A_152 : memref<10112x64xf32, #tpu.memory_space<hbm>>) target(%arg16 : memref<128x64xf32, #tpu.memory_space<vmem>>) offsets(%dma_start3A_149 : memref<128xi32, #tpu.memory_space<vmem>>) semaphore(%arg20 : memref<!tpu.dma_semaphore, #tpu.memory_space<semaphore_mem>>)
      } else {
      }
      %dma_wait3A_53 = arith.constant 0 : i32
      %dma_wait3A_54 = arith.constant 0 : i32
      %dma_wait3A_55 = tpu.memref_slice %arg2[%dma_wait3A_53, %dma_wait3A_54] : memref<10000x64xf32, #tpu.memory_space<hbm>> -> memref<128x64xf32, #tpu.memory_space<hbm>>
      %dma_wait3A_56 = arith.constant 0 : i32
      %dma_wait3A_57 = arith.constant 0 : i32
      %dma_wait3A_58 = tpu.memref_slice %arg2[%dma_wait3A_56, %dma_wait3A_57] : memref<10000x64xf32, #tpu.memory_space<hbm>> -> memref<128x64xf32, #tpu.memory_space<hbm>>
      tpu.wait_dma2 semaphore(%arg19 : memref<!tpu.dma_semaphore, #tpu.memory_space<semaphore_mem>>) src(%dma_wait3A_58 : memref<128x64xf32, #tpu.memory_space<hbm>>) dst(%arg13 : memref<128x64xf32, #tpu.memory_space<vmem>>)
      %dma_wait3A_59 = arith.constant 0 : i32
      %dma_wait3A_60 = arith.constant 0 : i32
      %dma_wait3A_61 = tpu.memref_slice %arg3[%dma_wait3A_59, %dma_wait3A_60] : memref<10112x64xf32, #tpu.memory_space<hbm>> -> memref<128x64xf32, #tpu.memory_space<hbm>>
      %dma_wait3A_62 = arith.constant 0 : i32
      %dma_wait3A_63 = arith.constant 0 : i32
      %dma_wait3A_64 = tpu.memref_slice %arg3[%dma_wait3A_62, %dma_wait3A_63] : memref<10112x64xf32, #tpu.memory_space<hbm>> -> memref<128x64xf32, #tpu.memory_space<hbm>>
      tpu.wait_dma2 semaphore(%arg19 : memref<!tpu.dma_semaphore, #tpu.memory_space<semaphore_mem>>) src(%dma_wait3A_64 : memref<128x64xf32, #tpu.memory_space<hbm>>) dst(%arg15 : memref<128x64xf32, #tpu.memory_space<vmem>>)
      %ge3A = arith.constant 2 : i32
      %ge3A_65 = arith.cmpi sge, %mul3A_48, %ge3A : i32
      %convert_element_type3A_66 = arith.extui %ge3A_65 : i1 to i32
      %cond3A_67 = arith.constant 0 : i32
      %cond3A_68 = arith.cmpi ne, %convert_element_type3A_66, %cond3A_67 : i32
      scf.if %cond3A_68 {
        %dma_wait3A_139 = arith.constant 0 : i32
        %dma_wait3A_140 = arith.constant 0 : i32
        %dma_wait3A_141 = tpu.memref_slice %arg9[%dma_wait3A_139, %dma_wait3A_140] : memref<10112x80xf32, #tpu.memory_space<vmem_shared>> -> memref<128x80xf32, #tpu.memory_space<vmem_shared>>
        %dma_wait3A_142 = arith.constant 0 : i32
        %dma_wait3A_143 = arith.constant 0 : i32
        %dma_wait3A_144 = tpu.memref_slice %arg7[%dma_wait3A_142, %dma_wait3A_143] : memref<10112x80xf32, #tpu.memory_space<hbm>> -> memref<128x80xf32, #tpu.memory_space<hbm>>
        tpu.wait_dma2 semaphore(%arg21 : memref<!tpu.dma_semaphore, #tpu.memory_space<semaphore_mem>>) src(%dma_wait3A_144 : memref<128x80xf32, #tpu.memory_space<hbm>>) dst(%dma_wait3A_141 : memref<128x80xf32, #tpu.memory_space<vmem_shared>>)
      } else {
      }
      %get3A = arith.constant 0 : index
      %get3A_69 = tpu.vector_load %arg10[%get3A] {strides = array<i32>} : memref<64xf32, #tpu.memory_space<vmem>>, vector<16xf32>,
      %get3A_70 = arith.constant 16 : index
      %get3A_71 = tpu.vector_load %arg10[%get3A_70] {strides = array<i32>} : memref<64xf32, #tpu.memory_space<vmem>>, vector<16xf32>,
      %get3A_72 = arith.constant 32 : index
      %get3A_73 = tpu.vector_load %arg10[%get3A_72] {strides = array<i32>} : memref<64xf32, #tpu.memory_space<vmem>>, vector<16xf32>,
      %get3A_74 = arith.constant 48 : index
      %get3A_75 = tpu.vector_load %arg10[%get3A_74] {strides = array<i32>} : memref<64xf32, #tpu.memory_space<vmem>>, vector<16xf32>,
      %scan3A_76 = arith.constant 0 : i32
      %scan3A_77 = arith.constant 0 : i32
      %scan3A_78 = arith.constant 64 : i32
      %scan3A_79 = arith.addi %scan3A_77, %scan3A_78 : i32
      %scan3A_80 = arith.constant 1 : i32
      %scan3A_81 = scf.for %scan3A_139 = %scan3A_77 to %scan3A_79 step %scan3A_80 iter_args(%scan3A_140 = %scan3A_76) -> (i32)  : i32 {
        %mul3A_141 = arith.constant 2 : i32
        %mul3A_142 = arith.muli %mul3A_141, %scan3A_139 : i32
        %get3A_143 = arith.index_cast %mul3A_142 : i32 to index
        %get3A_144 = arith.constant 0 : index
        %get3A_145 = tpu.vector_load %arg13[%get3A_143, %get3A_144] {strides = array<i32>} : memref<128x64xf32, #tpu.memory_space<vmem>>, vector<16xf32>,
        %get3A_146 = arith.index_cast %mul3A_142 : i32 to index
        %get3A_147 = arith.constant 16 : index
        %get3A_148 = tpu.vector_load %arg13[%get3A_146, %get3A_147] {strides = array<i32>} : memref<128x64xf32, #tpu.memory_space<vmem>>, vector<16xf32>,
        %get3A_149 = arith.index_cast %mul3A_142 : i32 to index
        %get3A_150 = arith.constant 32 : index
        %get3A_151 = tpu.vector_load %arg13[%get3A_149, %get3A_150] {strides = array<i32>} : memref<128x64xf32, #tpu.memory_space<vmem>>, vector<16xf32>,
        %get3A_152 = arith.index_cast %mul3A_142 : i32 to index
        %get3A_153 = arith.constant 48 : index
        %get3A_154 = tpu.vector_load %arg13[%get3A_152, %get3A_153] {strides = array<i32>} : memref<128x64xf32, #tpu.memory_space<vmem>>, vector<16xf32>,
        %get3A_155 = arith.index_cast %mul3A_142 : i32 to index
        %get3A_156 = arith.constant 0 : index
        %get3A_157 = tpu.vector_load %arg15[%get3A_155, %get3A_156] {strides = array<i32>} : memref<128x64xf32, #tpu.memory_space<vmem>>, vector<16xf32>,
        %get3A_158 = arith.index_cast %mul3A_142 : i32 to index
        %get3A_159 = arith.constant 16 : index
        %get3A_160 = tpu.vector_load %arg15[%get3A_158, %get3A_159] {strides = array<i32>} : memref<128x64xf32, #tpu.memory_space<vmem>>, vector<16xf32>,
        %get3A_161 = arith.index_cast %mul3A_142 : i32 to index
        %get3A_162 = arith.constant 32 : index
        %get3A_163 = tpu.vector_load %arg15[%get3A_161, %get3A_162] {strides = array<i32>} : memref<128x64xf32, #tpu.memory_space<vmem>>, vector<16xf32>,
        %get3A_164 = arith.index_cast %mul3A_142 : i32 to index
        %get3A_165 = arith.constant 48 : index
        %get3A_166 = tpu.vector_load %arg15[%get3A_164, %get3A_165] {strides = array<i32>} : memref<128x64xf32, #tpu.memory_space<vmem>>, vector<16xf32>,
        %add3A_167 = arith.addf %get3A_145, %get3A_157 : vector<16xf32>
        %mul3A_168 = arith.constant 2.000000e-01 : f32
        %mul3A_169 = vector.broadcast %mul3A_168 : f32 to vector<16xf32>
        %mul3A_170 = arith.mulf %mul3A_169, %add3A_167 : vector<16xf32>
        %max3A = arith.maximumf %add3A_167, %mul3A_170 : vector<16xf32>
        %mul3A_171 = arith.mulf %max3A, %get3A_69 : vector<16xf32>
        %xor3A = arith.constant 1 : i32
        %xor3A_172 = vector.broadcast %xor3A : i32 to vector<16xi32>
        %xor3A_173 = arith.xori %iota3A, %xor3A_172 : vector<16xi32>
        %lt3A_174 = arith.constant 0 : i32
        %lt3A_175 = vector.broadcast %lt3A_174 : i32 to vector<16xi32>
        %lt3A_176 = arith.cmpi slt, %xor3A_173, %lt3A_175 : vector<16xi32>
        %add3A_177 = arith.constant 16 : i32
        %add3A_178 = vector.broadcast %add3A_177 : i32 to vector<16xi32>
        %add3A_179 = arith.addi %xor3A_173, %add3A_178 : vector<16xi32>
        %select_n3A = arith.select %lt3A_176, %add3A_179, %xor3A_173 : vector<16xi1>, vector<16xi32>
        %broadcast_in_dim3A = vector.shape_cast %select_n3A : vector<16xi32> to vector<16x1xi32>
        %gather3A = vector.shape_cast %broadcast_in_dim3A : vector<16x1xi32> to vector<16xi32>
        %gather3A_180 = tpu.dynamic_gather %mul3A_171[%gather3A] in [0] : vector<16xf32>, vector<16xi32> -> vector<16xf32>
        %add3A_181 = arith.addf %mul3A_171, %gather3A_180 : vector<16xf32>
        %xor3A_182 = arith.constant 2 : i32
        %xor3A_183 = vector.broadcast %xor3A_182 : i32 to vector<16xi32>
        %xor3A_184 = arith.xori %iota3A, %xor3A_183 : vector<16xi32>
        %lt3A_185 = arith.constant 0 : i32
        %lt3A_186 = vector.broadcast %lt3A_185 : i32 to vector<16xi32>
        %lt3A_187 = arith.cmpi slt, %xor3A_184, %lt3A_186 : vector<16xi32>
        %add3A_188 = arith.constant 16 : i32
        %add3A_189 = vector.broadcast %add3A_188 : i32 to vector<16xi32>
        %add3A_190 = arith.addi %xor3A_184, %add3A_189 : vector<16xi32>
        %select_n3A_191 = arith.select %lt3A_187, %add3A_190, %xor3A_184 : vector<16xi1>, vector<16xi32>
        %broadcast_in_dim3A_192 = vector.shape_cast %select_n3A_191 : vector<16xi32> to vector<16x1xi32>
        %gather3A_193 = vector.shape_cast %broadcast_in_dim3A_192 : vector<16x1xi32> to vector<16xi32>
        %gather3A_194 = tpu.dynamic_gather %add3A_181[%gather3A_193] in [0] : vector<16xf32>, vector<16xi32> -> vector<16xf32>
        %add3A_195 = arith.addf %add3A_181, %gather3A_194 : vector<16xf32>
        %xor3A_196 = arith.constant 4 : i32
        %xor3A_197 = vector.broadcast %xor3A_196 : i32 to vector<16xi32>
        %xor3A_198 = arith.xori %iota3A, %xor3A_197 : vector<16xi32>
        %lt3A_199 = arith.constant 0 : i32
        %lt3A_200 = vector.broadcast %lt3A_199 : i32 to vector<16xi32>
        %lt3A_201 = arith.cmpi slt, %xor3A_198, %lt3A_200 : vector<16xi32>
        %add3A_202 = arith.constant 16 : i32
        %add3A_203 = vector.broadcast %add3A_202 : i32 to vector<16xi32>
        %add3A_204 = arith.addi %xor3A_198, %add3A_203 : vector<16xi32>
        %select_n3A_205 = arith.select %lt3A_201, %add3A_204, %xor3A_198 : vector<16xi1>, vector<16xi32>
        %broadcast_in_dim3A_206 = vector.shape_cast %select_n3A_205 : vector<16xi32> to vector<16x1xi32>
        %gather3A_207 = vector.shape_cast %broadcast_in_dim3A_206 : vector<16x1xi32> to vector<16xi32>
        %gather3A_208 = tpu.dynamic_gather %add3A_195[%gather3A_207] in [0] : vector<16xf32>, vector<16xi32> -> vector<16xf32>
        %add3A_209 = arith.addf %add3A_195, %gather3A_208 : vector<16xf32>
        %exp3A = math.exp %add3A_209 : vector<16xf32>
        %add3A_210 = arith.addf %get3A_148, %get3A_160 : vector<16xf32>
        %mul3A_211 = arith.constant 2.000000e-01 : f32
        %mul3A_212 = vector.broadcast %mul3A_211 : f32 to vector<16xf32>
        %mul3A_213 = arith.mulf %mul3A_212, %add3A_210 : vector<16xf32>
        %max3A_214 = arith.maximumf %add3A_210, %mul3A_213 : vector<16xf32>
        %mul3A_215 = arith.mulf %max3A_214, %get3A_71 : vector<16xf32>
        %xor3A_216 = arith.constant 1 : i32
        %xor3A_217 = vector.broadcast %xor3A_216 : i32 to vector<16xi32>
        %xor3A_218 = arith.xori %iota3A, %xor3A_217 : vector<16xi32>
        %lt3A_219 = arith.constant 0 : i32
        %lt3A_220 = vector.broadcast %lt3A_219 : i32 to vector<16xi32>
        %lt3A_221 = arith.cmpi slt, %xor3A_218, %lt3A_220 : vector<16xi32>
        %add3A_222 = arith.constant 16 : i32
        %add3A_223 = vector.broadcast %add3A_222 : i32 to vector<16xi32>
        %add3A_224 = arith.addi %xor3A_218, %add3A_223 : vector<16xi32>
        %select_n3A_225 = arith.select %lt3A_221, %add3A_224, %xor3A_218 : vector<16xi1>, vector<16xi32>
        %broadcast_in_dim3A_226 = vector.shape_cast %select_n3A_225 : vector<16xi32> to vector<16x1xi32>
        %gather3A_227 = vector.shape_cast %broadcast_in_dim3A_226 : vector<16x1xi32> to vector<16xi32>
        %gather3A_228 = tpu.dynamic_gather %mul3A_215[%gather3A_227] in [0] : vector<16xf32>, vector<16xi32> -> vector<16xf32>
        %add3A_229 = arith.addf %mul3A_215, %gather3A_228 : vector<16xf32>
        %xor3A_230 = arith.constant 2 : i32
        %xor3A_231 = vector.broadcast %xor3A_230 : i32 to vector<16xi32>
        %xor3A_232 = arith.xori %iota3A, %xor3A_231 : vector<16xi32>
        %lt3A_233 = arith.constant 0 : i32
        %lt3A_234 = vector.broadcast %lt3A_233 : i32 to vector<16xi32>
        %lt3A_235 = arith.cmpi slt, %xor3A_232, %lt3A_234 : vector<16xi32>
        %add3A_236 = arith.constant 16 : i32
        %add3A_237 = vector.broadcast %add3A_236 : i32 to vector<16xi32>
        %add3A_238 = arith.addi %xor3A_232, %add3A_237 : vector<16xi32>
        %select_n3A_239 = arith.select %lt3A_235, %add3A_238, %xor3A_232 : vector<16xi1>, vector<16xi32>
        %broadcast_in_dim3A_240 = vector.shape_cast %select_n3A_239 : vector<16xi32> to vector<16x1xi32>
        %gather3A_241 = vector.shape_cast %broadcast_in_dim3A_240 : vector<16x1xi32> to vector<16xi32>
        %gather3A_242 = tpu.dynamic_gather %add3A_229[%gather3A_241] in [0] : vector<16xf32>, vector<16xi32> -> vector<16xf32>
        %add3A_243 = arith.addf %add3A_229, %gather3A_242 : vector<16xf32>
        %xor3A_244 = arith.constant 4 : i32
        %xor3A_245 = vector.broadcast %xor3A_244 : i32 to vector<16xi32>
        %xor3A_246 = arith.xori %iota3A, %xor3A_245 : vector<16xi32>
        %lt3A_247 = arith.constant 0 : i32
        %lt3A_248 = vector.broadcast %lt3A_247 : i32 to vector<16xi32>
        %lt3A_249 = arith.cmpi slt, %xor3A_246, %lt3A_248 : vector<16xi32>
        %add3A_250 = arith.constant 16 : i32
        %add3A_251 = vector.broadcast %add3A_250 : i32 to vector<16xi32>
        %add3A_252 = arith.addi %xor3A_246, %add3A_251 : vector<16xi32>
        %select_n3A_253 = arith.select %lt3A_249, %add3A_252, %xor3A_246 : vector<16xi1>, vector<16xi32>
        %broadcast_in_dim3A_254 = vector.shape_cast %select_n3A_253 : vector<16xi32> to vector<16x1xi32>
        %gather3A_255 = vector.shape_cast %broadcast_in_dim3A_254 : vector<16x1xi32> to vector<16xi32>
        %gather3A_256 = tpu.dynamic_gather %add3A_243[%gather3A_255] in [0] : vector<16xf32>, vector<16xi32> -> vector<16xf32>
        %add3A_257 = arith.addf %add3A_243, %gather3A_256 : vector<16xf32>
        %exp3A_258 = math.exp %add3A_257 : vector<16xf32>
        %add3A_259 = arith.addf %get3A_151, %get3A_163 : vector<16xf32>
        %mul3A_260 = arith.constant 2.000000e-01 : f32
        %mul3A_261 = vector.broadcast %mul3A_260 : f32 to vector<16xf32>
        %mul3A_262 = arith.mulf %mul3A_261, %add3A_259 : vector<16xf32>
        %max3A_263 = arith.maximumf %add3A_259, %mul3A_262 : vector<16xf32>
        %mul3A_264 = arith.mulf %max3A_263, %get3A_73 : vector<16xf32>
        %xor3A_265 = arith.constant 1 : i32
        %xor3A_266 = vector.broadcast %xor3A_265 : i32 to vector<16xi32>
        %xor3A_267 = arith.xori %iota3A, %xor3A_266 : vector<16xi32>
        %lt3A_268 = arith.constant 0 : i32
        %lt3A_269 = vector.broadcast %lt3A_268 : i32 to vector<16xi32>
        %lt3A_270 = arith.cmpi slt, %xor3A_267, %lt3A_269 : vector<16xi32>
        %add3A_271 = arith.constant 16 : i32
        %add3A_272 = vector.broadcast %add3A_271 : i32 to vector<16xi32>
        %add3A_273 = arith.addi %xor3A_267, %add3A_272 : vector<16xi32>
        %select_n3A_274 = arith.select %lt3A_270, %add3A_273, %xor3A_267 : vector<16xi1>, vector<16xi32>
        %broadcast_in_dim3A_275 = vector.shape_cast %select_n3A_274 : vector<16xi32> to vector<16x1xi32>
        %gather3A_276 = vector.shape_cast %broadcast_in_dim3A_275 : vector<16x1xi32> to vector<16xi32>
        %gather3A_277 = tpu.dynamic_gather %mul3A_264[%gather3A_276] in [0] : vector<16xf32>, vector<16xi32> -> vector<16xf32>
        %add3A_278 = arith.addf %mul3A_264, %gather3A_277 : vector<16xf32>
        %xor3A_279 = arith.constant 2 : i32
        %xor3A_280 = vector.broadcast %xor3A_279 : i32 to vector<16xi32>
        %xor3A_281 = arith.xori %iota3A, %xor3A_280 : vector<16xi32>
        %lt3A_282 = arith.constant 0 : i32
        %lt3A_283 = vector.broadcast %lt3A_282 : i32 to vector<16xi32>
        %lt3A_284 = arith.cmpi slt, %xor3A_281, %lt3A_283 : vector<16xi32>
        %add3A_285 = arith.constant 16 : i32
        %add3A_286 = vector.broadcast %add3A_285 : i32 to vector<16xi32>
        %add3A_287 = arith.addi %xor3A_281, %add3A_286 : vector<16xi32>
        %select_n3A_288 = arith.select %lt3A_284, %add3A_287, %xor3A_281 : vector<16xi1>, vector<16xi32>
        %broadcast_in_dim3A_289 = vector.shape_cast %select_n3A_288 : vector<16xi32> to vector<16x1xi32>
        %gather3A_290 = vector.shape_cast %broadcast_in_dim3A_289 : vector<16x1xi32> to vector<16xi32>
        %gather3A_291 = tpu.dynamic_gather %add3A_278[%gather3A_290] in [0] : vector<16xf32>, vector<16xi32> -> vector<16xf32>
        %add3A_292 = arith.addf %add3A_278, %gather3A_291 : vector<16xf32>
        %xor3A_293 = arith.constant 4 : i32
        %xor3A_294 = vector.broadcast %xor3A_293 : i32 to vector<16xi32>
        %xor3A_295 = arith.xori %iota3A, %xor3A_294 : vector<16xi32>
        %lt3A_296 = arith.constant 0 : i32
        %lt3A_297 = vector.broadcast %lt3A_296 : i32 to vector<16xi32>
        %lt3A_298 = arith.cmpi slt, %xor3A_295, %lt3A_297 : vector<16xi32>
        %add3A_299 = arith.constant 16 : i32
        %add3A_300 = vector.broadcast %add3A_299 : i32 to vector<16xi32>
        %add3A_301 = arith.addi %xor3A_295, %add3A_300 : vector<16xi32>
        %select_n3A_302 = arith.select %lt3A_298, %add3A_301, %xor3A_295 : vector<16xi1>, vector<16xi32>
        %broadcast_in_dim3A_303 = vector.shape_cast %select_n3A_302 : vector<16xi32> to vector<16x1xi32>
        %gather3A_304 = vector.shape_cast %broadcast_in_dim3A_303 : vector<16x1xi32> to vector<16xi32>
        %gather3A_305 = tpu.dynamic_gather %add3A_292[%gather3A_304] in [0] : vector<16xf32>, vector<16xi32> -> vector<16xf32>
        %add3A_306 = arith.addf %add3A_292, %gather3A_305 : vector<16xf32>
        %exp3A_307 = math.exp %add3A_306 : vector<16xf32>
        %add3A_308 = arith.addf %get3A_154, %get3A_166 : vector<16xf32>
        %mul3A_309 = arith.constant 2.000000e-01 : f32
        %mul3A_310 = vector.broadcast %mul3A_309 : f32 to vector<16xf32>
        %mul3A_311 = arith.mulf %mul3A_310, %add3A_308 : vector<16xf32>
        %max3A_312 = arith.maximumf %add3A_308, %mul3A_311 : vector<16xf32>
        %mul3A_313 = arith.mulf %max3A_312, %get3A_75 : vector<16xf32>
        %xor3A_314 = arith.constant 1 : i32
        %xor3A_315 = vector.broadcast %xor3A_314 : i32 to vector<16xi32>
        %xor3A_316 = arith.xori %iota3A, %xor3A_315 : vector<16xi32>
        %lt3A_317 = arith.constant 0 : i32
        %lt3A_318 = vector.broadcast %lt3A_317 : i32 to vector<16xi32>
        %lt3A_319 = arith.cmpi slt, %xor3A_316, %lt3A_318 : vector<16xi32>
        %add3A_320 = arith.constant 16 : i32
        %add3A_321 = vector.broadcast %add3A_320 : i32 to vector<16xi32>
        %add3A_322 = arith.addi %xor3A_316, %add3A_321 : vector<16xi32>
        %select_n3A_323 = arith.select %lt3A_319, %add3A_322, %xor3A_316 : vector<16xi1>, vector<16xi32>
        %broadcast_in_dim3A_324 = vector.shape_cast %select_n3A_323 : vector<16xi32> to vector<16x1xi32>
        %gather3A_325 = vector.shape_cast %broadcast_in_dim3A_324 : vector<16x1xi32> to vector<16xi32>
        %gather3A_326 = tpu.dynamic_gather %mul3A_313[%gather3A_325] in [0] : vector<16xf32>, vector<16xi32> -> vector<16xf32>
        %add3A_327 = arith.addf %mul3A_313, %gather3A_326 : vector<16xf32>
        %xor3A_328 = arith.constant 2 : i32
        %xor3A_329 = vector.broadcast %xor3A_328 : i32 to vector<16xi32>
        %xor3A_330 = arith.xori %iota3A, %xor3A_329 : vector<16xi32>
        %lt3A_331 = arith.constant 0 : i32
        %lt3A_332 = vector.broadcast %lt3A_331 : i32 to vector<16xi32>
        %lt3A_333 = arith.cmpi slt, %xor3A_330, %lt3A_332 : vector<16xi32>
        %add3A_334 = arith.constant 16 : i32
        %add3A_335 = vector.broadcast %add3A_334 : i32 to vector<16xi32>
        %add3A_336 = arith.addi %xor3A_330, %add3A_335 : vector<16xi32>
        %select_n3A_337 = arith.select %lt3A_333, %add3A_336, %xor3A_330 : vector<16xi1>, vector<16xi32>
        %broadcast_in_dim3A_338 = vector.shape_cast %select_n3A_337 : vector<16xi32> to vector<16x1xi32>
        %gather3A_339 = vector.shape_cast %broadcast_in_dim3A_338 : vector<16x1xi32> to vector<16xi32>
        %gather3A_340 = tpu.dynamic_gather %add3A_327[%gather3A_339] in [0] : vector<16xf32>, vector<16xi32> -> vector<16xf32>
        %add3A_341 = arith.addf %add3A_327, %gather3A_340 : vector<16xf32>
        %xor3A_342 = arith.constant 4 : i32
        %xor3A_343 = vector.broadcast %xor3A_342 : i32 to vector<16xi32>
        %xor3A_344 = arith.xori %iota3A, %xor3A_343 : vector<16xi32>
        %lt3A_345 = arith.constant 0 : i32
        %lt3A_346 = vector.broadcast %lt3A_345 : i32 to vector<16xi32>
        %lt3A_347 = arith.cmpi slt, %xor3A_344, %lt3A_346 : vector<16xi32>
        %add3A_348 = arith.constant 16 : i32
        %add3A_349 = vector.broadcast %add3A_348 : i32 to vector<16xi32>
        %add3A_350 = arith.addi %xor3A_344, %add3A_349 : vector<16xi32>
        %select_n3A_351 = arith.select %lt3A_347, %add3A_350, %xor3A_344 : vector<16xi1>, vector<16xi32>
        %broadcast_in_dim3A_352 = vector.shape_cast %select_n3A_351 : vector<16xi32> to vector<16x1xi32>
        %gather3A_353 = vector.shape_cast %broadcast_in_dim3A_352 : vector<16x1xi32> to vector<16xi32>
        %gather3A_354 = tpu.dynamic_gather %add3A_341[%gather3A_353] in [0] : vector<16xf32>, vector<16xi32> -> vector<16xf32>
        %add3A_355 = arith.addf %add3A_341, %gather3A_354 : vector<16xf32>
        %exp3A_356 = math.exp %add3A_355 : vector<16xf32>
        %mul3A_357 = arith.mulf %get3A_145, %exp3A : vector<16xf32>
        %swap3A = arith.index_cast %mul3A_142 : i32 to index
        %swap3A_358 = arith.constant 0 : index
        %swap3A_359 = tpu.vector_load %arg17[%swap3A, %swap3A_358] {strides = array<i32>} : memref<128x80xf32, #tpu.memory_space<vmem>>, vector<16xf32>,
        tpu.vector_store %arg17[%swap3A, %swap3A_358], %mul3A_357 {strides = array<i32>} : memref<128x80xf32, #tpu.memory_space<vmem>>, vector<16xf32>,
        %mul3A_360 = arith.mulf %get3A_148, %exp3A_258 : vector<16xf32>
        %swap3A_361 = arith.index_cast %mul3A_142 : i32 to index
        %swap3A_362 = arith.constant 16 : index
        %swap3A_363 = tpu.vector_load %arg17[%swap3A_361, %swap3A_362] {strides = array<i32>} : memref<128x80xf32, #tpu.memory_space<vmem>>, vector<16xf32>,
        tpu.vector_store %arg17[%swap3A_361, %swap3A_362], %mul3A_360 {strides = array<i32>} : memref<128x80xf32, #tpu.memory_space<vmem>>, vector<16xf32>,
        %mul3A_364 = arith.mulf %get3A_151, %exp3A_307 : vector<16xf32>
        %swap3A_365 = arith.index_cast %mul3A_142 : i32 to index
        %swap3A_366 = arith.constant 32 : index
        %swap3A_367 = tpu.vector_load %arg17[%swap3A_365, %swap3A_366] {strides = array<i32>} : memref<128x80xf32, #tpu.memory_space<vmem>>, vector<16xf32>,
        tpu.vector_store %arg17[%swap3A_365, %swap3A_366], %mul3A_364 {strides = array<i32>} : memref<128x80xf32, #tpu.memory_space<vmem>>, vector<16xf32>,
        %mul3A_368 = arith.mulf %get3A_154, %exp3A_356 : vector<16xf32>
        %swap3A_369 = arith.index_cast %mul3A_142 : i32 to index
        %swap3A_370 = arith.constant 48 : index
        %swap3A_371 = tpu.vector_load %arg17[%swap3A_369, %swap3A_370] {strides = array<i32>} : memref<128x80xf32, #tpu.memory_space<vmem>>, vector<16xf32>,
        tpu.vector_store %arg17[%swap3A_369, %swap3A_370], %mul3A_368 {strides = array<i32>} : memref<128x80xf32, #tpu.memory_space<vmem>>, vector<16xf32>,
        %lt3A_372 = arith.constant 0 : i32
        %lt3A_373 = vector.broadcast %lt3A_372 : i32 to vector<16xi32>
        %lt3A_374 = arith.cmpi slt, %mul3A_9, %lt3A_373 : vector<16xi32>
        %add3A_375 = arith.constant 16 : i32
        %add3A_376 = vector.broadcast %add3A_375 : i32 to vector<16xi32>
        %add3A_377 = arith.addi %mul3A_9, %add3A_376 : vector<16xi32>
        %select_n3A_378 = arith.select %lt3A_374, %add3A_377, %mul3A_9 : vector<16xi1>, vector<16xi32>
        %broadcast_in_dim3A_379 = vector.shape_cast %select_n3A_378 : vector<16xi32> to vector<16x1xi32>
        %gather3A_380 = vector.shape_cast %broadcast_in_dim3A_379 : vector<16x1xi32> to vector<16xi32>
        %gather3A_381 = tpu.dynamic_gather %exp3A[%gather3A_380] in [0] : vector<16xf32>, vector<16xi32> -> vector<16xf32>
        %shift_right_arithmetic3A = arith.constant 1 : i32
        %shift_right_arithmetic3A_382 = vector.broadcast %shift_right_arithmetic3A : i32 to vector<16xi32>
        %shift_right_arithmetic3A_383 = arith.shrsi %iota3A, %shift_right_arithmetic3A_382 : vector<16xi32>
        %eq3A = arith.constant 1 : i32
        %eq3A_384 = vector.broadcast %eq3A : i32 to vector<16xi32>
        %eq3A_385 = arith.cmpi eq, %shift_right_arithmetic3A_383, %eq3A_384 : vector<16xi32>
        %lt3A_386 = arith.constant 0 : i32
        %lt3A_387 = vector.broadcast %lt3A_386 : i32 to vector<16xi32>
        %lt3A_388 = arith.cmpi slt, %mul3A_9, %lt3A_387 : vector<16xi32>
        %add3A_389 = arith.constant 16 : i32
        %add3A_390 = vector.broadcast %add3A_389 : i32 to vector<16xi32>
        %add3A_391 = arith.addi %mul3A_9, %add3A_390 : vector<16xi32>
        %select_n3A_392 = arith.select %lt3A_388, %add3A_391, %mul3A_9 : vector<16xi1>, vector<16xi32>
        %broadcast_in_dim3A_393 = vector.shape_cast %select_n3A_392 : vector<16xi32> to vector<16x1xi32>
        %gather3A_394 = vector.shape_cast %broadcast_in_dim3A_393 : vector<16x1xi32> to vector<16xi32>
        %gather3A_395 = tpu.dynamic_gather %exp3A_258[%gather3A_394] in [0] : vector<16xf32>, vector<16xi32> -> vector<16xf32>
        %select_n3A_396 = arith.select %eq3A_385, %gather3A_395, %gather3A_381 : vector<16xi1>, vector<16xf32>
        %shift_right_arithmetic3A_397 = arith.constant 1 : i32
        %shift_right_arithmetic3A_398 = vector.broadcast %shift_right_arithmetic3A_397 : i32 to vector<16xi32>
        %shift_right_arithmetic3A_399 = arith.shrsi %iota3A, %shift_right_arithmetic3A_398 : vector<16xi32>
        %eq3A_400 = arith.constant 2 : i32
        %eq3A_401 = vector.broadcast %eq3A_400 : i32 to vector<16xi32>
        %eq3A_402 = arith.cmpi eq, %shift_right_arithmetic3A_399, %eq3A_401 : vector<16xi32>
        %lt3A_403 = arith.constant 0 : i32
        %lt3A_404 = vector.broadcast %lt3A_403 : i32 to vector<16xi32>
        %lt3A_405 = arith.cmpi slt, %mul3A_9, %lt3A_404 : vector<16xi32>
        %add3A_406 = arith.constant 16 : i32
        %add3A_407 = vector.broadcast %add3A_406 : i32 to vector<16xi32>
        %add3A_408 = arith.addi %mul3A_9, %add3A_407 : vector<16xi32>
        %select_n3A_409 = arith.select %lt3A_405, %add3A_408, %mul3A_9 : vector<16xi1>, vector<16xi32>
        %broadcast_in_dim3A_410 = vector.shape_cast %select_n3A_409 : vector<16xi32> to vector<16x1xi32>
        %gather3A_411 = vector.shape_cast %broadcast_in_dim3A_410 : vector<16x1xi32> to vector<16xi32>
        %gather3A_412 = tpu.dynamic_gather %exp3A_307[%gather3A_411] in [0] : vector<16xf32>, vector<16xi32> -> vector<16xf32>
        %select_n3A_413 = arith.select %eq3A_402, %gather3A_412, %select_n3A_396 : vector<16xi1>, vector<16xf32>
        %shift_right_arithmetic3A_414 = arith.constant 1 : i32
        %shift_right_arithmetic3A_415 = vector.broadcast %shift_right_arithmetic3A_414 : i32 to vector<16xi32>
        %shift_right_arithmetic3A_416 = arith.shrsi %iota3A, %shift_right_arithmetic3A_415 : vector<16xi32>
        %eq3A_417 = arith.constant 3 : i32
        %eq3A_418 = vector.broadcast %eq3A_417 : i32 to vector<16xi32>
        %eq3A_419 = arith.cmpi eq, %shift_right_arithmetic3A_416, %eq3A_418 : vector<16xi32>
        %lt3A_420 = arith.constant 0 : i32
        %lt3A_421 = vector.broadcast %lt3A_420 : i32 to vector<16xi32>
        %lt3A_422 = arith.cmpi slt, %mul3A_9, %lt3A_421 : vector<16xi32>
        %add3A_423 = arith.constant 16 : i32
        %add3A_424 = vector.broadcast %add3A_423 : i32 to vector<16xi32>
        %add3A_425 = arith.addi %mul3A_9, %add3A_424 : vector<16xi32>
        %select_n3A_426 = arith.select %lt3A_422, %add3A_425, %mul3A_9 : vector<16xi1>, vector<16xi32>
        %broadcast_in_dim3A_427 = vector.shape_cast %select_n3A_426 : vector<16xi32> to vector<16x1xi32>
        %gather3A_428 = vector.shape_cast %broadcast_in_dim3A_427 : vector<16x1xi32> to vector<16xi32>
        %gather3A_429 = tpu.dynamic_gather %exp3A_356[%gather3A_428] in [0] : vector<16xf32>, vector<16xi32> -> vector<16xf32>
        %select_n3A_430 = arith.select %eq3A_419, %gather3A_429, %select_n3A_413 : vector<16xi1>, vector<16xf32>
        %swap3A_431 = arith.index_cast %mul3A_142 : i32 to index
        %swap3A_432 = arith.constant 64 : index
        %swap3A_433 = tpu.vector_load %arg17[%swap3A_431, %swap3A_432] {strides = array<i32>} : memref<128x80xf32, #tpu.memory_space<vmem>>, vector<16xf32>,
        tpu.vector_store %arg17[%swap3A_431, %swap3A_432], %select_n3A_430 {strides = array<i32>} : memref<128x80xf32, #tpu.memory_space<vmem>>, vector<16xf32>,
        %mul3A_434 = arith.constant 2 : i32
        %mul3A_435 = arith.muli %mul3A_434, %scan3A_139 : i32
        %add3A_436 = arith.constant 1 : i32
        %add3A_437 = arith.addi %mul3A_435, %add3A_436 : i32
        %get3A_438 = arith.index_cast %add3A_437 : i32 to index
        %get3A_439 = arith.constant 0 : index
        %get3A_440 = tpu.vector_load %arg13[%get3A_438, %get3A_439] {strides = array<i32>} : memref<128x64xf32, #tpu.memory_space<vmem>>, vector<16xf32>,
        %get3A_441 = arith.index_cast %add3A_437 : i32 to index
        %get3A_442 = arith.constant 16 : index
        %get3A_443 = tpu.vector_load %arg13[%get3A_441, %get3A_442] {strides = array<i32>} : memref<128x64xf32, #tpu.memory_space<vmem>>, vector<16xf32>,
        %get3A_444 = arith.index_cast %add3A_437 : i32 to index
        %get3A_445 = arith.constant 32 : index
        %get3A_446 = tpu.vector_load %arg13[%get3A_444, %get3A_445] {strides = array<i32>} : memref<128x64xf32, #tpu.memory_space<vmem>>, vector<16xf32>,
        %get3A_447 = arith.index_cast %add3A_437 : i32 to index
        %get3A_448 = arith.constant 48 : index
        %get3A_449 = tpu.vector_load %arg13[%get3A_447, %get3A_448] {strides = array<i32>} : memref<128x64xf32, #tpu.memory_space<vmem>>, vector<16xf32>,
        %get3A_450 = arith.index_cast %add3A_437 : i32 to index
        %get3A_451 = arith.constant 0 : index
        %get3A_452 = tpu.vector_load %arg15[%get3A_450, %get3A_451] {strides = array<i32>} : memref<128x64xf32, #tpu.memory_space<vmem>>, vector<16xf32>,
        %get3A_453 = arith.index_cast %add3A_437 : i32 to index
        %get3A_454 = arith.constant 16 : index
        %get3A_455 = tpu.vector_load %arg15[%get3A_453, %get3A_454] {strides = array<i32>} : memref<128x64xf32, #tpu.memory_space<vmem>>, vector<16xf32>,
        %get3A_456 = arith.index_cast %add3A_437 : i32 to index
        %get3A_457 = arith.constant 32 : index
        %get3A_458 = tpu.vector_load %arg15[%get3A_456, %get3A_457] {strides = array<i32>} : memref<128x64xf32, #tpu.memory_space<vmem>>, vector<16xf32>,
        %get3A_459 = arith.index_cast %add3A_437 : i32 to index
        %get3A_460 = arith.constant 48 : index
        %get3A_461 = tpu.vector_load %arg15[%get3A_459, %get3A_460] {strides = array<i32>} : memref<128x64xf32, #tpu.memory_space<vmem>>, vector<16xf32>,
        %add3A_462 = arith.addf %get3A_440, %get3A_452 : vector<16xf32>
        %mul3A_463 = arith.constant 2.000000e-01 : f32
        %mul3A_464 = vector.broadcast %mul3A_463 : f32 to vector<16xf32>
        %mul3A_465 = arith.mulf %mul3A_464, %add3A_462 : vector<16xf32>
        %max3A_466 = arith.maximumf %add3A_462, %mul3A_465 : vector<16xf32>
        %mul3A_467 = arith.mulf %max3A_466, %get3A_69 : vector<16xf32>
        %xor3A_468 = arith.constant 1 : i32
        %xor3A_469 = vector.broadcast %xor3A_468 : i32 to vector<16xi32>
        %xor3A_470 = arith.xori %iota3A, %xor3A_469 : vector<16xi32>
        %lt3A_471 = arith.constant 0 : i32
        %lt3A_472 = vector.broadcast %lt3A_471 : i32 to vector<16xi32>
        %lt3A_473 = arith.cmpi slt, %xor3A_470, %lt3A_472 : vector<16xi32>
        %add3A_474 = arith.constant 16 : i32
        %add3A_475 = vector.broadcast %add3A_474 : i32 to vector<16xi32>
        %add3A_476 = arith.addi %xor3A_470, %add3A_475 : vector<16xi32>
        %select_n3A_477 = arith.select %lt3A_473, %add3A_476, %xor3A_470 : vector<16xi1>, vector<16xi32>
        %broadcast_in_dim3A_478 = vector.shape_cast %select_n3A_477 : vector<16xi32> to vector<16x1xi32>
        %gather3A_479 = vector.shape_cast %broadcast_in_dim3A_478 : vector<16x1xi32> to vector<16xi32>
        %gather3A_480 = tpu.dynamic_gather %mul3A_467[%gather3A_479] in [0] : vector<16xf32>, vector<16xi32> -> vector<16xf32>
        %add3A_481 = arith.addf %mul3A_467, %gather3A_480 : vector<16xf32>
        %xor3A_482 = arith.constant 2 : i32
        %xor3A_483 = vector.broadcast %xor3A_482 : i32 to vector<16xi32>
        %xor3A_484 = arith.xori %iota3A, %xor3A_483 : vector<16xi32>
        %lt3A_485 = arith.constant 0 : i32
        %lt3A_486 = vector.broadcast %lt3A_485 : i32 to vector<16xi32>
        %lt3A_487 = arith.cmpi slt, %xor3A_484, %lt3A_486 : vector<16xi32>
        %add3A_488 = arith.constant 16 : i32
        %add3A_489 = vector.broadcast %add3A_488 : i32 to vector<16xi32>
        %add3A_490 = arith.addi %xor3A_484, %add3A_489 : vector<16xi32>
        %select_n3A_491 = arith.select %lt3A_487, %add3A_490, %xor3A_484 : vector<16xi1>, vector<16xi32>
        %broadcast_in_dim3A_492 = vector.shape_cast %select_n3A_491 : vector<16xi32> to vector<16x1xi32>
        %gather3A_493 = vector.shape_cast %broadcast_in_dim3A_492 : vector<16x1xi32> to vector<16xi32>
        %gather3A_494 = tpu.dynamic_gather %add3A_481[%gather3A_493] in [0] : vector<16xf32>, vector<16xi32> -> vector<16xf32>
        %add3A_495 = arith.addf %add3A_481, %gather3A_494 : vector<16xf32>
        %xor3A_496 = arith.constant 4 : i32
        %xor3A_497 = vector.broadcast %xor3A_496 : i32 to vector<16xi32>
        %xor3A_498 = arith.xori %iota3A, %xor3A_497 : vector<16xi32>
        %lt3A_499 = arith.constant 0 : i32
        %lt3A_500 = vector.broadcast %lt3A_499 : i32 to vector<16xi32>
        %lt3A_501 = arith.cmpi slt, %xor3A_498, %lt3A_500 : vector<16xi32>
        %add3A_502 = arith.constant 16 : i32
        %add3A_503 = vector.broadcast %add3A_502 : i32 to vector<16xi32>
        %add3A_504 = arith.addi %xor3A_498, %add3A_503 : vector<16xi32>
        %select_n3A_505 = arith.select %lt3A_501, %add3A_504, %xor3A_498 : vector<16xi1>, vector<16xi32>
        %broadcast_in_dim3A_506 = vector.shape_cast %select_n3A_505 : vector<16xi32> to vector<16x1xi32>
        %gather3A_507 = vector.shape_cast %broadcast_in_dim3A_506 : vector<16x1xi32> to vector<16xi32>
        %gather3A_508 = tpu.dynamic_gather %add3A_495[%gather3A_507] in [0] : vector<16xf32>, vector<16xi32> -> vector<16xf32>
        %add3A_509 = arith.addf %add3A_495, %gather3A_508 : vector<16xf32>
        %exp3A_510 = math.exp %add3A_509 : vector<16xf32>
        %add3A_511 = arith.addf %get3A_443, %get3A_455 : vector<16xf32>
        %mul3A_512 = arith.constant 2.000000e-01 : f32
        %mul3A_513 = vector.broadcast %mul3A_512 : f32 to vector<16xf32>
        %mul3A_514 = arith.mulf %mul3A_513, %add3A_511 : vector<16xf32>
        %max3A_515 = arith.maximumf %add3A_511, %mul3A_514 : vector<16xf32>
        %mul3A_516 = arith.mulf %max3A_515, %get3A_71 : vector<16xf32>
        %xor3A_517 = arith.constant 1 : i32
        %xor3A_518 = vector.broadcast %xor3A_517 : i32 to vector<16xi32>
        %xor3A_519 = arith.xori %iota3A, %xor3A_518 : vector<16xi32>
        %lt3A_520 = arith.constant 0 : i32
        %lt3A_521 = vector.broadcast %lt3A_520 : i32 to vector<16xi32>
        %lt3A_522 = arith.cmpi slt, %xor3A_519, %lt3A_521 : vector<16xi32>
        %add3A_523 = arith.constant 16 : i32
        %add3A_524 = vector.broadcast %add3A_523 : i32 to vector<16xi32>
        %add3A_525 = arith.addi %xor3A_519, %add3A_524 : vector<16xi32>
        %select_n3A_526 = arith.select %lt3A_522, %add3A_525, %xor3A_519 : vector<16xi1>, vector<16xi32>
        %broadcast_in_dim3A_527 = vector.shape_cast %select_n3A_526 : vector<16xi32> to vector<16x1xi32>
        %gather3A_528 = vector.shape_cast %broadcast_in_dim3A_527 : vector<16x1xi32> to vector<16xi32>
        %gather3A_529 = tpu.dynamic_gather %mul3A_516[%gather3A_528] in [0] : vector<16xf32>, vector<16xi32> -> vector<16xf32>
        %add3A_530 = arith.addf %mul3A_516, %gather3A_529 : vector<16xf32>
        %xor3A_531 = arith.constant 2 : i32
        %xor3A_532 = vector.broadcast %xor3A_531 : i32 to vector<16xi32>
        %xor3A_533 = arith.xori %iota3A, %xor3A_532 : vector<16xi32>
        %lt3A_534 = arith.constant 0 : i32
        %lt3A_535 = vector.broadcast %lt3A_534 : i32 to vector<16xi32>
        %lt3A_536 = arith.cmpi slt, %xor3A_533, %lt3A_535 : vector<16xi32>
        %add3A_537 = arith.constant 16 : i32
        %add3A_538 = vector.broadcast %add3A_537 : i32 to vector<16xi32>
        %add3A_539 = arith.addi %xor3A_533, %add3A_538 : vector<16xi32>
        %select_n3A_540 = arith.select %lt3A_536, %add3A_539, %xor3A_533 : vector<16xi1>, vector<16xi32>
        %broadcast_in_dim3A_541 = vector.shape_cast %select_n3A_540 : vector<16xi32> to vector<16x1xi32>
        %gather3A_542 = vector.shape_cast %broadcast_in_dim3A_541 : vector<16x1xi32> to vector<16xi32>
        %gather3A_543 = tpu.dynamic_gather %add3A_530[%gather3A_542] in [0] : vector<16xf32>, vector<16xi32> -> vector<16xf32>
        %add3A_544 = arith.addf %add3A_530, %gather3A_543 : vector<16xf32>
        %xor3A_545 = arith.constant 4 : i32
        %xor3A_546 = vector.broadcast %xor3A_545 : i32 to vector<16xi32>
        %xor3A_547 = arith.xori %iota3A, %xor3A_546 : vector<16xi32>
        %lt3A_548 = arith.constant 0 : i32
        %lt3A_549 = vector.broadcast %lt3A_548 : i32 to vector<16xi32>
        %lt3A_550 = arith.cmpi slt, %xor3A_547, %lt3A_549 : vector<16xi32>
        %add3A_551 = arith.constant 16 : i32
        %add3A_552 = vector.broadcast %add3A_551 : i32 to vector<16xi32>
        %add3A_553 = arith.addi %xor3A_547, %add3A_552 : vector<16xi32>
        %select_n3A_554 = arith.select %lt3A_550, %add3A_553, %xor3A_547 : vector<16xi1>, vector<16xi32>
        %broadcast_in_dim3A_555 = vector.shape_cast %select_n3A_554 : vector<16xi32> to vector<16x1xi32>
        %gather3A_556 = vector.shape_cast %broadcast_in_dim3A_555 : vector<16x1xi32> to vector<16xi32>
        %gather3A_557 = tpu.dynamic_gather %add3A_544[%gather3A_556] in [0] : vector<16xf32>, vector<16xi32> -> vector<16xf32>
        %add3A_558 = arith.addf %add3A_544, %gather3A_557 : vector<16xf32>
        %exp3A_559 = math.exp %add3A_558 : vector<16xf32>
        %add3A_560 = arith.addf %get3A_446, %get3A_458 : vector<16xf32>
        %mul3A_561 = arith.constant 2.000000e-01 : f32
        %mul3A_562 = vector.broadcast %mul3A_561 : f32 to vector<16xf32>
        %mul3A_563 = arith.mulf %mul3A_562, %add3A_560 : vector<16xf32>
        %max3A_564 = arith.maximumf %add3A_560, %mul3A_563 : vector<16xf32>
        %mul3A_565 = arith.mulf %max3A_564, %get3A_73 : vector<16xf32>
        %xor3A_566 = arith.constant 1 : i32
        %xor3A_567 = vector.broadcast %xor3A_566 : i32 to vector<16xi32>
        %xor3A_568 = arith.xori %iota3A, %xor3A_567 : vector<16xi32>
        %lt3A_569 = arith.constant 0 : i32
        %lt3A_570 = vector.broadcast %lt3A_569 : i32 to vector<16xi32>
        %lt3A_571 = arith.cmpi slt, %xor3A_568, %lt3A_570 : vector<16xi32>
        %add3A_572 = arith.constant 16 : i32
        %add3A_573 = vector.broadcast %add3A_572 : i32 to vector<16xi32>
        %add3A_574 = arith.addi %xor3A_568, %add3A_573 : vector<16xi32>
        %select_n3A_575 = arith.select %lt3A_571, %add3A_574, %xor3A_568 : vector<16xi1>, vector<16xi32>
        %broadcast_in_dim3A_576 = vector.shape_cast %select_n3A_575 : vector<16xi32> to vector<16x1xi32>
        %gather3A_577 = vector.shape_cast %broadcast_in_dim3A_576 : vector<16x1xi32> to vector<16xi32>
        %gather3A_578 = tpu.dynamic_gather %mul3A_565[%gather3A_577] in [0] : vector<16xf32>, vector<16xi32> -> vector<16xf32>
        %add3A_579 = arith.addf %mul3A_565, %gather3A_578 : vector<16xf32>
        %xor3A_580 = arith.constant 2 : i32
        %xor3A_581 = vector.broadcast %xor3A_580 : i32 to vector<16xi32>
        %xor3A_582 = arith.xori %iota3A, %xor3A_581 : vector<16xi32>
        %lt3A_583 = arith.constant 0 : i32
        %lt3A_584 = vector.broadcast %lt3A_583 : i32 to vector<16xi32>
        %lt3A_585 = arith.cmpi slt, %xor3A_582, %lt3A_584 : vector<16xi32>
        %add3A_586 = arith.constant 16 : i32
        %add3A_587 = vector.broadcast %add3A_586 : i32 to vector<16xi32>
        %add3A_588 = arith.addi %xor3A_582, %add3A_587 : vector<16xi32>
        %select_n3A_589 = arith.select %lt3A_585, %add3A_588, %xor3A_582 : vector<16xi1>, vector<16xi32>
        %broadcast_in_dim3A_590 = vector.shape_cast %select_n3A_589 : vector<16xi32> to vector<16x1xi32>
        %gather3A_591 = vector.shape_cast %broadcast_in_dim3A_590 : vector<16x1xi32> to vector<16xi32>
        %gather3A_592 = tpu.dynamic_gather %add3A_579[%gather3A_591] in [0] : vector<16xf32>, vector<16xi32> -> vector<16xf32>
        %add3A_593 = arith.addf %add3A_579, %gather3A_592 : vector<16xf32>
        %xor3A_594 = arith.constant 4 : i32
        %xor3A_595 = vector.broadcast %xor3A_594 : i32 to vector<16xi32>
        %xor3A_596 = arith.xori %iota3A, %xor3A_595 : vector<16xi32>
        %lt3A_597 = arith.constant 0 : i32
        %lt3A_598 = vector.broadcast %lt3A_597 : i32 to vector<16xi32>
        %lt3A_599 = arith.cmpi slt, %xor3A_596, %lt3A_598 : vector<16xi32>
        %add3A_600 = arith.constant 16 : i32
        %add3A_601 = vector.broadcast %add3A_600 : i32 to vector<16xi32>
        %add3A_602 = arith.addi %xor3A_596, %add3A_601 : vector<16xi32>
        %select_n3A_603 = arith.select %lt3A_599, %add3A_602, %xor3A_596 : vector<16xi1>, vector<16xi32>
        %broadcast_in_dim3A_604 = vector.shape_cast %select_n3A_603 : vector<16xi32> to vector<16x1xi32>
        %gather3A_605 = vector.shape_cast %broadcast_in_dim3A_604 : vector<16x1xi32> to vector<16xi32>
        %gather3A_606 = tpu.dynamic_gather %add3A_593[%gather3A_605] in [0] : vector<16xf32>, vector<16xi32> -> vector<16xf32>
        %add3A_607 = arith.addf %add3A_593, %gather3A_606 : vector<16xf32>
        %exp3A_608 = math.exp %add3A_607 : vector<16xf32>
        %add3A_609 = arith.addf %get3A_449, %get3A_461 : vector<16xf32>
        %mul3A_610 = arith.constant 2.000000e-01 : f32
        %mul3A_611 = vector.broadcast %mul3A_610 : f32 to vector<16xf32>
        %mul3A_612 = arith.mulf %mul3A_611, %add3A_609 : vector<16xf32>
        %max3A_613 = arith.maximumf %add3A_609, %mul3A_612 : vector<16xf32>
        %mul3A_614 = arith.mulf %max3A_613, %get3A_75 : vector<16xf32>
        %xor3A_615 = arith.constant 1 : i32
        %xor3A_616 = vector.broadcast %xor3A_615 : i32 to vector<16xi32>
        %xor3A_617 = arith.xori %iota3A, %xor3A_616 : vector<16xi32>
        %lt3A_618 = arith.constant 0 : i32
        %lt3A_619 = vector.broadcast %lt3A_618 : i32 to vector<16xi32>
        %lt3A_620 = arith.cmpi slt, %xor3A_617, %lt3A_619 : vector<16xi32>
        %add3A_621 = arith.constant 16 : i32
        %add3A_622 = vector.broadcast %add3A_621 : i32 to vector<16xi32>
        %add3A_623 = arith.addi %xor3A_617, %add3A_622 : vector<16xi32>
        %select_n3A_624 = arith.select %lt3A_620, %add3A_623, %xor3A_617 : vector<16xi1>, vector<16xi32>
        %broadcast_in_dim3A_625 = vector.shape_cast %select_n3A_624 : vector<16xi32> to vector<16x1xi32>
        %gather3A_626 = vector.shape_cast %broadcast_in_dim3A_625 : vector<16x1xi32> to vector<16xi32>
        %gather3A_627 = tpu.dynamic_gather %mul3A_614[%gather3A_626] in [0] : vector<16xf32>, vector<16xi32> -> vector<16xf32>
        %add3A_628 = arith.addf %mul3A_614, %gather3A_627 : vector<16xf32>
        %xor3A_629 = arith.constant 2 : i32
        %xor3A_630 = vector.broadcast %xor3A_629 : i32 to vector<16xi32>
        %xor3A_631 = arith.xori %iota3A, %xor3A_630 : vector<16xi32>
        %lt3A_632 = arith.constant 0 : i32
        %lt3A_633 = vector.broadcast %lt3A_632 : i32 to vector<16xi32>
        %lt3A_634 = arith.cmpi slt, %xor3A_631, %lt3A_633 : vector<16xi32>
        %add3A_635 = arith.constant 16 : i32
        %add3A_636 = vector.broadcast %add3A_635 : i32 to vector<16xi32>
        %add3A_637 = arith.addi %xor3A_631, %add3A_636 : vector<16xi32>
        %select_n3A_638 = arith.select %lt3A_634, %add3A_637, %xor3A_631 : vector<16xi1>, vector<16xi32>
        %broadcast_in_dim3A_639 = vector.shape_cast %select_n3A_638 : vector<16xi32> to vector<16x1xi32>
        %gather3A_640 = vector.shape_cast %broadcast_in_dim3A_639 : vector<16x1xi32> to vector<16xi32>
        %gather3A_641 = tpu.dynamic_gather %add3A_628[%gather3A_640] in [0] : vector<16xf32>, vector<16xi32> -> vector<16xf32>
        %add3A_642 = arith.addf %add3A_628, %gather3A_641 : vector<16xf32>
        %xor3A_643 = arith.constant 4 : i32
        %xor3A_644 = vector.broadcast %xor3A_643 : i32 to vector<16xi32>
        %xor3A_645 = arith.xori %iota3A, %xor3A_644 : vector<16xi32>
        %lt3A_646 = arith.constant 0 : i32
        %lt3A_647 = vector.broadcast %lt3A_646 : i32 to vector<16xi32>
        %lt3A_648 = arith.cmpi slt, %xor3A_645, %lt3A_647 : vector<16xi32>
        %add3A_649 = arith.constant 16 : i32
        %add3A_650 = vector.broadcast %add3A_649 : i32 to vector<16xi32>
        %add3A_651 = arith.addi %xor3A_645, %add3A_650 : vector<16xi32>
        %select_n3A_652 = arith.select %lt3A_648, %add3A_651, %xor3A_645 : vector<16xi1>, vector<16xi32>
        %broadcast_in_dim3A_653 = vector.shape_cast %select_n3A_652 : vector<16xi32> to vector<16x1xi32>
        %gather3A_654 = vector.shape_cast %broadcast_in_dim3A_653 : vector<16x1xi32> to vector<16xi32>
        %gather3A_655 = tpu.dynamic_gather %add3A_642[%gather3A_654] in [0] : vector<16xf32>, vector<16xi32> -> vector<16xf32>
        %add3A_656 = arith.addf %add3A_642, %gather3A_655 : vector<16xf32>
        %exp3A_657 = math.exp %add3A_656 : vector<16xf32>
        %mul3A_658 = arith.mulf %get3A_440, %exp3A_510 : vector<16xf32>
        %swap3A_659 = arith.index_cast %add3A_437 : i32 to index
        %swap3A_660 = arith.constant 0 : index
        %swap3A_661 = tpu.vector_load %arg17[%swap3A_659, %swap3A_660] {strides = array<i32>} : memref<128x80xf32, #tpu.memory_space<vmem>>, vector<16xf32>,
        tpu.vector_store %arg17[%swap3A_659, %swap3A_660], %mul3A_658 {strides = array<i32>} : memref<128x80xf32, #tpu.memory_space<vmem>>, vector<16xf32>,
        %mul3A_662 = arith.mulf %get3A_443, %exp3A_559 : vector<16xf32>
        %swap3A_663 = arith.index_cast %add3A_437 : i32 to index
        %swap3A_664 = arith.constant 16 : index
        %swap3A_665 = tpu.vector_load %arg17[%swap3A_663, %swap3A_664] {strides = array<i32>} : memref<128x80xf32, #tpu.memory_space<vmem>>, vector<16xf32>,
        tpu.vector_store %arg17[%swap3A_663, %swap3A_664], %mul3A_662 {strides = array<i32>} : memref<128x80xf32, #tpu.memory_space<vmem>>, vector<16xf32>,
        %mul3A_666 = arith.mulf %get3A_446, %exp3A_608 : vector<16xf32>
        %swap3A_667 = arith.index_cast %add3A_437 : i32 to index
        %swap3A_668 = arith.constant 32 : index
        %swap3A_669 = tpu.vector_load %arg17[%swap3A_667, %swap3A_668] {strides = array<i32>} : memref<128x80xf32, #tpu.memory_space<vmem>>, vector<16xf32>,
        tpu.vector_store %arg17[%swap3A_667, %swap3A_668], %mul3A_666 {strides = array<i32>} : memref<128x80xf32, #tpu.memory_space<vmem>>, vector<16xf32>,
        %mul3A_670 = arith.mulf %get3A_449, %exp3A_657 : vector<16xf32>
        %swap3A_671 = arith.index_cast %add3A_437 : i32 to index
        %swap3A_672 = arith.constant 48 : index
        %swap3A_673 = tpu.vector_load %arg17[%swap3A_671, %swap3A_672] {strides = array<i32>} : memref<128x80xf32, #tpu.memory_space<vmem>>, vector<16xf32>,
        tpu.vector_store %arg17[%swap3A_671, %swap3A_672], %mul3A_670 {strides = array<i32>} : memref<128x80xf32, #tpu.memory_space<vmem>>, vector<16xf32>,
        %lt3A_674 = arith.constant 0 : i32
        %lt3A_675 = vector.broadcast %lt3A_674 : i32 to vector<16xi32>
        %lt3A_676 = arith.cmpi slt, %mul3A_9, %lt3A_675 : vector<16xi32>
        %add3A_677 = arith.constant 16 : i32
        %add3A_678 = vector.broadcast %add3A_677 : i32 to vector<16xi32>
        %add3A_679 = arith.addi %mul3A_9, %add3A_678 : vector<16xi32>
        %select_n3A_680 = arith.select %lt3A_676, %add3A_679, %mul3A_9 : vector<16xi1>, vector<16xi32>
        %broadcast_in_dim3A_681 = vector.shape_cast %select_n3A_680 : vector<16xi32> to vector<16x1xi32>
        %gather3A_682 = vector.shape_cast %broadcast_in_dim3A_681 : vector<16x1xi32> to vector<16xi32>
        %gather3A_683 = tpu.dynamic_gather %exp3A_510[%gather3A_682] in [0] : vector<16xf32>, vector<16xi32> -> vector<16xf32>
        %shift_right_arithmetic3A_684 = arith.constant 1 : i32
        %shift_right_arithmetic3A_685 = vector.broadcast %shift_right_arithmetic3A_684 : i32 to vector<16xi32>
        %shift_right_arithmetic3A_686 = arith.shrsi %iota3A, %shift_right_arithmetic3A_685 : vector<16xi32>
        %eq3A_687 = arith.constant 1 : i32
        %eq3A_688 = vector.broadcast %eq3A_687 : i32 to vector<16xi32>
        %eq3A_689 = arith.cmpi eq, %shift_right_arithmetic3A_686, %eq3A_688 : vector<16xi32>
        %lt3A_690 = arith.constant 0 : i32
        %lt3A_691 = vector.broadcast %lt3A_690 : i32 to vector<16xi32>
        %lt3A_692 = arith.cmpi slt, %mul3A_9, %lt3A_691 : vector<16xi32>
        %add3A_693 = arith.constant 16 : i32
        %add3A_694 = vector.broadcast %add3A_693 : i32 to vector<16xi32>
        %add3A_695 = arith.addi %mul3A_9, %add3A_694 : vector<16xi32>
        %select_n3A_696 = arith.select %lt3A_692, %add3A_695, %mul3A_9 : vector<16xi1>, vector<16xi32>
        %broadcast_in_dim3A_697 = vector.shape_cast %select_n3A_696 : vector<16xi32> to vector<16x1xi32>
        %gather3A_698 = vector.shape_cast %broadcast_in_dim3A_697 : vector<16x1xi32> to vector<16xi32>
        %gather3A_699 = tpu.dynamic_gather %exp3A_559[%gather3A_698] in [0] : vector<16xf32>, vector<16xi32> -> vector<16xf32>
        %select_n3A_700 = arith.select %eq3A_689, %gather3A_699, %gather3A_683 : vector<16xi1>, vector<16xf32>
        %shift_right_arithmetic3A_701 = arith.constant 1 : i32
        %shift_right_arithmetic3A_702 = vector.broadcast %shift_right_arithmetic3A_701 : i32 to vector<16xi32>
        %shift_right_arithmetic3A_703 = arith.shrsi %iota3A, %shift_right_arithmetic3A_702 : vector<16xi32>
        %eq3A_704 = arith.constant 2 : i32
        %eq3A_705 = vector.broadcast %eq3A_704 : i32 to vector<16xi32>
        %eq3A_706 = arith.cmpi eq, %shift_right_arithmetic3A_703, %eq3A_705 : vector<16xi32>
        %lt3A_707 = arith.constant 0 : i32
        %lt3A_708 = vector.broadcast %lt3A_707 : i32 to vector<16xi32>
        %lt3A_709 = arith.cmpi slt, %mul3A_9, %lt3A_708 : vector<16xi32>
        %add3A_710 = arith.constant 16 : i32
        %add3A_711 = vector.broadcast %add3A_710 : i32 to vector<16xi32>
        %add3A_712 = arith.addi %mul3A_9, %add3A_711 : vector<16xi32>
        %select_n3A_713 = arith.select %lt3A_709, %add3A_712, %mul3A_9 : vector<16xi1>, vector<16xi32>
        %broadcast_in_dim3A_714 = vector.shape_cast %select_n3A_713 : vector<16xi32> to vector<16x1xi32>
        %gather3A_715 = vector.shape_cast %broadcast_in_dim3A_714 : vector<16x1xi32> to vector<16xi32>
        %gather3A_716 = tpu.dynamic_gather %exp3A_608[%gather3A_715] in [0] : vector<16xf32>, vector<16xi32> -> vector<16xf32>
        %select_n3A_717 = arith.select %eq3A_706, %gather3A_716, %select_n3A_700 : vector<16xi1>, vector<16xf32>
        %shift_right_arithmetic3A_718 = arith.constant 1 : i32
        %shift_right_arithmetic3A_719 = vector.broadcast %shift_right_arithmetic3A_718 : i32 to vector<16xi32>
        %shift_right_arithmetic3A_720 = arith.shrsi %iota3A, %shift_right_arithmetic3A_719 : vector<16xi32>
        %eq3A_721 = arith.constant 3 : i32
        %eq3A_722 = vector.broadcast %eq3A_721 : i32 to vector<16xi32>
        %eq3A_723 = arith.cmpi eq, %shift_right_arithmetic3A_720, %eq3A_722 : vector<16xi32>
        %lt3A_724 = arith.constant 0 : i32
        %lt3A_725 = vector.broadcast %lt3A_724 : i32 to vector<16xi32>
        %lt3A_726 = arith.cmpi slt, %mul3A_9, %lt3A_725 : vector<16xi32>
        %add3A_727 = arith.constant 16 : i32
        %add3A_728 = vector.broadcast %add3A_727 : i32 to vector<16xi32>
        %add3A_729 = arith.addi %mul3A_9, %add3A_728 : vector<16xi32>
        %select_n3A_730 = arith.select %lt3A_726, %add3A_729, %mul3A_9 : vector<16xi1>, vector<16xi32>
        %broadcast_in_dim3A_731 = vector.shape_cast %select_n3A_730 : vector<16xi32> to vector<16x1xi32>
        %gather3A_732 = vector.shape_cast %broadcast_in_dim3A_731 : vector<16x1xi32> to vector<16xi32>
        %gather3A_733 = tpu.dynamic_gather %exp3A_657[%gather3A_732] in [0] : vector<16xf32>, vector<16xi32> -> vector<16xf32>
        %select_n3A_734 = arith.select %eq3A_723, %gather3A_733, %select_n3A_717 : vector<16xi1>, vector<16xf32>
        %swap3A_735 = arith.index_cast %add3A_437 : i32 to index
        %swap3A_736 = arith.constant 64 : index
        %swap3A_737 = tpu.vector_load %arg17[%swap3A_735, %swap3A_736] {strides = array<i32>} : memref<128x80xf32, #tpu.memory_space<vmem>>, vector<16xf32>,
        tpu.vector_store %arg17[%swap3A_735, %swap3A_736], %select_n3A_734 {strides = array<i32>} : memref<128x80xf32, #tpu.memory_space<vmem>>, vector<16xf32>,
        %scan3A_738 = arith.constant 0 : i32
        scf.yield %scan3A_738 : i32
      }
      %scan3A_82 = arith.constant 64 : i32
      %dma_start3A_83 = arith.constant 0 : i32
      %dma_start3A_84 = tpu.memref_slice %arg12[%mul3A_48, %dma_start3A_83] : memref<82x128xi32, #tpu.memory_space<vmem>> -> memref<1x128xi32, #tpu.memory_space<vmem>>
      %dma_start3A_85 = tpu.memref_squeeze %dma_start3A_84 : memref<1x128xi32, #tpu.memory_space<vmem>> -> memref<128xi32, #tpu.memory_space<vmem>>
      %dma_start3A_86 = arith.constant 0 : i32
      %dma_start3A_87 = arith.constant 0 : i32
      %dma_start3A_88 = tpu.memref_slice %arg9[%dma_start3A_86, %dma_start3A_87] : memref<10112x80xf32, #tpu.memory_space<vmem_shared>> -> memref<10112x80xf32, #tpu.memory_space<vmem_shared>>
      tpu.enqueue_indirect_dma source(%arg17 : memref<128x80xf32, #tpu.memory_space<vmem>>) target(%dma_start3A_88 : memref<10112x80xf32, #tpu.memory_space<vmem_shared>>) offsets(%dma_start3A_85 : memref<128xi32, #tpu.memory_space<vmem>>) semaphore(%arg21 : memref<!tpu.dma_semaphore, #tpu.memory_space<semaphore_mem>>) {add = true}
      %mul3A_89 = arith.constant 2 : i32
      %mul3A_90 = arith.muli %mul3A_89, %scan3A_45 : i32
      %add3A_91 = arith.constant 1 : i32
      %add3A_92 = arith.addi %mul3A_90, %add3A_91 : i32
      %add3A_93 = arith.constant 1 : i32
      %add3A_94 = arith.addi %add3A_92, %add3A_93 : i32
      %lt3A_95 = arith.constant 82 : i32
      %lt3A_96 = arith.cmpi slt, %add3A_94, %lt3A_95 : i32
      %convert_element_type3A_97 = arith.extui %lt3A_96 : i1 to i32
      %cond3A_98 = arith.constant 0 : i32
      %cond3A_99 = arith.cmpi ne, %convert_element_type3A_97, %cond3A_98 : i32
      scf.if %cond3A_99 {
        %add3A_139 = arith.constant 1 : i32
        %add3A_140 = arith.addi %add3A_92, %add3A_139 : i32
        %dma_start3A_141 = arith.constant 0 : i32
        %dma_start3A_142 = tpu.memref_slice %arg11[%add3A_140, %dma_start3A_141] : memref<82x128xi32, #tpu.memory_space<vmem>> -> memref<1x128xi32, #tpu.memory_space<vmem>>
        %dma_start3A_143 = tpu.memref_squeeze %dma_start3A_142 : memref<1x128xi32, #tpu.memory_space<vmem>> -> memref<128xi32, #tpu.memory_space<vmem>>
        %dma_start3A_144 = arith.constant 0 : i32
        %dma_start3A_145 = arith.constant 0 : i32
        %dma_start3A_146 = tpu.memref_slice %arg2[%dma_start3A_144, %dma_start3A_145] : memref<10000x64xf32, #tpu.memory_space<hbm>> -> memref<10000x64xf32, #tpu.memory_space<hbm>>
        tpu.enqueue_indirect_dma source(%dma_start3A_146 : memref<10000x64xf32, #tpu.memory_space<hbm>>) target(%arg13 : memref<128x64xf32, #tpu.memory_space<vmem>>) offsets(%dma_start3A_143 : memref<128xi32, #tpu.memory_space<vmem>>) semaphore(%arg19 : memref<!tpu.dma_semaphore, #tpu.memory_space<semaphore_mem>>)
        %dma_start3A_147 = arith.constant 0 : i32
        %dma_start3A_148 = tpu.memref_slice %arg12[%add3A_140, %dma_start3A_147] : memref<82x128xi32, #tpu.memory_space<vmem>> -> memref<1x128xi32, #tpu.memory_space<vmem>>
        %dma_start3A_149 = tpu.memref_squeeze %dma_start3A_148 : memref<1x128xi32, #tpu.memory_space<vmem>> -> memref<128xi32, #tpu.memory_space<vmem>>
        %dma_start3A_150 = arith.constant 0 : i32
        %dma_start3A_151 = arith.constant 0 : i32
        %dma_start3A_152 = tpu.memref_slice %arg3[%dma_start3A_150, %dma_start3A_151] : memref<10112x64xf32, #tpu.memory_space<hbm>> -> memref<10112x64xf32, #tpu.memory_space<hbm>>
        tpu.enqueue_indirect_dma source(%dma_start3A_152 : memref<10112x64xf32, #tpu.memory_space<hbm>>) target(%arg15 : memref<128x64xf32, #tpu.memory_space<vmem>>) offsets(%dma_start3A_149 : memref<128xi32, #tpu.memory_space<vmem>>) semaphore(%arg19 : memref<!tpu.dma_semaphore, #tpu.memory_space<semaphore_mem>>)
      } else {
      }
      %dma_wait3A_100 = arith.constant 0 : i32
      %dma_wait3A_101 = arith.constant 0 : i32
      %dma_wait3A_102 = tpu.memref_slice %arg2[%dma_wait3A_100, %dma_wait3A_101] : memref<10000x64xf32, #tpu.memory_space<hbm>> -> memref<128x64xf32, #tpu.memory_space<hbm>>
      %dma_wait3A_103 = arith.constant 0 : i32
      %dma_wait3A_104 = arith.constant 0 : i32
      %dma_wait3A_105 = tpu.memref_slice %arg2[%dma_wait3A_103, %dma_wait3A_104] : memref<10000x64xf32, #tpu.memory_space<hbm>> -> memref<128x64xf32, #tpu.memory_space<hbm>>
      tpu.wait_dma2 semaphore(%arg20 : memref<!tpu.dma_semaphore, #tpu.memory_space<semaphore_mem>>) src(%dma_wait3A_105 : memref<128x64xf32, #tpu.memory_space<hbm>>) dst(%arg14 : memref<128x64xf32, #tpu.memory_space<vmem>>)
      %dma_wait3A_106 = arith.constant 0 : i32
      %dma_wait3A_107 = arith.constant 0 : i32
      %dma_wait3A_108 = tpu.memref_slice %arg3[%dma_wait3A_106, %dma_wait3A_107] : memref<10112x64xf32, #tpu.memory_space<hbm>> -> memref<128x64xf32, #tpu.memory_space<hbm>>
      %dma_wait3A_109 = arith.constant 0 : i32
      %dma_wait3A_110 = arith.constant 0 : i32
      %dma_wait3A_111 = tpu.memref_slice %arg3[%dma_wait3A_109, %dma_wait3A_110] : memref<10112x64xf32, #tpu.memory_space<hbm>> -> memref<128x64xf32, #tpu.memory_space<hbm>>
      tpu.wait_dma2 semaphore(%arg20 : memref<!tpu.dma_semaphore, #tpu.memory_space<semaphore_mem>>) src(%dma_wait3A_111 : memref<128x64xf32, #tpu.memory_space<hbm>>) dst(%arg16 : memref<128x64xf32, #tpu.memory_space<vmem>>)
      %ge3A_112 = arith.constant 2 : i32
      %ge3A_113 = arith.cmpi sge, %add3A_92, %ge3A_112 : i32
      %convert_element_type3A_114 = arith.extui %ge3A_113 : i1 to i32
      %cond3A_115 = arith.constant 0 : i32
      %cond3A_116 = arith.cmpi ne, %convert_element_type3A_114, %cond3A_115 : i32
      scf.if %cond3A_116 {
        %dma_wait3A_139 = arith.constant 0 : i32
        %dma_wait3A_140 = arith.constant 0 : i32
        %dma_wait3A_141 = tpu.memref_slice %arg9[%dma_wait3A_139, %dma_wait3A_140] : memref<10112x80xf32, #tpu.memory_space<vmem_shared>> -> memref<128x80xf32, #tpu.memory_space<vmem_shared>>
        %dma_wait3A_142 = arith.constant 0 : i32
        %dma_wait3A_143 = arith.constant 0 : i32
        %dma_wait3A_144 = tpu.memref_slice %arg7[%dma_wait3A_142, %dma_wait3A_143] : memref<10112x80xf32, #tpu.memory_space<hbm>> -> memref<128x80xf32, #tpu.memory_space<hbm>>
        tpu.wait_dma2 semaphore(%arg22 : memref<!tpu.dma_semaphore, #tpu.memory_space<semaphore_mem>>) src(%dma_wait3A_144 : memref<128x80xf32, #tpu.memory_space<hbm>>) dst(%dma_wait3A_141 : memref<128x80xf32, #tpu.memory_space<vmem_shared>>)
      } else {
      }
      %get3A_117 = arith.constant 0 : index
      %get3A_118 = tpu.vector_load %arg10[%get3A_117] {strides = array<i32>} : memref<64xf32, #tpu.memory_space<vmem>>, vector<16xf32>,
      %get3A_119 = arith.constant 16 : index
      %get3A_120 = tpu.vector_load %arg10[%get3A_119] {strides = array<i32>} : memref<64xf32, #tpu.memory_space<vmem>>, vector<16xf32>,
      %get3A_121 = arith.constant 32 : index
      %get3A_122 = tpu.vector_load %arg10[%get3A_121] {strides = array<i32>} : memref<64xf32, #tpu.memory_space<vmem>>, vector<16xf32>,
      %get3A_123 = arith.constant 48 : index
      %get3A_124 = tpu.vector_load %arg10[%get3A_123] {strides = array<i32>} : memref<64xf32, #tpu.memory_space<vmem>>, vector<16xf32>,
      %scan3A_125 = arith.constant 0 : i32
      %scan3A_126 = arith.constant 0 : i32
      %scan3A_127 = arith.constant 64 : i32
      %scan3A_128 = arith.addi %scan3A_126, %scan3A_127 : i32
      %scan3A_129 = arith.constant 1 : i32
      %scan3A_130 = scf.for %scan3A_139 = %scan3A_126 to %scan3A_128 step %scan3A_129 iter_args(%scan3A_140 = %scan3A_125) -> (i32)  : i32 {
        %mul3A_141 = arith.constant 2 : i32
        %mul3A_142 = arith.muli %mul3A_141, %scan3A_139 : i32
        %get3A_143 = arith.index_cast %mul3A_142 : i32 to index
        %get3A_144 = arith.constant 0 : index
        %get3A_145 = tpu.vector_load %arg14[%get3A_143, %get3A_144] {strides = array<i32>} : memref<128x64xf32, #tpu.memory_space<vmem>>, vector<16xf32>,
        %get3A_146 = arith.index_cast %mul3A_142 : i32 to index
        %get3A_147 = arith.constant 16 : index
        %get3A_148 = tpu.vector_load %arg14[%get3A_146, %get3A_147] {strides = array<i32>} : memref<128x64xf32, #tpu.memory_space<vmem>>, vector<16xf32>,
        %get3A_149 = arith.index_cast %mul3A_142 : i32 to index
        %get3A_150 = arith.constant 32 : index
        %get3A_151 = tpu.vector_load %arg14[%get3A_149, %get3A_150] {strides = array<i32>} : memref<128x64xf32, #tpu.memory_space<vmem>>, vector<16xf32>,
        %get3A_152 = arith.index_cast %mul3A_142 : i32 to index
        %get3A_153 = arith.constant 48 : index
        %get3A_154 = tpu.vector_load %arg14[%get3A_152, %get3A_153] {strides = array<i32>} : memref<128x64xf32, #tpu.memory_space<vmem>>, vector<16xf32>,
        %get3A_155 = arith.index_cast %mul3A_142 : i32 to index
        %get3A_156 = arith.constant 0 : index
        %get3A_157 = tpu.vector_load %arg16[%get3A_155, %get3A_156] {strides = array<i32>} : memref<128x64xf32, #tpu.memory_space<vmem>>, vector<16xf32>,
        %get3A_158 = arith.index_cast %mul3A_142 : i32 to index
        %get3A_159 = arith.constant 16 : index
        %get3A_160 = tpu.vector_load %arg16[%get3A_158, %get3A_159] {strides = array<i32>} : memref<128x64xf32, #tpu.memory_space<vmem>>, vector<16xf32>,
        %get3A_161 = arith.index_cast %mul3A_142 : i32 to index
        %get3A_162 = arith.constant 32 : index
        %get3A_163 = tpu.vector_load %arg16[%get3A_161, %get3A_162] {strides = array<i32>} : memref<128x64xf32, #tpu.memory_space<vmem>>, vector<16xf32>,
        %get3A_164 = arith.index_cast %mul3A_142 : i32 to index
        %get3A_165 = arith.constant 48 : index
        %get3A_166 = tpu.vector_load %arg16[%get3A_164, %get3A_165] {strides = array<i32>} : memref<128x64xf32, #tpu.memory_space<vmem>>, vector<16xf32>,
        %add3A_167 = arith.addf %get3A_145, %get3A_157 : vector<16xf32>
        %mul3A_168 = arith.constant 2.000000e-01 : f32
        %mul3A_169 = vector.broadcast %mul3A_168 : f32 to vector<16xf32>
        %mul3A_170 = arith.mulf %mul3A_169, %add3A_167 : vector<16xf32>
        %max3A = arith.maximumf %add3A_167, %mul3A_170 : vector<16xf32>
        %mul3A_171 = arith.mulf %max3A, %get3A_118 : vector<16xf32>
        %xor3A = arith.constant 1 : i32
        %xor3A_172 = vector.broadcast %xor3A : i32 to vector<16xi32>
        %xor3A_173 = arith.xori %iota3A, %xor3A_172 : vector<16xi32>
        %lt3A_174 = arith.constant 0 : i32
        %lt3A_175 = vector.broadcast %lt3A_174 : i32 to vector<16xi32>
        %lt3A_176 = arith.cmpi slt, %xor3A_173, %lt3A_175 : vector<16xi32>
        %add3A_177 = arith.constant 16 : i32
        %add3A_178 = vector.broadcast %add3A_177 : i32 to vector<16xi32>
        %add3A_179 = arith.addi %xor3A_173, %add3A_178 : vector<16xi32>
        %select_n3A = arith.select %lt3A_176, %add3A_179, %xor3A_173 : vector<16xi1>, vector<16xi32>
        %broadcast_in_dim3A = vector.shape_cast %select_n3A : vector<16xi32> to vector<16x1xi32>
        %gather3A = vector.shape_cast %broadcast_in_dim3A : vector<16x1xi32> to vector<16xi32>
        %gather3A_180 = tpu.dynamic_gather %mul3A_171[%gather3A] in [0] : vector<16xf32>, vector<16xi32> -> vector<16xf32>
        %add3A_181 = arith.addf %mul3A_171, %gather3A_180 : vector<16xf32>
        %xor3A_182 = arith.constant 2 : i32
        %xor3A_183 = vector.broadcast %xor3A_182 : i32 to vector<16xi32>
        %xor3A_184 = arith.xori %iota3A, %xor3A_183 : vector<16xi32>
        %lt3A_185 = arith.constant 0 : i32
        %lt3A_186 = vector.broadcast %lt3A_185 : i32 to vector<16xi32>
        %lt3A_187 = arith.cmpi slt, %xor3A_184, %lt3A_186 : vector<16xi32>
        %add3A_188 = arith.constant 16 : i32
        %add3A_189 = vector.broadcast %add3A_188 : i32 to vector<16xi32>
        %add3A_190 = arith.addi %xor3A_184, %add3A_189 : vector<16xi32>
        %select_n3A_191 = arith.select %lt3A_187, %add3A_190, %xor3A_184 : vector<16xi1>, vector<16xi32>
        %broadcast_in_dim3A_192 = vector.shape_cast %select_n3A_191 : vector<16xi32> to vector<16x1xi32>
        %gather3A_193 = vector.shape_cast %broadcast_in_dim3A_192 : vector<16x1xi32> to vector<16xi32>
        %gather3A_194 = tpu.dynamic_gather %add3A_181[%gather3A_193] in [0] : vector<16xf32>, vector<16xi32> -> vector<16xf32>
        %add3A_195 = arith.addf %add3A_181, %gather3A_194 : vector<16xf32>
        %xor3A_196 = arith.constant 4 : i32
        %xor3A_197 = vector.broadcast %xor3A_196 : i32 to vector<16xi32>
        %xor3A_198 = arith.xori %iota3A, %xor3A_197 : vector<16xi32>
        %lt3A_199 = arith.constant 0 : i32
        %lt3A_200 = vector.broadcast %lt3A_199 : i32 to vector<16xi32>
        %lt3A_201 = arith.cmpi slt, %xor3A_198, %lt3A_200 : vector<16xi32>
        %add3A_202 = arith.constant 16 : i32
        %add3A_203 = vector.broadcast %add3A_202 : i32 to vector<16xi32>
        %add3A_204 = arith.addi %xor3A_198, %add3A_203 : vector<16xi32>
        %select_n3A_205 = arith.select %lt3A_201, %add3A_204, %xor3A_198 : vector<16xi1>, vector<16xi32>
        %broadcast_in_dim3A_206 = vector.shape_cast %select_n3A_205 : vector<16xi32> to vector<16x1xi32>
        %gather3A_207 = vector.shape_cast %broadcast_in_dim3A_206 : vector<16x1xi32> to vector<16xi32>
        %gather3A_208 = tpu.dynamic_gather %add3A_195[%gather3A_207] in [0] : vector<16xf32>, vector<16xi32> -> vector<16xf32>
        %add3A_209 = arith.addf %add3A_195, %gather3A_208 : vector<16xf32>
        %exp3A = math.exp %add3A_209 : vector<16xf32>
        %add3A_210 = arith.addf %get3A_148, %get3A_160 : vector<16xf32>
        %mul3A_211 = arith.constant 2.000000e-01 : f32
        %mul3A_212 = vector.broadcast %mul3A_211 : f32 to vector<16xf32>
        %mul3A_213 = arith.mulf %mul3A_212, %add3A_210 : vector<16xf32>
        %max3A_214 = arith.maximumf %add3A_210, %mul3A_213 : vector<16xf32>
        %mul3A_215 = arith.mulf %max3A_214, %get3A_120 : vector<16xf32>
        %xor3A_216 = arith.constant 1 : i32
        %xor3A_217 = vector.broadcast %xor3A_216 : i32 to vector<16xi32>
        %xor3A_218 = arith.xori %iota3A, %xor3A_217 : vector<16xi32>
        %lt3A_219 = arith.constant 0 : i32
        %lt3A_220 = vector.broadcast %lt3A_219 : i32 to vector<16xi32>
        %lt3A_221 = arith.cmpi slt, %xor3A_218, %lt3A_220 : vector<16xi32>
        %add3A_222 = arith.constant 16 : i32
        %add3A_223 = vector.broadcast %add3A_222 : i32 to vector<16xi32>
        %add3A_224 = arith.addi %xor3A_218, %add3A_223 : vector<16xi32>
        %select_n3A_225 = arith.select %lt3A_221, %add3A_224, %xor3A_218 : vector<16xi1>, vector<16xi32>
        %broadcast_in_dim3A_226 = vector.shape_cast %select_n3A_225 : vector<16xi32> to vector<16x1xi32>
        %gather3A_227 = vector.shape_cast %broadcast_in_dim3A_226 : vector<16x1xi32> to vector<16xi32>
        %gather3A_228 = tpu.dynamic_gather %mul3A_215[%gather3A_227] in [0] : vector<16xf32>, vector<16xi32> -> vector<16xf32>
        %add3A_229 = arith.addf %mul3A_215, %gather3A_228 : vector<16xf32>
        %xor3A_230 = arith.constant 2 : i32
        %xor3A_231 = vector.broadcast %xor3A_230 : i32 to vector<16xi32>
        %xor3A_232 = arith.xori %iota3A, %xor3A_231 : vector<16xi32>
        %lt3A_233 = arith.constant 0 : i32
        %lt3A_234 = vector.broadcast %lt3A_233 : i32 to vector<16xi32>
        %lt3A_235 = arith.cmpi slt, %xor3A_232, %lt3A_234 : vector<16xi32>
        %add3A_236 = arith.constant 16 : i32
        %add3A_237 = vector.broadcast %add3A_236 : i32 to vector<16xi32>
        %add3A_238 = arith.addi %xor3A_232, %add3A_237 : vector<16xi32>
        %select_n3A_239 = arith.select %lt3A_235, %add3A_238, %xor3A_232 : vector<16xi1>, vector<16xi32>
        %broadcast_in_dim3A_240 = vector.shape_cast %select_n3A_239 : vector<16xi32> to vector<16x1xi32>
        %gather3A_241 = vector.shape_cast %broadcast_in_dim3A_240 : vector<16x1xi32> to vector<16xi32>
        %gather3A_242 = tpu.dynamic_gather %add3A_229[%gather3A_241] in [0] : vector<16xf32>, vector<16xi32> -> vector<16xf32>
        %add3A_243 = arith.addf %add3A_229, %gather3A_242 : vector<16xf32>
        %xor3A_244 = arith.constant 4 : i32
        %xor3A_245 = vector.broadcast %xor3A_244 : i32 to vector<16xi32>
        %xor3A_246 = arith.xori %iota3A, %xor3A_245 : vector<16xi32>
        %lt3A_247 = arith.constant 0 : i32
        %lt3A_248 = vector.broadcast %lt3A_247 : i32 to vector<16xi32>
        %lt3A_249 = arith.cmpi slt, %xor3A_246, %lt3A_248 : vector<16xi32>
        %add3A_250 = arith.constant 16 : i32
        %add3A_251 = vector.broadcast %add3A_250 : i32 to vector<16xi32>
        %add3A_252 = arith.addi %xor3A_246, %add3A_251 : vector<16xi32>
        %select_n3A_253 = arith.select %lt3A_249, %add3A_252, %xor3A_246 : vector<16xi1>, vector<16xi32>
        %broadcast_in_dim3A_254 = vector.shape_cast %select_n3A_253 : vector<16xi32> to vector<16x1xi32>
        %gather3A_255 = vector.shape_cast %broadcast_in_dim3A_254 : vector<16x1xi32> to vector<16xi32>
        %gather3A_256 = tpu.dynamic_gather %add3A_243[%gather3A_255] in [0] : vector<16xf32>, vector<16xi32> -> vector<16xf32>
        %add3A_257 = arith.addf %add3A_243, %gather3A_256 : vector<16xf32>
        %exp3A_258 = math.exp %add3A_257 : vector<16xf32>
        %add3A_259 = arith.addf %get3A_151, %get3A_163 : vector<16xf32>
        %mul3A_260 = arith.constant 2.000000e-01 : f32
        %mul3A_261 = vector.broadcast %mul3A_260 : f32 to vector<16xf32>
        %mul3A_262 = arith.mulf %mul3A_261, %add3A_259 : vector<16xf32>
        %max3A_263 = arith.maximumf %add3A_259, %mul3A_262 : vector<16xf32>
        %mul3A_264 = arith.mulf %max3A_263, %get3A_122 : vector<16xf32>
        %xor3A_265 = arith.constant 1 : i32
        %xor3A_266 = vector.broadcast %xor3A_265 : i32 to vector<16xi32>
        %xor3A_267 = arith.xori %iota3A, %xor3A_266 : vector<16xi32>
        %lt3A_268 = arith.constant 0 : i32
        %lt3A_269 = vector.broadcast %lt3A_268 : i32 to vector<16xi32>
        %lt3A_270 = arith.cmpi slt, %xor3A_267, %lt3A_269 : vector<16xi32>
        %add3A_271 = arith.constant 16 : i32
        %add3A_272 = vector.broadcast %add3A_271 : i32 to vector<16xi32>
        %add3A_273 = arith.addi %xor3A_267, %add3A_272 : vector<16xi32>
        %select_n3A_274 = arith.select %lt3A_270, %add3A_273, %xor3A_267 : vector<16xi1>, vector<16xi32>
        %broadcast_in_dim3A_275 = vector.shape_cast %select_n3A_274 : vector<16xi32> to vector<16x1xi32>
        %gather3A_276 = vector.shape_cast %broadcast_in_dim3A_275 : vector<16x1xi32> to vector<16xi32>
        %gather3A_277 = tpu.dynamic_gather %mul3A_264[%gather3A_276] in [0] : vector<16xf32>, vector<16xi32> -> vector<16xf32>
        %add3A_278 = arith.addf %mul3A_264, %gather3A_277 : vector<16xf32>
        %xor3A_279 = arith.constant 2 : i32
        %xor3A_280 = vector.broadcast %xor3A_279 : i32 to vector<16xi32>
        %xor3A_281 = arith.xori %iota3A, %xor3A_280 : vector<16xi32>
        %lt3A_282 = arith.constant 0 : i32
        %lt3A_283 = vector.broadcast %lt3A_282 : i32 to vector<16xi32>
        %lt3A_284 = arith.cmpi slt, %xor3A_281, %lt3A_283 : vector<16xi32>
        %add3A_285 = arith.constant 16 : i32
        %add3A_286 = vector.broadcast %add3A_285 : i32 to vector<16xi32>
        %add3A_287 = arith.addi %xor3A_281, %add3A_286 : vector<16xi32>
        %select_n3A_288 = arith.select %lt3A_284, %add3A_287, %xor3A_281 : vector<16xi1>, vector<16xi32>
        %broadcast_in_dim3A_289 = vector.shape_cast %select_n3A_288 : vector<16xi32> to vector<16x1xi32>
        %gather3A_290 = vector.shape_cast %broadcast_in_dim3A_289 : vector<16x1xi32> to vector<16xi32>
        %gather3A_291 = tpu.dynamic_gather %add3A_278[%gather3A_290] in [0] : vector<16xf32>, vector<16xi32> -> vector<16xf32>
        %add3A_292 = arith.addf %add3A_278, %gather3A_291 : vector<16xf32>
        %xor3A_293 = arith.constant 4 : i32
        %xor3A_294 = vector.broadcast %xor3A_293 : i32 to vector<16xi32>
        %xor3A_295 = arith.xori %iota3A, %xor3A_294 : vector<16xi32>
        %lt3A_296 = arith.constant 0 : i32
        %lt3A_297 = vector.broadcast %lt3A_296 : i32 to vector<16xi32>
        %lt3A_298 = arith.cmpi slt, %xor3A_295, %lt3A_297 : vector<16xi32>
        %add3A_299 = arith.constant 16 : i32
        %add3A_300 = vector.broadcast %add3A_299 : i32 to vector<16xi32>
        %add3A_301 = arith.addi %xor3A_295, %add3A_300 : vector<16xi32>
        %select_n3A_302 = arith.select %lt3A_298, %add3A_301, %xor3A_295 : vector<16xi1>, vector<16xi32>
        %broadcast_in_dim3A_303 = vector.shape_cast %select_n3A_302 : vector<16xi32> to vector<16x1xi32>
        %gather3A_304 = vector.shape_cast %broadcast_in_dim3A_303 : vector<16x1xi32> to vector<16xi32>
        %gather3A_305 = tpu.dynamic_gather %add3A_292[%gather3A_304] in [0] : vector<16xf32>, vector<16xi32> -> vector<16xf32>
        %add3A_306 = arith.addf %add3A_292, %gather3A_305 : vector<16xf32>
        %exp3A_307 = math.exp %add3A_306 : vector<16xf32>
        %add3A_308 = arith.addf %get3A_154, %get3A_166 : vector<16xf32>
        %mul3A_309 = arith.constant 2.000000e-01 : f32
        %mul3A_310 = vector.broadcast %mul3A_309 : f32 to vector<16xf32>
        %mul3A_311 = arith.mulf %mul3A_310, %add3A_308 : vector<16xf32>
        %max3A_312 = arith.maximumf %add3A_308, %mul3A_311 : vector<16xf32>
        %mul3A_313 = arith.mulf %max3A_312, %get3A_124 : vector<16xf32>
        %xor3A_314 = arith.constant 1 : i32
        %xor3A_315 = vector.broadcast %xor3A_314 : i32 to vector<16xi32>
        %xor3A_316 = arith.xori %iota3A, %xor3A_315 : vector<16xi32>
        %lt3A_317 = arith.constant 0 : i32
        %lt3A_318 = vector.broadcast %lt3A_317 : i32 to vector<16xi32>
        %lt3A_319 = arith.cmpi slt, %xor3A_316, %lt3A_318 : vector<16xi32>
        %add3A_320 = arith.constant 16 : i32
        %add3A_321 = vector.broadcast %add3A_320 : i32 to vector<16xi32>
        %add3A_322 = arith.addi %xor3A_316, %add3A_321 : vector<16xi32>
        %select_n3A_323 = arith.select %lt3A_319, %add3A_322, %xor3A_316 : vector<16xi1>, vector<16xi32>
        %broadcast_in_dim3A_324 = vector.shape_cast %select_n3A_323 : vector<16xi32> to vector<16x1xi32>
        %gather3A_325 = vector.shape_cast %broadcast_in_dim3A_324 : vector<16x1xi32> to vector<16xi32>
        %gather3A_326 = tpu.dynamic_gather %mul3A_313[%gather3A_325] in [0] : vector<16xf32>, vector<16xi32> -> vector<16xf32>
        %add3A_327 = arith.addf %mul3A_313, %gather3A_326 : vector<16xf32>
        %xor3A_328 = arith.constant 2 : i32
        %xor3A_329 = vector.broadcast %xor3A_328 : i32 to vector<16xi32>
        %xor3A_330 = arith.xori %iota3A, %xor3A_329 : vector<16xi32>
        %lt3A_331 = arith.constant 0 : i32
        %lt3A_332 = vector.broadcast %lt3A_331 : i32 to vector<16xi32>
        %lt3A_333 = arith.cmpi slt, %xor3A_330, %lt3A_332 : vector<16xi32>
        %add3A_334 = arith.constant 16 : i32
        %add3A_335 = vector.broadcast %add3A_334 : i32 to vector<16xi32>
        %add3A_336 = arith.addi %xor3A_330, %add3A_335 : vector<16xi32>
        %select_n3A_337 = arith.select %lt3A_333, %add3A_336, %xor3A_330 : vector<16xi1>, vector<16xi32>
        %broadcast_in_dim3A_338 = vector.shape_cast %select_n3A_337 : vector<16xi32> to vector<16x1xi32>
        %gather3A_339 = vector.shape_cast %broadcast_in_dim3A_338 : vector<16x1xi32> to vector<16xi32>
        %gather3A_340 = tpu.dynamic_gather %add3A_327[%gather3A_339] in [0] : vector<16xf32>, vector<16xi32> -> vector<16xf32>
        %add3A_341 = arith.addf %add3A_327, %gather3A_340 : vector<16xf32>
        %xor3A_342 = arith.constant 4 : i32
        %xor3A_343 = vector.broadcast %xor3A_342 : i32 to vector<16xi32>
        %xor3A_344 = arith.xori %iota3A, %xor3A_343 : vector<16xi32>
        %lt3A_345 = arith.constant 0 : i32
        %lt3A_346 = vector.broadcast %lt3A_345 : i32 to vector<16xi32>
        %lt3A_347 = arith.cmpi slt, %xor3A_344, %lt3A_346 : vector<16xi32>
        %add3A_348 = arith.constant 16 : i32
        %add3A_349 = vector.broadcast %add3A_348 : i32 to vector<16xi32>
        %add3A_350 = arith.addi %xor3A_344, %add3A_349 : vector<16xi32>
        %select_n3A_351 = arith.select %lt3A_347, %add3A_350, %xor3A_344 : vector<16xi1>, vector<16xi32>
        %broadcast_in_dim3A_352 = vector.shape_cast %select_n3A_351 : vector<16xi32> to vector<16x1xi32>
        %gather3A_353 = vector.shape_cast %broadcast_in_dim3A_352 : vector<16x1xi32> to vector<16xi32>
        %gather3A_354 = tpu.dynamic_gather %add3A_341[%gather3A_353] in [0] : vector<16xf32>, vector<16xi32> -> vector<16xf32>
        %add3A_355 = arith.addf %add3A_341, %gather3A_354 : vector<16xf32>
        %exp3A_356 = math.exp %add3A_355 : vector<16xf32>
        %mul3A_357 = arith.mulf %get3A_145, %exp3A : vector<16xf32>
        %swap3A = arith.index_cast %mul3A_142 : i32 to index
        %swap3A_358 = arith.constant 0 : index
        %swap3A_359 = tpu.vector_load %arg18[%swap3A, %swap3A_358] {strides = array<i32>} : memref<128x80xf32, #tpu.memory_space<vmem>>, vector<16xf32>,
        tpu.vector_store %arg18[%swap3A, %swap3A_358], %mul3A_357 {strides = array<i32>} : memref<128x80xf32, #tpu.memory_space<vmem>>, vector<16xf32>,
        %mul3A_360 = arith.mulf %get3A_148, %exp3A_258 : vector<16xf32>
        %swap3A_361 = arith.index_cast %mul3A_142 : i32 to index
        %swap3A_362 = arith.constant 16 : index
        %swap3A_363 = tpu.vector_load %arg18[%swap3A_361, %swap3A_362] {strides = array<i32>} : memref<128x80xf32, #tpu.memory_space<vmem>>, vector<16xf32>,
        tpu.vector_store %arg18[%swap3A_361, %swap3A_362], %mul3A_360 {strides = array<i32>} : memref<128x80xf32, #tpu.memory_space<vmem>>, vector<16xf32>,
        %mul3A_364 = arith.mulf %get3A_151, %exp3A_307 : vector<16xf32>
        %swap3A_365 = arith.index_cast %mul3A_142 : i32 to index
        %swap3A_366 = arith.constant 32 : index
        %swap3A_367 = tpu.vector_load %arg18[%swap3A_365, %swap3A_366] {strides = array<i32>} : memref<128x80xf32, #tpu.memory_space<vmem>>, vector<16xf32>,
        tpu.vector_store %arg18[%swap3A_365, %swap3A_366], %mul3A_364 {strides = array<i32>} : memref<128x80xf32, #tpu.memory_space<vmem>>, vector<16xf32>,
        %mul3A_368 = arith.mulf %get3A_154, %exp3A_356 : vector<16xf32>
        %swap3A_369 = arith.index_cast %mul3A_142 : i32 to index
        %swap3A_370 = arith.constant 48 : index
        %swap3A_371 = tpu.vector_load %arg18[%swap3A_369, %swap3A_370] {strides = array<i32>} : memref<128x80xf32, #tpu.memory_space<vmem>>, vector<16xf32>,
        tpu.vector_store %arg18[%swap3A_369, %swap3A_370], %mul3A_368 {strides = array<i32>} : memref<128x80xf32, #tpu.memory_space<vmem>>, vector<16xf32>,
        %lt3A_372 = arith.constant 0 : i32
        %lt3A_373 = vector.broadcast %lt3A_372 : i32 to vector<16xi32>
        %lt3A_374 = arith.cmpi slt, %mul3A_9, %lt3A_373 : vector<16xi32>
        %add3A_375 = arith.constant 16 : i32
        %add3A_376 = vector.broadcast %add3A_375 : i32 to vector<16xi32>
        %add3A_377 = arith.addi %mul3A_9, %add3A_376 : vector<16xi32>
        %select_n3A_378 = arith.select %lt3A_374, %add3A_377, %mul3A_9 : vector<16xi1>, vector<16xi32>
        %broadcast_in_dim3A_379 = vector.shape_cast %select_n3A_378 : vector<16xi32> to vector<16x1xi32>
        %gather3A_380 = vector.shape_cast %broadcast_in_dim3A_379 : vector<16x1xi32> to vector<16xi32>
        %gather3A_381 = tpu.dynamic_gather %exp3A[%gather3A_380] in [0] : vector<16xf32>, vector<16xi32> -> vector<16xf32>
        %shift_right_arithmetic3A = arith.constant 1 : i32
        %shift_right_arithmetic3A_382 = vector.broadcast %shift_right_arithmetic3A : i32 to vector<16xi32>
        %shift_right_arithmetic3A_383 = arith.shrsi %iota3A, %shift_right_arithmetic3A_382 : vector<16xi32>
        %eq3A = arith.constant 1 : i32
        %eq3A_384 = vector.broadcast %eq3A : i32 to vector<16xi32>
        %eq3A_385 = arith.cmpi eq, %shift_right_arithmetic3A_383, %eq3A_384 : vector<16xi32>
        %lt3A_386 = arith.constant 0 : i32
        %lt3A_387 = vector.broadcast %lt3A_386 : i32 to vector<16xi32>
        %lt3A_388 = arith.cmpi slt, %mul3A_9, %lt3A_387 : vector<16xi32>
        %add3A_389 = arith.constant 16 : i32
        %add3A_390 = vector.broadcast %add3A_389 : i32 to vector<16xi32>
        %add3A_391 = arith.addi %mul3A_9, %add3A_390 : vector<16xi32>
        %select_n3A_392 = arith.select %lt3A_388, %add3A_391, %mul3A_9 : vector<16xi1>, vector<16xi32>
        %broadcast_in_dim3A_393 = vector.shape_cast %select_n3A_392 : vector<16xi32> to vector<16x1xi32>
        %gather3A_394 = vector.shape_cast %broadcast_in_dim3A_393 : vector<16x1xi32> to vector<16xi32>
        %gather3A_395 = tpu.dynamic_gather %exp3A_258[%gather3A_394] in [0] : vector<16xf32>, vector<16xi32> -> vector<16xf32>
        %select_n3A_396 = arith.select %eq3A_385, %gather3A_395, %gather3A_381 : vector<16xi1>, vector<16xf32>
        %shift_right_arithmetic3A_397 = arith.constant 1 : i32
        %shift_right_arithmetic3A_398 = vector.broadcast %shift_right_arithmetic3A_397 : i32 to vector<16xi32>
        %shift_right_arithmetic3A_399 = arith.shrsi %iota3A, %shift_right_arithmetic3A_398 : vector<16xi32>
        %eq3A_400 = arith.constant 2 : i32
        %eq3A_401 = vector.broadcast %eq3A_400 : i32 to vector<16xi32>
        %eq3A_402 = arith.cmpi eq, %shift_right_arithmetic3A_399, %eq3A_401 : vector<16xi32>
        %lt3A_403 = arith.constant 0 : i32
        %lt3A_404 = vector.broadcast %lt3A_403 : i32 to vector<16xi32>
        %lt3A_405 = arith.cmpi slt, %mul3A_9, %lt3A_404 : vector<16xi32>
        %add3A_406 = arith.constant 16 : i32
        %add3A_407 = vector.broadcast %add3A_406 : i32 to vector<16xi32>
        %add3A_408 = arith.addi %mul3A_9, %add3A_407 : vector<16xi32>
        %select_n3A_409 = arith.select %lt3A_405, %add3A_408, %mul3A_9 : vector<16xi1>, vector<16xi32>
        %broadcast_in_dim3A_410 = vector.shape_cast %select_n3A_409 : vector<16xi32> to vector<16x1xi32>
        %gather3A_411 = vector.shape_cast %broadcast_in_dim3A_410 : vector<16x1xi32> to vector<16xi32>
        %gather3A_412 = tpu.dynamic_gather %exp3A_307[%gather3A_411] in [0] : vector<16xf32>, vector<16xi32> -> vector<16xf32>
        %select_n3A_413 = arith.select %eq3A_402, %gather3A_412, %select_n3A_396 : vector<16xi1>, vector<16xf32>
        %shift_right_arithmetic3A_414 = arith.constant 1 : i32
        %shift_right_arithmetic3A_415 = vector.broadcast %shift_right_arithmetic3A_414 : i32 to vector<16xi32>
        %shift_right_arithmetic3A_416 = arith.shrsi %iota3A, %shift_right_arithmetic3A_415 : vector<16xi32>
        %eq3A_417 = arith.constant 3 : i32
        %eq3A_418 = vector.broadcast %eq3A_417 : i32 to vector<16xi32>
        %eq3A_419 = arith.cmpi eq, %shift_right_arithmetic3A_416, %eq3A_418 : vector<16xi32>
        %lt3A_420 = arith.constant 0 : i32
        %lt3A_421 = vector.broadcast %lt3A_420 : i32 to vector<16xi32>
        %lt3A_422 = arith.cmpi slt, %mul3A_9, %lt3A_421 : vector<16xi32>
        %add3A_423 = arith.constant 16 : i32
        %add3A_424 = vector.broadcast %add3A_423 : i32 to vector<16xi32>
        %add3A_425 = arith.addi %mul3A_9, %add3A_424 : vector<16xi32>
        %select_n3A_426 = arith.select %lt3A_422, %add3A_425, %mul3A_9 : vector<16xi1>, vector<16xi32>
        %broadcast_in_dim3A_427 = vector.shape_cast %select_n3A_426 : vector<16xi32> to vector<16x1xi32>
        %gather3A_428 = vector.shape_cast %broadcast_in_dim3A_427 : vector<16x1xi32> to vector<16xi32>
        %gather3A_429 = tpu.dynamic_gather %exp3A_356[%gather3A_428] in [0] : vector<16xf32>, vector<16xi32> -> vector<16xf32>
        %select_n3A_430 = arith.select %eq3A_419, %gather3A_429, %select_n3A_413 : vector<16xi1>, vector<16xf32>
        %swap3A_431 = arith.index_cast %mul3A_142 : i32 to index
        %swap3A_432 = arith.constant 64 : index
        %swap3A_433 = tpu.vector_load %arg18[%swap3A_431, %swap3A_432] {strides = array<i32>} : memref<128x80xf32, #tpu.memory_space<vmem>>, vector<16xf32>,
        tpu.vector_store %arg18[%swap3A_431, %swap3A_432], %select_n3A_430 {strides = array<i32>} : memref<128x80xf32, #tpu.memory_space<vmem>>, vector<16xf32>,
        %mul3A_434 = arith.constant 2 : i32
        %mul3A_435 = arith.muli %mul3A_434, %scan3A_139 : i32
        %add3A_436 = arith.constant 1 : i32
        %add3A_437 = arith.addi %mul3A_435, %add3A_436 : i32
        %get3A_438 = arith.index_cast %add3A_437 : i32 to index
        %get3A_439 = arith.constant 0 : index
        %get3A_440 = tpu.vector_load %arg14[%get3A_438, %get3A_439] {strides = array<i32>} : memref<128x64xf32, #tpu.memory_space<vmem>>, vector<16xf32>,
        %get3A_441 = arith.index_cast %add3A_437 : i32 to index
        %get3A_442 = arith.constant 16 : index
        %get3A_443 = tpu.vector_load %arg14[%get3A_441, %get3A_442] {strides = array<i32>} : memref<128x64xf32, #tpu.memory_space<vmem>>, vector<16xf32>,
        %get3A_444 = arith.index_cast %add3A_437 : i32 to index
        %get3A_445 = arith.constant 32 : index
        %get3A_446 = tpu.vector_load %arg14[%get3A_444, %get3A_445] {strides = array<i32>} : memref<128x64xf32, #tpu.memory_space<vmem>>, vector<16xf32>,
        %get3A_447 = arith.index_cast %add3A_437 : i32 to index
        %get3A_448 = arith.constant 48 : index
        %get3A_449 = tpu.vector_load %arg14[%get3A_447, %get3A_448] {strides = array<i32>} : memref<128x64xf32, #tpu.memory_space<vmem>>, vector<16xf32>,
        %get3A_450 = arith.index_cast %add3A_437 : i32 to index
        %get3A_451 = arith.constant 0 : index
        %get3A_452 = tpu.vector_load %arg16[%get3A_450, %get3A_451] {strides = array<i32>} : memref<128x64xf32, #tpu.memory_space<vmem>>, vector<16xf32>,
        %get3A_453 = arith.index_cast %add3A_437 : i32 to index
        %get3A_454 = arith.constant 16 : index
        %get3A_455 = tpu.vector_load %arg16[%get3A_453, %get3A_454] {strides = array<i32>} : memref<128x64xf32, #tpu.memory_space<vmem>>, vector<16xf32>,
        %get3A_456 = arith.index_cast %add3A_437 : i32 to index
        %get3A_457 = arith.constant 32 : index
        %get3A_458 = tpu.vector_load %arg16[%get3A_456, %get3A_457] {strides = array<i32>} : memref<128x64xf32, #tpu.memory_space<vmem>>, vector<16xf32>,
        %get3A_459 = arith.index_cast %add3A_437 : i32 to index
        %get3A_460 = arith.constant 48 : index
        %get3A_461 = tpu.vector_load %arg16[%get3A_459, %get3A_460] {strides = array<i32>} : memref<128x64xf32, #tpu.memory_space<vmem>>, vector<16xf32>,
        %add3A_462 = arith.addf %get3A_440, %get3A_452 : vector<16xf32>
        %mul3A_463 = arith.constant 2.000000e-01 : f32
        %mul3A_464 = vector.broadcast %mul3A_463 : f32 to vector<16xf32>
        %mul3A_465 = arith.mulf %mul3A_464, %add3A_462 : vector<16xf32>
        %max3A_466 = arith.maximumf %add3A_462, %mul3A_465 : vector<16xf32>
        %mul3A_467 = arith.mulf %max3A_466, %get3A_118 : vector<16xf32>
        %xor3A_468 = arith.constant 1 : i32
        %xor3A_469 = vector.broadcast %xor3A_468 : i32 to vector<16xi32>
        %xor3A_470 = arith.xori %iota3A, %xor3A_469 : vector<16xi32>
        %lt3A_471 = arith.constant 0 : i32
        %lt3A_472 = vector.broadcast %lt3A_471 : i32 to vector<16xi32>
        %lt3A_473 = arith.cmpi slt, %xor3A_470, %lt3A_472 : vector<16xi32>
        %add3A_474 = arith.constant 16 : i32
        %add3A_475 = vector.broadcast %add3A_474 : i32 to vector<16xi32>
        %add3A_476 = arith.addi %xor3A_470, %add3A_475 : vector<16xi32>
        %select_n3A_477 = arith.select %lt3A_473, %add3A_476, %xor3A_470 : vector<16xi1>, vector<16xi32>
        %broadcast_in_dim3A_478 = vector.shape_cast %select_n3A_477 : vector<16xi32> to vector<16x1xi32>
        %gather3A_479 = vector.shape_cast %broadcast_in_dim3A_478 : vector<16x1xi32> to vector<16xi32>
        %gather3A_480 = tpu.dynamic_gather %mul3A_467[%gather3A_479] in [0] : vector<16xf32>, vector<16xi32> -> vector<16xf32>
        %add3A_481 = arith.addf %mul3A_467, %gather3A_480 : vector<16xf32>
        %xor3A_482 = arith.constant 2 : i32
        %xor3A_483 = vector.broadcast %xor3A_482 : i32 to vector<16xi32>
        %xor3A_484 = arith.xori %iota3A, %xor3A_483 : vector<16xi32>
        %lt3A_485 = arith.constant 0 : i32
        %lt3A_486 = vector.broadcast %lt3A_485 : i32 to vector<16xi32>
        %lt3A_487 = arith.cmpi slt, %xor3A_484, %lt3A_486 : vector<16xi32>
        %add3A_488 = arith.constant 16 : i32
        %add3A_489 = vector.broadcast %add3A_488 : i32 to vector<16xi32>
        %add3A_490 = arith.addi %xor3A_484, %add3A_489 : vector<16xi32>
        %select_n3A_491 = arith.select %lt3A_487, %add3A_490, %xor3A_484 : vector<16xi1>, vector<16xi32>
        %broadcast_in_dim3A_492 = vector.shape_cast %select_n3A_491 : vector<16xi32> to vector<16x1xi32>
        %gather3A_493 = vector.shape_cast %broadcast_in_dim3A_492 : vector<16x1xi32> to vector<16xi32>
        %gather3A_494 = tpu.dynamic_gather %add3A_481[%gather3A_493] in [0] : vector<16xf32>, vector<16xi32> -> vector<16xf32>
        %add3A_495 = arith.addf %add3A_481, %gather3A_494 : vector<16xf32>
        %xor3A_496 = arith.constant 4 : i32
        %xor3A_497 = vector.broadcast %xor3A_496 : i32 to vector<16xi32>
        %xor3A_498 = arith.xori %iota3A, %xor3A_497 : vector<16xi32>
        %lt3A_499 = arith.constant 0 : i32
        %lt3A_500 = vector.broadcast %lt3A_499 : i32 to vector<16xi32>
        %lt3A_501 = arith.cmpi slt, %xor3A_498, %lt3A_500 : vector<16xi32>
        %add3A_502 = arith.constant 16 : i32
        %add3A_503 = vector.broadcast %add3A_502 : i32 to vector<16xi32>
        %add3A_504 = arith.addi %xor3A_498, %add3A_503 : vector<16xi32>
        %select_n3A_505 = arith.select %lt3A_501, %add3A_504, %xor3A_498 : vector<16xi1>, vector<16xi32>
        %broadcast_in_dim3A_506 = vector.shape_cast %select_n3A_505 : vector<16xi32> to vector<16x1xi32>
        %gather3A_507 = vector.shape_cast %broadcast_in_dim3A_506 : vector<16x1xi32> to vector<16xi32>
        %gather3A_508 = tpu.dynamic_gather %add3A_495[%gather3A_507] in [0] : vector<16xf32>, vector<16xi32> -> vector<16xf32>
        %add3A_509 = arith.addf %add3A_495, %gather3A_508 : vector<16xf32>
        %exp3A_510 = math.exp %add3A_509 : vector<16xf32>
        %add3A_511 = arith.addf %get3A_443, %get3A_455 : vector<16xf32>
        %mul3A_512 = arith.constant 2.000000e-01 : f32
        %mul3A_513 = vector.broadcast %mul3A_512 : f32 to vector<16xf32>
        %mul3A_514 = arith.mulf %mul3A_513, %add3A_511 : vector<16xf32>
        %max3A_515 = arith.maximumf %add3A_511, %mul3A_514 : vector<16xf32>
        %mul3A_516 = arith.mulf %max3A_515, %get3A_120 : vector<16xf32>
        %xor3A_517 = arith.constant 1 : i32
        %xor3A_518 = vector.broadcast %xor3A_517 : i32 to vector<16xi32>
        %xor3A_519 = arith.xori %iota3A, %xor3A_518 : vector<16xi32>
        %lt3A_520 = arith.constant 0 : i32
        %lt3A_521 = vector.broadcast %lt3A_520 : i32 to vector<16xi32>
        %lt3A_522 = arith.cmpi slt, %xor3A_519, %lt3A_521 : vector<16xi32>
        %add3A_523 = arith.constant 16 : i32
        %add3A_524 = vector.broadcast %add3A_523 : i32 to vector<16xi32>
        %add3A_525 = arith.addi %xor3A_519, %add3A_524 : vector<16xi32>
        %select_n3A_526 = arith.select %lt3A_522, %add3A_525, %xor3A_519 : vector<16xi1>, vector<16xi32>
        %broadcast_in_dim3A_527 = vector.shape_cast %select_n3A_526 : vector<16xi32> to vector<16x1xi32>
        %gather3A_528 = vector.shape_cast %broadcast_in_dim3A_527 : vector<16x1xi32> to vector<16xi32>
        %gather3A_529 = tpu.dynamic_gather %mul3A_516[%gather3A_528] in [0] : vector<16xf32>, vector<16xi32> -> vector<16xf32>
        %add3A_530 = arith.addf %mul3A_516, %gather3A_529 : vector<16xf32>
        %xor3A_531 = arith.constant 2 : i32
        %xor3A_532 = vector.broadcast %xor3A_531 : i32 to vector<16xi32>
        %xor3A_533 = arith.xori %iota3A, %xor3A_532 : vector<16xi32>
        %lt3A_534 = arith.constant 0 : i32
        %lt3A_535 = vector.broadcast %lt3A_534 : i32 to vector<16xi32>
        %lt3A_536 = arith.cmpi slt, %xor3A_533, %lt3A_535 : vector<16xi32>
        %add3A_537 = arith.constant 16 : i32
        %add3A_538 = vector.broadcast %add3A_537 : i32 to vector<16xi32>
        %add3A_539 = arith.addi %xor3A_533, %add3A_538 : vector<16xi32>
        %select_n3A_540 = arith.select %lt3A_536, %add3A_539, %xor3A_533 : vector<16xi1>, vector<16xi32>
        %broadcast_in_dim3A_541 = vector.shape_cast %select_n3A_540 : vector<16xi32> to vector<16x1xi32>
        %gather3A_542 = vector.shape_cast %broadcast_in_dim3A_541 : vector<16x1xi32> to vector<16xi32>
        %gather3A_543 = tpu.dynamic_gather %add3A_530[%gather3A_542] in [0] : vector<16xf32>, vector<16xi32> -> vector<16xf32>
        %add3A_544 = arith.addf %add3A_530, %gather3A_543 : vector<16xf32>
        %xor3A_545 = arith.constant 4 : i32
        %xor3A_546 = vector.broadcast %xor3A_545 : i32 to vector<16xi32>
        %xor3A_547 = arith.xori %iota3A, %xor3A_546 : vector<16xi32>
        %lt3A_548 = arith.constant 0 : i32
        %lt3A_549 = vector.broadcast %lt3A_548 : i32 to vector<16xi32>
        %lt3A_550 = arith.cmpi slt, %xor3A_547, %lt3A_549 : vector<16xi32>
        %add3A_551 = arith.constant 16 : i32
        %add3A_552 = vector.broadcast %add3A_551 : i32 to vector<16xi32>
        %add3A_553 = arith.addi %xor3A_547, %add3A_552 : vector<16xi32>
        %select_n3A_554 = arith.select %lt3A_550, %add3A_553, %xor3A_547 : vector<16xi1>, vector<16xi32>
        %broadcast_in_dim3A_555 = vector.shape_cast %select_n3A_554 : vector<16xi32> to vector<16x1xi32>
        %gather3A_556 = vector.shape_cast %broadcast_in_dim3A_555 : vector<16x1xi32> to vector<16xi32>
        %gather3A_557 = tpu.dynamic_gather %add3A_544[%gather3A_556] in [0] : vector<16xf32>, vector<16xi32> -> vector<16xf32>
        %add3A_558 = arith.addf %add3A_544, %gather3A_557 : vector<16xf32>
        %exp3A_559 = math.exp %add3A_558 : vector<16xf32>
        %add3A_560 = arith.addf %get3A_446, %get3A_458 : vector<16xf32>
        %mul3A_561 = arith.constant 2.000000e-01 : f32
        %mul3A_562 = vector.broadcast %mul3A_561 : f32 to vector<16xf32>
        %mul3A_563 = arith.mulf %mul3A_562, %add3A_560 : vector<16xf32>
        %max3A_564 = arith.maximumf %add3A_560, %mul3A_563 : vector<16xf32>
        %mul3A_565 = arith.mulf %max3A_564, %get3A_122 : vector<16xf32>
        %xor3A_566 = arith.constant 1 : i32
        %xor3A_567 = vector.broadcast %xor3A_566 : i32 to vector<16xi32>
        %xor3A_568 = arith.xori %iota3A, %xor3A_567 : vector<16xi32>
        %lt3A_569 = arith.constant 0 : i32
        %lt3A_570 = vector.broadcast %lt3A_569 : i32 to vector<16xi32>
        %lt3A_571 = arith.cmpi slt, %xor3A_568, %lt3A_570 : vector<16xi32>
        %add3A_572 = arith.constant 16 : i32
        %add3A_573 = vector.broadcast %add3A_572 : i32 to vector<16xi32>
        %add3A_574 = arith.addi %xor3A_568, %add3A_573 : vector<16xi32>
        %select_n3A_575 = arith.select %lt3A_571, %add3A_574, %xor3A_568 : vector<16xi1>, vector<16xi32>
        %broadcast_in_dim3A_576 = vector.shape_cast %select_n3A_575 : vector<16xi32> to vector<16x1xi32>
        %gather3A_577 = vector.shape_cast %broadcast_in_dim3A_576 : vector<16x1xi32> to vector<16xi32>
        %gather3A_578 = tpu.dynamic_gather %mul3A_565[%gather3A_577] in [0] : vector<16xf32>, vector<16xi32> -> vector<16xf32>
        %add3A_579 = arith.addf %mul3A_565, %gather3A_578 : vector<16xf32>
        %xor3A_580 = arith.constant 2 : i32
        %xor3A_581 = vector.broadcast %xor3A_580 : i32 to vector<16xi32>
        %xor3A_582 = arith.xori %iota3A, %xor3A_581 : vector<16xi32>
        %lt3A_583 = arith.constant 0 : i32
        %lt3A_584 = vector.broadcast %lt3A_583 : i32 to vector<16xi32>
        %lt3A_585 = arith.cmpi slt, %xor3A_582, %lt3A_584 : vector<16xi32>
        %add3A_586 = arith.constant 16 : i32
        %add3A_587 = vector.broadcast %add3A_586 : i32 to vector<16xi32>
        %add3A_588 = arith.addi %xor3A_582, %add3A_587 : vector<16xi32>
        %select_n3A_589 = arith.select %lt3A_585, %add3A_588, %xor3A_582 : vector<16xi1>, vector<16xi32>
        %broadcast_in_dim3A_590 = vector.shape_cast %select_n3A_589 : vector<16xi32> to vector<16x1xi32>
        %gather3A_591 = vector.shape_cast %broadcast_in_dim3A_590 : vector<16x1xi32> to vector<16xi32>
        %gather3A_592 = tpu.dynamic_gather %add3A_579[%gather3A_591] in [0] : vector<16xf32>, vector<16xi32> -> vector<16xf32>
        %add3A_593 = arith.addf %add3A_579, %gather3A_592 : vector<16xf32>
        %xor3A_594 = arith.constant 4 : i32
        %xor3A_595 = vector.broadcast %xor3A_594 : i32 to vector<16xi32>
        %xor3A_596 = arith.xori %iota3A, %xor3A_595 : vector<16xi32>
        %lt3A_597 = arith.constant 0 : i32
        %lt3A_598 = vector.broadcast %lt3A_597 : i32 to vector<16xi32>
        %lt3A_599 = arith.cmpi slt, %xor3A_596, %lt3A_598 : vector<16xi32>
        %add3A_600 = arith.constant 16 : i32
        %add3A_601 = vector.broadcast %add3A_600 : i32 to vector<16xi32>
        %add3A_602 = arith.addi %xor3A_596, %add3A_601 : vector<16xi32>
        %select_n3A_603 = arith.select %lt3A_599, %add3A_602, %xor3A_596 : vector<16xi1>, vector<16xi32>
        %broadcast_in_dim3A_604 = vector.shape_cast %select_n3A_603 : vector<16xi32> to vector<16x1xi32>
        %gather3A_605 = vector.shape_cast %broadcast_in_dim3A_604 : vector<16x1xi32> to vector<16xi32>
        %gather3A_606 = tpu.dynamic_gather %add3A_593[%gather3A_605] in [0] : vector<16xf32>, vector<16xi32> -> vector<16xf32>
        %add3A_607 = arith.addf %add3A_593, %gather3A_606 : vector<16xf32>
        %exp3A_608 = math.exp %add3A_607 : vector<16xf32>
        %add3A_609 = arith.addf %get3A_449, %get3A_461 : vector<16xf32>
        %mul3A_610 = arith.constant 2.000000e-01 : f32
        %mul3A_611 = vector.broadcast %mul3A_610 : f32 to vector<16xf32>
        %mul3A_612 = arith.mulf %mul3A_611, %add3A_609 : vector<16xf32>
        %max3A_613 = arith.maximumf %add3A_609, %mul3A_612 : vector<16xf32>
        %mul3A_614 = arith.mulf %max3A_613, %get3A_124 : vector<16xf32>
        %xor3A_615 = arith.constant 1 : i32
        %xor3A_616 = vector.broadcast %xor3A_615 : i32 to vector<16xi32>
        %xor3A_617 = arith.xori %iota3A, %xor3A_616 : vector<16xi32>
        %lt3A_618 = arith.constant 0 : i32
        %lt3A_619 = vector.broadcast %lt3A_618 : i32 to vector<16xi32>
        %lt3A_620 = arith.cmpi slt, %xor3A_617, %lt3A_619 : vector<16xi32>
        %add3A_621 = arith.constant 16 : i32
        %add3A_622 = vector.broadcast %add3A_621 : i32 to vector<16xi32>
        %add3A_623 = arith.addi %xor3A_617, %add3A_622 : vector<16xi32>
        %select_n3A_624 = arith.select %lt3A_620, %add3A_623, %xor3A_617 : vector<16xi1>, vector<16xi32>
        %broadcast_in_dim3A_625 = vector.shape_cast %select_n3A_624 : vector<16xi32> to vector<16x1xi32>
        %gather3A_626 = vector.shape_cast %broadcast_in_dim3A_625 : vector<16x1xi32> to vector<16xi32>
        %gather3A_627 = tpu.dynamic_gather %mul3A_614[%gather3A_626] in [0] : vector<16xf32>, vector<16xi32> -> vector<16xf32>
        %add3A_628 = arith.addf %mul3A_614, %gather3A_627 : vector<16xf32>
        %xor3A_629 = arith.constant 2 : i32
        %xor3A_630 = vector.broadcast %xor3A_629 : i32 to vector<16xi32>
        %xor3A_631 = arith.xori %iota3A, %xor3A_630 : vector<16xi32>
        %lt3A_632 = arith.constant 0 : i32
        %lt3A_633 = vector.broadcast %lt3A_632 : i32 to vector<16xi32>
        %lt3A_634 = arith.cmpi slt, %xor3A_631, %lt3A_633 : vector<16xi32>
        %add3A_635 = arith.constant 16 : i32
        %add3A_636 = vector.broadcast %add3A_635 : i32 to vector<16xi32>
        %add3A_637 = arith.addi %xor3A_631, %add3A_636 : vector<16xi32>
        %select_n3A_638 = arith.select %lt3A_634, %add3A_637, %xor3A_631 : vector<16xi1>, vector<16xi32>
        %broadcast_in_dim3A_639 = vector.shape_cast %select_n3A_638 : vector<16xi32> to vector<16x1xi32>
        %gather3A_640 = vector.shape_cast %broadcast_in_dim3A_639 : vector<16x1xi32> to vector<16xi32>
        %gather3A_641 = tpu.dynamic_gather %add3A_628[%gather3A_640] in [0] : vector<16xf32>, vector<16xi32> -> vector<16xf32>
        %add3A_642 = arith.addf %add3A_628, %gather3A_641 : vector<16xf32>
        %xor3A_643 = arith.constant 4 : i32
        %xor3A_644 = vector.broadcast %xor3A_643 : i32 to vector<16xi32>
        %xor3A_645 = arith.xori %iota3A, %xor3A_644 : vector<16xi32>
        %lt3A_646 = arith.constant 0 : i32
        %lt3A_647 = vector.broadcast %lt3A_646 : i32 to vector<16xi32>
        %lt3A_648 = arith.cmpi slt, %xor3A_645, %lt3A_647 : vector<16xi32>
        %add3A_649 = arith.constant 16 : i32
        %add3A_650 = vector.broadcast %add3A_649 : i32 to vector<16xi32>
        %add3A_651 = arith.addi %xor3A_645, %add3A_650 : vector<16xi32>
        %select_n3A_652 = arith.select %lt3A_648, %add3A_651, %xor3A_645 : vector<16xi1>, vector<16xi32>
        %broadcast_in_dim3A_653 = vector.shape_cast %select_n3A_652 : vector<16xi32> to vector<16x1xi32>
        %gather3A_654 = vector.shape_cast %broadcast_in_dim3A_653 : vector<16x1xi32> to vector<16xi32>
        %gather3A_655 = tpu.dynamic_gather %add3A_642[%gather3A_654] in [0] : vector<16xf32>, vector<16xi32> -> vector<16xf32>
        %add3A_656 = arith.addf %add3A_642, %gather3A_655 : vector<16xf32>
        %exp3A_657 = math.exp %add3A_656 : vector<16xf32>
        %mul3A_658 = arith.mulf %get3A_440, %exp3A_510 : vector<16xf32>
        %swap3A_659 = arith.index_cast %add3A_437 : i32 to index
        %swap3A_660 = arith.constant 0 : index
        %swap3A_661 = tpu.vector_load %arg18[%swap3A_659, %swap3A_660] {strides = array<i32>} : memref<128x80xf32, #tpu.memory_space<vmem>>, vector<16xf32>,
        tpu.vector_store %arg18[%swap3A_659, %swap3A_660], %mul3A_658 {strides = array<i32>} : memref<128x80xf32, #tpu.memory_space<vmem>>, vector<16xf32>,
        %mul3A_662 = arith.mulf %get3A_443, %exp3A_559 : vector<16xf32>
        %swap3A_663 = arith.index_cast %add3A_437 : i32 to index
        %swap3A_664 = arith.constant 16 : index
        %swap3A_665 = tpu.vector_load %arg18[%swap3A_663, %swap3A_664] {strides = array<i32>} : memref<128x80xf32, #tpu.memory_space<vmem>>, vector<16xf32>,
        tpu.vector_store %arg18[%swap3A_663, %swap3A_664], %mul3A_662 {strides = array<i32>} : memref<128x80xf32, #tpu.memory_space<vmem>>, vector<16xf32>,
        %mul3A_666 = arith.mulf %get3A_446, %exp3A_608 : vector<16xf32>
        %swap3A_667 = arith.index_cast %add3A_437 : i32 to index
        %swap3A_668 = arith.constant 32 : index
        %swap3A_669 = tpu.vector_load %arg18[%swap3A_667, %swap3A_668] {strides = array<i32>} : memref<128x80xf32, #tpu.memory_space<vmem>>, vector<16xf32>,
        tpu.vector_store %arg18[%swap3A_667, %swap3A_668], %mul3A_666 {strides = array<i32>} : memref<128x80xf32, #tpu.memory_space<vmem>>, vector<16xf32>,
        %mul3A_670 = arith.mulf %get3A_449, %exp3A_657 : vector<16xf32>
        %swap3A_671 = arith.index_cast %add3A_437 : i32 to index
        %swap3A_672 = arith.constant 48 : index
        %swap3A_673 = tpu.vector_load %arg18[%swap3A_671, %swap3A_672] {strides = array<i32>} : memref<128x80xf32, #tpu.memory_space<vmem>>, vector<16xf32>,
        tpu.vector_store %arg18[%swap3A_671, %swap3A_672], %mul3A_670 {strides = array<i32>} : memref<128x80xf32, #tpu.memory_space<vmem>>, vector<16xf32>,
        %lt3A_674 = arith.constant 0 : i32
        %lt3A_675 = vector.broadcast %lt3A_674 : i32 to vector<16xi32>
        %lt3A_676 = arith.cmpi slt, %mul3A_9, %lt3A_675 : vector<16xi32>
        %add3A_677 = arith.constant 16 : i32
        %add3A_678 = vector.broadcast %add3A_677 : i32 to vector<16xi32>
        %add3A_679 = arith.addi %mul3A_9, %add3A_678 : vector<16xi32>
        %select_n3A_680 = arith.select %lt3A_676, %add3A_679, %mul3A_9 : vector<16xi1>, vector<16xi32>
        %broadcast_in_dim3A_681 = vector.shape_cast %select_n3A_680 : vector<16xi32> to vector<16x1xi32>
        %gather3A_682 = vector.shape_cast %broadcast_in_dim3A_681 : vector<16x1xi32> to vector<16xi32>
        %gather3A_683 = tpu.dynamic_gather %exp3A_510[%gather3A_682] in [0] : vector<16xf32>, vector<16xi32> -> vector<16xf32>
        %shift_right_arithmetic3A_684 = arith.constant 1 : i32
        %shift_right_arithmetic3A_685 = vector.broadcast %shift_right_arithmetic3A_684 : i32 to vector<16xi32>
        %shift_right_arithmetic3A_686 = arith.shrsi %iota3A, %shift_right_arithmetic3A_685 : vector<16xi32>
        %eq3A_687 = arith.constant 1 : i32
        %eq3A_688 = vector.broadcast %eq3A_687 : i32 to vector<16xi32>
        %eq3A_689 = arith.cmpi eq, %shift_right_arithmetic3A_686, %eq3A_688 : vector<16xi32>
        %lt3A_690 = arith.constant 0 : i32
        %lt3A_691 = vector.broadcast %lt3A_690 : i32 to vector<16xi32>
        %lt3A_692 = arith.cmpi slt, %mul3A_9, %lt3A_691 : vector<16xi32>
        %add3A_693 = arith.constant 16 : i32
        %add3A_694 = vector.broadcast %add3A_693 : i32 to vector<16xi32>
        %add3A_695 = arith.addi %mul3A_9, %add3A_694 : vector<16xi32>
        %select_n3A_696 = arith.select %lt3A_692, %add3A_695, %mul3A_9 : vector<16xi1>, vector<16xi32>
        %broadcast_in_dim3A_697 = vector.shape_cast %select_n3A_696 : vector<16xi32> to vector<16x1xi32>
        %gather3A_698 = vector.shape_cast %broadcast_in_dim3A_697 : vector<16x1xi32> to vector<16xi32>
        %gather3A_699 = tpu.dynamic_gather %exp3A_559[%gather3A_698] in [0] : vector<16xf32>, vector<16xi32> -> vector<16xf32>
        %select_n3A_700 = arith.select %eq3A_689, %gather3A_699, %gather3A_683 : vector<16xi1>, vector<16xf32>
        %shift_right_arithmetic3A_701 = arith.constant 1 : i32
        %shift_right_arithmetic3A_702 = vector.broadcast %shift_right_arithmetic3A_701 : i32 to vector<16xi32>
        %shift_right_arithmetic3A_703 = arith.shrsi %iota3A, %shift_right_arithmetic3A_702 : vector<16xi32>
        %eq3A_704 = arith.constant 2 : i32
        %eq3A_705 = vector.broadcast %eq3A_704 : i32 to vector<16xi32>
        %eq3A_706 = arith.cmpi eq, %shift_right_arithmetic3A_703, %eq3A_705 : vector<16xi32>
        %lt3A_707 = arith.constant 0 : i32
        %lt3A_708 = vector.broadcast %lt3A_707 : i32 to vector<16xi32>
        %lt3A_709 = arith.cmpi slt, %mul3A_9, %lt3A_708 : vector<16xi32>
        %add3A_710 = arith.constant 16 : i32
        %add3A_711 = vector.broadcast %add3A_710 : i32 to vector<16xi32>
        %add3A_712 = arith.addi %mul3A_9, %add3A_711 : vector<16xi32>
        %select_n3A_713 = arith.select %lt3A_709, %add3A_712, %mul3A_9 : vector<16xi1>, vector<16xi32>
        %broadcast_in_dim3A_714 = vector.shape_cast %select_n3A_713 : vector<16xi32> to vector<16x1xi32>
        %gather3A_715 = vector.shape_cast %broadcast_in_dim3A_714 : vector<16x1xi32> to vector<16xi32>
        %gather3A_716 = tpu.dynamic_gather %exp3A_608[%gather3A_715] in [0] : vector<16xf32>, vector<16xi32> -> vector<16xf32>
        %select_n3A_717 = arith.select %eq3A_706, %gather3A_716, %select_n3A_700 : vector<16xi1>, vector<16xf32>
        %shift_right_arithmetic3A_718 = arith.constant 1 : i32
        %shift_right_arithmetic3A_719 = vector.broadcast %shift_right_arithmetic3A_718 : i32 to vector<16xi32>
        %shift_right_arithmetic3A_720 = arith.shrsi %iota3A, %shift_right_arithmetic3A_719 : vector<16xi32>
        %eq3A_721 = arith.constant 3 : i32
        %eq3A_722 = vector.broadcast %eq3A_721 : i32 to vector<16xi32>
        %eq3A_723 = arith.cmpi eq, %shift_right_arithmetic3A_720, %eq3A_722 : vector<16xi32>
        %lt3A_724 = arith.constant 0 : i32
        %lt3A_725 = vector.broadcast %lt3A_724 : i32 to vector<16xi32>
        %lt3A_726 = arith.cmpi slt, %mul3A_9, %lt3A_725 : vector<16xi32>
        %add3A_727 = arith.constant 16 : i32
        %add3A_728 = vector.broadcast %add3A_727 : i32 to vector<16xi32>
        %add3A_729 = arith.addi %mul3A_9, %add3A_728 : vector<16xi32>
        %select_n3A_730 = arith.select %lt3A_726, %add3A_729, %mul3A_9 : vector<16xi1>, vector<16xi32>
        %broadcast_in_dim3A_731 = vector.shape_cast %select_n3A_730 : vector<16xi32> to vector<16x1xi32>
        %gather3A_732 = vector.shape_cast %broadcast_in_dim3A_731 : vector<16x1xi32> to vector<16xi32>
        %gather3A_733 = tpu.dynamic_gather %exp3A_657[%gather3A_732] in [0] : vector<16xf32>, vector<16xi32> -> vector<16xf32>
        %select_n3A_734 = arith.select %eq3A_723, %gather3A_733, %select_n3A_717 : vector<16xi1>, vector<16xf32>
        %swap3A_735 = arith.index_cast %add3A_437 : i32 to index
        %swap3A_736 = arith.constant 64 : index
        %swap3A_737 = tpu.vector_load %arg18[%swap3A_735, %swap3A_736] {strides = array<i32>} : memref<128x80xf32, #tpu.memory_space<vmem>>, vector<16xf32>,
        tpu.vector_store %arg18[%swap3A_735, %swap3A_736], %select_n3A_734 {strides = array<i32>} : memref<128x80xf32, #tpu.memory_space<vmem>>, vector<16xf32>,
        %scan3A_738 = arith.constant 0 : i32
        scf.yield %scan3A_738 : i32
      }
      %scan3A_131 = arith.constant 64 : i32
      %dma_start3A_132 = arith.constant 0 : i32
      %dma_start3A_133 = tpu.memref_slice %arg12[%add3A_92, %dma_start3A_132] : memref<82x128xi32, #tpu.memory_space<vmem>> -> memref<1x128xi32, #tpu.memory_space<vmem>>
      %dma_start3A_134 = tpu.memref_squeeze %dma_start3A_133 : memref<1x128xi32, #tpu.memory_space<vmem>> -> memref<128xi32, #tpu.memory_space<vmem>>
      %dma_start3A_135 = arith.constant 0 : i32
      %dma_start3A_136 = arith.constant 0 : i32
      %dma_start3A_137 = tpu.memref_slice %arg9[%dma_start3A_135, %dma_start3A_136] : memref<10112x80xf32, #tpu.memory_space<vmem_shared>> -> memref<10112x80xf32, #tpu.memory_space<vmem_shared>>
      tpu.enqueue_indirect_dma source(%arg18 : memref<128x80xf32, #tpu.memory_space<vmem>>) target(%dma_start3A_137 : memref<10112x80xf32, #tpu.memory_space<vmem_shared>>) offsets(%dma_start3A_134 : memref<128xi32, #tpu.memory_space<vmem>>) semaphore(%arg22 : memref<!tpu.dma_semaphore, #tpu.memory_space<semaphore_mem>>) {add = true}
      %scan3A_138 = arith.constant 0 : i32
      scf.yield %scan3A_138 : i32
    }
    %scan3A_28 = arith.constant 41 : i32
    %dma_wait3A = arith.constant 0 : i32
    %dma_wait3A_29 = arith.constant 0 : i32
    %dma_wait3A_30 = tpu.memref_slice %arg9[%dma_wait3A, %dma_wait3A_29] : memref<10112x80xf32, #tpu.memory_space<vmem_shared>> -> memref<128x80xf32, #tpu.memory_space<vmem_shared>>
    %dma_wait3A_31 = arith.constant 0 : i32
    %dma_wait3A_32 = arith.constant 0 : i32
    %dma_wait3A_33 = tpu.memref_slice %arg7[%dma_wait3A_31, %dma_wait3A_32] : memref<10112x80xf32, #tpu.memory_space<hbm>> -> memref<128x80xf32, #tpu.memory_space<hbm>>
    tpu.wait_dma2 semaphore(%arg21 : memref<!tpu.dma_semaphore, #tpu.memory_space<semaphore_mem>>) src(%dma_wait3A_33 : memref<128x80xf32, #tpu.memory_space<hbm>>) dst(%dma_wait3A_30 : memref<128x80xf32, #tpu.memory_space<vmem_shared>>)
    %dma_wait3A_34 = arith.constant 0 : i32
    %dma_wait3A_35 = arith.constant 0 : i32
    %dma_wait3A_36 = tpu.memref_slice %arg9[%dma_wait3A_34, %dma_wait3A_35] : memref<10112x80xf32, #tpu.memory_space<vmem_shared>> -> memref<128x80xf32, #tpu.memory_space<vmem_shared>>
    %dma_wait3A_37 = arith.constant 0 : i32
    %dma_wait3A_38 = arith.constant 0 : i32
    %dma_wait3A_39 = tpu.memref_slice %arg7[%dma_wait3A_37, %dma_wait3A_38] : memref<10112x80xf32, #tpu.memory_space<hbm>> -> memref<128x80xf32, #tpu.memory_space<hbm>>
    tpu.wait_dma2 semaphore(%arg22 : memref<!tpu.dma_semaphore, #tpu.memory_space<semaphore_mem>>) src(%dma_wait3A_39 : memref<128x80xf32, #tpu.memory_space<hbm>>) dst(%dma_wait3A_36 : memref<128x80xf32, #tpu.memory_space<vmem_shared>>)
    %barrier3A_40 = arith.constant 0 : index
    tpu.barrier barrier_id(%barrier3A_40)
    %mul3A_41 = arith.constant 632 : i32
    %mul3A_42 = arith.muli %arg1, %mul3A_41 : i32
    %mul3A_43 = arith.constant 632 : i32
    %mul3A_44 = arith.muli %arg1, %mul3A_43 : i32
    "tpu.region"() ({
      %run_scoped3A = tpu.sem_alloc : memref<!tpu.dma_semaphore, #tpu.memory_space<semaphore_mem>>
      %dma_start3A_45 = arith.constant 0 : i32
      %dma_start3A_46 = tpu.memref_slice %arg8[%arg0, %mul3A_44, %dma_start3A_45] : memref<2x10112x80xf32, #tpu.memory_space<hbm>> -> memref<1x632x80xf32, #tpu.memory_space<hbm>>
      %dma_start3A_47 = tpu.memref_squeeze %dma_start3A_46 : memref<1x632x80xf32, #tpu.memory_space<hbm>> -> memref<632x80xf32, #tpu.memory_space<hbm>>
      %dma_start3A_48 = arith.constant 0 : i32
      %dma_start3A_49 = tpu.memref_slice %arg9[%mul3A_42, %dma_start3A_48] : memref<10112x80xf32, #tpu.memory_space<vmem_shared>> -> memref<632x80xf32, #tpu.memory_space<vmem_shared>>
      tpu.enqueue_dma source(%dma_start3A_49 : memref<632x80xf32, #tpu.memory_space<vmem_shared>>) target(%dma_start3A_47 : memref<632x80xf32, #tpu.memory_space<hbm>>) target_semaphore(%run_scoped3A : memref<!tpu.dma_semaphore, #tpu.memory_space<semaphore_mem>>)
      %dma_wait3A_50 = arith.constant 0 : i32
      %dma_wait3A_51 = tpu.memref_slice %arg8[%arg0, %mul3A_44, %dma_wait3A_50] : memref<2x10112x80xf32, #tpu.memory_space<hbm>> -> memref<1x632x80xf32, #tpu.memory_space<hbm>>
      %dma_wait3A_52 = tpu.memref_squeeze %dma_wait3A_51 : memref<1x632x80xf32, #tpu.memory_space<hbm>> -> memref<632x80xf32, #tpu.memory_space<hbm>>
      %dma_wait3A_53 = arith.constant 0 : i32
      %dma_wait3A_54 = tpu.memref_slice %arg9[%mul3A_42, %dma_wait3A_53] : memref<10112x80xf32, #tpu.memory_space<vmem_shared>> -> memref<632x80xf32, #tpu.memory_space<vmem_shared>>
      tpu.wait_dma2 semaphore(%run_scoped3A : memref<!tpu.dma_semaphore, #tpu.memory_space<semaphore_mem>>) src(%dma_wait3A_54 : memref<632x80xf32, #tpu.memory_space<vmem_shared>>) dst(%dma_wait3A_52 : memref<632x80xf32, #tpu.memory_space<hbm>>)
      tpu.yield
    }) : () -> ()
    return
  }
}

module attributes {stable_mosaic.version = 14 : i64} {
  func.func @body(%arg0: memref<10000x128xf32, #tpu.memory_space<vmem>>, %arg1: memref<128x64xf32, #tpu.memory_space<vmem>>, %arg2: memref<128x64xf32, #tpu.memory_space<vmem>>, %arg3: memref<10000x64xf32, #tpu.memory_space<vmem>>, %arg4: memref<10112x64xf32, #tpu.memory_space<vmem>>) attributes {dimension_semantics = [], scalar_prefetch = 0 : i64, scratch_operands = 0 : i64, tpu.core_type = #tpu.core_type<tc>} {
    %get3A = arith.constant 0 : index
    %get3A_0 = arith.constant 0 : index
    %get3A_1 = vector.load %arg0[%get3A, %get3A_0] : memref<10000x128xf32, #tpu.memory_space<vmem>>, vector<10000x128xf32>
    %get3A_2 = arith.constant 0 : index
    %get3A_3 = arith.constant 0 : index
    %get3A_4 = vector.load %arg1[%get3A_2, %get3A_3] : memref<128x64xf32, #tpu.memory_space<vmem>>, vector<128x64xf32>
    %dot_general3A = arith.constant dense<0.000000e+00> : vector<10000x64xf32>
    %dot_general3A_5 = tpu.matmul %get3A_1, %get3A_4, %dot_general3A {dimension_numbers = #tpu.dot_dimension_numbers<[1], [0], [0], [1], [0, 0, 1, 1], [], []>, transpose_lhs_hint = false} : vector<10000x128xf32>, vector<128x64xf32>, vector<10000x64xf32> -> vector<10000x64xf32>
    %swap3A = arith.constant 0 : index
    %swap3A_6 = arith.constant 0 : index
    %swap3A_7 = vector.load %arg3[%swap3A, %swap3A_6] : memref<10000x64xf32, #tpu.memory_space<vmem>>, vector<10000x64xf32>
    tpu.vector_store %arg3[%swap3A, %swap3A_6], %dot_general3A_5 {strides = array<i32>} : memref<10000x64xf32, #tpu.memory_space<vmem>>, vector<10000x64xf32>,
    %get3A_8 = arith.constant 0 : index
    %get3A_9 = arith.constant 0 : index
    %get3A_10 = vector.load %arg2[%get3A_8, %get3A_9] : memref<128x64xf32, #tpu.memory_space<vmem>>, vector<128x64xf32>
    %dot_general3A_11 = arith.constant dense<0.000000e+00> : vector<10000x64xf32>
    %dot_general3A_12 = tpu.matmul %get3A_1, %get3A_10, %dot_general3A_11 {dimension_numbers = #tpu.dot_dimension_numbers<[1], [0], [0], [1], [0, 0, 1, 1], [], []>, transpose_lhs_hint = false} : vector<10000x128xf32>, vector<128x64xf32>, vector<10000x64xf32> -> vector<10000x64xf32>
    %broadcast_in_dim3A = arith.constant 0.000000e+00 : f32
    %broadcast_in_dim3A_13 = vector.broadcast %broadcast_in_dim3A : f32 to vector<112x64xf32>
    %concatenate3A = tpu.concatenate %dot_general3A_12, %broadcast_in_dim3A_13 in 0 : vector<10000x64xf32>, vector<112x64xf32> -> vector<10112x64xf32>
    %swap3A_14 = arith.constant 0 : index
    %swap3A_15 = arith.constant 0 : index
    %swap3A_16 = vector.load %arg4[%swap3A_14, %swap3A_15] : memref<10112x64xf32, #tpu.memory_space<vmem>>, vector<10112x64xf32>
    tpu.vector_store %arg4[%swap3A_14, %swap3A_15], %concatenate3A {strides = array<i32>} : memref<10112x64xf32, #tpu.memory_space<vmem>>, vector<10112x64xf32>,
    return
  }
}

module attributes {stable_mosaic.version = 14 : i64} {
  func.func @body(%arg0: memref<2x10112x80xf32, #tpu.memory_space<vmem>>, %arg1: memref<64xf32, #tpu.memory_space<vmem>>, %arg2: memref<8x64xf32, #tpu.memory_space<vmem>>, %arg3: memref<64x64xf32, #tpu.memory_space<vmem>>, %arg4: memref<64x64xf32, #tpu.memory_space<vmem>>, %arg5: memref<10000x64xf32, #tpu.memory_space<vmem>>, %arg6: memref<10112x64xf32, #tpu.memory_space<vmem>>) attributes {dimension_semantics = [], scalar_prefetch = 0 : i64, scratch_operands = 0 : i64, tpu.core_type = #tpu.core_type<tc>} {
    %get3A = arith.constant 0 : index
    %get3A_0 = arith.constant 0 : index
    %get3A_1 = arith.constant 0 : index
    %get3A_2 = vector.load %arg0[%get3A, %get3A_0, %get3A_1] : memref<2x10112x80xf32, #tpu.memory_space<vmem>>, vector<1x10112x80xf32>
    %get3A_3 = vector.shape_cast %get3A_2 : vector<1x10112x80xf32> to vector<10112x80xf32>
    %get3A_4 = arith.constant 1 : index
    %get3A_5 = arith.constant 0 : index
    %get3A_6 = arith.constant 0 : index
    %get3A_7 = vector.load %arg0[%get3A_4, %get3A_5, %get3A_6] : memref<2x10112x80xf32, #tpu.memory_space<vmem>>, vector<1x10112x80xf32>
    %get3A_8 = vector.shape_cast %get3A_7 : vector<1x10112x80xf32> to vector<10112x80xf32>
    %add3A = arith.addf %get3A_3, %get3A_8 : vector<10112x80xf32>
    %slice3A = vector.extract_strided_slice %add3A {offsets = [0, 0], sizes = [10000, 64], strides = [1, 1]} : vector<10112x80xf32> to vector<10000x64xf32>
    %slice3A_9 = vector.extract_strided_slice %add3A {offsets = [0, 64], sizes = [10000, 8], strides = [1, 1]} : vector<10112x80xf32> to vector<10000x8xf32>
    %get3A_10 = arith.constant 0 : index
    %get3A_11 = arith.constant 0 : index
    %get3A_12 = vector.load %arg2[%get3A_10, %get3A_11] : memref<8x64xf32, #tpu.memory_space<vmem>>, vector<8x64xf32>
    %dot_general3A = arith.constant dense<0.000000e+00> : vector<10000x64xf32>
    %dot_general3A_13 = tpu.matmul %slice3A_9, %get3A_12, %dot_general3A {dimension_numbers = #tpu.dot_dimension_numbers<[1], [0], [0], [1], [0, 0, 1, 1], [], []>, transpose_lhs_hint = false} : vector<10000x8xf32>, vector<8x64xf32>, vector<10000x64xf32> -> vector<10000x64xf32>
    %add3A_14 = arith.constant 1.000000e-16 : f32
    %add3A_15 = vector.broadcast %add3A_14 : f32 to vector<10000x64xf32>
    %add3A_16 = arith.addf %dot_general3A_13, %add3A_15 : vector<10000x64xf32>
    %div3A = arith.divf %slice3A, %add3A_16 : vector<10000x64xf32>
    %get3A_17 = arith.constant 0 : index
    %get3A_18 = vector.load %arg1[%get3A_17] : memref<64xf32, #tpu.memory_space<vmem>>, vector<64xf32>
    %broadcast_in_dim3A = vector.shape_cast %get3A_18 : vector<64xf32> to vector<1x64xf32>
    %add3A_19 = vector.broadcast %broadcast_in_dim3A : vector<1x64xf32> to vector<10000x64xf32>
    %add3A_20 = arith.addf %div3A, %add3A_19 : vector<10000x64xf32>
    %gt3A = arith.constant 0.000000e+00 : f32
    %gt3A_21 = vector.broadcast %gt3A : f32 to vector<10000x64xf32>
    %gt3A_22 = arith.cmpf ogt, %add3A_20, %gt3A_21 : vector<10000x64xf32>
    %min3A = arith.constant 0.000000e+00 : f32
    %min3A_23 = vector.broadcast %min3A : f32 to vector<10000x64xf32>
    %min3A_24 = arith.minimumf %add3A_20, %min3A_23 : vector<10000x64xf32>
    %exp3A = math.exp %min3A_24 : vector<10000x64xf32>
    %sub3A = arith.constant 1.000000e+00 : f32
    %sub3A_25 = vector.broadcast %sub3A : f32 to vector<10000x64xf32>
    %sub3A_26 = arith.subf %exp3A, %sub3A_25 : vector<10000x64xf32>
    %select_n3A = arith.select %gt3A_22, %add3A_20, %sub3A_26 : vector<10000x64xi1>, vector<10000x64xf32>
    %get3A_27 = arith.constant 0 : index
    %get3A_28 = arith.constant 0 : index
    %get3A_29 = vector.load %arg3[%get3A_27, %get3A_28] : memref<64x64xf32, #tpu.memory_space<vmem>>, vector<64x64xf32>
    %dot_general3A_30 = arith.constant dense<0.000000e+00> : vector<10000x64xf32>
    %dot_general3A_31 = tpu.matmul %select_n3A, %get3A_29, %dot_general3A_30 {dimension_numbers = #tpu.dot_dimension_numbers<[1], [0], [0], [1], [0, 0, 1, 1], [], []>, transpose_lhs_hint = false} : vector<10000x64xf32>, vector<64x64xf32>, vector<10000x64xf32> -> vector<10000x64xf32>
    %swap3A = arith.constant 0 : index
    %swap3A_32 = arith.constant 0 : index
    %swap3A_33 = vector.load %arg5[%swap3A, %swap3A_32] : memref<10000x64xf32, #tpu.memory_space<vmem>>, vector<10000x64xf32>
    tpu.vector_store %arg5[%swap3A, %swap3A_32], %dot_general3A_31 {strides = array<i32>} : memref<10000x64xf32, #tpu.memory_space<vmem>>, vector<10000x64xf32>,
    %get3A_34 = arith.constant 0 : index
    %get3A_35 = arith.constant 0 : index
    %get3A_36 = vector.load %arg4[%get3A_34, %get3A_35] : memref<64x64xf32, #tpu.memory_space<vmem>>, vector<64x64xf32>
    %dot_general3A_37 = arith.constant dense<0.000000e+00> : vector<10000x64xf32>
    %dot_general3A_38 = tpu.matmul %select_n3A, %get3A_36, %dot_general3A_37 {dimension_numbers = #tpu.dot_dimension_numbers<[1], [0], [0], [1], [0, 0, 1, 1], [], []>, transpose_lhs_hint = false} : vector<10000x64xf32>, vector<64x64xf32>, vector<10000x64xf32> -> vector<10000x64xf32>
    %broadcast_in_dim3A_39 = arith.constant 0.000000e+00 : f32
    %broadcast_in_dim3A_40 = vector.broadcast %broadcast_in_dim3A_39 : f32 to vector<112x64xf32>
    %concatenate3A = tpu.concatenate %dot_general3A_38, %broadcast_in_dim3A_40 in 0 : vector<10000x64xf32>, vector<112x64xf32> -> vector<10112x64xf32>
    %swap3A_41 = arith.constant 0 : index
    %swap3A_42 = arith.constant 0 : index
    %swap3A_43 = vector.load %arg6[%swap3A_41, %swap3A_42] : memref<10112x64xf32, #tpu.memory_space<vmem>>, vector<10112x64xf32>
    tpu.vector_store %arg6[%swap3A_41, %swap3A_42], %concatenate3A {strides = array<i32>} : memref<10112x64xf32, #tpu.memory_space<vmem>>, vector<10112x64xf32>,
    return
  }
}

module attributes {stable_mosaic.version = 14 : i64} {
  func.func @body(%arg0: memref<2x10112x80xf32, #tpu.memory_space<vmem>>, %arg1: memref<64xf32, #tpu.memory_space<vmem>>, %arg2: memref<8x64xf32, #tpu.memory_space<vmem>>, %arg3: memref<64x16xf32, #tpu.memory_space<vmem>>, %arg4: memref<64x16xf32, #tpu.memory_space<vmem>>, %arg5: memref<10000x16xf32, #tpu.memory_space<vmem>>, %arg6: memref<10112x16xf32, #tpu.memory_space<vmem>>) attributes {dimension_semantics = [], scalar_prefetch = 0 : i64, scratch_operands = 0 : i64, tpu.core_type = #tpu.core_type<tc>} {
    %get3A = arith.constant 0 : index
    %get3A_0 = arith.constant 0 : index
    %get3A_1 = arith.constant 0 : index
    %get3A_2 = vector.load %arg0[%get3A, %get3A_0, %get3A_1] : memref<2x10112x80xf32, #tpu.memory_space<vmem>>, vector<1x10112x80xf32>
    %get3A_3 = vector.shape_cast %get3A_2 : vector<1x10112x80xf32> to vector<10112x80xf32>
    %get3A_4 = arith.constant 1 : index
    %get3A_5 = arith.constant 0 : index
    %get3A_6 = arith.constant 0 : index
    %get3A_7 = vector.load %arg0[%get3A_4, %get3A_5, %get3A_6] : memref<2x10112x80xf32, #tpu.memory_space<vmem>>, vector<1x10112x80xf32>
    %get3A_8 = vector.shape_cast %get3A_7 : vector<1x10112x80xf32> to vector<10112x80xf32>
    %add3A = arith.addf %get3A_3, %get3A_8 : vector<10112x80xf32>
    %slice3A = vector.extract_strided_slice %add3A {offsets = [0, 0], sizes = [10000, 64], strides = [1, 1]} : vector<10112x80xf32> to vector<10000x64xf32>
    %slice3A_9 = vector.extract_strided_slice %add3A {offsets = [0, 64], sizes = [10000, 8], strides = [1, 1]} : vector<10112x80xf32> to vector<10000x8xf32>
    %get3A_10 = arith.constant 0 : index
    %get3A_11 = arith.constant 0 : index
    %get3A_12 = vector.load %arg2[%get3A_10, %get3A_11] : memref<8x64xf32, #tpu.memory_space<vmem>>, vector<8x64xf32>
    %dot_general3A = arith.constant dense<0.000000e+00> : vector<10000x64xf32>
    %dot_general3A_13 = tpu.matmul %slice3A_9, %get3A_12, %dot_general3A {dimension_numbers = #tpu.dot_dimension_numbers<[1], [0], [0], [1], [0, 0, 1, 1], [], []>, transpose_lhs_hint = false} : vector<10000x8xf32>, vector<8x64xf32>, vector<10000x64xf32> -> vector<10000x64xf32>
    %add3A_14 = arith.constant 1.000000e-16 : f32
    %add3A_15 = vector.broadcast %add3A_14 : f32 to vector<10000x64xf32>
    %add3A_16 = arith.addf %dot_general3A_13, %add3A_15 : vector<10000x64xf32>
    %div3A = arith.divf %slice3A, %add3A_16 : vector<10000x64xf32>
    %get3A_17 = arith.constant 0 : index
    %get3A_18 = vector.load %arg1[%get3A_17] : memref<64xf32, #tpu.memory_space<vmem>>, vector<64xf32>
    %broadcast_in_dim3A = vector.shape_cast %get3A_18 : vector<64xf32> to vector<1x64xf32>
    %add3A_19 = vector.broadcast %broadcast_in_dim3A : vector<1x64xf32> to vector<10000x64xf32>
    %add3A_20 = arith.addf %div3A, %add3A_19 : vector<10000x64xf32>
    %gt3A = arith.constant 0.000000e+00 : f32
    %gt3A_21 = vector.broadcast %gt3A : f32 to vector<10000x64xf32>
    %gt3A_22 = arith.cmpf ogt, %add3A_20, %gt3A_21 : vector<10000x64xf32>
    %min3A = arith.constant 0.000000e+00 : f32
    %min3A_23 = vector.broadcast %min3A : f32 to vector<10000x64xf32>
    %min3A_24 = arith.minimumf %add3A_20, %min3A_23 : vector<10000x64xf32>
    %exp3A = math.exp %min3A_24 : vector<10000x64xf32>
    %sub3A = arith.constant 1.000000e+00 : f32
    %sub3A_25 = vector.broadcast %sub3A : f32 to vector<10000x64xf32>
    %sub3A_26 = arith.subf %exp3A, %sub3A_25 : vector<10000x64xf32>
    %select_n3A = arith.select %gt3A_22, %add3A_20, %sub3A_26 : vector<10000x64xi1>, vector<10000x64xf32>
    %get3A_27 = arith.constant 0 : index
    %get3A_28 = arith.constant 0 : index
    %get3A_29 = vector.load %arg3[%get3A_27, %get3A_28] : memref<64x16xf32, #tpu.memory_space<vmem>>, vector<64x16xf32>
    %dot_general3A_30 = arith.constant dense<0.000000e+00> : vector<10000x16xf32>
    %dot_general3A_31 = tpu.matmul %select_n3A, %get3A_29, %dot_general3A_30 {dimension_numbers = #tpu.dot_dimension_numbers<[1], [0], [0], [1], [0, 0, 1, 1], [], []>, transpose_lhs_hint = false} : vector<10000x64xf32>, vector<64x16xf32>, vector<10000x16xf32> -> vector<10000x16xf32>
    %swap3A = arith.constant 0 : index
    %swap3A_32 = arith.constant 0 : index
    %swap3A_33 = vector.load %arg5[%swap3A, %swap3A_32] : memref<10000x16xf32, #tpu.memory_space<vmem>>, vector<10000x16xf32>
    tpu.vector_store %arg5[%swap3A, %swap3A_32], %dot_general3A_31 {strides = array<i32>} : memref<10000x16xf32, #tpu.memory_space<vmem>>, vector<10000x16xf32>,
    %get3A_34 = arith.constant 0 : index
    %get3A_35 = arith.constant 0 : index
    %get3A_36 = vector.load %arg4[%get3A_34, %get3A_35] : memref<64x16xf32, #tpu.memory_space<vmem>>, vector<64x16xf32>
    %dot_general3A_37 = arith.constant dense<0.000000e+00> : vector<10000x16xf32>
    %dot_general3A_38 = tpu.matmul %select_n3A, %get3A_36, %dot_general3A_37 {dimension_numbers = #tpu.dot_dimension_numbers<[1], [0], [0], [1], [0, 0, 1, 1], [], []>, transpose_lhs_hint = false} : vector<10000x64xf32>, vector<64x16xf32>, vector<10000x16xf32> -> vector<10000x16xf32>
    %broadcast_in_dim3A_39 = arith.constant 0.000000e+00 : f32
    %broadcast_in_dim3A_40 = vector.broadcast %broadcast_in_dim3A_39 : f32 to vector<112x16xf32>
    %concatenate3A = tpu.concatenate %dot_general3A_38, %broadcast_in_dim3A_40 in 0 : vector<10000x16xf32>, vector<112x16xf32> -> vector<10112x16xf32>
    %swap3A_41 = arith.constant 0 : index
    %swap3A_42 = arith.constant 0 : index
    %swap3A_43 = vector.load %arg6[%swap3A_41, %swap3A_42] : memref<10112x16xf32, #tpu.memory_space<vmem>>, vector<10112x16xf32>
    tpu.vector_store %arg6[%swap3A_41, %swap3A_42], %concatenate3A {strides = array<i32>} : memref<10112x16xf32, #tpu.memory_space<vmem>>, vector<10112x16xf32>,
    return
  }
}

module attributes {stable_mosaic.version = 14 : i64} {
  func.func @body(%arg0: memref<2x10112x32xf32, #tpu.memory_space<vmem>>, %arg1: memref<16xf32, #tpu.memory_space<vmem>>, %arg2: memref<10000x16xf32, #tpu.memory_space<vmem>>, %arg3: memref<10000x16xf32, #tpu.memory_space<vmem>>) attributes {dimension_semantics = [], scalar_prefetch = 0 : i64, scratch_operands = 0 : i64, tpu.core_type = #tpu.core_type<tc>} {
    %get3A = arith.constant 0 : index
    %get3A_0 = arith.constant 0 : index
    %get3A_1 = arith.constant 0 : index
    %get3A_2 = vector.load %arg0[%get3A, %get3A_0, %get3A_1] : memref<2x10112x32xf32, #tpu.memory_space<vmem>>, vector<1x10112x32xf32>
    %get3A_3 = vector.shape_cast %get3A_2 : vector<1x10112x32xf32> to vector<10112x32xf32>
    %get3A_4 = arith.constant 1 : index
    %get3A_5 = arith.constant 0 : index
    %get3A_6 = arith.constant 0 : index
    %get3A_7 = vector.load %arg0[%get3A_4, %get3A_5, %get3A_6] : memref<2x10112x32xf32, #tpu.memory_space<vmem>>, vector<1x10112x32xf32>
    %get3A_8 = vector.shape_cast %get3A_7 : vector<1x10112x32xf32> to vector<10112x32xf32>
    %add3A = arith.addf %get3A_3, %get3A_8 : vector<10112x32xf32>
    %slice3A = vector.extract_strided_slice %add3A {offsets = [0, 0], sizes = [10000, 16], strides = [1, 1]} : vector<10112x32xf32> to vector<10000x16xf32>
    %slice3A_9 = vector.extract_strided_slice %add3A {offsets = [0, 16], sizes = [10000, 1], strides = [1, 1]} : vector<10112x32xf32> to vector<10000x1xf32>
    %broadcast_in_dim3A = arith.constant 1.000000e+00 : f32
    %broadcast_in_dim3A_10 = vector.broadcast %broadcast_in_dim3A : f32 to vector<1x16xf32>
    %dot_general3A = arith.constant dense<0.000000e+00> : vector<10000x16xf32>
    %dot_general3A_11 = tpu.matmul %slice3A_9, %broadcast_in_dim3A_10, %dot_general3A {dimension_numbers = #tpu.dot_dimension_numbers<[1], [0], [0], [1], [0, 0, 1, 1], [], []>, transpose_lhs_hint = false} : vector<10000x1xf32>, vector<1x16xf32>, vector<10000x16xf32> -> vector<10000x16xf32>
    %add3A_12 = arith.constant 1.000000e-16 : f32
    %add3A_13 = vector.broadcast %add3A_12 : f32 to vector<10000x16xf32>
    %add3A_14 = arith.addf %dot_general3A_11, %add3A_13 : vector<10000x16xf32>
    %div3A = arith.divf %slice3A, %add3A_14 : vector<10000x16xf32>
    %get3A_15 = arith.constant 0 : index
    %get3A_16 = vector.load %arg1[%get3A_15] : memref<16xf32, #tpu.memory_space<vmem>>, vector<16xf32>
    %broadcast_in_dim3A_17 = vector.shape_cast %get3A_16 : vector<16xf32> to vector<1x16xf32>
    %add3A_18 = vector.broadcast %broadcast_in_dim3A_17 : vector<1x16xf32> to vector<10000x16xf32>
    %add3A_19 = arith.addf %div3A, %add3A_18 : vector<10000x16xf32>
    %swap3A = arith.constant 0 : index
    %swap3A_20 = arith.constant 0 : index
    %swap3A_21 = vector.load %arg2[%swap3A, %swap3A_20] : memref<10000x16xf32, #tpu.memory_space<vmem>>, vector<10000x16xf32>
    tpu.vector_store %arg2[%swap3A, %swap3A_20], %add3A_19 {strides = array<i32>} : memref<10000x16xf32, #tpu.memory_space<vmem>>, vector<10000x16xf32>,
    %reduce_max3A = arith.constant dense<0xFF800000> : vector<10000xf32>
    %reduce_max3A_22 = vector.multi_reduction <maximumf>, %add3A_19, %reduce_max3A [1] : vector<10000x16xf32> to vector<10000xf32>
    %broadcast_in_dim3A_23 = vector.shape_cast %reduce_max3A_22 : vector<10000xf32> to vector<10000x1xf32>
    %sub3A = vector.broadcast %broadcast_in_dim3A_23 : vector<10000x1xf32> to vector<10000x16xf32>
    %sub3A_24 = arith.subf %add3A_19, %sub3A : vector<10000x16xf32>
    %exp3A = math.exp %sub3A_24 : vector<10000x16xf32>
    %reduce_sum3A = arith.constant dense<0.000000e+00> : vector<10000xf32>
    %reduce_sum3A_25 = vector.multi_reduction <add>, %exp3A, %reduce_sum3A [1] : vector<10000x16xf32> to vector<10000xf32>
    %broadcast_in_dim3A_26 = vector.shape_cast %reduce_sum3A_25 : vector<10000xf32> to vector<10000x1xf32>
    %log3A = math.log %broadcast_in_dim3A_26 : vector<10000x1xf32>
    %sub3A_27 = vector.broadcast %log3A : vector<10000x1xf32> to vector<10000x16xf32>
    %sub3A_28 = arith.subf %sub3A_24, %sub3A_27 : vector<10000x16xf32>
    %swap3A_29 = arith.constant 0 : index
    %swap3A_30 = arith.constant 0 : index
    %swap3A_31 = vector.load %arg3[%swap3A_29, %swap3A_30] : memref<10000x16xf32, #tpu.memory_space<vmem>>, vector<10000x16xf32>
    tpu.vector_store %arg3[%swap3A_29, %swap3A_30], %sub3A_28 {strides = array<i32>} : memref<10000x16xf32, #tpu.memory_space<vmem>>, vector<10000x16xf32>,
    return
  }
}

</mosaic_0001>

<sc_bundles>
// kernel: kernel.12.cloned.1.call-start
scs
__scs_entry_jumppad:
0x0: {  	(pc) =	sbr.rel $0x88, $3  }
0x1: {  	(tag) =	ssettag $0x0;
	lr =	simm.s32 $0x1  }
0x2: {  	[smem:$0x3F93] =	sst lr;
	_ =	strace $0xD0000000  }
0x3: {  	_ = 	snop  }
0x4: {  	_ = 	snop  }
0x5: {  	_ = 	snop  }
0x6: {  	_ = 	snop  }
0x7: {  	_ = 	snop  }
__scs_overlays_trampoline_lowered:
0x8: {  	[smem:$0x3FA2] =	sst s0  }
0x9: {  	[smem:$0x3FA3] =	sst s1  }
0xa: {  	[smem:$0x3FA4] =	sst s2  }
0xb: {  	[smem:$0x3FA5] =	sst s3  }
0xc: {  	[smem:$0x3FA6] =	sst s4  }
0xd: {  	[smem:$0x3FA7] =	sst s5  }
0xe: {  	[smem:$0x3FA8] =	sst s6  }
0xf: {  	[smem:$0x3FA9] =	sst s7  }
0x10: {  	[smem:$0x3FAA] =	sst s8  }
0x11: {  	[smem:$0x3FAB] =	sst s9;
	s0 =	simm.s32 @!p0 $0x0  }
0x12: {  	s1 =	sld [smem:$0x3F91];
	s0 =	simm.s32 @p0 $0x1  }
0x13: {  	[smem:$0x3FAC] =	sst s0;
	s0 =	simm.s32 @!p1 $0x0  }
0x14: {  	s2 =	sld [smem:$0x3F90];
	s0 =	simm.s32 @p1 $0x1  }
0x15: {  	[smem:$0x3FAD] =	sst s0;
	s0 =	simm.s32 @!p2 $0x0  }
0x16: {  	s3 =	sld [smem:$0x3FDB];
	s0 =	simm.s32 @p2 $0x1  }
0x17: {  	s4 =	simm.s32 $0x1BF5;
	[smem:$0x3FAF] =	sst s0  }
0x18: {  	s0 =	sld [smem:$0x3F92];
	_ =	swait.ge [sflag:s4], $0x0  }
0x19: {  	s7 =	sld [smem:$0x3F93]  }
0x1a: {  	s8 =	sadd.s32 $0xFFFFE003, lr  }
0x1b: {  	s9 =	sadd.s32 $0xFFFFFEF7, lr;
	s5 =	simm.s32 $0xFFFFFFFF;
	p2 =	slt.u32 s8, $0xFFFFF086  }
0x1c: {  	p1 =	slt.u32 s9, $0xF7A;
	s5 =	simm.s32 @!p2 $0x0  }
0x1d: {  	s5 =	simm.s32 @p1 $0x1;
	p0 =	seq.s32 s7, s2  }
0x1e: {  	s7 =	smul.u32 @!p0 $0xF7A, s2;
	p2 =	seq.s32 @!p0 s5, $0x0  }
0x1f: {  	s9 =	smul.u32 $0xF7A, s1;
	s8 =	simm.s32 @!p0 $0x1BF5;
	p2 =	por !p2, p0  }
0x20: {  	[sflag:s8] =	ssyncset.s32 @!p0 $0xFFFFF086;
	s6 =	sadd.s32 @!p0 s3, s7;
	s7 =	simm.s32 @!p0 $0x108  }
0x21: {  	s3 =	sadd.s32 s3, s9;
	s6 =	sadd.s32 @!p0 $0x88, s6;
	s7 =	simm.s32 @p2 $0x1082  }
0x22: {  	[simem:s7], [sflag:s8] =	dma.local @!p0 [hbm:s6], $0xF7A  }
0x23: {  	s9 =	sor.u32 $0xD0000000, s2;
	s6 =	simm.s32 $0x108;
	_ =	swait.ge @!p0 [sflag:s8], $0x0  }
0x24: {  	s3 =	sadd.s32 $0x88, s3;
	s6 =	simm.s32 @!p1 $0x1082;
	[sflag:s4] =	ssyncset.s32 $0xFFFFF086  }
0x25: {  	[simem:s6], [sflag:s4] =	dma.local [hbm:s3], $0xF7A  }
0x26: {  	[smem:$0x3F93] =	sst s1;
	(tag) =	ssettag s2;
	_ =	strace s9  }
0x27: {  	s1 =	sld [smem:$0x3FA3]  }
0x28: {  	s2 =	sld [smem:$0x3FA4]  }
0x29: {  	s4 =	sld [smem:$0x3FA6]  }
0x2a: {  	p0 =	seq.s32 s5, $0x0;
	s5 =	sld [smem:$0x3FA7]  }
0x2b: {  	s6 =	sld [smem:$0x3FA8]  }
0x2c: {  	s7 =	sld [smem:$0x3FA9]  }
0x2d: {  	s3 =	simm.s32 $0x108;
	s8 =	sld [smem:$0x3FAA]  }
0x2e: {  	s3 =	simm.s32 @!p0 $0x1082;
	s9 =	sld [smem:$0x3FAB]  }
0x2f: {  	lr =	sadd.s32 s0, s3;
	s0 =	sld [smem:$0x3FA2]  }
0x30: {  	s3 =	sld [smem:$0x3FA5]  }
0x31: {  	[smem:$0x3FAE] =	sst s10  }
0x32: {  	s10 =	sld [smem:$0x3FAC];
	_ =	sdelay $0x3  }
0x33: {  	p0 =	seq.s32 s10, $0x1;
	s10 =	sld [smem:$0x3FAE];
	_ =	sdelay $0x3  }
0x34: {  	[smem:$0x3FAE] =	sst s10  }
0x35: {  	s10 =	sld [smem:$0x3FAD];
	_ =	sdelay $0x3  }
0x36: {  	p1 =	seq.s32 s10, $0x1;
	s10 =	sld [smem:$0x3FAE];
	_ =	sdelay $0x3  }
0x37: {  	[smem:$0x3FAE] =	sst s10  }
0x38: {  	s10 =	sld [smem:$0x3FAF]  }
0x39: {  	_ = 	snop;
	(pc) =	sbr.ind lr, $3  }
0x3a: {  	_ = 	snop  }
0x3b: {  	_ = 	snop  }
0x3c: {  	p2 =	seq.s32 s10, $0x1;
	s10 =	sld [smem:$0x3FAE]  }
0x3d: {  	_ =	shalt  }
0x3e: {  	_ =	shalt  }
0x3f: {  	_ =	shalt  }
0x40: {  	_ =	shalt  }
0x41: {  	_ =	shalt  }
0x42: {  	_ =	shalt  }
0x43: {  	_ =	shalt  }
0x44: {  	_ =	shalt  }
0x45: {  	_ =	shalt  }
0x46: {  	_ =	shalt  }
0x47: {  	_ =	shalt  }
0x48: {  	_ =	shalt  }
0x49: {  	_ =	shalt  }
0x4a: {  	_ =	shalt  }
0x4b: {  	_ =	shalt  }
0x4c: {  	_ =	shalt  }
0x4d: {  	_ =	shalt  }
0x4e: {  	_ =	shalt  }
0x4f: {  	_ =	shalt  }
0x50: {  	_ =	shalt  }
0x51: {  	_ =	shalt  }
0x52: {  	_ =	shalt  }
0x53: {  	_ =	shalt  }
0x54: {  	_ =	shalt  }
0x55: {  	_ =	shalt  }
0x56: {  	_ =	shalt  }
0x57: {  	_ =	shalt  }
0x58: {  	_ =	shalt  }
0x59: {  	_ =	shalt  }
0x5a: {  	_ =	shalt  }
0x5b: {  	_ =	shalt  }
0x5c: {  	_ =	shalt  }
0x5d: {  	_ =	shalt  }
0x5e: {  	_ =	shalt  }
0x5f: {  	_ =	shalt  }
0x60: {  	_ =	shalt  }
0x61: {  	_ =	shalt  }
0x62: {  	_ =	shalt  }
0x63: {  	_ =	shalt  }
0x64: {  	_ =	shalt  }
0x65: {  	_ =	shalt  }
0x66: {  	_ =	shalt  }
0x67: {  	_ =	shalt  }
0x68: {  	_ =	shalt  }
0x69: {  	_ =	shalt  }
0x6a: {  	_ =	shalt  }
0x6b: {  	_ =	shalt  }
0x6c: {  	_ =	shalt  }
0x6d: {  	_ =	shalt  }
0x6e: {  	_ =	shalt  }
0x6f: {  	_ =	shalt  }
0x70: {  	_ =	shalt  }
0x71: {  	_ =	shalt  }
0x72: {  	_ =	shalt  }
0x73: {  	_ =	shalt  }
0x74: {  	_ =	shalt  }
0x75: {  	_ =	shalt  }
0x76: {  	_ =	shalt  }
0x77: {  	_ =	shalt  }
0x78: {  	_ =	shalt  }
0x79: {  	_ =	shalt  }
0x7a: {  	_ =	shalt  }
0x7b: {  	_ =	shalt  }
0x7c: {  	_ =	shalt  }
0x7d: {  	_ =	shalt  }
0x7e: {  	_ =	shalt  }
0x7f: {  	_ =	shalt  }
0x80: {  	_ =	shalt  }
0x81: {  	_ =	shalt  }
0x82: {  	_ =	shalt  }
0x83: {  	_ =	shalt  }
0x84: {  	_ =	shalt  }
0x85: {  	_ =	shalt  }
0x86: {  	_ =	shalt  }
0x87: {  	_ =	shalt  }
.Lfunc_end0:
.L_simem_size_0:
called_computation.1_lowered:
.L_overlay_start_0:
0x88: {  	s2 =	sld [smem:$0x3FD9]  }
0x89: {  	s3 =	sld [smem:$0x3FFE];
	_ =	sdelay $0x1  }
0x8a: {  	s1 =	srdreg.scid  }
0x8b: {  	s0 =	sand.u32 $0x1, s1  }
0x8c: {  	s14 =	sshll.u32 s0, $0xA;
	s2 =	sadd.s32 s3, s2  }
0x8d: {  	s2 =	sadd.s32 s2, s14  }
0x8e: {  	[smem:$0x3FBA] =	sst s2  }
0x8f: {  	_ = 	snop  }
0x90: {  	s2 =	sld [smem:$0x3FD0];
	_ =	sdelay $0x2  }
0x91: {  	s15 =	simm.s32 $0xA;
	s4 =	simm.s32 $0x10  }
0x92: {  	[smem:s4], [sflag:s15] =	dma.local [hbm:s2], $0x1  }
0x93: {  	_ =	swait.eq [sflag:s15], $0x1  }
0x94: {  	[sflag:s15] =	ssyncset.done $0x0  }
0x95: {  	[sflag:s15] =	ssyncadd.s32 $0xFFFFFFFF  }
0x96: {  	s16 =	sld [smem:$0x10];
	(tm) =	ssettm $0x1  }
0x97: {  	s17 =	sld [smem:$0x3FFB];
	_ =	sdelay $0x3  }
0x98: {  	_ =	strace s17  }
0x99: {  	s3 =	sld [smem:$0x3FFC];
	_ =	sdelay $0x3  }
0x9a: {  	_ =	strace s3  }
0x9b: {  	s3 =	sld [smem:$0x3FFD];
	_ =	sdelay $0x3  }
0x9c: {  	_ =	strace s3  }
0x9d: {  	_ =	strace $0x8FFFFFFF  }
0x9e: {  	s18 =	sld [smem:$0x3FDB];
	_ =	sdelay $0x1  }
0x9f: {  	s19 =	simm.s32 $_scs_section_size  }
0xa0: {  	s5 =	simm.s32 $_size__tile_overlayer_lowered;
	s6 =	simm.s32 $_tile_overlayer_lowered  }
0xa1: {  	s22 =	simm.s32 $0x1BFF;
	s21 =	sshll.u32 s6, $0x1;
	s3 =	sadd.s32 s19, s18  }
0xa2: {  	s7 =	simm.s32 $0x0;
	s20 =	sshll.u32 s5, $0x1;
	s5 =	sadd.s32 s21, s3  }
0xa3: {  	[timem:s7], [sflag:s22] =	dma.local [hbm:s5], s20  }
0xa4: {  	_ =	swait.ge [sflag:s22], s20  }
0xa5: {  	s4 =	ssub.s32 $0x0, s20;
	[sflag:s22] =	ssyncset.done $0x0  }
0xa6: {  	[sflag:s22] =	ssyncadd.s32 s4;
	_ =	sdelay $0x1  }
0xa7: {  	s23 =	simm.s32 $0x1B8B  }
0xa8: {  	_ =	swait.ge [sflag:s23], $0x1  }
0xa9: {  	[sflag:s23] =	ssyncset.done $0x0  }
0xaa: {  	s25 =	simm.s32 $0x1B8E;
	s24 =	sld [smem:$0x3FFE];
	[sflag:s23] =	ssyncadd.s32 $0xFFFFFFFF  }
0xab: {  	s26 =	simm.s32 $execute0_lowered;
	[smem:$0x3FD2] =	sst s25  }
0xac: {  	s5 =	sshll.u32 s26, $0x1;
	_ =	strace $0x80000049;
	[dreg:$0x1] =	wrdreg $0xFFFFFFFF  }
0xad: {  	s28 =	simm.s32 $_size_execute0_lowered;
	s3 =	sadd.s32 s3, s5;
	[dreg:$0x0] =	wrdreg $0x0  }
0xae: {  	s5 =	sshll.u32 s28, $0x1;
	[dreg:$0x2] =	wrdreg s3  }
0xaf: {  	[dreg:$0x3] =	wrdreg s5  }
0xb0: {  	[dreg:$0x4] =	wrdreg $0xC0  }
0xb1: {  	_ =	task [dreg:s7], $0x5FFFF  }
0xb2: {  	[dreg:$0x1] =	wrdreg $0xFFFFFFFF  }
0xb3: {  	[dreg:$0x0] =	wrdreg $0x60  }
0xb4: {  	[dreg:$0x2] =	wrdreg s24  }
0xb5: {  	[dreg:$0x3] =	wrdreg s16  }
0xb6: {  	[dreg:$0x4] =	wrdreg $0x0  }
0xb7: {  	[dreg:$0x5] =	wrdreg $0x9  }
0xb8: {  	_ =	task.clear_ibuf [dreg:s7], $0x6FFFF;
	_ =	strace $0x90000049  }
0xb9: {  	s29 =	simm.s32 $0x9;
	_ =	strace $0x8000004B  }
0xba: {  	_ =	swait.ge [sflag:s29], $0x1  }
0xbb: {  	[sflag:s29] =	ssyncadd.s32 $0xFFFFFFFF  }
0xbc: {  	_ =	strace $0x9000004B  }
0xbd: {  	_ =	sfence  }
0xbe: {  	s30 =	sld [smem:$0x0];
	_ =	sdelay $0x2  }
0xbf: {  	s31 =	sshll.u32 s1, $0xD;
	s1 =	sshrl.u32 s1, $0x2  }
0xc0: {  	s3 =	sand.u32 $0x4000, s31;
	s1 =	sadd.s32 s1, s30  }
0xc1: {  	s0 =	sor.u32 s3, s0;
	s1 =	sshll.u32 s1, $0x11  }
0xc2: {  	s0 =	sor.u32 s1, s0  }
0xc3: {  	s0 =	sadd.s32 $0x8F2B, s0  }
0xc4: {  	[sflag:s0] =	ssyncadd.remote.s32 $0x1  }
0xc5: {  	_ =	sfence.sel $0xFFFF  }
0xc6: {  	[dreg:$0x0] =	wrdreg $0xFFFFFFFF;
	(pc) =	sbr.abs _section_cstart, $3  }
0xc7: {  	[dreg:$0x1] =	wrdreg $0xFFFFFFFF  }
0xc8: {  	_ =	task.clear_ibuf [dreg:s7], $0x2FFFF;
	_ =	strace $0x9FFFFFFF  }
0xc9: {  	(tm) =	ssettm $0x7FFFFFFF  }
tec
execute0_lowered:
.L_overlay_start_1:
0x0: {  	(tag) =	ssettag $0x1  }
0x1: {  	s0 =	srdreg.scid;
	s1 =	rddreg [dreg:$0x0]  }
0x2: {  	s15 =	stileid.u32;
	s3 =	rddreg [dreg:$0x2]  }
0x3: {  	s4 =	simm.s32 $0x0;
	s13 =	simm.s32 $0x5;
	s14 =	simm.s32 $0xC5C0  }
0x4: {  	s18 =	simm.s32 $0x80;
	s21 =	simm.s32 $0x137C0;
	s22 =	simm.s32 $0x177C0  }
0x5: {  	s23 =	simm.s32 $0x1;
	s24 =	simm.s32 $0x197C0;
	s25 =	simm.s32 $0x2  }
0x6: {  	v0 =	vimm.s32 $0xEFCDAB89;
	v1 =	vimm.s32 $0x67452301;
	s28 =	simm.s32 $0x3;
	s29 =	simm.s32 $0x4;
	s30 =	simm.s32 $0x0  }
0x7: {  	v2 =	vimm.s32 $0xDCFE98BA;
	v3 =	vimm.s32 $0x54761032;
	s0 =	sand.u32 $0x1, s0;
	[smem:$0x7FF] =	sst s4;
	s9 =	smul.u32 $0xC580, s15  }
0x8: {  	v4 =	vimm.s32 $0xBA98FEDC;
	v5 =	vimm.s32 $0x32107654;
	s5 =	sadd.s32 $0x16000, s1;
	s6 =	sadd.s32 $0x2400, s1;
	s31 =	sshll.u32 s15, $0x6  }
0x9: {  	v0 =	vunpack.c.l.s4.s8 v0;
	v1 =	vunpack.c.l.s4.s8 v1;
	v2 =	vunpack.c.l.s4.s8 v2;
	s2 =	sshll.u32 s0, $0x4;
	_ =	strace $0x8000004A;
	s7 =	smul.u32 $0xC5800, s0  }
0xa: {  	v3 =	vunpack.c.l.s4.s8 v3;
	v4 =	vunpack.c.l.s4.s8 v4;
	v5 =	vunpack.c.l.s4.s8 v5;
	s0 =	ssub.s32 $0x2, s0;
	s16 =	sor.u32 $0x1C05, s31;
	s2 =	sor.u32 s15, s2  }
0xb: {  	s8 =	sshrl.u32 s9, $0x3;
	s11 =	sshrl.u32 s0, $0x1;
	s26 =	sadd.s32 s9, s3;
	v0 =	vunpack.c.0.s8.s32 v0;
	v1 =	vunpack.c.0.s8.s32 v1;
	v2 =	vunpack.c.0.s8.s32 v2  }
0xc: {  	v3 =	vunpack.c.0.s8.s32 v3;
	v4 =	vunpack.c.0.s8.s32 v4;
	v5 =	vunpack.c.0.s8.s32 v5;
	s15 =	simm.s32 $0xEEC0;
	s2 =	smul.u32 $0x520, s2;
	s7 =	sadd.s32 s9, s7  }
0xd: {  	vm0 =	vcmask $0x720;
	vm1 =	vcmask $0xF20;
	s12 =	sadd.s32 s8, s1;
	s0 =	ssub.s32 s0, s11;
	s17 =	sshrl.u32 s26, $0x3;
	v0 =	vcombine.low v1, v0  }
0xe: {  	s26 =	simm.s32 $0x1BFC0;
	s10 =	sshrl.u32 s7, $0x3;
	s9 =	sadd.s32 $0x3E200, s12;
	v1 =	vcombine.low v3, v2;
	v2 =	vcombine.low v5, v4;
	v3 =	vlaneseq.u32  }
0xf: {  	vm2 =	vcmask $0x1720;
	s11 =	smax.u32 s0, $0x1;
	s2 =	sadd.s32 s2, s1;
	s1 =	sadd.s32 s10, s1;
	v3 =	vand.u32 $0x1, v3;
	v0 =	vand.u32 $0xF, v0  }
0x10: {  	s7 =	sadd.s32 $0x33E00, s2;
	s8 =	sadd.s32 $0x29A00, s2;
	s10 =	sadd.s32 $0x56E00, s1;
	v1 =	vand.u32 $0xF, v1;
	v2 =	vand.u32 $0xF, v2;
	v3 =	vmul.u32 $0x8, v3  }
.LBB2_1:
0x11: {  	s0 =	rddreg [dreg:$0x1];
	s1 =	simm.s32 $0xC580  }
0x12: {  	[tilespmem:s1], [sflag:$0x5] =	stream.linear.gather [hbm4b:s0+s4], $0x40, $0x38;
	[tilespmem:$0x1E7C0] =	vst v63  }
0x13: {  	_ =	swait.ge [sflag:s13], $0x40  }
0x14: {  	[sflag:s13] =	ssyncset.done $0x0  }
0x15: {  	[sflag:s13] =	ssyncadd.s32 $0xFFFFFFC0  }
0x16: {  	[tilespmem:s14], [sflag:$0x5] =	stream.linear.gather [hbm4b:s7+s4], $0x2900, $0x38;
	[tilespmem:$0x1E7C0] =	vst v63  }
0x17: {  	_ =	swait.ge [sflag:s13], $0x2900  }
0x18: {  	[sflag:s13] =	ssyncset.done $0x0  }
0x19: {  	[sflag:s13] =	ssyncadd.s32 $0xFFFFD700  }
0x1a: {  	[tilespmem:s15], [sflag:$0x5] =	stream.linear.gather [hbm4b:s8+s4], $0x2900, $0x38;
	[tilespmem:$0x1E7C0] =	vst v63  }
0x1b: {  	_ =	swait.ge [sflag:s13], $0x2900  }
0x1c: {  	[sflag:s13] =	ssyncset.done $0x0  }
0x1d: {  	[sflag:s13] =	ssyncadd.s32 $0xFFFFD700  }
0x1e: {  	[spmem:s17], [sflag:s16] =	dma.local [hbm:s9], $0x18B0  }
0x1f: {  	_ =	swait.ge [sflag:s13], $0x18B0  }
0x20: {  	[sflag:s13] =	ssyncset.done $0x0  }
0x21: {  	[sflag:s13] =	ssyncadd.s32 $0xFFFFE750  }
0x22: {  	s19 =	simm.s32 $0x117C0;
	[bflag:$0x0] =	sbarrier.arrive $0xFFFF  }
0x23: {  	[tilespmem:s19], [sflag:$0x1] =	stream.indirect.gather [hbm4b:s5+s18], $0x40, s14, s18, $0xb8;
	[tilespmem:$0x1E7C0] =	vst v63  }
0x24: {  	s20 =	simm.s32 $0x157C0;
	s31 =	simm.s32 $0x0  }
0x25: {  	[tilespmem:s20], [sflag:$0x1] =	stream.indirect.gather [hbm4b:s6+s18], $0x40, s15, s18, $0xb8;
	[tilespmem:$0x1E7C0] =	vst v63  }
.LBB2_2:
0x26: {  	s0 =	sshllo.u32 s31, $0x1  }
0x27: {  	s1 =	sshll.u32 s0, $0x7  }
0x28: {  	s0 =	sadd.s32 $0xC5C0, s1  }
0x29: {  	[tilespmem:s21], [sflag:$0x2] =	stream.indirect.gather [hbm4b:s5+s18], $0x40, s0, s18, $0xb8;
	[tilespmem:$0x1E7C0] =	vst v63  }
0x2a: {  	s20 =	sadd.s32 $0xEEC0, s1  }
0x2b: {  	[tilespmem:s22], [sflag:$0x2] =	stream.indirect.gather [hbm4b:s6+s18], $0x40, s20, s18, $0xb8;
	[tilespmem:$0x1E7C0] =	vst v63  }
0x2c: {  	_ =	swait.ge [sflag:s23], $0x2000  }
0x2d: {  	[sflag:s23] =	ssyncset.done $0x0  }
0x2e: {  	[sflag:s23] =	ssyncadd.s32 $0xFFFFE000  }
0x2f: {  	_ =	swait.ge [sflag:s23], $0x2000  }
0x30: {  	p0 =	seq.s32 s31, $0x0;
	[sflag:s23] =	ssyncset.done $0x0  }
0x31: {  	s0 =	simm.s32 @!p0 $0x3;
	[sflag:s23] =	ssyncadd.s32 $0xFFFFE000  }
0x32: {  	_ =	swait.ge @!p0 [sflag:s0], $0x500  }
0x33: {  	[sflag:s0] =	ssyncset.done @!p0 $0x0  }
0x34: {  	[sflag:s0] =	ssyncadd.s32 @!p0 $0xFFFFFB00;
	s0 =	simm.s32 $0x0  }
0x35: {  	v8 =	vld [tilespmem:s0+$0x157F0]  }
0x36: {  	v5 =	vld [tilespmem:s0+$0x157E0]  }
0x37: {  	v4 =	vld [tilespmem:s0+$0x157D0]  }
0x38: {  	v9 =	vld [tilespmem:s0+$0x117D0]  }
0x39: {  	v10 =	vld [tilespmem:s0+$0x157C0]  }
0x3a: {  	v11 =	vld [tilespmem:s0+$0x117C0]  }
0x3b: {  	v12 =	vld [tilespmem:s0+$0x117E0]  }
0x3c: {  	v13 =	vld [tilespmem:s0+$0x117F0];
	_ =	sdelay $0x1  }
0x3d: {  	v7 =	vld [tilespmem:$0xC590];
	v14 =	vadd.f32 v4, v9  }
0x3e: {  	v6 =	vld [tilespmem:$0xC580];
	v10 =	vadd.f32 v10, v11  }
0x3f: {  	v4 =	vld [tilespmem:$0xC5A0];
	v16 =	vadd.f32 v5, v12;
	v15 =	vmul.f32 $2.000000030e-01, v14  }
0x40: {  	v5 =	vld [tilespmem:$0xC5B0];
	v8 =	vadd.f32 v8, v13;
	v17 =	vmul.f32 $2.000000030e-01, v10  }
0x41: {  	v47 =	vmul.f32 $2.000000030e-01, v16;
	v14 =	vmax.f32 v14, v15  }
0x42: {  	v18 =	vmul.f32 $2.000000030e-01, v8;
	v10 =	vmax.f32 v10, v17;
	v14 =	vmul.f32 v14, v7  }
0x43: {  	v15 =	vmax.f32 v16, v47;
	v10 =	vmul.f32 v10, v6  }
0x44: {  	v8 =	vmax.f32 v8, v18;
	v15 =	vmul.f32 v15, v4;
	v48 =	vperm.xlane v14, v0  }
0x45: {  	v8 =	vmul.f32 v8, v5;
	v49 =	vperm.xlane v10, v0  }
0x46: {  	v50 =	vperm.xlane v15, v0;
	v14 =	vadd.f32 v48, v14  }
0x47: {  	v51 =	vperm.xlane v8, v0;
	v10 =	vadd.f32 v49, v10  }
0x48: {  	v15 =	vadd.f32 v50, v15;
	v52 =	vperm.xlane v14, v1  }
0x49: {  	v8 =	vadd.f32 v51, v8;
	v53 =	vperm.xlane v10, v1  }
0x4a: {  	v18 =	vperm.xlane v15, v1;
	v14 =	vadd.f32 v52, v14  }
0x4b: {  	v54 =	vperm.xlane v8, v1;
	v10 =	vadd.f32 v53, v10  }
0x4c: {  	v15 =	vadd.f32 v18, v15;
	v55 =	vperm.xlane v14, v2  }
0x4d: {  	v8 =	vadd.f32 v54, v8;
	v56 =	vperm.xlane v10, v2  }
0x4e: {  	v18 =	vperm.xlane v15, v2;
	v14 =	vadd.f32 v55, v14  }
0x4f: {  	v57 =	vperm.xlane v8, v2;
	v10 =	vadd.f32 v56, v10  }
0x50: {  	v15 =	vadd.f32 v18, v15;
	v14 =	vmul.f32 $1.442695020e+00, v14  }
0x51: {  	v8 =	vadd.f32 v57, v8;
	v10 =	vmul.f32 $1.442695020e+00, v10  }
0x52: {  	v15 =	vmul.f32 $1.442695020e+00, v15;
	(erf) = vpow2.f32 v14  }
0x53: {  	v8 =	vmul.f32 $1.442695020e+00, v8;
	(erf) = vpow2.f32 v10  }
0x54: {  	(erf) = vpow2.f32 v15  }
0x55: {  	(erf) = vpow2.f32 v8;
	_ =	sdelay $0x5  }
0x56: {  	v8 =	vpop (erf)  }
0x57: {  	v9 =	vmul.f32 v8, v9;
	v8 =	vperm.xlane v8, v3;
	v10 =	vpop (erf)  }
0x58: {  	s12 =	simm.s32 $0x19810;
	v11 =	vmul.f32 v10, v11;
	v10 =	vperm.xlane v10, v3;
	v58 =	vpop (erf)  }
0x59: {  	[tilespmem:s12+$0xFFFFFFC0] =	vst v9;
	v59 =	vmul.f32 v58, v12;
	v60 =	vperm.xlane v58, v3;
	v61 =	vpop (erf)  }
0x5a: {  	[tilespmem:s12+$0xFFFFFFB0] =	vst v11;
	v62 =	vmul.f32 v61, v13;
	v8 =	vsel vm0, v10, v8;
	v63 =	vperm.xlane v61, v3  }
0x5b: {  	[tilespmem:s12+$0xFFFFFFD0] =	vst v59;
	v8 =	vsel vm1, v8, v60  }
0x5c: {  	[tilespmem:s12+$0xFFFFFFE0] =	vst v62;
	v8 =	vsel vm2, v8, v63  }
0x5d: {  	s19 =	simm.s32 $0x200;
	s2 =	simm.s32 $0x19810;
	[tilespmem:s12+$0xFFFFFFF0] =	vst v8  }
.LBB2_3:
0x5e: {  	p1 =	sne.s32 s19, $0x7E00  }
0x5f: {  	v8 =	vld [tilespmem:s0+$0x11800];
	s12 =	sadd.s32 $0xA0, s12;
	s20 =	smov.u32 s19;
	s19 =	sadd.s32 $0x200, s19  }
0x60: {  	v9 =	vld [tilespmem:s0+$0x15830]  }
0x61: {  	v10 =	vld [tilespmem:s0+$0x15820]  }
0x62: {  	v11 =	vld [tilespmem:s0+$0x15810]  }
0x63: {  	v12 =	vld [tilespmem:s0+$0x11810]  }
0x64: {  	v13 =	vld [tilespmem:s0+$0x15800]  }
0x65: {  	v14 =	vld [tilespmem:s0+$0x11820]  }
0x66: {  	v15 =	vld [tilespmem:s0+$0x11830];
	_ =	sdelay $0x1  }
0x67: {  	v11 =	vadd.f32 v11, v12  }
0x68: {  	v13 =	vadd.f32 v13, v8  }
0x69: {  	v16 =	vmul.f32 $2.000000030e-01, v11;
	v10 =	vadd.f32 v10, v14  }
0x6a: {  	s0 =	sshra.s32 s20, $0x2;
	v17 =	vmul.f32 $2.000000030e-01, v13;
	v9 =	vadd.f32 v9, v15  }
0x6b: {  	v11 =	vmax.f32 v11, v16;
	v16 =	vmul.f32 $2.000000030e-01, v10  }
0x6c: {  	v13 =	vmax.f32 v13, v17;
	v11 =	vmul.f32 v11, v7;
	v17 =	vmul.f32 $2.000000030e-01, v9  }
0x6d: {  	v13 =	vmul.f32 v13, v6;
	v10 =	vmax.f32 v10, v16  }
0x6e: {  	v16 =	vperm.xlane v11, v0;
	v10 =	vmul.f32 v10, v4;
	v9 =	vmax.f32 v9, v17  }
0x6f: {  	v17 =	vperm.xlane v13, v0;
	v9 =	vmul.f32 v9, v5  }
0x70: {  	v11 =	vadd.f32 v16, v11;
	v16 =	vperm.xlane v10, v0  }
0x71: {  	v13 =	vadd.f32 v17, v13;
	v17 =	vperm.xlane v9, v0  }
0x72: {  	v18 =	vperm.xlane v11, v1;
	v10 =	vadd.f32 v16, v10  }
0x73: {  	v16 =	vperm.xlane v13, v1;
	v9 =	vadd.f32 v17, v9  }
0x74: {  	v11 =	vadd.f32 v18, v11;
	v17 =	vperm.xlane v10, v1  }
0x75: {  	v13 =	vadd.f32 v16, v13;
	v16 =	vperm.xlane v9, v1  }
0x76: {  	v18 =	vperm.xlane v11, v2;
	v10 =	vadd.f32 v17, v10  }
0x77: {  	v17 =	vperm.xlane v13, v2;
	v9 =	vadd.f32 v16, v9  }
0x78: {  	v11 =	vadd.f32 v18, v11;
	v16 =	vperm.xlane v10, v2  }
0x79: {  	v13 =	vadd.f32 v17, v13;
	v17 =	vperm.xlane v9, v2  }
0x7a: {  	v11 =	vmul.f32 $1.442695020e+00, v11;
	v10 =	vadd.f32 v16, v10  }
0x7b: {  	v13 =	vmul.f32 $1.442695020e+00, v13;
	v9 =	vadd.f32 v17, v9  }
0x7c: {  	v10 =	vmul.f32 $1.442695020e+00, v10;
	(erf) = vpow2.f32 v11  }
0x7d: {  	v9 =	vmul.f32 $1.442695020e+00, v9;
	(erf) = vpow2.f32 v13  }
0x7e: {  	(erf) = vpow2.f32 v10  }
0x7f: {  	(erf) = vpow2.f32 v9;
	_ =	sdelay $0x5  }
0x80: {  	v9 =	vpop (erf)  }
0x81: {  	v10 =	vmul.f32 v9, v12;
	v9 =	vperm.xlane v9, v3;
	v11 =	vpop (erf)  }
0x82: {  	v8 =	vmul.f32 v11, v8;
	v11 =	vperm.xlane v11, v3;
	v12 =	vpop (erf)  }
0x83: {  	[tilespmem:s2+$0x10] =	vst v10;
	v10 =	vmul.f32 v12, v14;
	v12 =	vperm.xlane v12, v3;
	v13 =	vpop (erf)  }
0x84: {  	[tilespmem:s2+$0x0] =	vst v8;
	v8 =	vmul.f32 v13, v15;
	v9 =	vsel vm0, v11, v9;
	v11 =	vperm.xlane v13, v3  }
0x85: {  	[tilespmem:s2+$0x20] =	vst v10;
	v9 =	vsel vm1, v9, v12  }
0x86: {  	[tilespmem:s2+$0x30] =	vst v8;
	v8 =	vsel vm2, v9, v11  }
0x87: {  	[tilespmem:s2+$0x40] =	vst v8;
	s2 =	smov.u32 s12;
	_ =	sdelay $0x1  }
0x88: {  	v8 =	vld [tilespmem:s0+$0x157F0]  }
0x89: {  	v9 =	vld [tilespmem:s0+$0x157E0]  }
0x8a: {  	v10 =	vld [tilespmem:s0+$0x157D0]  }
0x8b: {  	v11 =	vld [tilespmem:s0+$0x117E0]  }
0x8c: {  	v12 =	vld [tilespmem:s0+$0x117D0]  }
0x8d: {  	v13 =	vld [tilespmem:s0+$0x157C0]  }
0x8e: {  	v14 =	vld [tilespmem:s0+$0x117C0]  }
0x8f: {  	v15 =	vld [tilespmem:s0+$0x117F0];
	_ =	sdelay $0x1  }
0x90: {  	v10 =	vadd.f32 v10, v12;
	_ =	sdelay $0x1  }
0x91: {  	v9 =	vadd.f32 v9, v11;
	v13 =	vadd.f32 v13, v14;
	v16 =	vmul.f32 $2.000000030e-01, v10  }
0x92: {  	v8 =	vadd.f32 v8, v15  }
0x93: {  	v17 =	vmul.f32 $2.000000030e-01, v13;
	v10 =	vmax.f32 v10, v16;
	v16 =	vmul.f32 $2.000000030e-01, v9  }
0x94: {  	v18 =	vmul.f32 $2.000000030e-01, v8  }
0x95: {  	v10 =	vmul.f32 v10, v7;
	v13 =	vmax.f32 v13, v17;
	v9 =	vmax.f32 v9, v16  }
0x96: {  	v13 =	vmul.f32 v13, v6;
	v9 =	vmul.f32 v9, v4;
	v8 =	vmax.f32 v8, v18  }
0x97: {  	v16 =	vperm.xlane v10, v0;
	v8 =	vmul.f32 v8, v5  }
0x98: {  	v17 =	vperm.xlane v13, v0;
	v18 =	vperm.xlane v9, v0  }
0x99: {  	v10 =	vadd.f32 v16, v10;
	v16 =	vperm.xlane v8, v0  }
0x9a: {  	v13 =	vadd.f32 v17, v13;
	v9 =	vadd.f32 v18, v9  }
0x9b: {  	v17 =	vperm.xlane v10, v1;
	v8 =	vadd.f32 v16, v8  }
0x9c: {  	v16 =	vperm.xlane v13, v1;
	v18 =	vperm.xlane v9, v1  }
0x9d: {  	v10 =	vadd.f32 v17, v10;
	v17 =	vperm.xlane v8, v1  }
0x9e: {  	v13 =	vadd.f32 v16, v13;
	v9 =	vadd.f32 v18, v9  }
0x9f: {  	v16 =	vperm.xlane v10, v2;
	v8 =	vadd.f32 v17, v8  }
0xa0: {  	v17 =	vperm.xlane v13, v2;
	v18 =	vperm.xlane v9, v2  }
0xa1: {  	v10 =	vadd.f32 v16, v10;
	v16 =	vperm.xlane v8, v2  }
0xa2: {  	v13 =	vadd.f32 v17, v13;
	v9 =	vadd.f32 v18, v9  }
0xa3: {  	v10 =	vmul.f32 $1.442695020e+00, v10;
	v8 =	vadd.f32 v16, v8  }
0xa4: {  	v13 =	vmul.f32 $1.442695020e+00, v13;
	v9 =	vmul.f32 $1.442695020e+00, v9  }
0xa5: {  	v8 =	vmul.f32 $1.442695020e+00, v8;
	(erf) = vpow2.f32 v10  }
0xa6: {  	(erf) = vpow2.f32 v13  }
0xa7: {  	(erf) = vpow2.f32 v9  }
0xa8: {  	(erf) = vpow2.f32 v8;
	_ =	sdelay $0x5  }
0xa9: {  	v8 =	vpop (erf)  }
0xaa: {  	v9 =	vmul.f32 v8, v12;
	v8 =	vperm.xlane v8, v3;
	v10 =	vpop (erf)  }
0xab: {  	v12 =	vmul.f32 v10, v14;
	v10 =	vperm.xlane v10, v3;
	v13 =	vpop (erf)  }
.Ltmp0:
0xac: {  	[tilespmem:s12+$0xFFFFFFC0] =	vst v9;
	v9 =	vmul.f32 v13, v11;
	v11 =	vperm.xlane v13, v3;
	v13 =	vpop (erf);
	(pc) =	sbr.rel @p1 .LBB2_3-.Ltmp0, $4  }
0xad: {  	[tilespmem:s12+$0xFFFFFFB0] =	vst v12;
	v12 =	vmul.f32 v13, v15;
	v8 =	vsel vm0, v10, v8;
	v10 =	vperm.xlane v13, v3  }
0xae: {  	[tilespmem:s12+$0xFFFFFFD0] =	vst v9;
	v8 =	vsel vm1, v8, v11  }
0xaf: {  	[tilespmem:s12+$0xFFFFFFE0] =	vst v12;
	v8 =	vsel vm2, v8, v10  }
0xb0: {  	[tilespmem:s12+$0xFFFFFFF0] =	vst v8  }
0xb1: {  	v8 =	vld [tilespmem:s0+$0x11800]  }
0xb2: {  	v9 =	vld [tilespmem:s0+$0x15830]  }
0xb3: {  	v10 =	vld [tilespmem:s0+$0x15820]  }
0xb4: {  	v11 =	vld [tilespmem:s0+$0x15810]  }
0xb5: {  	v12 =	vld [tilespmem:s0+$0x11810]  }
0xb6: {  	v13 =	vld [tilespmem:s0+$0x15800]  }
0xb7: {  	v14 =	vld [tilespmem:s0+$0x11820]  }
0xb8: {  	v15 =	vld [tilespmem:s0+$0x11830];
	_ =	sdelay $0x1  }
0xb9: {  	v11 =	vadd.f32 v11, v12  }
0xba: {  	v13 =	vadd.f32 v13, v8  }
0xbb: {  	v10 =	vadd.f32 v10, v14;
	v16 =	vmul.f32 $2.000000030e-01, v11  }
0xbc: {  	v9 =	vadd.f32 v9, v15;
	v17 =	vmul.f32 $2.000000030e-01, v13  }
0xbd: {  	v24 =	vmul.f32 $2.000000030e-01, v10;
	v11 =	vmax.f32 v11, v16  }
0xbe: {  	v25 =	vmul.f32 $2.000000030e-01, v9;
	v13 =	vmax.f32 v13, v17;
	v7 =	vmul.f32 v11, v7  }
0xbf: {  	v10 =	vmax.f32 v10, v24;
	v6 =	vmul.f32 v13, v6  }
0xc0: {  	v9 =	vmax.f32 v9, v25;
	v4 =	vmul.f32 v10, v4;
	v26 =	vperm.xlane v7, v0  }
0xc1: {  	v5 =	vmul.f32 v9, v5;
	v27 =	vperm.xlane v6, v0  }
0xc2: {  	v28 =	vperm.xlane v4, v0;
	v7 =	vadd.f32 v26, v7  }
0xc3: {  	v29 =	vperm.xlane v5, v0;
	v6 =	vadd.f32 v27, v6  }
0xc4: {  	v4 =	vadd.f32 v28, v4;
	v30 =	vperm.xlane v7, v1  }
0xc5: {  	v5 =	vadd.f32 v29, v5;
	v31 =	vperm.xlane v6, v1  }
0xc6: {  	v32 =	vperm.xlane v4, v1;
	v7 =	vadd.f32 v30, v7  }
0xc7: {  	v33 =	vperm.xlane v5, v1;
	v6 =	vadd.f32 v31, v6  }
0xc8: {  	v4 =	vadd.f32 v32, v4;
	v11 =	vperm.xlane v7, v2  }
0xc9: {  	v5 =	vadd.f32 v33, v5;
	v34 =	vperm.xlane v6, v2  }
0xca: {  	v35 =	vperm.xlane v4, v2;
	v7 =	vadd.f32 v11, v7  }
0xcb: {  	v36 =	vperm.xlane v5, v2;
	v6 =	vadd.f32 v34, v6  }
0xcc: {  	v4 =	vadd.f32 v35, v4;
	v7 =	vmul.f32 $1.442695020e+00, v7  }
0xcd: {  	v5 =	vadd.f32 v36, v5;
	v6 =	vmul.f32 $1.442695020e+00, v6  }
0xce: {  	v4 =	vmul.f32 $1.442695020e+00, v4;
	(erf) = vpow2.f32 v7  }
0xcf: {  	v5 =	vmul.f32 $1.442695020e+00, v5;
	(erf) = vpow2.f32 v6  }
0xd0: {  	(erf) = vpow2.f32 v4  }
0xd1: {  	(erf) = vpow2.f32 v5;
	_ =	sdelay $0x5  }
0xd2: {  	v4 =	vpop (erf)  }
0xd3: {  	v5 =	vmul.f32 v4, v12;
	v4 =	vperm.xlane v4, v3;
	v6 =	vpop (erf)  }
0xd4: {  	v7 =	vmul.f32 v6, v8;
	v6 =	vperm.xlane v6, v3;
	v8 =	vpop (erf)  }
0xd5: {  	[tilespmem:s2+$0x10] =	vst v5;
	v5 =	vmul.f32 v8, v14;
	v8 =	vperm.xlane v8, v3;
	v37 =	vpop (erf)  }
0xd6: {  	[tilespmem:s2+$0x0] =	vst v7;
	v7 =	vmul.f32 v37, v15;
	v4 =	vsel vm0, v6, v4;
	v6 =	vperm.xlane v37, v3  }
0xd7: {  	s20 =	sshll.u32 s31, $0x8;
	[tilespmem:s2+$0x20] =	vst v5;
	v4 =	vsel vm1, v4, v8  }
0xd8: {  	s0 =	sand.u32 $0x3FFFFF00, s20;
	[tilespmem:s2+$0x30] =	vst v7;
	v4 =	vsel vm2, v4, v6  }
0xd9: {  	p1 =	seq.s32 s31, $0x28;
	s0 =	sadd.s32 $0xEEC0, s0;
	[tilespmem:s2+$0x40] =	vst v4  }
0xda: {  	[spmem:s3] =	stream.indirect.scatter.add.f32 [tilespmem:s24], [sflag:$0x3], $0x50, s0, s18, $0xb8;
	[tilespmem:$0x1E7C0] =	vst v63  }
0xdb: {  	s0 =	sshll.u32 @!p1 s31, $0x8  }
0xdc: {  	s12 =	simm.s32 @!p1 $0x80;
	s19 =	simm.s32 @!p1 $0x117C0;
	s2 =	sadd.s32 @!p1 $0xC6C0, s0  }
0xdd: {  	[tilespmem:s19], [sflag:$0x1] =	stream.indirect.gather @!p1 [hbm4b:s5+s12], $0x40, s2, s12, $0xb8;
	[tilespmem:$0x1E7C0] =	vst v63  }
0xde: {  	s0 =	sadd.s32 @!p1 $0xEFC0, s0;
	s2 =	simm.s32 @!p1 $0x157C0  }
0xdf: {  	[tilespmem:s2], [sflag:$0x1] =	stream.indirect.gather @!p1 [hbm4b:s6+s12], $0x40, s0, s12, $0xb8;
	[tilespmem:$0x1E7C0] =	vst v63  }
0xe0: {  	_ =	swait.ge [sflag:s25], $0x2000  }
0xe1: {  	[sflag:s25] =	ssyncset.done $0x0  }
0xe2: {  	[sflag:s25] =	ssyncadd.s32 $0xFFFFE000  }
0xe3: {  	_ =	swait.ge [sflag:s25], $0x2000  }
0xe4: {  	[sflag:s25] =	ssyncset.done $0x0  }
0xe5: {  	s0 =	simm.s32 @!p0 $0x4;
	[sflag:s25] =	ssyncadd.s32 $0xFFFFE000  }
0xe6: {  	_ =	swait.ge @!p0 [sflag:s0], $0x500  }
0xe7: {  	[sflag:s0] =	ssyncset.done @!p0 $0x0  }
0xe8: {  	[sflag:s0] =	ssyncadd.s32 @!p0 $0xFFFFFB00;
	s0 =	simm.s32 $0x0  }
0xe9: {  	v8 =	vld [tilespmem:s0+$0x177F0]  }
0xea: {  	v5 =	vld [tilespmem:s0+$0x177E0]  }
0xeb: {  	v4 =	vld [tilespmem:s0+$0x177D0]  }
0xec: {  	v38 =	vld [tilespmem:s0+$0x137D0]  }
0xed: {  	v39 =	vld [tilespmem:s0+$0x177C0]  }
0xee: {  	v40 =	vld [tilespmem:s0+$0x137C0]  }
0xef: {  	v41 =	vld [tilespmem:s0+$0x137E0]  }
0xf0: {  	v42 =	vld [tilespmem:s0+$0x137F0];
	_ =	sdelay $0x1  }
0xf1: {  	v7 =	vld [tilespmem:$0xC590];
	v43 =	vadd.f32 v4, v38  }
0xf2: {  	v6 =	vld [tilespmem:$0xC580];
	v10 =	vadd.f32 v39, v40  }
0xf3: {  	v4 =	vld [tilespmem:$0xC5A0];
	v45 =	vadd.f32 v5, v41;
	v44 =	vmul.f32 $2.000000030e-01, v43  }
0xf4: {  	v5 =	vld [tilespmem:$0xC5B0];
	v8 =	vadd.f32 v8, v42;
	v46 =	vmul.f32 $2.000000030e-01, v10  }
0xf5: {  	v47 =	vmul.f32 $2.000000030e-01, v45;
	v14 =	vmax.f32 v43, v44  }
0xf6: {  	v18 =	vmul.f32 $2.000000030e-01, v8;
	v10 =	vmax.f32 v10, v46;
	v14 =	vmul.f32 v14, v7  }
0xf7: {  	v15 =	vmax.f32 v45, v47;
	v10 =	vmul.f32 v10, v6  }
0xf8: {  	v8 =	vmax.f32 v8, v18;
	v15 =	vmul.f32 v15, v4;
	v48 =	vperm.xlane v14, v0  }
0xf9: {  	v8 =	vmul.f32 v8, v5;
	v49 =	vperm.xlane v10, v0  }
0xfa: {  	v50 =	vperm.xlane v15, v0;
	v14 =	vadd.f32 v48, v14  }
0xfb: {  	v51 =	vperm.xlane v8, v0;
	v10 =	vadd.f32 v49, v10  }
0xfc: {  	v15 =	vadd.f32 v50, v15;
	v52 =	vperm.xlane v14, v1  }
0xfd: {  	v8 =	vadd.f32 v51, v8;
	v53 =	vperm.xlane v10, v1  }
0xfe: {  	v18 =	vperm.xlane v15, v1;
	v14 =	vadd.f32 v52, v14  }
0xff: {  	v54 =	vperm.xlane v8, v1;
	v10 =	vadd.f32 v53, v10  }
0x100: {  	v15 =	vadd.f32 v18, v15;
	v55 =	vperm.xlane v14, v2  }
0x101: {  	v8 =	vadd.f32 v54, v8;
	v56 =	vperm.xlane v10, v2  }
0x102: {  	v18 =	vperm.xlane v15, v2;
	v14 =	vadd.f32 v55, v14  }
0x103: {  	v57 =	vperm.xlane v8, v2;
	v10 =	vadd.f32 v56, v10  }
0x104: {  	v15 =	vadd.f32 v18, v15;
	v14 =	vmul.f32 $1.442695020e+00, v14  }
0x105: {  	v8 =	vadd.f32 v57, v8;
	v10 =	vmul.f32 $1.442695020e+00, v10  }
0x106: {  	v15 =	vmul.f32 $1.442695020e+00, v15;
	(erf) = vpow2.f32 v14  }
0x107: {  	v8 =	vmul.f32 $1.442695020e+00, v8;
	(erf) = vpow2.f32 v10  }
0x108: {  	(erf) = vpow2.f32 v15  }
0x109: {  	(erf) = vpow2.f32 v8;
	_ =	sdelay $0x5  }
0x10a: {  	v8 =	vpop (erf)  }
0x10b: {  	v9 =	vmul.f32 v8, v38;
	v8 =	vperm.xlane v8, v3;
	v10 =	vpop (erf)  }
0x10c: {  	s12 =	simm.s32 $0x1C010;
	v11 =	vmul.f32 v10, v40;
	v10 =	vperm.xlane v10, v3;
	v58 =	vpop (erf)  }
0x10d: {  	[tilespmem:s12+$0xFFFFFFC0] =	vst v9;
	v59 =	vmul.f32 v58, v41;
	v60 =	vperm.xlane v58, v3;
	v61 =	vpop (erf)  }
0x10e: {  	[tilespmem:s12+$0xFFFFFFB0] =	vst v11;
	v62 =	vmul.f32 v61, v42;
	v8 =	vsel vm0, v10, v8;
	v63 =	vperm.xlane v61, v3  }
0x10f: {  	[tilespmem:s12+$0xFFFFFFD0] =	vst v59;
	v8 =	vsel vm1, v8, v60  }
0x110: {  	[tilespmem:s12+$0xFFFFFFE0] =	vst v62;
	v8 =	vsel vm2, v8, v63  }
0x111: {  	s19 =	simm.s32 $0x200;
	s2 =	simm.s32 $0x1C010;
	[tilespmem:s12+$0xFFFFFFF0] =	vst v8  }
.LBB2_5:
0x112: {  	p0 =	sne.s32 s19, $0x7E00  }
0x113: {  	v8 =	vld [tilespmem:s0+$0x13800];
	s12 =	sadd.s32 $0xA0, s12;
	s20 =	smov.u32 s19;
	s19 =	sadd.s32 $0x200, s19  }
0x114: {  	v9 =	vld [tilespmem:s0+$0x17830]  }
0x115: {  	v10 =	vld [tilespmem:s0+$0x17820]  }
0x116: {  	v11 =	vld [tilespmem:s0+$0x17810]  }
0x117: {  	v12 =	vld [tilespmem:s0+$0x13810]  }
0x118: {  	v13 =	vld [tilespmem:s0+$0x17800]  }
0x119: {  	v14 =	vld [tilespmem:s0+$0x13820]  }
0x11a: {  	v15 =	vld [tilespmem:s0+$0x13830];
	_ =	sdelay $0x1  }
0x11b: {  	v11 =	vadd.f32 v11, v12  }
0x11c: {  	v13 =	vadd.f32 v13, v8  }
0x11d: {  	v16 =	vmul.f32 $2.000000030e-01, v11;
	v10 =	vadd.f32 v10, v14  }
0x11e: {  	s0 =	sshra.s32 s20, $0x2;
	v17 =	vmul.f32 $2.000000030e-01, v13;
	v9 =	vadd.f32 v9, v15  }
0x11f: {  	v11 =	vmax.f32 v11, v16;
	v16 =	vmul.f32 $2.000000030e-01, v10  }
0x120: {  	v13 =	vmax.f32 v13, v17;
	v11 =	vmul.f32 v11, v7;
	v17 =	vmul.f32 $2.000000030e-01, v9  }
0x121: {  	v13 =	vmul.f32 v13, v6;
	v10 =	vmax.f32 v10, v16  }
0x122: {  	v16 =	vperm.xlane v11, v0;
	v10 =	vmul.f32 v10, v4;
	v9 =	vmax.f32 v9, v17  }
0x123: {  	v17 =	vperm.xlane v13, v0;
	v9 =	vmul.f32 v9, v5  }
0x124: {  	v11 =	vadd.f32 v16, v11;
	v16 =	vperm.xlane v10, v0  }
0x125: {  	v13 =	vadd.f32 v17, v13;
	v17 =	vperm.xlane v9, v0  }
0x126: {  	v18 =	vperm.xlane v11, v1;
	v10 =	vadd.f32 v16, v10  }
0x127: {  	v16 =	vperm.xlane v13, v1;
	v9 =	vadd.f32 v17, v9  }
0x128: {  	v11 =	vadd.f32 v18, v11;
	v17 =	vperm.xlane v10, v1  }
0x129: {  	v13 =	vadd.f32 v16, v13;
	v16 =	vperm.xlane v9, v1  }
0x12a: {  	v18 =	vperm.xlane v11, v2;
	v10 =	vadd.f32 v17, v10  }
0x12b: {  	v17 =	vperm.xlane v13, v2;
	v9 =	vadd.f32 v16, v9  }
0x12c: {  	v11 =	vadd.f32 v18, v11;
	v16 =	vperm.xlane v10, v2  }
0x12d: {  	v13 =	vadd.f32 v17, v13;
	v17 =	vperm.xlane v9, v2  }
0x12e: {  	v11 =	vmul.f32 $1.442695020e+00, v11;
	v10 =	vadd.f32 v16, v10  }
0x12f: {  	v13 =	vmul.f32 $1.442695020e+00, v13;
	v9 =	vadd.f32 v17, v9  }
0x130: {  	v10 =	vmul.f32 $1.442695020e+00, v10;
	(erf) = vpow2.f32 v11  }
0x131: {  	v9 =	vmul.f32 $1.442695020e+00, v9;
	(erf) = vpow2.f32 v13  }
0x132: {  	(erf) = vpow2.f32 v10  }
0x133: {  	(erf) = vpow2.f32 v9;
	_ =	sdelay $0x5  }
0x134: {  	v9 =	vpop (erf)  }
0x135: {  	v10 =	vmul.f32 v9, v12;
	v9 =	vperm.xlane v9, v3;
	v11 =	vpop (erf)  }
0x136: {  	v8 =	vmul.f32 v11, v8;
	v11 =	vperm.xlane v11, v3;
	v12 =	vpop (erf)  }
0x137: {  	[tilespmem:s2+$0x10] =	vst v10;
	v10 =	vmul.f32 v12, v14;
	v12 =	vperm.xlane v12, v3;
	v13 =	vpop (erf)  }
0x138: {  	[tilespmem:s2+$0x0] =	vst v8;
	v8 =	vmul.f32 v13, v15;
	v9 =	vsel vm0, v11, v9;
	v11 =	vperm.xlane v13, v3  }
0x139: {  	[tilespmem:s2+$0x20] =	vst v10;
	v9 =	vsel vm1, v9, v12  }
0x13a: {  	[tilespmem:s2+$0x30] =	vst v8;
	v8 =	vsel vm2, v9, v11  }
0x13b: {  	[tilespmem:s2+$0x40] =	vst v8;
	s2 =	smov.u32 s12;
	_ =	sdelay $0x1  }
0x13c: {  	v8 =	vld [tilespmem:s0+$0x177F0]  }
0x13d: {  	v9 =	vld [tilespmem:s0+$0x177E0]  }
0x13e: {  	v10 =	vld [tilespmem:s0+$0x177D0]  }
0x13f: {  	v11 =	vld [tilespmem:s0+$0x137E0]  }
0x140: {  	v12 =	vld [tilespmem:s0+$0x137D0]  }
0x141: {  	v13 =	vld [tilespmem:s0+$0x177C0]  }
0x142: {  	v14 =	vld [tilespmem:s0+$0x137C0]  }
0x143: {  	v15 =	vld [tilespmem:s0+$0x137F0];
	_ =	sdelay $0x1  }
0x144: {  	v10 =	vadd.f32 v10, v12;
	_ =	sdelay $0x1  }
0x145: {  	v9 =	vadd.f32 v9, v11;
	v13 =	vadd.f32 v13, v14;
	v16 =	vmul.f32 $2.000000030e-01, v10  }
0x146: {  	v8 =	vadd.f32 v8, v15  }
0x147: {  	v17 =	vmul.f32 $2.000000030e-01, v13;
	v10 =	vmax.f32 v10, v16;
	v16 =	vmul.f32 $2.000000030e-01, v9  }
0x148: {  	v18 =	vmul.f32 $2.000000030e-01, v8  }
0x149: {  	v10 =	vmul.f32 v10, v7;
	v13 =	vmax.f32 v13, v17;
	v9 =	vmax.f32 v9, v16  }
0x14a: {  	v13 =	vmul.f32 v13, v6;
	v9 =	vmul.f32 v9, v4;
	v8 =	vmax.f32 v8, v18  }
0x14b: {  	v16 =	vperm.xlane v10, v0;
	v8 =	vmul.f32 v8, v5  }
0x14c: {  	v17 =	vperm.xlane v13, v0;
	v18 =	vperm.xlane v9, v0  }
0x14d: {  	v10 =	vadd.f32 v16, v10;
	v16 =	vperm.xlane v8, v0  }
0x14e: {  	v13 =	vadd.f32 v17, v13;
	v9 =	vadd.f32 v18, v9  }
0x14f: {  	v17 =	vperm.xlane v10, v1;
	v8 =	vadd.f32 v16, v8  }
0x150: {  	v16 =	vperm.xlane v13, v1;
	v18 =	vperm.xlane v9, v1  }
0x151: {  	v10 =	vadd.f32 v17, v10;
	v17 =	vperm.xlane v8, v1  }
0x152: {  	v13 =	vadd.f32 v16, v13;
	v9 =	vadd.f32 v18, v9  }
0x153: {  	v16 =	vperm.xlane v10, v2;
	v8 =	vadd.f32 v17, v8  }
0x154: {  	v17 =	vperm.xlane v13, v2;
	v18 =	vperm.xlane v9, v2  }
0x155: {  	v10 =	vadd.f32 v16, v10;
	v16 =	vperm.xlane v8, v2  }
0x156: {  	v13 =	vadd.f32 v17, v13;
	v9 =	vadd.f32 v18, v9  }
0x157: {  	v10 =	vmul.f32 $1.442695020e+00, v10;
	v8 =	vadd.f32 v16, v8  }
0x158: {  	v13 =	vmul.f32 $1.442695020e+00, v13;
	v9 =	vmul.f32 $1.442695020e+00, v9  }
0x159: {  	v8 =	vmul.f32 $1.442695020e+00, v8;
	(erf) = vpow2.f32 v10  }
0x15a: {  	(erf) = vpow2.f32 v13  }
0x15b: {  	(erf) = vpow2.f32 v9  }
0x15c: {  	(erf) = vpow2.f32 v8;
	_ =	sdelay $0x5  }
0x15d: {  	v8 =	vpop (erf)  }
0x15e: {  	v9 =	vmul.f32 v8, v12;
	v8 =	vperm.xlane v8, v3;
	v10 =	vpop (erf)  }
0x15f: {  	v12 =	vmul.f32 v10, v14;
	v10 =	vperm.xlane v10, v3;
	v13 =	vpop (erf)  }
.Ltmp1:
0x160: {  	[tilespmem:s12+$0xFFFFFFC0] =	vst v9;
	v9 =	vmul.f32 v13, v11;
	v11 =	vperm.xlane v13, v3;
	v13 =	vpop (erf);
	(pc) =	sbr.rel @p0 .LBB2_5-.Ltmp1, $4  }
0x161: {  	[tilespmem:s12+$0xFFFFFFB0] =	vst v12;
	v12 =	vmul.f32 v13, v15;
	v8 =	vsel vm0, v10, v8;
	v10 =	vperm.xlane v13, v3  }
0x162: {  	[tilespmem:s12+$0xFFFFFFD0] =	vst v9;
	v8 =	vsel vm1, v8, v11  }
0x163: {  	[tilespmem:s12+$0xFFFFFFE0] =	vst v12;
	v8 =	vsel vm2, v8, v10  }
0x164: {  	[tilespmem:s12+$0xFFFFFFF0] =	vst v8  }
0x165: {  	v8 =	vld [tilespmem:s0+$0x13800]  }
0x166: {  	v9 =	vld [tilespmem:s0+$0x17830]  }
0x167: {  	v10 =	vld [tilespmem:s0+$0x17820]  }
0x168: {  	v11 =	vld [tilespmem:s0+$0x17810]  }
0x169: {  	v12 =	vld [tilespmem:s0+$0x13810]  }
0x16a: {  	v13 =	vld [tilespmem:s0+$0x17800]  }
0x16b: {  	v14 =	vld [tilespmem:s0+$0x13820]  }
0x16c: {  	v15 =	vld [tilespmem:s0+$0x13830];
	_ =	sdelay $0x1  }
0x16d: {  	v11 =	vadd.f32 v11, v12  }
0x16e: {  	v13 =	vadd.f32 v13, v8  }
0x16f: {  	v10 =	vadd.f32 v10, v14;
	v16 =	vmul.f32 $2.000000030e-01, v11  }
0x170: {  	v9 =	vadd.f32 v9, v15;
	v17 =	vmul.f32 $2.000000030e-01, v13  }
0x171: {  	v46 =	vmul.f32 $2.000000030e-01, v10;
	v11 =	vmax.f32 v11, v16  }
0x172: {  	v47 =	vmul.f32 $2.000000030e-01, v9;
	v13 =	vmax.f32 v13, v17;
	v7 =	vmul.f32 v11, v7  }
0x173: {  	v10 =	vmax.f32 v10, v46;
	v6 =	vmul.f32 v13, v6  }
0x174: {  	v9 =	vmax.f32 v9, v47;
	v4 =	vmul.f32 v10, v4;
	v48 =	vperm.xlane v7, v0  }
0x175: {  	v5 =	vmul.f32 v9, v5;
	v49 =	vperm.xlane v6, v0  }
0x176: {  	v50 =	vperm.xlane v4, v0;
	v7 =	vadd.f32 v48, v7  }
0x177: {  	v51 =	vperm.xlane v5, v0;
	v6 =	vadd.f32 v49, v6  }
0x178: {  	v4 =	vadd.f32 v50, v4;
	v52 =	vperm.xlane v7, v1  }
0x179: {  	v5 =	vadd.f32 v51, v5;
	v53 =	vperm.xlane v6, v1  }
0x17a: {  	v54 =	vperm.xlane v4, v1;
	v7 =	vadd.f32 v52, v7  }
0x17b: {  	v55 =	vperm.xlane v5, v1;
	v6 =	vadd.f32 v53, v6  }
0x17c: {  	v4 =	vadd.f32 v54, v4;
	v11 =	vperm.xlane v7, v2  }
0x17d: {  	v5 =	vadd.f32 v55, v5;
	v56 =	vperm.xlane v6, v2  }
0x17e: {  	v57 =	vperm.xlane v4, v2;
	v7 =	vadd.f32 v11, v7  }
0x17f: {  	v58 =	vperm.xlane v5, v2;
	v6 =	vadd.f32 v56, v6  }
0x180: {  	v4 =	vadd.f32 v57, v4;
	v7 =	vmul.f32 $1.442695020e+00, v7  }
0x181: {  	v5 =	vadd.f32 v58, v5;
	v6 =	vmul.f32 $1.442695020e+00, v6  }
0x182: {  	v4 =	vmul.f32 $1.442695020e+00, v4;
	(erf) = vpow2.f32 v7  }
0x183: {  	v5 =	vmul.f32 $1.442695020e+00, v5;
	(erf) = vpow2.f32 v6  }
0x184: {  	(erf) = vpow2.f32 v4  }
0x185: {  	(erf) = vpow2.f32 v5;
	_ =	sdelay $0x5  }
0x186: {  	v4 =	vpop (erf)  }
0x187: {  	v5 =	vmul.f32 v4, v12;
	v4 =	vperm.xlane v4, v3;
	v6 =	vpop (erf)  }
0x188: {  	s31 =	sadd.s32 $0x1, s31;
	v59 =	vmul.f32 v6, v8;
	v6 =	vperm.xlane v6, v3;
	v60 =	vpop (erf)  }
0x189: {  	p0 =	sne.s32 s31, $0x29;
	[tilespmem:s2+$0x10] =	vst v5;
	v5 =	vmul.f32 v60, v14;
	v8 =	vperm.xlane v60, v3;
	v61 =	vpop (erf)  }
.Ltmp2:
0x18a: {  	[tilespmem:s2+$0x0] =	vst v59;
	v62 =	vmul.f32 v61, v15;
	v4 =	vsel vm0, v6, v4;
	v63 =	vperm.xlane v61, v3;
	(pc) =	sbr.rel @p0 .LBB2_2-.Ltmp2, $4  }
0x18b: {  	[tilespmem:s2+$0x20] =	vst v5;
	v4 =	vsel vm1, v4, v8  }
0x18c: {  	s20 =	sand.u32 $0x3FFFFF80, s1;
	[tilespmem:s2+$0x30] =	vst v62;
	v4 =	vsel vm2, v4, v63  }
0x18d: {  	s0 =	sadd.s32 $0xEEC0, s20;
	[tilespmem:s2+$0x40] =	vst v4  }
0x18e: {  	[spmem:s3] =	stream.indirect.scatter.add.f32 [tilespmem:s26], [sflag:$0x4], $0x50, s0, s18, $0xb8;
	[tilespmem:$0x1E7C0] =	vst v63  }
0x18f: {  	_ =	swait.ge [sflag:s28], $0x500  }
0x190: {  	[sflag:s28] =	ssyncset.done $0x0  }
0x191: {  	[sflag:s28] =	ssyncadd.s32 $0xFFFFFB00  }
0x192: {  	_ =	swait.ge [sflag:s29], $0x500  }
0x193: {  	s30 =	sadd.s32 $0x1, s30;
	[sflag:s29] =	ssyncset.done $0x0  }
0x194: {  	p0 =	sne.s32 s30, s11;
	[sflag:s29] =	ssyncadd.s32 $0xFFFFFB00  }
.Ltmp3:
0x195: {  	[bflag:$0x0] =	sbarrier.arrive $0xFFFF;
	(pc) =	sbr.rel @p0 .LBB2_1-.Ltmp3, $4  }
0x196: {  	[hbm:s10], [sflag:s16] =	dma.local [spmem:s17], $0x18B0  }
0x197: {  	_ =	swait.ge [sflag:s13], $0x18B0  }
0x198: {  	[sflag:s13] =	ssyncset.done $0x0  }
0x199: {  	[sflag:s13] =	ssyncadd.s32 $0xFFFFE750  }
0x19a: {  	_ =	sfence.sel $0x180000  }
0x19b: {  	[bflag:$0x0] =	sbarrier.arrive $0xFFFF  }
0x19c: {  	_ =	strace $0x9000004A  }
0x19d: {  	s0 =	stileid.u32;
	[bflag:$0x2] =	sbarrier.arrive $0xFFFF  }
0x19e: {  	p0 =	sne.s32 s0, $0x0;
	s0 =	rddreg [dreg:$0x3]  }
0x19f: {  	s0 =	sadd.s32 @!p0 $0x100000, s0  }
0x1a0: {  	[sflag:s0] =	ssyncadd.tile.s32 @!p0 $0x1;
	_ =	shalt  }
.Lfunc_end2:
_tile_overlayer_lowered:
.L_overlay_start_2:
0x1a1: {  	(tag) =	ssettag $0x2  }
0x1a2: {  	s0 =	rddreg [dreg:$0x0];
	s2 =	stileid.u32  }
0x1a3: {  	s1 =	rddreg [dreg:$0x1];
	p0 =	sne.s32 s2, $0x0  }
0x1a4: {  	s3 =	rddreg [dreg:$0x2];
	[bflag:$0x3] =	sbarrier.arrive $0xFFFF;
	s2 =	simm.s32 @!p0 $0x1C05  }
0x1a5: {  	[timem:s3], [sflag:s2] =	dma.local @!p0 [hbm:s0], s1  }
0x1a6: {  	s0 =	simm.s32 @!p0 $0x5  }
0x1a7: {  	_ =	swait.ge @!p0 [sflag:s0], s1  }
0x1a8: {  	s1 =	ssub.s32 @!p0 $0x0, s1;
	[sflag:s0] =	ssyncset.done @!p0 $0x0  }
0x1a9: {  	[sflag:s0] =	ssyncadd.s32 @!p0 s1  }
0x1aa: {  	[bflag:$0x3] =	sbarrier.arrive $0xFFFF  }
0x1ab: {  	_ =	shalt  }

// kernel: kernel.15.cloned.1.call-start
scs
__scs_entry_jumppad:
0x0: {  	(pc) =	sbr.rel $0x88, $3  }
0x1: {  	(tag) =	ssettag $0x0;
	lr =	simm.s32 $0x1  }
0x2: {  	[smem:$0x3F93] =	sst lr;
	_ =	strace $0xD0000000  }
0x3: {  	_ = 	snop  }
0x4: {  	_ = 	snop  }
0x5: {  	_ = 	snop  }
0x6: {  	_ = 	snop  }
0x7: {  	_ = 	snop  }
__scs_overlays_trampoline_lowered:
0x8: {  	[smem:$0x3FA2] =	sst s0  }
0x9: {  	[smem:$0x3FA3] =	sst s1  }
0xa: {  	[smem:$0x3FA4] =	sst s2  }
0xb: {  	[smem:$0x3FA5] =	sst s3  }
0xc: {  	[smem:$0x3FA6] =	sst s4  }
0xd: {  	[smem:$0x3FA7] =	sst s5  }
0xe: {  	[smem:$0x3FA8] =	sst s6  }
0xf: {  	[smem:$0x3FA9] =	sst s7  }
0x10: {  	[smem:$0x3FAA] =	sst s8  }
0x11: {  	[smem:$0x3FAB] =	sst s9;
	s0 =	simm.s32 @!p0 $0x0  }
0x12: {  	s1 =	sld [smem:$0x3F91];
	s0 =	simm.s32 @p0 $0x1  }
0x13: {  	[smem:$0x3FAC] =	sst s0;
	s0 =	simm.s32 @!p1 $0x0  }
0x14: {  	s2 =	sld [smem:$0x3F90];
	s0 =	simm.s32 @p1 $0x1  }
0x15: {  	[smem:$0x3FAD] =	sst s0;
	s0 =	simm.s32 @!p2 $0x0  }
0x16: {  	s3 =	sld [smem:$0x3FDB];
	s0 =	simm.s32 @p2 $0x1  }
0x17: {  	s4 =	simm.s32 $0x1BF5;
	[smem:$0x3FAF] =	sst s0  }
0x18: {  	s0 =	sld [smem:$0x3F92];
	_ =	swait.ge [sflag:s4], $0x0  }
0x19: {  	s7 =	sld [smem:$0x3F93]  }
0x1a: {  	s8 =	sadd.s32 $0xFFFFE003, lr  }
0x1b: {  	s9 =	sadd.s32 $0xFFFFFEF7, lr;
	s5 =	simm.s32 $0xFFFFFFFF;
	p2 =	slt.u32 s8, $0xFFFFF086  }
0x1c: {  	p1 =	slt.u32 s9, $0xF7A;
	s5 =	simm.s32 @!p2 $0x0  }
0x1d: {  	s5 =	simm.s32 @p1 $0x1;
	p0 =	seq.s32 s7, s2  }
0x1e: {  	s7 =	smul.u32 @!p0 $0xF7A, s2;
	p2 =	seq.s32 @!p0 s5, $0x0  }
0x1f: {  	s9 =	smul.u32 $0xF7A, s1;
	s8 =	simm.s32 @!p0 $0x1BF5;
	p2 =	por !p2, p0  }
0x20: {  	[sflag:s8] =	ssyncset.s32 @!p0 $0xFFFFF086;
	s6 =	sadd.s32 @!p0 s3, s7;
	s7 =	simm.s32 @!p0 $0x108  }
0x21: {  	s3 =	sadd.s32 s3, s9;
	s6 =	sadd.s32 @!p0 $0x88, s6;
	s7 =	simm.s32 @p2 $0x1082  }
0x22: {  	[simem:s7], [sflag:s8] =	dma.local @!p0 [hbm:s6], $0xF7A  }
0x23: {  	s9 =	sor.u32 $0xD0000000, s2;
	s6 =	simm.s32 $0x108;
	_ =	swait.ge @!p0 [sflag:s8], $0x0  }
0x24: {  	s3 =	sadd.s32 $0x88, s3;
	s6 =	simm.s32 @!p1 $0x1082;
	[sflag:s4] =	ssyncset.s32 $0xFFFFF086  }
0x25: {  	[simem:s6], [sflag:s4] =	dma.local [hbm:s3], $0xF7A  }
0x26: {  	[smem:$0x3F93] =	sst s1;
	(tag) =	ssettag s2;
	_ =	strace s9  }
0x27: {  	s1 =	sld [smem:$0x3FA3]  }
0x28: {  	s2 =	sld [smem:$0x3FA4]  }
0x29: {  	s4 =	sld [smem:$0x3FA6]  }
0x2a: {  	p0 =	seq.s32 s5, $0x0;
	s5 =	sld [smem:$0x3FA7]  }
0x2b: {  	s6 =	sld [smem:$0x3FA8]  }
0x2c: {  	s7 =	sld [smem:$0x3FA9]  }
0x2d: {  	s3 =	simm.s32 $0x108;
	s8 =	sld [smem:$0x3FAA]  }
0x2e: {  	s3 =	simm.s32 @!p0 $0x1082;
	s9 =	sld [smem:$0x3FAB]  }
0x2f: {  	lr =	sadd.s32 s0, s3;
	s0 =	sld [smem:$0x3FA2]  }
0x30: {  	s3 =	sld [smem:$0x3FA5]  }
0x31: {  	[smem:$0x3FAE] =	sst s10  }
0x32: {  	s10 =	sld [smem:$0x3FAC];
	_ =	sdelay $0x3  }
0x33: {  	p0 =	seq.s32 s10, $0x1;
	s10 =	sld [smem:$0x3FAE];
	_ =	sdelay $0x3  }
0x34: {  	[smem:$0x3FAE] =	sst s10  }
0x35: {  	s10 =	sld [smem:$0x3FAD];
	_ =	sdelay $0x3  }
0x36: {  	p1 =	seq.s32 s10, $0x1;
	s10 =	sld [smem:$0x3FAE];
	_ =	sdelay $0x3  }
0x37: {  	[smem:$0x3FAE] =	sst s10  }
0x38: {  	s10 =	sld [smem:$0x3FAF]  }
0x39: {  	_ = 	snop;
	(pc) =	sbr.ind lr, $3  }
0x3a: {  	_ = 	snop  }
0x3b: {  	_ = 	snop  }
0x3c: {  	p2 =	seq.s32 s10, $0x1;
	s10 =	sld [smem:$0x3FAE]  }
0x3d: {  	_ =	shalt  }
0x3e: {  	_ =	shalt  }
0x3f: {  	_ =	shalt  }
0x40: {  	_ =	shalt  }
0x41: {  	_ =	shalt  }
0x42: {  	_ =	shalt  }
0x43: {  	_ =	shalt  }
0x44: {  	_ =	shalt  }
0x45: {  	_ =	shalt  }
0x46: {  	_ =	shalt  }
0x47: {  	_ =	shalt  }
0x48: {  	_ =	shalt  }
0x49: {  	_ =	shalt  }
0x4a: {  	_ =	shalt  }
0x4b: {  	_ =	shalt  }
0x4c: {  	_ =	shalt  }
0x4d: {  	_ =	shalt  }
0x4e: {  	_ =	shalt  }
0x4f: {  	_ =	shalt  }
0x50: {  	_ =	shalt  }
0x51: {  	_ =	shalt  }
0x52: {  	_ =	shalt  }
0x53: {  	_ =	shalt  }
0x54: {  	_ =	shalt  }
0x55: {  	_ =	shalt  }
0x56: {  	_ =	shalt  }
0x57: {  	_ =	shalt  }
0x58: {  	_ =	shalt  }
0x59: {  	_ =	shalt  }
0x5a: {  	_ =	shalt  }
0x5b: {  	_ =	shalt  }
0x5c: {  	_ =	shalt  }
0x5d: {  	_ =	shalt  }
0x5e: {  	_ =	shalt  }
0x5f: {  	_ =	shalt  }
0x60: {  	_ =	shalt  }
0x61: {  	_ =	shalt  }
0x62: {  	_ =	shalt  }
0x63: {  	_ =	shalt  }
0x64: {  	_ =	shalt  }
0x65: {  	_ =	shalt  }
0x66: {  	_ =	shalt  }
0x67: {  	_ =	shalt  }
0x68: {  	_ =	shalt  }
0x69: {  	_ =	shalt  }
0x6a: {  	_ =	shalt  }
0x6b: {  	_ =	shalt  }
0x6c: {  	_ =	shalt  }
0x6d: {  	_ =	shalt  }
0x6e: {  	_ =	shalt  }
0x6f: {  	_ =	shalt  }
0x70: {  	_ =	shalt  }
0x71: {  	_ =	shalt  }
0x72: {  	_ =	shalt  }
0x73: {  	_ =	shalt  }
0x74: {  	_ =	shalt  }
0x75: {  	_ =	shalt  }
0x76: {  	_ =	shalt  }
0x77: {  	_ =	shalt  }
0x78: {  	_ =	shalt  }
0x79: {  	_ =	shalt  }
0x7a: {  	_ =	shalt  }
0x7b: {  	_ =	shalt  }
0x7c: {  	_ =	shalt  }
0x7d: {  	_ =	shalt  }
0x7e: {  	_ =	shalt  }
0x7f: {  	_ =	shalt  }
0x80: {  	_ =	shalt  }
0x81: {  	_ =	shalt  }
0x82: {  	_ =	shalt  }
0x83: {  	_ =	shalt  }
0x84: {  	_ =	shalt  }
0x85: {  	_ =	shalt  }
0x86: {  	_ =	shalt  }
0x87: {  	_ =	shalt  }
.Lfunc_end0:
.L_simem_size_0:
called_computation.2_lowered:
.L_overlay_start_0:
0x88: {  	s2 =	sld [smem:$0x3FD9]  }
0x89: {  	s3 =	sld [smem:$0x3FFE];
	_ =	sdelay $0x1  }
0x8a: {  	s1 =	srdreg.scid  }
0x8b: {  	s0 =	sand.u32 $0x1, s1  }
0x8c: {  	s14 =	sshll.u32 s0, $0xA;
	s2 =	sadd.s32 s3, s2  }
0x8d: {  	s2 =	sadd.s32 s2, s14  }
0x8e: {  	[smem:$0x3FBA] =	sst s2  }
0x8f: {  	_ = 	snop  }
0x90: {  	s2 =	sld [smem:$0x3FD0];
	_ =	sdelay $0x2  }
0x91: {  	s4 =	simm.s32 $0xA;
	s5 =	simm.s32 $0x10;
	s15 =	sld [smem:$0x3FBD]  }
0x92: {  	[smem:s5], [sflag:s4] =	dma.local [hbm:s2], $0x1  }
0x93: {  	_ =	swait.eq [sflag:s4], $0x1  }
0x94: {  	[sflag:s4] =	ssyncset.done $0x0  }
0x95: {  	s16 =	sld [smem:$0x10];
	[sflag:s4] =	ssyncadd.s32 $0xFFFFFFFF  }
0x96: {  	s17 =	sld [smem:$0x11];
	(tm) =	ssettm $0x1  }
0x97: {  	s18 =	sld [smem:$0x3FFB];
	_ =	sdelay $0x3  }
0x98: {  	_ =	strace s18  }
0x99: {  	s5 =	sld [smem:$0x3FFC];
	_ =	sdelay $0x3  }
0x9a: {  	_ =	strace s5  }
0x9b: {  	s5 =	sld [smem:$0x3FFD];
	_ =	sdelay $0x3  }
0x9c: {  	_ =	strace s5  }
0x9d: {  	_ =	strace $0x8FFFFFFF  }
0x9e: {  	s19 =	sld [smem:$0x3FDB];
	_ =	sdelay $0x1  }
0x9f: {  	s6 =	simm.s32 $_scs_section_size  }
0xa0: {  	s7 =	simm.s32 $_size__tile_overlayer_lowered;
	s8 =	simm.s32 $_tile_overlayer_lowered  }
0xa1: {  	s22 =	simm.s32 $0x1BFF;
	s21 =	sshll.u32 s8, $0x1;
	s5 =	sadd.s32 s6, s19  }
0xa2: {  	s9 =	simm.s32 $0x0;
	s20 =	sshll.u32 s7, $0x1;
	s7 =	sadd.s32 s21, s5  }
0xa3: {  	[timem:s9], [sflag:s22] =	dma.local [hbm:s7], s20  }
0xa4: {  	_ =	swait.ge [sflag:s22], s20  }
0xa5: {  	s6 =	ssub.s32 $0x0, s20;
	[sflag:s22] =	ssyncset.done $0x0  }
0xa6: {  	[sflag:s22] =	ssyncadd.s32 s6;
	_ =	sdelay $0x1  }
0xa7: {  	s23 =	simm.s32 $0x1B8B  }
0xa8: {  	_ =	swait.ge [sflag:s23], $0x1  }
0xa9: {  	[sflag:s23] =	ssyncset.done $0x0  }
0xaa: {  	s25 =	simm.s32 $0x1B8E;
	s24 =	sld [smem:$0x3FFE];
	[sflag:s23] =	ssyncadd.s32 $0xFFFFFFFF  }
0xab: {  	s26 =	simm.s32 $execute0_lowered;
	[smem:$0x3FD2] =	sst s25  }
0xac: {  	s7 =	sshll.u32 s26, $0x1;
	_ =	strace $0x8000004C;
	[dreg:$0x1] =	wrdreg $0xFFFFFFFF  }
0xad: {  	s28 =	simm.s32 $_size_execute0_lowered;
	s5 =	sadd.s32 s5, s7;
	[dreg:$0x0] =	wrdreg $0x0  }
0xae: {  	s7 =	sshll.u32 s28, $0x1;
	[dreg:$0x2] =	wrdreg s5  }
0xaf: {  	[dreg:$0x3] =	wrdreg s7  }
0xb0: {  	[dreg:$0x4] =	wrdreg $0xC0  }
0xb1: {  	_ =	task [dreg:s9], $0x5FFFF  }
0xb2: {  	[dreg:$0x1] =	wrdreg $0xFFFFFFFF  }
0xb3: {  	[dreg:$0x0] =	wrdreg $0x60  }
0xb4: {  	[dreg:$0x2] =	wrdreg s16  }
0xb5: {  	[dreg:$0x3] =	wrdreg s17  }
0xb6: {  	[dreg:$0x4] =	wrdreg s15  }
0xb7: {  	[dreg:$0x5] =	wrdreg s24  }
0xb8: {  	[dreg:$0x6] =	wrdreg $0x0  }
0xb9: {  	[dreg:$0x7] =	wrdreg $0x9  }
0xba: {  	_ =	task.clear_ibuf [dreg:s9], $0x8FFFF;
	_ =	strace $0x9000004C  }
0xbb: {  	s29 =	simm.s32 $0x9;
	_ =	strace $0x8000004E  }
0xbc: {  	_ =	swait.ge [sflag:s29], $0x1  }
0xbd: {  	[sflag:s29] =	ssyncadd.s32 $0xFFFFFFFF  }
0xbe: {  	_ =	strace $0x9000004E  }
0xbf: {  	_ =	sfence  }
0xc0: {  	s30 =	sld [smem:$0x0];
	_ =	sdelay $0x2  }
0xc1: {  	s31 =	sshll.u32 s1, $0xD;
	s1 =	sshrl.u32 s1, $0x2  }
0xc2: {  	s3 =	sand.u32 $0x4000, s31;
	s1 =	sadd.s32 s1, s30  }
0xc3: {  	s0 =	sor.u32 s3, s0;
	s1 =	sshll.u32 s1, $0x11  }
0xc4: {  	s0 =	sor.u32 s1, s0  }
0xc5: {  	s0 =	sadd.s32 $0x8F2B, s0  }
0xc6: {  	[sflag:s0] =	ssyncadd.remote.s32 $0x1  }
0xc7: {  	_ =	sfence.sel $0xFFFF  }
0xc8: {  	[dreg:$0x0] =	wrdreg $0xFFFFFFFF;
	(pc) =	sbr.abs _section_cstart, $3  }
0xc9: {  	[dreg:$0x1] =	wrdreg $0xFFFFFFFF  }
0xca: {  	_ =	task.clear_ibuf [dreg:s9], $0x2FFFF;
	_ =	strace $0x9FFFFFFF  }
0xcb: {  	(tm) =	ssettm $0x7FFFFFFF  }
tec
execute0_lowered:
.L_overlay_start_1:
0x0: {  	(tag) =	ssettag $0x1  }
0x1: {  	s0 =	rddreg [dreg:$0x0]  }
0x2: {  	s1 =	srdreg.scid;
	s2 =	rddreg [dreg:$0x1]  }
0x3: {  	s12 =	stileid.u32;
	s4 =	rddreg [dreg:$0x3]  }
0x4: {  	s5 =	rddreg [dreg:$0x4];
	s6 =	simm.s32 $0x0;
	s13 =	simm.s32 $0x5  }
0x5: {  	v0 =	vimm.s32 $0xEFCDAB89;
	s14 =	simm.s32 $0x4F10;
	s15 =	simm.s32 $0x7810;
	s18 =	simm.s32 $0x80  }
0x6: {  	v1 =	vimm.s32 $0x67452301;
	s20 =	simm.s32 $0xB110;
	s21 =	simm.s32 $0xA910;
	s22 =	simm.s32 $0xB910  }
0x7: {  	v2 =	vimm.s32 $0xDCFE98BA;
	v3 =	vimm.s32 $0x54761032;
	s23 =	simm.s32 $0x1;
	s24 =	simm.s32 $0xC110;
	s28 =	simm.s32 $0x3  }
0x8: {  	v4 =	vimm.s32 $0xBA98FEDC;
	v5 =	vimm.s32 $0x32107654;
	v6 =	vimm.s32 $0xFEDCBA98;
	s29 =	simm.s32 $0x4;
	s30 =	simm.s32 $0x0;
	s1 =	sand.u32 $0x1, s1  }
0x9: {  	v7 =	vimm.s32 $0x76543210;
	s9 =	smul.u32 $0x4F00, s12;
	[smem:$0x7FF] =	sst s6;
	v0 =	vunpack.c.l.s4.s8 v0;
	v1 =	vunpack.c.l.s4.s8 v1;
	s31 =	sshll.u32 s12, $0x6  }
0xa: {  	v2 =	vunpack.c.l.s4.s8 v2;
	v3 =	vunpack.c.l.s4.s8 v3;
	v4 =	vunpack.c.l.s4.s8 v4;
	s3 =	sshll.u32 s1, $0x4;
	s7 =	smul.u32 $0x4F000, s1;
	_ =	strace $0x8000004D  }
0xb: {  	v5 =	vunpack.c.l.s4.s8 v5;
	v6 =	vunpack.c.l.s4.s8 v6;
	v7 =	vunpack.c.l.s4.s8 v7;
	s1 =	ssub.s32 $0x2, s1;
	s16 =	sor.u32 $0x1C05, s31;
	s3 =	sor.u32 s12, s3  }
0xc: {  	s8 =	sshrl.u32 s9, $0x3;
	s25 =	sshrl.u32 s1, $0x1;
	v0 =	vunpack.c.0.s8.s32 v0;
	v1 =	vunpack.c.0.s8.s32 v1;
	v2 =	vunpack.c.0.s8.s32 v2;
	s26 =	sadd.s32 s9, s5  }
0xd: {  	v3 =	vunpack.c.0.s8.s32 v3;
	v4 =	vunpack.c.0.s8.s32 v4;
	v5 =	vunpack.c.0.s8.s32 v5;
	s3 =	smul.u32 $0x520, s3;
	s7 =	sadd.s32 s9, s7;
	s10 =	sadd.s32 s8, s4  }
0xe: {  	s1 =	ssub.s32 s1, s25;
	s17 =	sshrl.u32 s26, $0x3;
	s25 =	simm.s32 $0x2;
	v0 =	vcombine.low v1, v0;
	v1 =	vunpack.c.0.s8.s32 v6  }
0xf: {  	s26 =	simm.s32 $0xD110;
	s7 =	sshrl.u32 s7, $0x3;
	s9 =	sadd.s32 $0x2400, s10;
	v2 =	vcombine.low v3, v2;
	v3 =	vcombine.low v5, v4;
	v4 =	vunpack.c.0.s8.s32 v7  }
0x10: {  	s11 =	smax.u32 s1, $0x1;
	s3 =	sadd.s32 s3, s4;
	s4 =	sadd.s32 s7, s4;
	v0 =	vand.u32 $0xF, v0;
	v5 =	vand.u32 $0xF, v1  }
0x11: {  	s7 =	sadd.s32 $0x33E00, s3;
	s8 =	sadd.s32 $0x29A00, s3;
	s10 =	sadd.s32 $0xC200, s4;
	v1 =	vand.u32 $0xF, v2;
	v2 =	vand.u32 $0xF, v3;
	v3 =	vcombine.low v5, v4  }
.LBB2_1:
0x12: {  	s1 =	rddreg [dreg:$0x2];
	s3 =	simm.s32 $0x4F00  }
0x13: {  	[tilespmem:s3], [sflag:$0x5] =	stream.linear.gather [hbm4b:s1+s6], $0x10, $0x38;
	[tilespmem:$0xE110] =	vst v63  }
0x14: {  	_ =	swait.ge [sflag:s13], $0x10  }
0x15: {  	[sflag:s13] =	ssyncset.done $0x0  }
0x16: {  	[sflag:s13] =	ssyncadd.s32 $0xFFFFFFF0  }
0x17: {  	[tilespmem:s14], [sflag:$0x5] =	stream.linear.gather [hbm4b:s7+s6], $0x2900, $0x38;
	[tilespmem:$0xE110] =	vst v63  }
0x18: {  	_ =	swait.ge [sflag:s13], $0x2900  }
0x19: {  	[sflag:s13] =	ssyncset.done $0x0  }
0x1a: {  	[sflag:s13] =	ssyncadd.s32 $0xFFFFD700  }
0x1b: {  	[tilespmem:s15], [sflag:$0x5] =	stream.linear.gather [hbm4b:s8+s6], $0x2900, $0x38;
	[tilespmem:$0xE110] =	vst v63  }
0x1c: {  	_ =	swait.ge [sflag:s13], $0x2900  }
0x1d: {  	[sflag:s13] =	ssyncset.done $0x0  }
0x1e: {  	[sflag:s13] =	ssyncadd.s32 $0xFFFFD700  }
0x1f: {  	[spmem:s17], [sflag:s16] =	dma.local [hbm:s9], $0x9E0  }
0x20: {  	_ =	swait.ge [sflag:s13], $0x9E0  }
0x21: {  	[sflag:s13] =	ssyncset.done $0x0  }
0x22: {  	[sflag:s13] =	ssyncadd.s32 $0xFFFFF620  }
0x23: {  	s19 =	simm.s32 $0xA110;
	[bflag:$0x0] =	sbarrier.arrive $0xFFFF  }
0x24: {  	[tilespmem:s19], [sflag:$0x1] =	stream.indirect.gather [hbm4b:s0+s18], $0x10, s14, s18, $0xb8;
	[tilespmem:$0xE110] =	vst v63  }
0x25: {  	s31 =	simm.s32 $0x0  }
0x26: {  	[tilespmem:s20], [sflag:$0x1] =	stream.indirect.gather [hbm4b:s2+s18], $0x10, s15, s18, $0xb8;
	[tilespmem:$0xE110] =	vst v63  }
.LBB2_2:
0x27: {  	s1 =	sshllo.u32 s31, $0x1  }
0x28: {  	s4 =	sshll.u32 s1, $0x7  }
0x29: {  	s1 =	sadd.s32 $0x4F10, s4  }
0x2a: {  	[tilespmem:s21], [sflag:$0x2] =	stream.indirect.gather [hbm4b:s0+s18], $0x10, s1, s18, $0xb8;
	[tilespmem:$0xE110] =	vst v63  }
0x2b: {  	s19 =	sadd.s32 $0x7810, s4  }
0x2c: {  	[tilespmem:s22], [sflag:$0x2] =	stream.indirect.gather [hbm4b:s2+s18], $0x10, s19, s18, $0xb8;
	[tilespmem:$0xE110] =	vst v63  }
0x2d: {  	_ =	swait.ge [sflag:s23], $0x800  }
0x2e: {  	[sflag:s23] =	ssyncset.done $0x0  }
0x2f: {  	[sflag:s23] =	ssyncadd.s32 $0xFFFFF800  }
0x30: {  	_ =	swait.ge [sflag:s23], $0x800  }
0x31: {  	p0 =	seq.s32 s31, $0x0;
	[sflag:s23] =	ssyncset.done $0x0  }
0x32: {  	s1 =	simm.s32 @!p0 $0x3;
	[sflag:s23] =	ssyncadd.s32 $0xFFFFF800  }
0x33: {  	_ =	swait.ge @!p0 [sflag:s1], $0x200  }
0x34: {  	[sflag:s1] =	ssyncset.done @!p0 $0x0  }
0x35: {  	s3 =	simm.s32 $0x0;
	[sflag:s1] =	ssyncadd.s32 @!p0 $0xFFFFFE00  }
0x36: {  	v5 =	vld [tilespmem:s3+$0xA110]  }
0x37: {  	v6 =	vld [tilespmem:s3+$0xB110];
	_ =	sdelay $0x4  }
0x38: {  	v4 =	vld [tilespmem:$0x4F00];
	v6 =	vadd.f32 v6, v5;
	_ =	sdelay $0x1  }
0x39: {  	v7 =	vmul.f32 $2.000000030e-01, v6;
	_ =	sdelay $0x1  }
0x3a: {  	v6 =	vmax.f32 v6, v7  }
0x3b: {  	v6 =	vmul.f32 v6, v4;
	_ =	sdelay $0x1  }
0x3c: {  	v7 =	vperm.xlane v6, v0;
	_ =	sdelay $0x1  }
0x3d: {  	v6 =	vadd.f32 v6, v7;
	_ =	sdelay $0x1  }
0x3e: {  	v7 =	vperm.xlane v6, v1;
	_ =	sdelay $0x1  }
0x3f: {  	v6 =	vadd.f32 v6, v7;
	_ =	sdelay $0x1  }
0x40: {  	v7 =	vperm.xlane v6, v2;
	_ =	sdelay $0x1  }
0x41: {  	v6 =	vadd.f32 v6, v7;
	_ =	sdelay $0x1  }
0x42: {  	v7 =	vperm.xlane v6, v3;
	_ =	sdelay $0x1  }
0x43: {  	v6 =	vadd.f32 v6, v7;
	_ =	sdelay $0x1  }
0x44: {  	v6 =	vmul.f32 $1.442695020e+00, v6;
	_ =	sdelay $0x1  }
0x45: {  	(erf) = vpow2.f32 v6;
	_ =	sdelay $0x8  }
0x46: {  	v6 =	vpop (erf)  }
0x47: {  	s1 =	simm.s32 $0xC130;
	v5 =	vmul.f32 v6, v5  }
0x48: {  	[tilespmem:s1+$0xFFFFFFF0] =	vst v6  }
0x49: {  	[tilespmem:s1+$0xFFFFFFE0] =	vst v5  }
0x4a: {  	v5 =	vld [tilespmem:s3+$0xA120]  }
0x4b: {  	v6 =	vld [tilespmem:s3+$0xB120];
	_ =	sdelay $0x4  }
0x4c: {  	v6 =	vadd.f32 v6, v5;
	_ =	sdelay $0x1  }
0x4d: {  	v7 =	vmul.f32 $2.000000030e-01, v6;
	_ =	sdelay $0x1  }
0x4e: {  	v6 =	vmax.f32 v6, v7  }
0x4f: {  	v6 =	vmul.f32 v6, v4;
	_ =	sdelay $0x1  }
0x50: {  	v7 =	vperm.xlane v6, v0;
	_ =	sdelay $0x1  }
0x51: {  	v6 =	vadd.f32 v6, v7;
	_ =	sdelay $0x1  }
0x52: {  	v7 =	vperm.xlane v6, v1;
	_ =	sdelay $0x1  }
0x53: {  	v6 =	vadd.f32 v6, v7;
	_ =	sdelay $0x1  }
0x54: {  	v7 =	vperm.xlane v6, v2;
	_ =	sdelay $0x1  }
0x55: {  	v6 =	vadd.f32 v6, v7;
	_ =	sdelay $0x1  }
0x56: {  	v7 =	vperm.xlane v6, v3;
	_ =	sdelay $0x1  }
0x57: {  	v6 =	vadd.f32 v6, v7;
	_ =	sdelay $0x1  }
0x58: {  	v6 =	vmul.f32 $1.442695020e+00, v6;
	_ =	sdelay $0x1  }
0x59: {  	(erf) = vpow2.f32 v6;
	_ =	sdelay $0x8  }
0x5a: {  	s12 =	simm.s32 $0xC130;
	s3 =	simm.s32 $0x80;
	v6 =	vpop (erf)  }
.LBB2_3:
0x5b: {  	p1 =	sne.s32 s3, $0x1F80  }
0x5c: {  	v5 =	vmul.f32 v6, v5;
	[tilespmem:s1+$0x10] =	vst v6;
	s12 =	sadd.s32 $0x40, s12;
	s19 =	smov.u32 s3;
	s3 =	sadd.s32 $0x80, s3  }
0x5d: {  	_ = 	snop  }
0x5e: {  	s19 =	sshra.s32 s19, $0x2;
	[tilespmem:s1+$0x0] =	vst v5;
	s1 =	smov.u32 s12  }
0x5f: {  	v5 =	vld [tilespmem:s19+$0xA110]  }
0x60: {  	v6 =	vld [tilespmem:s19+$0xB110];
	_ =	sdelay $0x4  }
0x61: {  	v6 =	vadd.f32 v6, v5;
	_ =	sdelay $0x1  }
0x62: {  	v7 =	vmul.f32 $2.000000030e-01, v6;
	_ =	sdelay $0x1  }
0x63: {  	v6 =	vmax.f32 v6, v7  }
0x64: {  	v6 =	vmul.f32 v6, v4;
	_ =	sdelay $0x1  }
0x65: {  	v7 =	vperm.xlane v6, v0;
	_ =	sdelay $0x1  }
0x66: {  	v6 =	vadd.f32 v6, v7;
	_ =	sdelay $0x1  }
0x67: {  	v7 =	vperm.xlane v6, v1;
	_ =	sdelay $0x1  }
0x68: {  	v6 =	vadd.f32 v6, v7;
	_ =	sdelay $0x1  }
0x69: {  	v7 =	vperm.xlane v6, v2;
	_ =	sdelay $0x1  }
0x6a: {  	v6 =	vadd.f32 v6, v7;
	_ =	sdelay $0x1  }
0x6b: {  	v7 =	vperm.xlane v6, v3;
	_ =	sdelay $0x1  }
0x6c: {  	v6 =	vadd.f32 v6, v7;
	_ =	sdelay $0x1  }
0x6d: {  	v6 =	vmul.f32 $1.442695020e+00, v6;
	_ =	sdelay $0x1  }
0x6e: {  	(erf) = vpow2.f32 v6;
	_ =	sdelay $0x8  }
0x6f: {  	v6 =	vpop (erf)  }
0x70: {  	v5 =	vmul.f32 v6, v5;
	[tilespmem:s12+$0xFFFFFFF0] =	vst v6;
	_ =	sdelay $0x1  }
0x71: {  	[tilespmem:s12+$0xFFFFFFE0] =	vst v5  }
0x72: {  	v5 =	vld [tilespmem:s19+$0xA120]  }
0x73: {  	v6 =	vld [tilespmem:s19+$0xB120];
	_ =	sdelay $0x4  }
0x74: {  	v6 =	vadd.f32 v6, v5;
	_ =	sdelay $0x1  }
0x75: {  	v7 =	vmul.f32 $2.000000030e-01, v6;
	_ =	sdelay $0x1  }
0x76: {  	v6 =	vmax.f32 v6, v7  }
0x77: {  	v6 =	vmul.f32 v6, v4;
	_ =	sdelay $0x1  }
0x78: {  	v7 =	vperm.xlane v6, v0;
	_ =	sdelay $0x1  }
0x79: {  	v6 =	vadd.f32 v6, v7;
	_ =	sdelay $0x1  }
0x7a: {  	v7 =	vperm.xlane v6, v1;
	_ =	sdelay $0x1  }
0x7b: {  	v6 =	vadd.f32 v6, v7;
	_ =	sdelay $0x1  }
0x7c: {  	v7 =	vperm.xlane v6, v2;
	_ =	sdelay $0x1  }
0x7d: {  	v6 =	vadd.f32 v6, v7;
	_ =	sdelay $0x1  }
0x7e: {  	v7 =	vperm.xlane v6, v3;
	_ =	sdelay $0x1  }
0x7f: {  	v6 =	vadd.f32 v6, v7;
	_ =	sdelay $0x1  }
0x80: {  	v6 =	vmul.f32 $1.442695020e+00, v6;
	_ =	sdelay $0x1  }
0x81: {  	(erf) = vpow2.f32 v6;
	_ =	sdelay $0x4  }
.Ltmp0:
0x82: {  	(pc) =	sbr.rel @p1 .LBB2_3-.Ltmp0, $2  }
0x83: {  	_ =	sdelay $0x2  }
0x84: {  	v6 =	vpop (erf)  }
0x85: {  	v4 =	vmul.f32 v6, v5;
	s3 =	sshll.u32 s31, $0x8  }
0x86: {  	[tilespmem:s1+$0x10] =	vst v6;
	p1 =	seq.s32 s31, $0x28;
	s3 =	sand.u32 $0x3FFFFF00, s3  }
0x87: {  	[tilespmem:s1+$0x0] =	vst v4;
	s12 =	sadd.s32 $0x7810, s3;
	s1 =	sshll.u32 @!p1 s31, $0x8  }
0x88: {  	[spmem:s5] =	stream.indirect.scatter.add.f32 [tilespmem:s24], [sflag:$0x3], $0x20, s12, s18, $0xb8;
	[tilespmem:$0xE110] =	vst v63  }
0x89: {  	s19 =	simm.s32 @!p1 $0xA110;
	s3 =	sadd.s32 @!p1 $0x5010, s1;
	s12 =	simm.s32 @!p1 $0x80  }
0x8a: {  	[tilespmem:s19], [sflag:$0x1] =	stream.indirect.gather @!p1 [hbm4b:s0+s12], $0x10, s3, s12, $0xb8;
	[tilespmem:$0xE110] =	vst v63  }
0x8b: {  	s1 =	sadd.s32 @!p1 $0x7910, s1;
	s3 =	simm.s32 @!p1 $0xB110  }
0x8c: {  	[tilespmem:s3], [sflag:$0x1] =	stream.indirect.gather @!p1 [hbm4b:s2+s12], $0x10, s1, s12, $0xb8;
	[tilespmem:$0xE110] =	vst v63  }
0x8d: {  	_ =	swait.ge [sflag:s25], $0x800  }
0x8e: {  	[sflag:s25] =	ssyncset.done $0x0  }
0x8f: {  	[sflag:s25] =	ssyncadd.s32 $0xFFFFF800  }
0x90: {  	_ =	swait.ge [sflag:s25], $0x800  }
0x91: {  	[sflag:s25] =	ssyncset.done $0x0  }
0x92: {  	s1 =	simm.s32 @!p0 $0x4;
	[sflag:s25] =	ssyncadd.s32 $0xFFFFF800  }
0x93: {  	_ =	swait.ge @!p0 [sflag:s1], $0x200  }
0x94: {  	[sflag:s1] =	ssyncset.done @!p0 $0x0  }
0x95: {  	s19 =	simm.s32 $0x0;
	[sflag:s1] =	ssyncadd.s32 @!p0 $0xFFFFFE00  }
0x96: {  	v5 =	vld [tilespmem:s19+$0xA910]  }
0x97: {  	v6 =	vld [tilespmem:s19+$0xB910];
	_ =	sdelay $0x4  }
0x98: {  	v4 =	vld [tilespmem:$0x4F00];
	v6 =	vadd.f32 v6, v5;
	_ =	sdelay $0x1  }
0x99: {  	v7 =	vmul.f32 $2.000000030e-01, v6;
	_ =	sdelay $0x1  }
0x9a: {  	v6 =	vmax.f32 v6, v7  }
0x9b: {  	v6 =	vmul.f32 v6, v4;
	_ =	sdelay $0x1  }
0x9c: {  	v7 =	vperm.xlane v6, v0;
	_ =	sdelay $0x1  }
0x9d: {  	v6 =	vadd.f32 v6, v7;
	_ =	sdelay $0x1  }
0x9e: {  	v7 =	vperm.xlane v6, v1;
	_ =	sdelay $0x1  }
0x9f: {  	v6 =	vadd.f32 v6, v7;
	_ =	sdelay $0x1  }
0xa0: {  	v7 =	vperm.xlane v6, v2;
	_ =	sdelay $0x1  }
0xa1: {  	v6 =	vadd.f32 v6, v7;
	_ =	sdelay $0x1  }
0xa2: {  	v7 =	vperm.xlane v6, v3;
	_ =	sdelay $0x1  }
0xa3: {  	v6 =	vadd.f32 v6, v7;
	_ =	sdelay $0x1  }
0xa4: {  	v6 =	vmul.f32 $1.442695020e+00, v6;
	_ =	sdelay $0x1  }
0xa5: {  	(erf) = vpow2.f32 v6;
	_ =	sdelay $0x8  }
0xa6: {  	v6 =	vpop (erf)  }
0xa7: {  	s1 =	simm.s32 $0xD130;
	v5 =	vmul.f32 v6, v5  }
0xa8: {  	[tilespmem:s1+$0xFFFFFFF0] =	vst v6  }
0xa9: {  	[tilespmem:s1+$0xFFFFFFE0] =	vst v5  }
0xaa: {  	v5 =	vld [tilespmem:s19+$0xA920]  }
0xab: {  	v6 =	vld [tilespmem:s19+$0xB920];
	_ =	sdelay $0x4  }
0xac: {  	v6 =	vadd.f32 v6, v5;
	_ =	sdelay $0x1  }
0xad: {  	v7 =	vmul.f32 $2.000000030e-01, v6;
	_ =	sdelay $0x1  }
0xae: {  	v6 =	vmax.f32 v6, v7  }
0xaf: {  	v6 =	vmul.f32 v6, v4;
	_ =	sdelay $0x1  }
0xb0: {  	v7 =	vperm.xlane v6, v0;
	_ =	sdelay $0x1  }
0xb1: {  	v6 =	vadd.f32 v6, v7;
	_ =	sdelay $0x1  }
0xb2: {  	v7 =	vperm.xlane v6, v1;
	_ =	sdelay $0x1  }
0xb3: {  	v6 =	vadd.f32 v6, v7;
	_ =	sdelay $0x1  }
0xb4: {  	v7 =	vperm.xlane v6, v2;
	_ =	sdelay $0x1  }
0xb5: {  	v6 =	vadd.f32 v6, v7;
	_ =	sdelay $0x1  }
0xb6: {  	v7 =	vperm.xlane v6, v3;
	_ =	sdelay $0x1  }
0xb7: {  	v6 =	vadd.f32 v6, v7;
	_ =	sdelay $0x1  }
0xb8: {  	v6 =	vmul.f32 $1.442695020e+00, v6;
	_ =	sdelay $0x1  }
0xb9: {  	(erf) = vpow2.f32 v6;
	_ =	sdelay $0x8  }
0xba: {  	s3 =	simm.s32 $0x80;
	s12 =	simm.s32 $0xD130;
	v6 =	vpop (erf)  }
.LBB2_5:
0xbb: {  	p0 =	sne.s32 s3, $0x1F80  }
0xbc: {  	v5 =	vmul.f32 v6, v5;
	[tilespmem:s1+$0x10] =	vst v6;
	s12 =	sadd.s32 $0x40, s12;
	s19 =	smov.u32 s3;
	s3 =	sadd.s32 $0x80, s3  }
0xbd: {  	_ = 	snop  }
0xbe: {  	s19 =	sshra.s32 s19, $0x2;
	[tilespmem:s1+$0x0] =	vst v5;
	s1 =	smov.u32 s12  }
0xbf: {  	v5 =	vld [tilespmem:s19+$0xA910]  }
0xc0: {  	v6 =	vld [tilespmem:s19+$0xB910];
	_ =	sdelay $0x4  }
0xc1: {  	v6 =	vadd.f32 v6, v5;
	_ =	sdelay $0x1  }
0xc2: {  	v7 =	vmul.f32 $2.000000030e-01, v6;
	_ =	sdelay $0x1  }
0xc3: {  	v6 =	vmax.f32 v6, v7  }
0xc4: {  	v6 =	vmul.f32 v6, v4;
	_ =	sdelay $0x1  }
0xc5: {  	v7 =	vperm.xlane v6, v0;
	_ =	sdelay $0x1  }
0xc6: {  	v6 =	vadd.f32 v6, v7;
	_ =	sdelay $0x1  }
0xc7: {  	v7 =	vperm.xlane v6, v1;
	_ =	sdelay $0x1  }
0xc8: {  	v6 =	vadd.f32 v6, v7;
	_ =	sdelay $0x1  }
0xc9: {  	v7 =	vperm.xlane v6, v2;
	_ =	sdelay $0x1  }
0xca: {  	v6 =	vadd.f32 v6, v7;
	_ =	sdelay $0x1  }
0xcb: {  	v7 =	vperm.xlane v6, v3;
	_ =	sdelay $0x1  }
0xcc: {  	v6 =	vadd.f32 v6, v7;
	_ =	sdelay $0x1  }
0xcd: {  	v6 =	vmul.f32 $1.442695020e+00, v6;
	_ =	sdelay $0x1  }
0xce: {  	(erf) = vpow2.f32 v6;
	_ =	sdelay $0x8  }
0xcf: {  	v6 =	vpop (erf)  }
0xd0: {  	v5 =	vmul.f32 v6, v5;
	[tilespmem:s12+$0xFFFFFFF0] =	vst v6;
	_ =	sdelay $0x1  }
0xd1: {  	[tilespmem:s12+$0xFFFFFFE0] =	vst v5  }
0xd2: {  	v5 =	vld [tilespmem:s19+$0xA920]  }
0xd3: {  	v6 =	vld [tilespmem:s19+$0xB920];
	_ =	sdelay $0x4  }
0xd4: {  	v6 =	vadd.f32 v6, v5;
	_ =	sdelay $0x1  }
0xd5: {  	v7 =	vmul.f32 $2.000000030e-01, v6;
	_ =	sdelay $0x1  }
0xd6: {  	v6 =	vmax.f32 v6, v7  }
0xd7: {  	v6 =	vmul.f32 v6, v4;
	_ =	sdelay $0x1  }
0xd8: {  	v7 =	vperm.xlane v6, v0;
	_ =	sdelay $0x1  }
0xd9: {  	v6 =	vadd.f32 v6, v7;
	_ =	sdelay $0x1  }
0xda: {  	v7 =	vperm.xlane v6, v1;
	_ =	sdelay $0x1  }
0xdb: {  	v6 =	vadd.f32 v6, v7;
	_ =	sdelay $0x1  }
0xdc: {  	v7 =	vperm.xlane v6, v2;
	_ =	sdelay $0x1  }
0xdd: {  	v6 =	vadd.f32 v6, v7;
	_ =	sdelay $0x1  }
0xde: {  	v7 =	vperm.xlane v6, v3;
	_ =	sdelay $0x1  }
0xdf: {  	v6 =	vadd.f32 v6, v7;
	_ =	sdelay $0x1  }
0xe0: {  	v6 =	vmul.f32 $1.442695020e+00, v6;
	_ =	sdelay $0x1  }
0xe1: {  	(erf) = vpow2.f32 v6;
	_ =	sdelay $0x4  }
.Ltmp1:
0xe2: {  	(pc) =	sbr.rel @p0 .LBB2_5-.Ltmp1, $2  }
0xe3: {  	_ =	sdelay $0x2  }
0xe4: {  	v6 =	vpop (erf)  }
0xe5: {  	s31 =	sadd.s32 $0x1, s31  }
0xe6: {  	p0 =	sne.s32 s31, $0x29  }
.Ltmp2:
0xe7: {  	_ = 	snop;
	(pc) =	sbr.rel @p0 .LBB2_2-.Ltmp2, $4  }
0xe8: {  	v4 =	vmul.f32 v6, v5  }
0xe9: {  	[tilespmem:s1+$0x10] =	vst v6;
	s3 =	sand.u32 $0x3FFFFF80, s4  }
0xea: {  	s19 =	sadd.s32 $0x7810, s3;
	[tilespmem:s1+$0x0] =	vst v4  }
0xeb: {  	[spmem:s5] =	stream.indirect.scatter.add.f32 [tilespmem:s26], [sflag:$0x4], $0x20, s19, s18, $0xb8;
	[tilespmem:$0xE110] =	vst v63  }
0xec: {  	_ =	swait.ge [sflag:s28], $0x200  }
0xed: {  	[sflag:s28] =	ssyncset.done $0x0  }
0xee: {  	[sflag:s28] =	ssyncadd.s32 $0xFFFFFE00  }
0xef: {  	_ =	swait.ge [sflag:s29], $0x200  }
0xf0: {  	s30 =	sadd.s32 $0x1, s30;
	[sflag:s29] =	ssyncset.done $0x0  }
0xf1: {  	p0 =	sne.s32 s30, s11;
	[sflag:s29] =	ssyncadd.s32 $0xFFFFFE00  }
.Ltmp3:
0xf2: {  	[bflag:$0x0] =	sbarrier.arrive $0xFFFF;
	(pc) =	sbr.rel @p0 .LBB2_1-.Ltmp3, $4  }
0xf3: {  	[hbm:s10], [sflag:s16] =	dma.local [spmem:s17], $0x9E0  }
0xf4: {  	_ =	swait.ge [sflag:s13], $0x9E0  }
0xf5: {  	[sflag:s13] =	ssyncset.done $0x0  }
0xf6: {  	[sflag:s13] =	ssyncadd.s32 $0xFFFFF620  }
0xf7: {  	_ =	sfence.sel $0x180000  }
0xf8: {  	[bflag:$0x0] =	sbarrier.arrive $0xFFFF  }
0xf9: {  	_ =	strace $0x9000004D  }
0xfa: {  	s0 =	stileid.u32;
	[bflag:$0x2] =	sbarrier.arrive $0xFFFF  }
0xfb: {  	p0 =	sne.s32 s0, $0x0;
	s0 =	rddreg [dreg:$0x5]  }
0xfc: {  	s0 =	sadd.s32 @!p0 $0x100000, s0  }
0xfd: {  	[sflag:s0] =	ssyncadd.tile.s32 @!p0 $0x1;
	_ =	shalt  }
.Lfunc_end2:
_tile_overlayer_lowered:
.L_overlay_start_2:
0xfe: {  	(tag) =	ssettag $0x2  }
0xff: {  	s0 =	rddreg [dreg:$0x0];
	s2 =	stileid.u32  }
0x100: {  	s1 =	rddreg [dreg:$0x1];
	p0 =	sne.s32 s2, $0x0  }
0x101: {  	s3 =	rddreg [dreg:$0x2];
	[bflag:$0x3] =	sbarrier.arrive $0xFFFF;
	s2 =	simm.s32 @!p0 $0x1C05  }
0x102: {  	[timem:s3], [sflag:s2] =	dma.local @!p0 [hbm:s0], s1  }
0x103: {  	s0 =	simm.s32 @!p0 $0x5  }
0x104: {  	_ =	swait.ge @!p0 [sflag:s0], s1  }
0x105: {  	s1 =	ssub.s32 @!p0 $0x0, s1;
	[sflag:s0] =	ssyncset.done @!p0 $0x0  }
0x106: {  	[sflag:s0] =	ssyncadd.s32 @!p0 s1  }
0x107: {  	[bflag:$0x3] =	sbarrier.arrive $0xFFFF  }
0x108: {  	_ =	shalt  }

// kernel: kernel.9.cloned.1.call-start
scs
__scs_entry_jumppad:
0x0: {  	(pc) =	sbr.rel $0x88, $3  }
0x1: {  	(tag) =	ssettag $0x0;
	lr =	simm.s32 $0x1  }
0x2: {  	[smem:$0x3F93] =	sst lr;
	_ =	strace $0xD0000000  }
0x3: {  	_ = 	snop  }
0x4: {  	_ = 	snop  }
0x5: {  	_ = 	snop  }
0x6: {  	_ = 	snop  }
0x7: {  	_ = 	snop  }
__scs_overlays_trampoline_lowered:
0x8: {  	[smem:$0x3FA2] =	sst s0  }
0x9: {  	[smem:$0x3FA3] =	sst s1  }
0xa: {  	[smem:$0x3FA4] =	sst s2  }
0xb: {  	[smem:$0x3FA5] =	sst s3  }
0xc: {  	[smem:$0x3FA6] =	sst s4  }
0xd: {  	[smem:$0x3FA7] =	sst s5  }
0xe: {  	[smem:$0x3FA8] =	sst s6  }
0xf: {  	[smem:$0x3FA9] =	sst s7  }
0x10: {  	[smem:$0x3FAA] =	sst s8  }
0x11: {  	[smem:$0x3FAB] =	sst s9;
	s0 =	simm.s32 @!p0 $0x0  }
0x12: {  	s1 =	sld [smem:$0x3F91];
	s0 =	simm.s32 @p0 $0x1  }
0x13: {  	[smem:$0x3FAC] =	sst s0;
	s0 =	simm.s32 @!p1 $0x0  }
0x14: {  	s2 =	sld [smem:$0x3F90];
	s0 =	simm.s32 @p1 $0x1  }
0x15: {  	[smem:$0x3FAD] =	sst s0;
	s0 =	simm.s32 @!p2 $0x0  }
0x16: {  	s3 =	sld [smem:$0x3FDB];
	s0 =	simm.s32 @p2 $0x1  }
0x17: {  	s4 =	simm.s32 $0x1BF5;
	[smem:$0x3FAF] =	sst s0  }
0x18: {  	s0 =	sld [smem:$0x3F92];
	_ =	swait.ge [sflag:s4], $0x0  }
0x19: {  	s7 =	sld [smem:$0x3F93]  }
0x1a: {  	s8 =	sadd.s32 $0xFFFFE003, lr  }
0x1b: {  	s9 =	sadd.s32 $0xFFFFFEF7, lr;
	s5 =	simm.s32 $0xFFFFFFFF;
	p2 =	slt.u32 s8, $0xFFFFF086  }
0x1c: {  	p1 =	slt.u32 s9, $0xF7A;
	s5 =	simm.s32 @!p2 $0x0  }
0x1d: {  	s5 =	simm.s32 @p1 $0x1;
	p0 =	seq.s32 s7, s2  }
0x1e: {  	s7 =	smul.u32 @!p0 $0xF7A, s2;
	p2 =	seq.s32 @!p0 s5, $0x0  }
0x1f: {  	s9 =	smul.u32 $0xF7A, s1;
	s8 =	simm.s32 @!p0 $0x1BF5;
	p2 =	por !p2, p0  }
0x20: {  	[sflag:s8] =	ssyncset.s32 @!p0 $0xFFFFF086;
	s6 =	sadd.s32 @!p0 s3, s7;
	s7 =	simm.s32 @!p0 $0x108  }
0x21: {  	s3 =	sadd.s32 s3, s9;
	s6 =	sadd.s32 @!p0 $0x88, s6;
	s7 =	simm.s32 @p2 $0x1082  }
0x22: {  	[simem:s7], [sflag:s8] =	dma.local @!p0 [hbm:s6], $0xF7A  }
0x23: {  	s9 =	sor.u32 $0xD0000000, s2;
	s6 =	simm.s32 $0x108;
	_ =	swait.ge @!p0 [sflag:s8], $0x0  }
0x24: {  	s3 =	sadd.s32 $0x88, s3;
	s6 =	simm.s32 @!p1 $0x1082;
	[sflag:s4] =	ssyncset.s32 $0xFFFFF086  }
0x25: {  	[simem:s6], [sflag:s4] =	dma.local [hbm:s3], $0xF7A  }
0x26: {  	[smem:$0x3F93] =	sst s1;
	(tag) =	ssettag s2;
	_ =	strace s9  }
0x27: {  	s1 =	sld [smem:$0x3FA3]  }
0x28: {  	s2 =	sld [smem:$0x3FA4]  }
0x29: {  	s4 =	sld [smem:$0x3FA6]  }
0x2a: {  	p0 =	seq.s32 s5, $0x0;
	s5 =	sld [smem:$0x3FA7]  }
0x2b: {  	s6 =	sld [smem:$0x3FA8]  }
0x2c: {  	s7 =	sld [smem:$0x3FA9]  }
0x2d: {  	s3 =	simm.s32 $0x108;
	s8 =	sld [smem:$0x3FAA]  }
0x2e: {  	s3 =	simm.s32 @!p0 $0x1082;
	s9 =	sld [smem:$0x3FAB]  }
0x2f: {  	lr =	sadd.s32 s0, s3;
	s0 =	sld [smem:$0x3FA2]  }
0x30: {  	s3 =	sld [smem:$0x3FA5]  }
0x31: {  	[smem:$0x3FAE] =	sst s10  }
0x32: {  	s10 =	sld [smem:$0x3FAC];
	_ =	sdelay $0x3  }
0x33: {  	p0 =	seq.s32 s10, $0x1;
	s10 =	sld [smem:$0x3FAE];
	_ =	sdelay $0x3  }
0x34: {  	[smem:$0x3FAE] =	sst s10  }
0x35: {  	s10 =	sld [smem:$0x3FAD];
	_ =	sdelay $0x3  }
0x36: {  	p1 =	seq.s32 s10, $0x1;
	s10 =	sld [smem:$0x3FAE];
	_ =	sdelay $0x3  }
0x37: {  	[smem:$0x3FAE] =	sst s10  }
0x38: {  	s10 =	sld [smem:$0x3FAF]  }
0x39: {  	_ = 	snop;
	(pc) =	sbr.ind lr, $3  }
0x3a: {  	_ = 	snop  }
0x3b: {  	_ = 	snop  }
0x3c: {  	p2 =	seq.s32 s10, $0x1;
	s10 =	sld [smem:$0x3FAE]  }
0x3d: {  	_ =	shalt  }
0x3e: {  	_ =	shalt  }
0x3f: {  	_ =	shalt  }
0x40: {  	_ =	shalt  }
0x41: {  	_ =	shalt  }
0x42: {  	_ =	shalt  }
0x43: {  	_ =	shalt  }
0x44: {  	_ =	shalt  }
0x45: {  	_ =	shalt  }
0x46: {  	_ =	shalt  }
0x47: {  	_ =	shalt  }
0x48: {  	_ =	shalt  }
0x49: {  	_ =	shalt  }
0x4a: {  	_ =	shalt  }
0x4b: {  	_ =	shalt  }
0x4c: {  	_ =	shalt  }
0x4d: {  	_ =	shalt  }
0x4e: {  	_ =	shalt  }
0x4f: {  	_ =	shalt  }
0x50: {  	_ =	shalt  }
0x51: {  	_ =	shalt  }
0x52: {  	_ =	shalt  }
0x53: {  	_ =	shalt  }
0x54: {  	_ =	shalt  }
0x55: {  	_ =	shalt  }
0x56: {  	_ =	shalt  }
0x57: {  	_ =	shalt  }
0x58: {  	_ =	shalt  }
0x59: {  	_ =	shalt  }
0x5a: {  	_ =	shalt  }
0x5b: {  	_ =	shalt  }
0x5c: {  	_ =	shalt  }
0x5d: {  	_ =	shalt  }
0x5e: {  	_ =	shalt  }
0x5f: {  	_ =	shalt  }
0x60: {  	_ =	shalt  }
0x61: {  	_ =	shalt  }
0x62: {  	_ =	shalt  }
0x63: {  	_ =	shalt  }
0x64: {  	_ =	shalt  }
0x65: {  	_ =	shalt  }
0x66: {  	_ =	shalt  }
0x67: {  	_ =	shalt  }
0x68: {  	_ =	shalt  }
0x69: {  	_ =	shalt  }
0x6a: {  	_ =	shalt  }
0x6b: {  	_ =	shalt  }
0x6c: {  	_ =	shalt  }
0x6d: {  	_ =	shalt  }
0x6e: {  	_ =	shalt  }
0x6f: {  	_ =	shalt  }
0x70: {  	_ =	shalt  }
0x71: {  	_ =	shalt  }
0x72: {  	_ =	shalt  }
0x73: {  	_ =	shalt  }
0x74: {  	_ =	shalt  }
0x75: {  	_ =	shalt  }
0x76: {  	_ =	shalt  }
0x77: {  	_ =	shalt  }
0x78: {  	_ =	shalt  }
0x79: {  	_ =	shalt  }
0x7a: {  	_ =	shalt  }
0x7b: {  	_ =	shalt  }
0x7c: {  	_ =	shalt  }
0x7d: {  	_ =	shalt  }
0x7e: {  	_ =	shalt  }
0x7f: {  	_ =	shalt  }
0x80: {  	_ =	shalt  }
0x81: {  	_ =	shalt  }
0x82: {  	_ =	shalt  }
0x83: {  	_ =	shalt  }
0x84: {  	_ =	shalt  }
0x85: {  	_ =	shalt  }
0x86: {  	_ =	shalt  }
0x87: {  	_ =	shalt  }
.Lfunc_end0:
.L_simem_size_0:
called_computation_lowered:
.L_overlay_start_0:
0x88: {  	s2 =	sld [smem:$0x3FD9]  }
0x89: {  	s3 =	sld [smem:$0x3FFE];
	_ =	sdelay $0x1  }
0x8a: {  	s1 =	srdreg.scid  }
0x8b: {  	s0 =	sand.u32 $0x1, s1  }
0x8c: {  	s14 =	sshll.u32 s0, $0xA;
	s2 =	sadd.s32 s3, s2  }
0x8d: {  	s2 =	sadd.s32 s2, s14  }
0x8e: {  	[smem:$0x3FBA] =	sst s2  }
0x8f: {  	_ = 	snop  }
0x90: {  	s2 =	sld [smem:$0x3FD0];
	_ =	sdelay $0x2  }
0x91: {  	s15 =	simm.s32 $0xA;
	s4 =	simm.s32 $0x10  }
0x92: {  	[smem:s4], [sflag:s15] =	dma.local [hbm:s2], $0x1  }
0x93: {  	_ =	swait.eq [sflag:s15], $0x1  }
0x94: {  	[sflag:s15] =	ssyncset.done $0x0  }
0x95: {  	[sflag:s15] =	ssyncadd.s32 $0xFFFFFFFF  }
0x96: {  	s16 =	sld [smem:$0x11];
	(tm) =	ssettm $0x1  }
0x97: {  	s17 =	sld [smem:$0x3FFB];
	_ =	sdelay $0x3  }
0x98: {  	_ =	strace s17  }
0x99: {  	s3 =	sld [smem:$0x3FFC];
	_ =	sdelay $0x3  }
0x9a: {  	_ =	strace s3  }
0x9b: {  	s3 =	sld [smem:$0x3FFD];
	_ =	sdelay $0x3  }
0x9c: {  	_ =	strace s3  }
0x9d: {  	_ =	strace $0x8FFFFFFF  }
0x9e: {  	s18 =	sld [smem:$0x3FDB];
	_ =	sdelay $0x1  }
0x9f: {  	s19 =	simm.s32 $_scs_section_size  }
0xa0: {  	s5 =	simm.s32 $_size__tile_overlayer_lowered;
	s6 =	simm.s32 $_tile_overlayer_lowered  }
0xa1: {  	s22 =	simm.s32 $0x1BFF;
	s21 =	sshll.u32 s6, $0x1;
	s3 =	sadd.s32 s19, s18  }
0xa2: {  	s7 =	simm.s32 $0x0;
	s20 =	sshll.u32 s5, $0x1;
	s5 =	sadd.s32 s21, s3  }
0xa3: {  	[timem:s7], [sflag:s22] =	dma.local [hbm:s5], s20  }
0xa4: {  	_ =	swait.ge [sflag:s22], s20  }
0xa5: {  	s4 =	ssub.s32 $0x0, s20;
	[sflag:s22] =	ssyncset.done $0x0  }
0xa6: {  	[sflag:s22] =	ssyncadd.s32 s4;
	_ =	sdelay $0x1  }
0xa7: {  	s23 =	simm.s32 $0x1B8B  }
0xa8: {  	_ =	swait.ge [sflag:s23], $0x1  }
0xa9: {  	[sflag:s23] =	ssyncset.done $0x0  }
0xaa: {  	s25 =	simm.s32 $0x1B8E;
	s24 =	sld [smem:$0x3FFE];
	[sflag:s23] =	ssyncadd.s32 $0xFFFFFFFF  }
0xab: {  	s26 =	simm.s32 $execute0_lowered;
	[smem:$0x3FD2] =	sst s25  }
0xac: {  	s5 =	sshll.u32 s26, $0x1;
	_ =	strace $0x80000046;
	[dreg:$0x1] =	wrdreg $0xFFFFFFFF  }
0xad: {  	s28 =	simm.s32 $_size_execute0_lowered;
	s3 =	sadd.s32 s3, s5;
	[dreg:$0x0] =	wrdreg $0x0  }
0xae: {  	s5 =	sshll.u32 s28, $0x1;
	[dreg:$0x2] =	wrdreg s3  }
0xaf: {  	[dreg:$0x3] =	wrdreg s5  }
0xb0: {  	[dreg:$0x4] =	wrdreg $0xC0  }
0xb1: {  	_ =	task [dreg:s7], $0x5FFFF  }
0xb2: {  	[dreg:$0x1] =	wrdreg $0xFFFFFFFF  }
0xb3: {  	[dreg:$0x0] =	wrdreg $0x60  }
0xb4: {  	[dreg:$0x2] =	wrdreg s24  }
0xb5: {  	[dreg:$0x3] =	wrdreg s16  }
0xb6: {  	[dreg:$0x4] =	wrdreg $0x0  }
0xb7: {  	[dreg:$0x5] =	wrdreg $0x9  }
0xb8: {  	_ =	task.clear_ibuf [dreg:s7], $0x6FFFF;
	_ =	strace $0x90000046  }
0xb9: {  	s29 =	simm.s32 $0x9;
	_ =	strace $0x80000048  }
0xba: {  	_ =	swait.ge [sflag:s29], $0x1  }
0xbb: {  	[sflag:s29] =	ssyncadd.s32 $0xFFFFFFFF  }
0xbc: {  	_ =	strace $0x90000048  }
0xbd: {  	_ =	sfence  }
0xbe: {  	s30 =	sld [smem:$0x0];
	_ =	sdelay $0x2  }
0xbf: {  	s31 =	sshll.u32 s1, $0xD;
	s1 =	sshrl.u32 s1, $0x2  }
0xc0: {  	s3 =	sand.u32 $0x4000, s31;
	s1 =	sadd.s32 s1, s30  }
0xc1: {  	s0 =	sor.u32 s3, s0;
	s1 =	sshll.u32 s1, $0x11  }
0xc2: {  	s0 =	sor.u32 s1, s0  }
0xc3: {  	s0 =	sadd.s32 $0x8F2B, s0  }
0xc4: {  	[sflag:s0] =	ssyncadd.remote.s32 $0x1  }
0xc5: {  	_ =	sfence.sel $0xFFFF  }
0xc6: {  	[dreg:$0x0] =	wrdreg $0xFFFFFFFF;
	(pc) =	sbr.abs _section_cstart, $3  }
0xc7: {  	[dreg:$0x1] =	wrdreg $0xFFFFFFFF  }
0xc8: {  	_ =	task.clear_ibuf [dreg:s7], $0x2FFFF;
	_ =	strace $0x9FFFFFFF  }
0xc9: {  	(tm) =	ssettm $0x7FFFFFFF  }
tec
execute0_lowered:
.L_overlay_start_1:
0x0: {  	(tag) =	ssettag $0x1  }
0x1: {  	s0 =	srdreg.scid;
	s1 =	rddreg [dreg:$0x0]  }
0x2: {  	s15 =	stileid.u32;
	s3 =	rddreg [dreg:$0x2]  }
0x3: {  	s4 =	simm.s32 $0x0;
	s13 =	simm.s32 $0x5;
	s14 =	simm.s32 $0xC5C0  }
0x4: {  	s18 =	simm.s32 $0x80;
	s21 =	simm.s32 $0x137C0;
	s22 =	simm.s32 $0x177C0  }
0x5: {  	s23 =	simm.s32 $0x1;
	s24 =	simm.s32 $0x197C0;
	s25 =	simm.s32 $0x2  }
0x6: {  	v0 =	vimm.s32 $0xEFCDAB89;
	v1 =	vimm.s32 $0x67452301;
	s28 =	simm.s32 $0x3;
	s29 =	simm.s32 $0x4;
	s30 =	simm.s32 $0x0  }
0x7: {  	v2 =	vimm.s32 $0xDCFE98BA;
	v3 =	vimm.s32 $0x54761032;
	s0 =	sand.u32 $0x1, s0;
	[smem:$0x7FF] =	sst s4;
	s9 =	smul.u32 $0xC580, s15  }
0x8: {  	v4 =	vimm.s32 $0xBA98FEDC;
	v5 =	vimm.s32 $0x32107654;
	s5 =	sadd.s32 $0x16000, s1;
	s6 =	sadd.s32 $0x2400, s1;
	s31 =	sshll.u32 s15, $0x6  }
0x9: {  	v0 =	vunpack.c.l.s4.s8 v0;
	v1 =	vunpack.c.l.s4.s8 v1;
	v2 =	vunpack.c.l.s4.s8 v2;
	s2 =	sshll.u32 s0, $0x4;
	_ =	strace $0x80000047;
	s7 =	smul.u32 $0xC5800, s0  }
0xa: {  	v3 =	vunpack.c.l.s4.s8 v3;
	v4 =	vunpack.c.l.s4.s8 v4;
	v5 =	vunpack.c.l.s4.s8 v5;
	s0 =	ssub.s32 $0x2, s0;
	s16 =	sor.u32 $0x1C05, s31;
	s2 =	sor.u32 s15, s2  }
0xb: {  	s8 =	sshrl.u32 s9, $0x3;
	s11 =	sshrl.u32 s0, $0x1;
	s26 =	sadd.s32 s9, s3;
	v0 =	vunpack.c.0.s8.s32 v0;
	v1 =	vunpack.c.0.s8.s32 v1;
	v2 =	vunpack.c.0.s8.s32 v2  }
0xc: {  	v3 =	vunpack.c.0.s8.s32 v3;
	v4 =	vunpack.c.0.s8.s32 v4;
	v5 =	vunpack.c.0.s8.s32 v5;
	s15 =	simm.s32 $0xEEC0;
	s2 =	smul.u32 $0x520, s2;
	s7 =	sadd.s32 s9, s7  }
0xd: {  	vm0 =	vcmask $0x720;
	vm1 =	vcmask $0xF20;
	s12 =	sadd.s32 s8, s1;
	s0 =	ssub.s32 s0, s11;
	s17 =	sshrl.u32 s26, $0x3;
	v0 =	vcombine.low v1, v0  }
0xe: {  	s26 =	simm.s32 $0x1BFC0;
	s10 =	sshrl.u32 s7, $0x3;
	s9 =	sadd.s32 $0x3E200, s12;
	v1 =	vcombine.low v3, v2;
	v2 =	vcombine.low v5, v4;
	v3 =	vlaneseq.u32  }
0xf: {  	vm2 =	vcmask $0x1720;
	s11 =	smax.u32 s0, $0x1;
	s2 =	sadd.s32 s2, s1;
	s1 =	sadd.s32 s10, s1;
	v3 =	vand.u32 $0x1, v3;
	v0 =	vand.u32 $0xF, v0  }
0x10: {  	s7 =	sadd.s32 $0x33E00, s2;
	s8 =	sadd.s32 $0x29A00, s2;
	s10 =	sadd.s32 $0x56E00, s1;
	v1 =	vand.u32 $0xF, v1;
	v2 =	vand.u32 $0xF, v2;
	v3 =	vmul.u32 $0x8, v3  }
.LBB2_1:
0x11: {  	s0 =	rddreg [dreg:$0x1];
	s1 =	simm.s32 $0xC580  }
0x12: {  	[tilespmem:s1], [sflag:$0x5] =	stream.linear.gather [hbm4b:s0+s4], $0x40, $0x38;
	[tilespmem:$0x1E7C0] =	vst v63  }
0x13: {  	_ =	swait.ge [sflag:s13], $0x40  }
0x14: {  	[sflag:s13] =	ssyncset.done $0x0  }
0x15: {  	[sflag:s13] =	ssyncadd.s32 $0xFFFFFFC0  }
0x16: {  	[tilespmem:s14], [sflag:$0x5] =	stream.linear.gather [hbm4b:s7+s4], $0x2900, $0x38;
	[tilespmem:$0x1E7C0] =	vst v63  }
0x17: {  	_ =	swait.ge [sflag:s13], $0x2900  }
0x18: {  	[sflag:s13] =	ssyncset.done $0x0  }
0x19: {  	[sflag:s13] =	ssyncadd.s32 $0xFFFFD700  }
0x1a: {  	[tilespmem:s15], [sflag:$0x5] =	stream.linear.gather [hbm4b:s8+s4], $0x2900, $0x38;
	[tilespmem:$0x1E7C0] =	vst v63  }
0x1b: {  	_ =	swait.ge [sflag:s13], $0x2900  }
0x1c: {  	[sflag:s13] =	ssyncset.done $0x0  }
0x1d: {  	[sflag:s13] =	ssyncadd.s32 $0xFFFFD700  }
0x1e: {  	[spmem:s17], [sflag:s16] =	dma.local [hbm:s9], $0x18B0  }
0x1f: {  	_ =	swait.ge [sflag:s13], $0x18B0  }
0x20: {  	[sflag:s13] =	ssyncset.done $0x0  }
0x21: {  	[sflag:s13] =	ssyncadd.s32 $0xFFFFE750  }
0x22: {  	s19 =	simm.s32 $0x117C0;
	[bflag:$0x0] =	sbarrier.arrive $0xFFFF  }
0x23: {  	[tilespmem:s19], [sflag:$0x1] =	stream.indirect.gather [hbm4b:s5+s18], $0x40, s14, s18, $0xb8;
	[tilespmem:$0x1E7C0] =	vst v63  }
0x24: {  	s20 =	simm.s32 $0x157C0;
	s31 =	simm.s32 $0x0  }
0x25: {  	[tilespmem:s20], [sflag:$0x1] =	stream.indirect.gather [hbm4b:s6+s18], $0x40, s15, s18, $0xb8;
	[tilespmem:$0x1E7C0] =	vst v63  }
.LBB2_2:
0x26: {  	s0 =	sshllo.u32 s31, $0x1  }
0x27: {  	s1 =	sshll.u32 s0, $0x7  }
0x28: {  	s0 =	sadd.s32 $0xC5C0, s1  }
0x29: {  	[tilespmem:s21], [sflag:$0x2] =	stream.indirect.gather [hbm4b:s5+s18], $0x40, s0, s18, $0xb8;
	[tilespmem:$0x1E7C0] =	vst v63  }
0x2a: {  	s20 =	sadd.s32 $0xEEC0, s1  }
0x2b: {  	[tilespmem:s22], [sflag:$0x2] =	stream.indirect.gather [hbm4b:s6+s18], $0x40, s20, s18, $0xb8;
	[tilespmem:$0x1E7C0] =	vst v63  }
0x2c: {  	_ =	swait.ge [sflag:s23], $0x2000  }
0x2d: {  	[sflag:s23] =	ssyncset.done $0x0  }
0x2e: {  	[sflag:s23] =	ssyncadd.s32 $0xFFFFE000  }
0x2f: {  	_ =	swait.ge [sflag:s23], $0x2000  }
0x30: {  	p0 =	seq.s32 s31, $0x0;
	[sflag:s23] =	ssyncset.done $0x0  }
0x31: {  	s0 =	simm.s32 @!p0 $0x3;
	[sflag:s23] =	ssyncadd.s32 $0xFFFFE000  }
0x32: {  	_ =	swait.ge @!p0 [sflag:s0], $0x500  }
0x33: {  	[sflag:s0] =	ssyncset.done @!p0 $0x0  }
0x34: {  	[sflag:s0] =	ssyncadd.s32 @!p0 $0xFFFFFB00;
	s0 =	simm.s32 $0x0  }
0x35: {  	v8 =	vld [tilespmem:s0+$0x157F0]  }
0x36: {  	v5 =	vld [tilespmem:s0+$0x157E0]  }
0x37: {  	v4 =	vld [tilespmem:s0+$0x157D0]  }
0x38: {  	v9 =	vld [tilespmem:s0+$0x117D0]  }
0x39: {  	v10 =	vld [tilespmem:s0+$0x157C0]  }
0x3a: {  	v11 =	vld [tilespmem:s0+$0x117C0]  }
0x3b: {  	v12 =	vld [tilespmem:s0+$0x117E0]  }
0x3c: {  	v13 =	vld [tilespmem:s0+$0x117F0];
	_ =	sdelay $0x1  }
0x3d: {  	v7 =	vld [tilespmem:$0xC590];
	v14 =	vadd.f32 v4, v9  }
0x3e: {  	v6 =	vld [tilespmem:$0xC580];
	v10 =	vadd.f32 v10, v11  }
0x3f: {  	v4 =	vld [tilespmem:$0xC5A0];
	v16 =	vadd.f32 v5, v12;
	v15 =	vmul.f32 $2.000000030e-01, v14  }
0x40: {  	v5 =	vld [tilespmem:$0xC5B0];
	v8 =	vadd.f32 v8, v13;
	v17 =	vmul.f32 $2.000000030e-01, v10  }
0x41: {  	v47 =	vmul.f32 $2.000000030e-01, v16;
	v14 =	vmax.f32 v14, v15  }
0x42: {  	v18 =	vmul.f32 $2.000000030e-01, v8;
	v10 =	vmax.f32 v10, v17;
	v14 =	vmul.f32 v14, v7  }
0x43: {  	v15 =	vmax.f32 v16, v47;
	v10 =	vmul.f32 v10, v6  }
0x44: {  	v8 =	vmax.f32 v8, v18;
	v15 =	vmul.f32 v15, v4;
	v48 =	vperm.xlane v14, v0  }
0x45: {  	v8 =	vmul.f32 v8, v5;
	v49 =	vperm.xlane v10, v0  }
0x46: {  	v50 =	vperm.xlane v15, v0;
	v14 =	vadd.f32 v48, v14  }
0x47: {  	v51 =	vperm.xlane v8, v0;
	v10 =	vadd.f32 v49, v10  }
0x48: {  	v15 =	vadd.f32 v50, v15;
	v52 =	vperm.xlane v14, v1  }
0x49: {  	v8 =	vadd.f32 v51, v8;
	v53 =	vperm.xlane v10, v1  }
0x4a: {  	v18 =	vperm.xlane v15, v1;
	v14 =	vadd.f32 v52, v14  }
0x4b: {  	v54 =	vperm.xlane v8, v1;
	v10 =	vadd.f32 v53, v10  }
0x4c: {  	v15 =	vadd.f32 v18, v15;
	v55 =	vperm.xlane v14, v2  }
0x4d: {  	v8 =	vadd.f32 v54, v8;
	v56 =	vperm.xlane v10, v2  }
0x4e: {  	v18 =	vperm.xlane v15, v2;
	v14 =	vadd.f32 v55, v14  }
0x4f: {  	v57 =	vperm.xlane v8, v2;
	v10 =	vadd.f32 v56, v10  }
0x50: {  	v15 =	vadd.f32 v18, v15;
	v14 =	vmul.f32 $1.442695020e+00, v14  }
0x51: {  	v8 =	vadd.f32 v57, v8;
	v10 =	vmul.f32 $1.442695020e+00, v10  }
0x52: {  	v15 =	vmul.f32 $1.442695020e+00, v15;
	(erf) = vpow2.f32 v14  }
0x53: {  	v8 =	vmul.f32 $1.442695020e+00, v8;
	(erf) = vpow2.f32 v10  }
0x54: {  	(erf) = vpow2.f32 v15  }
0x55: {  	(erf) = vpow2.f32 v8;
	_ =	sdelay $0x5  }
0x56: {  	v8 =	vpop (erf)  }
0x57: {  	v9 =	vmul.f32 v8, v9;
	v8 =	vperm.xlane v8, v3;
	v10 =	vpop (erf)  }
0x58: {  	s12 =	simm.s32 $0x19810;
	v11 =	vmul.f32 v10, v11;
	v10 =	vperm.xlane v10, v3;
	v58 =	vpop (erf)  }
0x59: {  	[tilespmem:s12+$0xFFFFFFC0] =	vst v9;
	v59 =	vmul.f32 v58, v12;
	v60 =	vperm.xlane v58, v3;
	v61 =	vpop (erf)  }
0x5a: {  	[tilespmem:s12+$0xFFFFFFB0] =	vst v11;
	v62 =	vmul.f32 v61, v13;
	v8 =	vsel vm0, v10, v8;
	v63 =	vperm.xlane v61, v3  }
0x5b: {  	[tilespmem:s12+$0xFFFFFFD0] =	vst v59;
	v8 =	vsel vm1, v8, v60  }
0x5c: {  	[tilespmem:s12+$0xFFFFFFE0] =	vst v62;
	v8 =	vsel vm2, v8, v63  }
0x5d: {  	s19 =	simm.s32 $0x200;
	s2 =	simm.s32 $0x19810;
	[tilespmem:s12+$0xFFFFFFF0] =	vst v8  }
.LBB2_3:
0x5e: {  	p1 =	sne.s32 s19, $0x7E00  }
0x5f: {  	v8 =	vld [tilespmem:s0+$0x11800];
	s12 =	sadd.s32 $0xA0, s12;
	s20 =	smov.u32 s19;
	s19 =	sadd.s32 $0x200, s19  }
0x60: {  	v9 =	vld [tilespmem:s0+$0x15830]  }
0x61: {  	v10 =	vld [tilespmem:s0+$0x15820]  }
0x62: {  	v11 =	vld [tilespmem:s0+$0x15810]  }
0x63: {  	v12 =	vld [tilespmem:s0+$0x11810]  }
0x64: {  	v13 =	vld [tilespmem:s0+$0x15800]  }
0x65: {  	v14 =	vld [tilespmem:s0+$0x11820]  }
0x66: {  	v15 =	vld [tilespmem:s0+$0x11830];
	_ =	sdelay $0x1  }
0x67: {  	v11 =	vadd.f32 v11, v12  }
0x68: {  	v13 =	vadd.f32 v13, v8  }
0x69: {  	v16 =	vmul.f32 $2.000000030e-01, v11;
	v10 =	vadd.f32 v10, v14  }
0x6a: {  	s0 =	sshra.s32 s20, $0x2;
	v17 =	vmul.f32 $2.000000030e-01, v13;
	v9 =	vadd.f32 v9, v15  }
0x6b: {  	v11 =	vmax.f32 v11, v16;
	v16 =	vmul.f32 $2.000000030e-01, v10  }
0x6c: {  	v13 =	vmax.f32 v13, v17;
	v11 =	vmul.f32 v11, v7;
	v17 =	vmul.f32 $2.000000030e-01, v9  }
0x6d: {  	v13 =	vmul.f32 v13, v6;
	v10 =	vmax.f32 v10, v16  }
0x6e: {  	v16 =	vperm.xlane v11, v0;
	v10 =	vmul.f32 v10, v4;
	v9 =	vmax.f32 v9, v17  }
0x6f: {  	v17 =	vperm.xlane v13, v0;
	v9 =	vmul.f32 v9, v5  }
0x70: {  	v11 =	vadd.f32 v16, v11;
	v16 =	vperm.xlane v10, v0  }
0x71: {  	v13 =	vadd.f32 v17, v13;
	v17 =	vperm.xlane v9, v0  }
0x72: {  	v18 =	vperm.xlane v11, v1;
	v10 =	vadd.f32 v16, v10  }
0x73: {  	v16 =	vperm.xlane v13, v1;
	v9 =	vadd.f32 v17, v9  }
0x74: {  	v11 =	vadd.f32 v18, v11;
	v17 =	vperm.xlane v10, v1  }
0x75: {  	v13 =	vadd.f32 v16, v13;
	v16 =	vperm.xlane v9, v1  }
0x76: {  	v18 =	vperm.xlane v11, v2;
	v10 =	vadd.f32 v17, v10  }
0x77: {  	v17 =	vperm.xlane v13, v2;
	v9 =	vadd.f32 v16, v9  }
0x78: {  	v11 =	vadd.f32 v18, v11;
	v16 =	vperm.xlane v10, v2  }
0x79: {  	v13 =	vadd.f32 v17, v13;
	v17 =	vperm.xlane v9, v2  }
0x7a: {  	v11 =	vmul.f32 $1.442695020e+00, v11;
	v10 =	vadd.f32 v16, v10  }
0x7b: {  	v13 =	vmul.f32 $1.442695020e+00, v13;
	v9 =	vadd.f32 v17, v9  }
0x7c: {  	v10 =	vmul.f32 $1.442695020e+00, v10;
	(erf) = vpow2.f32 v11  }
0x7d: {  	v9 =	vmul.f32 $1.442695020e+00, v9;
	(erf) = vpow2.f32 v13  }
0x7e: {  	(erf) = vpow2.f32 v10  }
0x7f: {  	(erf) = vpow2.f32 v9;
	_ =	sdelay $0x5  }
0x80: {  	v9 =	vpop (erf)  }
0x81: {  	v10 =	vmul.f32 v9, v12;
	v9 =	vperm.xlane v9, v3;
	v11 =	vpop (erf)  }
0x82: {  	v8 =	vmul.f32 v11, v8;
	v11 =	vperm.xlane v11, v3;
	v12 =	vpop (erf)  }
0x83: {  	[tilespmem:s2+$0x10] =	vst v10;
	v10 =	vmul.f32 v12, v14;
	v12 =	vperm.xlane v12, v3;
	v13 =	vpop (erf)  }
0x84: {  	[tilespmem:s2+$0x0] =	vst v8;
	v8 =	vmul.f32 v13, v15;
	v9 =	vsel vm0, v11, v9;
	v11 =	vperm.xlane v13, v3  }
0x85: {  	[tilespmem:s2+$0x20] =	vst v10;
	v9 =	vsel vm1, v9, v12  }
0x86: {  	[tilespmem:s2+$0x30] =	vst v8;
	v8 =	vsel vm2, v9, v11  }
0x87: {  	[tilespmem:s2+$0x40] =	vst v8;
	s2 =	smov.u32 s12;
	_ =	sdelay $0x1  }
0x88: {  	v8 =	vld [tilespmem:s0+$0x157F0]  }
0x89: {  	v9 =	vld [tilespmem:s0+$0x157E0]  }
0x8a: {  	v10 =	vld [tilespmem:s0+$0x157D0]  }
0x8b: {  	v11 =	vld [tilespmem:s0+$0x117E0]  }
0x8c: {  	v12 =	vld [tilespmem:s0+$0x117D0]  }
0x8d: {  	v13 =	vld [tilespmem:s0+$0x157C0]  }
0x8e: {  	v14 =	vld [tilespmem:s0+$0x117C0]  }
0x8f: {  	v15 =	vld [tilespmem:s0+$0x117F0];
	_ =	sdelay $0x1  }
0x90: {  	v10 =	vadd.f32 v10, v12;
	_ =	sdelay $0x1  }
0x91: {  	v9 =	vadd.f32 v9, v11;
	v13 =	vadd.f32 v13, v14;
	v16 =	vmul.f32 $2.000000030e-01, v10  }
0x92: {  	v8 =	vadd.f32 v8, v15  }
0x93: {  	v17 =	vmul.f32 $2.000000030e-01, v13;
	v10 =	vmax.f32 v10, v16;
	v16 =	vmul.f32 $2.000000030e-01, v9  }
0x94: {  	v18 =	vmul.f32 $2.000000030e-01, v8  }
0x95: {  	v10 =	vmul.f32 v10, v7;
	v13 =	vmax.f32 v13, v17;
	v9 =	vmax.f32 v9, v16  }
0x96: {  	v13 =	vmul.f32 v13, v6;
	v9 =	vmul.f32 v9, v4;
	v8 =	vmax.f32 v8, v18  }
0x97: {  	v16 =	vperm.xlane v10, v0;
	v8 =	vmul.f32 v8, v5  }
0x98: {  	v17 =	vperm.xlane v13, v0;
	v18 =	vperm.xlane v9, v0  }
0x99: {  	v10 =	vadd.f32 v16, v10;
	v16 =	vperm.xlane v8, v0  }
0x9a: {  	v13 =	vadd.f32 v17, v13;
	v9 =	vadd.f32 v18, v9  }
0x9b: {  	v17 =	vperm.xlane v10, v1;
	v8 =	vadd.f32 v16, v8  }
0x9c: {  	v16 =	vperm.xlane v13, v1;
	v18 =	vperm.xlane v9, v1  }
0x9d: {  	v10 =	vadd.f32 v17, v10;
	v17 =	vperm.xlane v8, v1  }
0x9e: {  	v13 =	vadd.f32 v16, v13;
	v9 =	vadd.f32 v18, v9  }
0x9f: {  	v16 =	vperm.xlane v10, v2;
	v8 =	vadd.f32 v17, v8  }
0xa0: {  	v17 =	vperm.xlane v13, v2;
	v18 =	vperm.xlane v9, v2  }
0xa1: {  	v10 =	vadd.f32 v16, v10;
	v16 =	vperm.xlane v8, v2  }
0xa2: {  	v13 =	vadd.f32 v17, v13;
	v9 =	vadd.f32 v18, v9  }
0xa3: {  	v10 =	vmul.f32 $1.442695020e+00, v10;
	v8 =	vadd.f32 v16, v8  }
0xa4: {  	v13 =	vmul.f32 $1.442695020e+00, v13;
	v9 =	vmul.f32 $1.442695020e+00, v9  }
0xa5: {  	v8 =	vmul.f32 $1.442695020e+00, v8;
	(erf) = vpow2.f32 v10  }
0xa6: {  	(erf) = vpow2.f32 v13  }
0xa7: {  	(erf) = vpow2.f32 v9  }
0xa8: {  	(erf) = vpow2.f32 v8;
	_ =	sdelay $0x5  }
0xa9: {  	v8 =	vpop (erf)  }
0xaa: {  	v9 =	vmul.f32 v8, v12;
	v8 =	vperm.xlane v8, v3;
	v10 =	vpop (erf)  }
0xab: {  	v12 =	vmul.f32 v10, v14;
	v10 =	vperm.xlane v10, v3;
	v13 =	vpop (erf)  }
.Ltmp0:
0xac: {  	[tilespmem:s12+$0xFFFFFFC0] =	vst v9;
	v9 =	vmul.f32 v13, v11;
	v11 =	vperm.xlane v13, v3;
	v13 =	vpop (erf);
	(pc) =	sbr.rel @p1 .LBB2_3-.Ltmp0, $4  }
0xad: {  	[tilespmem:s12+$0xFFFFFFB0] =	vst v12;
	v12 =	vmul.f32 v13, v15;
	v8 =	vsel vm0, v10, v8;
	v10 =	vperm.xlane v13, v3  }
0xae: {  	[tilespmem:s12+$0xFFFFFFD0] =	vst v9;
	v8 =	vsel vm1, v8, v11  }
0xaf: {  	[tilespmem:s12+$0xFFFFFFE0] =	vst v12;
	v8 =	vsel vm2, v8, v10  }
0xb0: {  	[tilespmem:s12+$0xFFFFFFF0] =	vst v8  }
0xb1: {  	v8 =	vld [tilespmem:s0+$0x11800]  }
0xb2: {  	v9 =	vld [tilespmem:s0+$0x15830]  }
0xb3: {  	v10 =	vld [tilespmem:s0+$0x15820]  }
0xb4: {  	v11 =	vld [tilespmem:s0+$0x15810]  }
0xb5: {  	v12 =	vld [tilespmem:s0+$0x11810]  }
0xb6: {  	v13 =	vld [tilespmem:s0+$0x15800]  }
0xb7: {  	v14 =	vld [tilespmem:s0+$0x11820]  }
0xb8: {  	v15 =	vld [tilespmem:s0+$0x11830];
	_ =	sdelay $0x1  }
0xb9: {  	v11 =	vadd.f32 v11, v12  }
0xba: {  	v13 =	vadd.f32 v13, v8  }
0xbb: {  	v10 =	vadd.f32 v10, v14;
	v16 =	vmul.f32 $2.000000030e-01, v11  }
0xbc: {  	v9 =	vadd.f32 v9, v15;
	v17 =	vmul.f32 $2.000000030e-01, v13  }
0xbd: {  	v24 =	vmul.f32 $2.000000030e-01, v10;
	v11 =	vmax.f32 v11, v16  }
0xbe: {  	v25 =	vmul.f32 $2.000000030e-01, v9;
	v13 =	vmax.f32 v13, v17;
	v7 =	vmul.f32 v11, v7  }
0xbf: {  	v10 =	vmax.f32 v10, v24;
	v6 =	vmul.f32 v13, v6  }
0xc0: {  	v9 =	vmax.f32 v9, v25;
	v4 =	vmul.f32 v10, v4;
	v26 =	vperm.xlane v7, v0  }
0xc1: {  	v5 =	vmul.f32 v9, v5;
	v27 =	vperm.xlane v6, v0  }
0xc2: {  	v28 =	vperm.xlane v4, v0;
	v7 =	vadd.f32 v26, v7  }
0xc3: {  	v29 =	vperm.xlane v5, v0;
	v6 =	vadd.f32 v27, v6  }
0xc4: {  	v4 =	vadd.f32 v28, v4;
	v30 =	vperm.xlane v7, v1  }
0xc5: {  	v5 =	vadd.f32 v29, v5;
	v31 =	vperm.xlane v6, v1  }
0xc6: {  	v32 =	vperm.xlane v4, v1;
	v7 =	vadd.f32 v30, v7  }
0xc7: {  	v33 =	vperm.xlane v5, v1;
	v6 =	vadd.f32 v31, v6  }
0xc8: {  	v4 =	vadd.f32 v32, v4;
	v11 =	vperm.xlane v7, v2  }
0xc9: {  	v5 =	vadd.f32 v33, v5;
	v34 =	vperm.xlane v6, v2  }
0xca: {  	v35 =	vperm.xlane v4, v2;
	v7 =	vadd.f32 v11, v7  }
0xcb: {  	v36 =	vperm.xlane v5, v2;
	v6 =	vadd.f32 v34, v6  }
0xcc: {  	v4 =	vadd.f32 v35, v4;
	v7 =	vmul.f32 $1.442695020e+00, v7  }
0xcd: {  	v5 =	vadd.f32 v36, v5;
	v6 =	vmul.f32 $1.442695020e+00, v6  }
0xce: {  	v4 =	vmul.f32 $1.442695020e+00, v4;
	(erf) = vpow2.f32 v7  }
0xcf: {  	v5 =	vmul.f32 $1.442695020e+00, v5;
	(erf) = vpow2.f32 v6  }
0xd0: {  	(erf) = vpow2.f32 v4  }
0xd1: {  	(erf) = vpow2.f32 v5;
	_ =	sdelay $0x5  }
0xd2: {  	v4 =	vpop (erf)  }
0xd3: {  	v5 =	vmul.f32 v4, v12;
	v4 =	vperm.xlane v4, v3;
	v6 =	vpop (erf)  }
0xd4: {  	v7 =	vmul.f32 v6, v8;
	v6 =	vperm.xlane v6, v3;
	v8 =	vpop (erf)  }
0xd5: {  	[tilespmem:s2+$0x10] =	vst v5;
	v5 =	vmul.f32 v8, v14;
	v8 =	vperm.xlane v8, v3;
	v37 =	vpop (erf)  }
0xd6: {  	[tilespmem:s2+$0x0] =	vst v7;
	v7 =	vmul.f32 v37, v15;
	v4 =	vsel vm0, v6, v4;
	v6 =	vperm.xlane v37, v3  }
0xd7: {  	s20 =	sshll.u32 s31, $0x8;
	[tilespmem:s2+$0x20] =	vst v5;
	v4 =	vsel vm1, v4, v8  }
0xd8: {  	s0 =	sand.u32 $0x3FFFFF00, s20;
	[tilespmem:s2+$0x30] =	vst v7;
	v4 =	vsel vm2, v4, v6  }
0xd9: {  	p1 =	seq.s32 s31, $0x28;
	s0 =	sadd.s32 $0xEEC0, s0;
	[tilespmem:s2+$0x40] =	vst v4  }
0xda: {  	[spmem:s3] =	stream.indirect.scatter.add.f32 [tilespmem:s24], [sflag:$0x3], $0x50, s0, s18, $0xb8;
	[tilespmem:$0x1E7C0] =	vst v63  }
0xdb: {  	s0 =	sshll.u32 @!p1 s31, $0x8  }
0xdc: {  	s12 =	simm.s32 @!p1 $0x80;
	s19 =	simm.s32 @!p1 $0x117C0;
	s2 =	sadd.s32 @!p1 $0xC6C0, s0  }
0xdd: {  	[tilespmem:s19], [sflag:$0x1] =	stream.indirect.gather @!p1 [hbm4b:s5+s12], $0x40, s2, s12, $0xb8;
	[tilespmem:$0x1E7C0] =	vst v63  }
0xde: {  	s0 =	sadd.s32 @!p1 $0xEFC0, s0;
	s2 =	simm.s32 @!p1 $0x157C0  }
0xdf: {  	[tilespmem:s2], [sflag:$0x1] =	stream.indirect.gather @!p1 [hbm4b:s6+s12], $0x40, s0, s12, $0xb8;
	[tilespmem:$0x1E7C0] =	vst v63  }
0xe0: {  	_ =	swait.ge [sflag:s25], $0x2000  }
0xe1: {  	[sflag:s25] =	ssyncset.done $0x0  }
0xe2: {  	[sflag:s25] =	ssyncadd.s32 $0xFFFFE000  }
0xe3: {  	_ =	swait.ge [sflag:s25], $0x2000  }
0xe4: {  	[sflag:s25] =	ssyncset.done $0x0  }
0xe5: {  	s0 =	simm.s32 @!p0 $0x4;
	[sflag:s25] =	ssyncadd.s32 $0xFFFFE000  }
0xe6: {  	_ =	swait.ge @!p0 [sflag:s0], $0x500  }
0xe7: {  	[sflag:s0] =	ssyncset.done @!p0 $0x0  }
0xe8: {  	[sflag:s0] =	ssyncadd.s32 @!p0 $0xFFFFFB00;
	s0 =	simm.s32 $0x0  }
0xe9: {  	v8 =	vld [tilespmem:s0+$0x177F0]  }
0xea: {  	v5 =	vld [tilespmem:s0+$0x177E0]  }
0xeb: {  	v4 =	vld [tilespmem:s0+$0x177D0]  }
0xec: {  	v38 =	vld [tilespmem:s0+$0x137D0]  }
0xed: {  	v39 =	vld [tilespmem:s0+$0x177C0]  }
0xee: {  	v40 =	vld [tilespmem:s0+$0x137C0]  }
0xef: {  	v41 =	vld [tilespmem:s0+$0x137E0]  }
0xf0: {  	v42 =	vld [tilespmem:s0+$0x137F0];
	_ =	sdelay $0x1  }
0xf1: {  	v7 =	vld [tilespmem:$0xC590];
	v43 =	vadd.f32 v4, v38  }
0xf2: {  	v6 =	vld [tilespmem:$0xC580];
	v10 =	vadd.f32 v39, v40  }
0xf3: {  	v4 =	vld [tilespmem:$0xC5A0];
	v45 =	vadd.f32 v5, v41;
	v44 =	vmul.f32 $2.000000030e-01, v43  }
0xf4: {  	v5 =	vld [tilespmem:$0xC5B0];
	v8 =	vadd.f32 v8, v42;
	v46 =	vmul.f32 $2.000000030e-01, v10  }
0xf5: {  	v47 =	vmul.f32 $2.000000030e-01, v45;
	v14 =	vmax.f32 v43, v44  }
0xf6: {  	v18 =	vmul.f32 $2.000000030e-01, v8;
	v10 =	vmax.f32 v10, v46;
	v14 =	vmul.f32 v14, v7  }
0xf7: {  	v15 =	vmax.f32 v45, v47;
	v10 =	vmul.f32 v10, v6  }
0xf8: {  	v8 =	vmax.f32 v8, v18;
	v15 =	vmul.f32 v15, v4;
	v48 =	vperm.xlane v14, v0  }
0xf9: {  	v8 =	vmul.f32 v8, v5;
	v49 =	vperm.xlane v10, v0  }
0xfa: {  	v50 =	vperm.xlane v15, v0;
	v14 =	vadd.f32 v48, v14  }
0xfb: {  	v51 =	vperm.xlane v8, v0;
	v10 =	vadd.f32 v49, v10  }
0xfc: {  	v15 =	vadd.f32 v50, v15;
	v52 =	vperm.xlane v14, v1  }
0xfd: {  	v8 =	vadd.f32 v51, v8;
	v53 =	vperm.xlane v10, v1  }
0xfe: {  	v18 =	vperm.xlane v15, v1;
	v14 =	vadd.f32 v52, v14  }
0xff: {  	v54 =	vperm.xlane v8, v1;
	v10 =	vadd.f32 v53, v10  }
0x100: {  	v15 =	vadd.f32 v18, v15;
	v55 =	vperm.xlane v14, v2  }
0x101: {  	v8 =	vadd.f32 v54, v8;
	v56 =	vperm.xlane v10, v2  }
0x102: {  	v18 =	vperm.xlane v15, v2;
	v14 =	vadd.f32 v55, v14  }
0x103: {  	v57 =	vperm.xlane v8, v2;
	v10 =	vadd.f32 v56, v10  }
0x104: {  	v15 =	vadd.f32 v18, v15;
	v14 =	vmul.f32 $1.442695020e+00, v14  }
0x105: {  	v8 =	vadd.f32 v57, v8;
	v10 =	vmul.f32 $1.442695020e+00, v10  }
0x106: {  	v15 =	vmul.f32 $1.442695020e+00, v15;
	(erf) = vpow2.f32 v14  }
0x107: {  	v8 =	vmul.f32 $1.442695020e+00, v8;
	(erf) = vpow2.f32 v10  }
0x108: {  	(erf) = vpow2.f32 v15  }
0x109: {  	(erf) = vpow2.f32 v8;
	_ =	sdelay $0x5  }
0x10a: {  	v8 =	vpop (erf)  }
0x10b: {  	v9 =	vmul.f32 v8, v38;
	v8 =	vperm.xlane v8, v3;
	v10 =	vpop (erf)  }
0x10c: {  	s12 =	simm.s32 $0x1C010;
	v11 =	vmul.f32 v10, v40;
	v10 =	vperm.xlane v10, v3;
	v58 =	vpop (erf)  }
0x10d: {  	[tilespmem:s12+$0xFFFFFFC0] =	vst v9;
	v59 =	vmul.f32 v58, v41;
	v60 =	vperm.xlane v58, v3;
	v61 =	vpop (erf)  }
0x10e: {  	[tilespmem:s12+$0xFFFFFFB0] =	vst v11;
	v62 =	vmul.f32 v61, v42;
	v8 =	vsel vm0, v10, v8;
	v63 =	vperm.xlane v61, v3  }
0x10f: {  	[tilespmem:s12+$0xFFFFFFD0] =	vst v59;
	v8 =	vsel vm1, v8, v60  }
0x110: {  	[tilespmem:s12+$0xFFFFFFE0] =	vst v62;
	v8 =	vsel vm2, v8, v63  }
0x111: {  	s19 =	simm.s32 $0x200;
	s2 =	simm.s32 $0x1C010;
	[tilespmem:s12+$0xFFFFFFF0] =	vst v8  }
.LBB2_5:
0x112: {  	p0 =	sne.s32 s19, $0x7E00  }
0x113: {  	v8 =	vld [tilespmem:s0+$0x13800];
	s12 =	sadd.s32 $0xA0, s12;
	s20 =	smov.u32 s19;
	s19 =	sadd.s32 $0x200, s19  }
0x114: {  	v9 =	vld [tilespmem:s0+$0x17830]  }
0x115: {  	v10 =	vld [tilespmem:s0+$0x17820]  }
0x116: {  	v11 =	vld [tilespmem:s0+$0x17810]  }
0x117: {  	v12 =	vld [tilespmem:s0+$0x13810]  }
0x118: {  	v13 =	vld [tilespmem:s0+$0x17800]  }
0x119: {  	v14 =	vld [tilespmem:s0+$0x13820]  }
0x11a: {  	v15 =	vld [tilespmem:s0+$0x13830];
	_ =	sdelay $0x1  }
0x11b: {  	v11 =	vadd.f32 v11, v12  }
0x11c: {  	v13 =	vadd.f32 v13, v8  }
0x11d: {  	v16 =	vmul.f32 $2.000000030e-01, v11;
	v10 =	vadd.f32 v10, v14  }
0x11e: {  	s0 =	sshra.s32 s20, $0x2;
	v17 =	vmul.f32 $2.000000030e-01, v13;
	v9 =	vadd.f32 v9, v15  }
0x11f: {  	v11 =	vmax.f32 v11, v16;
	v16 =	vmul.f32 $2.000000030e-01, v10  }
0x120: {  	v13 =	vmax.f32 v13, v17;
	v11 =	vmul.f32 v11, v7;
	v17 =	vmul.f32 $2.000000030e-01, v9  }
0x121: {  	v13 =	vmul.f32 v13, v6;
	v10 =	vmax.f32 v10, v16  }
0x122: {  	v16 =	vperm.xlane v11, v0;
	v10 =	vmul.f32 v10, v4;
	v9 =	vmax.f32 v9, v17  }
0x123: {  	v17 =	vperm.xlane v13, v0;
	v9 =	vmul.f32 v9, v5  }
0x124: {  	v11 =	vadd.f32 v16, v11;
	v16 =	vperm.xlane v10, v0  }
0x125: {  	v13 =	vadd.f32 v17, v13;
	v17 =	vperm.xlane v9, v0  }
0x126: {  	v18 =	vperm.xlane v11, v1;
	v10 =	vadd.f32 v16, v10  }
0x127: {  	v16 =	vperm.xlane v13, v1;
	v9 =	vadd.f32 v17, v9  }
0x128: {  	v11 =	vadd.f32 v18, v11;
	v17 =	vperm.xlane v10, v1  }
0x129: {  	v13 =	vadd.f32 v16, v13;
	v16 =	vperm.xlane v9, v1  }
0x12a: {  	v18 =	vperm.xlane v11, v2;
	v10 =	vadd.f32 v17, v10  }
0x12b: {  	v17 =	vperm.xlane v13, v2;
	v9 =	vadd.f32 v16, v9  }
0x12c: {  	v11 =	vadd.f32 v18, v11;
	v16 =	vperm.xlane v10, v2  }
0x12d: {  	v13 =	vadd.f32 v17, v13;
	v17 =	vperm.xlane v9, v2  }
0x12e: {  	v11 =	vmul.f32 $1.442695020e+00, v11;
	v10 =	vadd.f32 v16, v10  }
0x12f: {  	v13 =	vmul.f32 $1.442695020e+00, v13;
	v9 =	vadd.f32 v17, v9  }
0x130: {  	v10 =	vmul.f32 $1.442695020e+00, v10;
	(erf) = vpow2.f32 v11  }
0x131: {  	v9 =	vmul.f32 $1.442695020e+00, v9;
	(erf) = vpow2.f32 v13  }
0x132: {  	(erf) = vpow2.f32 v10  }
0x133: {  	(erf) = vpow2.f32 v9;
	_ =	sdelay $0x5  }
0x134: {  	v9 =	vpop (erf)  }
0x135: {  	v10 =	vmul.f32 v9, v12;
	v9 =	vperm.xlane v9, v3;
	v11 =	vpop (erf)  }
0x136: {  	v8 =	vmul.f32 v11, v8;
	v11 =	vperm.xlane v11, v3;
	v12 =	vpop (erf)  }
0x137: {  	[tilespmem:s2+$0x10] =	vst v10;
	v10 =	vmul.f32 v12, v14;
	v12 =	vperm.xlane v12, v3;
	v13 =	vpop (erf)  }
0x138: {  	[tilespmem:s2+$0x0] =	vst v8;
	v8 =	vmul.f32 v13, v15;
	v9 =	vsel vm0, v11, v9;
	v11 =	vperm.xlane v13, v3  }
0x139: {  	[tilespmem:s2+$0x20] =	vst v10;
	v9 =	vsel vm1, v9, v12  }
0x13a: {  	[tilespmem:s2+$0x30] =	vst v8;
	v8 =	vsel vm2, v9, v11  }
0x13b: {  	[tilespmem:s2+$0x40] =	vst v8;
	s2 =	smov.u32 s12;
	_ =	sdelay $0x1  }
0x13c: {  	v8 =	vld [tilespmem:s0+$0x177F0]  }
0x13d: {  	v9 =	vld [tilespmem:s0+$0x177E0]  }
0x13e: {  	v10 =	vld [tilespmem:s0+$0x177D0]  }
0x13f: {  	v11 =	vld [tilespmem:s0+$0x137E0]  }
0x140: {  	v12 =	vld [tilespmem:s0+$0x137D0]  }
0x141: {  	v13 =	vld [tilespmem:s0+$0x177C0]  }
0x142: {  	v14 =	vld [tilespmem:s0+$0x137C0]  }
0x143: {  	v15 =	vld [tilespmem:s0+$0x137F0];
	_ =	sdelay $0x1  }
0x144: {  	v10 =	vadd.f32 v10, v12;
	_ =	sdelay $0x1  }
0x145: {  	v9 =	vadd.f32 v9, v11;
	v13 =	vadd.f32 v13, v14;
	v16 =	vmul.f32 $2.000000030e-01, v10  }
0x146: {  	v8 =	vadd.f32 v8, v15  }
0x147: {  	v17 =	vmul.f32 $2.000000030e-01, v13;
	v10 =	vmax.f32 v10, v16;
	v16 =	vmul.f32 $2.000000030e-01, v9  }
0x148: {  	v18 =	vmul.f32 $2.000000030e-01, v8  }
0x149: {  	v10 =	vmul.f32 v10, v7;
	v13 =	vmax.f32 v13, v17;
	v9 =	vmax.f32 v9, v16  }
0x14a: {  	v13 =	vmul.f32 v13, v6;
	v9 =	vmul.f32 v9, v4;
	v8 =	vmax.f32 v8, v18  }
0x14b: {  	v16 =	vperm.xlane v10, v0;
	v8 =	vmul.f32 v8, v5  }
0x14c: {  	v17 =	vperm.xlane v13, v0;
	v18 =	vperm.xlane v9, v0  }
0x14d: {  	v10 =	vadd.f32 v16, v10;
	v16 =	vperm.xlane v8, v0  }
0x14e: {  	v13 =	vadd.f32 v17, v13;
	v9 =	vadd.f32 v18, v9  }
0x14f: {  	v17 =	vperm.xlane v10, v1;
	v8 =	vadd.f32 v16, v8  }
0x150: {  	v16 =	vperm.xlane v13, v1;
	v18 =	vperm.xlane v9, v1  }
0x151: {  	v10 =	vadd.f32 v17, v10;
	v17 =	vperm.xlane v8, v1  }
0x152: {  	v13 =	vadd.f32 v16, v13;
	v9 =	vadd.f32 v18, v9  }
0x153: {  	v16 =	vperm.xlane v10, v2;
	v8 =	vadd.f32 v17, v8  }
0x154: {  	v17 =	vperm.xlane v13, v2;
	v18 =	vperm.xlane v9, v2  }
0x155: {  	v10 =	vadd.f32 v16, v10;
	v16 =	vperm.xlane v8, v2  }
0x156: {  	v13 =	vadd.f32 v17, v13;
	v9 =	vadd.f32 v18, v9  }
0x157: {  	v10 =	vmul.f32 $1.442695020e+00, v10;
	v8 =	vadd.f32 v16, v8  }
0x158: {  	v13 =	vmul.f32 $1.442695020e+00, v13;
	v9 =	vmul.f32 $1.442695020e+00, v9  }
0x159: {  	v8 =	vmul.f32 $1.442695020e+00, v8;
	(erf) = vpow2.f32 v10  }
0x15a: {  	(erf) = vpow2.f32 v13  }
0x15b: {  	(erf) = vpow2.f32 v9  }
0x15c: {  	(erf) = vpow2.f32 v8;
	_ =	sdelay $0x5  }
0x15d: {  	v8 =	vpop (erf)  }
0x15e: {  	v9 =	vmul.f32 v8, v12;
	v8 =	vperm.xlane v8, v3;
	v10 =	vpop (erf)  }
0x15f: {  	v12 =	vmul.f32 v10, v14;
	v10 =	vperm.xlane v10, v3;
	v13 =	vpop (erf)  }
.Ltmp1:
0x160: {  	[tilespmem:s12+$0xFFFFFFC0] =	vst v9;
	v9 =	vmul.f32 v13, v11;
	v11 =	vperm.xlane v13, v3;
	v13 =	vpop (erf);
	(pc) =	sbr.rel @p0 .LBB2_5-.Ltmp1, $4  }
0x161: {  	[tilespmem:s12+$0xFFFFFFB0] =	vst v12;
	v12 =	vmul.f32 v13, v15;
	v8 =	vsel vm0, v10, v8;
	v10 =	vperm.xlane v13, v3  }
0x162: {  	[tilespmem:s12+$0xFFFFFFD0] =	vst v9;
	v8 =	vsel vm1, v8, v11  }
0x163: {  	[tilespmem:s12+$0xFFFFFFE0] =	vst v12;
	v8 =	vsel vm2, v8, v10  }
0x164: {  	[tilespmem:s12+$0xFFFFFFF0] =	vst v8  }
0x165: {  	v8 =	vld [tilespmem:s0+$0x13800]  }
0x166: {  	v9 =	vld [tilespmem:s0+$0x17830]  }
0x167: {  	v10 =	vld [tilespmem:s0+$0x17820]  }
0x168: {  	v11 =	vld [tilespmem:s0+$0x17810]  }
0x169: {  	v12 =	vld [tilespmem:s0+$0x13810]  }
0x16a: {  	v13 =	vld [tilespmem:s0+$0x17800]  }
0x16b: {  	v14 =	vld [tilespmem:s0+$0x13820]  }
0x16c: {  	v15 =	vld [tilespmem:s0+$0x13830];
	_ =	sdelay $0x1  }
0x16d: {  	v11 =	vadd.f32 v11, v12  }
0x16e: {  	v13 =	vadd.f32 v13, v8  }
0x16f: {  	v10 =	vadd.f32 v10, v14;
	v16 =	vmul.f32 $2.000000030e-01, v11  }
0x170: {  	v9 =	vadd.f32 v9, v15;
	v17 =	vmul.f32 $2.000000030e-01, v13  }
0x171: {  	v46 =	vmul.f32 $2.000000030e-01, v10;
	v11 =	vmax.f32 v11, v16  }
0x172: {  	v47 =	vmul.f32 $2.000000030e-01, v9;
	v13 =	vmax.f32 v13, v17;
	v7 =	vmul.f32 v11, v7  }
0x173: {  	v10 =	vmax.f32 v10, v46;
	v6 =	vmul.f32 v13, v6  }
0x174: {  	v9 =	vmax.f32 v9, v47;
	v4 =	vmul.f32 v10, v4;
	v48 =	vperm.xlane v7, v0  }
0x175: {  	v5 =	vmul.f32 v9, v5;
	v49 =	vperm.xlane v6, v0  }
0x176: {  	v50 =	vperm.xlane v4, v0;
	v7 =	vadd.f32 v48, v7  }
0x177: {  	v51 =	vperm.xlane v5, v0;
	v6 =	vadd.f32 v49, v6  }
0x178: {  	v4 =	vadd.f32 v50, v4;
	v52 =	vperm.xlane v7, v1  }
0x179: {  	v5 =	vadd.f32 v51, v5;
	v53 =	vperm.xlane v6, v1  }
0x17a: {  	v54 =	vperm.xlane v4, v1;
	v7 =	vadd.f32 v52, v7  }
0x17b: {  	v55 =	vperm.xlane v5, v1;
	v6 =	vadd.f32 v53, v6  }
0x17c: {  	v4 =	vadd.f32 v54, v4;
	v11 =	vperm.xlane v7, v2  }
0x17d: {  	v5 =	vadd.f32 v55, v5;
	v56 =	vperm.xlane v6, v2  }
0x17e: {  	v57 =	vperm.xlane v4, v2;
	v7 =	vadd.f32 v11, v7  }
0x17f: {  	v58 =	vperm.xlane v5, v2;
	v6 =	vadd.f32 v56, v6  }
0x180: {  	v4 =	vadd.f32 v57, v4;
	v7 =	vmul.f32 $1.442695020e+00, v7  }
0x181: {  	v5 =	vadd.f32 v58, v5;
	v6 =	vmul.f32 $1.442695020e+00, v6  }
0x182: {  	v4 =	vmul.f32 $1.442695020e+00, v4;
	(erf) = vpow2.f32 v7  }
0x183: {  	v5 =	vmul.f32 $1.442695020e+00, v5;
	(erf) = vpow2.f32 v6  }
0x184: {  	(erf) = vpow2.f32 v4  }
0x185: {  	(erf) = vpow2.f32 v5;
	_ =	sdelay $0x5  }
0x186: {  	v4 =	vpop (erf)  }
0x187: {  	v5 =	vmul.f32 v4, v12;
	v4 =	vperm.xlane v4, v3;
	v6 =	vpop (erf)  }
0x188: {  	s31 =	sadd.s32 $0x1, s31;
	v59 =	vmul.f32 v6, v8;
	v6 =	vperm.xlane v6, v3;
	v60 =	vpop (erf)  }
0x189: {  	p0 =	sne.s32 s31, $0x29;
	[tilespmem:s2+$0x10] =	vst v5;
	v5 =	vmul.f32 v60, v14;
	v8 =	vperm.xlane v60, v3;
	v61 =	vpop (erf)  }
.Ltmp2:
0x18a: {  	[tilespmem:s2+$0x0] =	vst v59;
	v62 =	vmul.f32 v61, v15;
	v4 =	vsel vm0, v6, v4;
	v63 =	vperm.xlane v61, v3;
	(pc) =	sbr.rel @p0 .LBB2_2-.Ltmp2, $4  }
0x18b: {  	[tilespmem:s2+$0x20] =	vst v5;
	v4 =	vsel vm1, v4, v8  }
0x18c: {  	s20 =	sand.u32 $0x3FFFFF80, s1;
	[tilespmem:s2+$0x30] =	vst v62;
	v4 =	vsel vm2, v4, v63  }
0x18d: {  	s0 =	sadd.s32 $0xEEC0, s20;
	[tilespmem:s2+$0x40] =	vst v4  }
0x18e: {  	[spmem:s3] =	stream.indirect.scatter.add.f32 [tilespmem:s26], [sflag:$0x4], $0x50, s0, s18, $0xb8;
	[tilespmem:$0x1E7C0] =	vst v63  }
0x18f: {  	_ =	swait.ge [sflag:s28], $0x500  }
0x190: {  	[sflag:s28] =	ssyncset.done $0x0  }
0x191: {  	[sflag:s28] =	ssyncadd.s32 $0xFFFFFB00  }
0x192: {  	_ =	swait.ge [sflag:s29], $0x500  }
0x193: {  	s30 =	sadd.s32 $0x1, s30;
	[sflag:s29] =	ssyncset.done $0x0  }
0x194: {  	p0 =	sne.s32 s30, s11;
	[sflag:s29] =	ssyncadd.s32 $0xFFFFFB00  }
.Ltmp3:
0x195: {  	[bflag:$0x0] =	sbarrier.arrive $0xFFFF;
	(pc) =	sbr.rel @p0 .LBB2_1-.Ltmp3, $4  }
0x196: {  	[hbm:s10], [sflag:s16] =	dma.local [spmem:s17], $0x18B0  }
0x197: {  	_ =	swait.ge [sflag:s13], $0x18B0  }
0x198: {  	[sflag:s13] =	ssyncset.done $0x0  }
0x199: {  	[sflag:s13] =	ssyncadd.s32 $0xFFFFE750  }
0x19a: {  	_ =	sfence.sel $0x180000  }
0x19b: {  	[bflag:$0x0] =	sbarrier.arrive $0xFFFF  }
0x19c: {  	_ =	strace $0x90000047  }
0x19d: {  	s0 =	stileid.u32;
	[bflag:$0x2] =	sbarrier.arrive $0xFFFF  }
0x19e: {  	p0 =	sne.s32 s0, $0x0;
	s0 =	rddreg [dreg:$0x3]  }
0x19f: {  	s0 =	sadd.s32 @!p0 $0x100000, s0  }
0x1a0: {  	[sflag:s0] =	ssyncadd.tile.s32 @!p0 $0x1;
	_ =	shalt  }
.Lfunc_end2:
_tile_overlayer_lowered:
.L_overlay_start_2:
0x1a1: {  	(tag) =	ssettag $0x2  }
0x1a2: {  	s0 =	rddreg [dreg:$0x0];
	s2 =	stileid.u32  }
0x1a3: {  	s1 =	rddreg [dreg:$0x1];
	p0 =	sne.s32 s2, $0x0  }
0x1a4: {  	s3 =	rddreg [dreg:$0x2];
	[bflag:$0x3] =	sbarrier.arrive $0xFFFF;
	s2 =	simm.s32 @!p0 $0x1C05  }
0x1a5: {  	[timem:s3], [sflag:s2] =	dma.local @!p0 [hbm:s0], s1  }
0x1a6: {  	s0 =	simm.s32 @!p0 $0x5  }
0x1a7: {  	_ =	swait.ge @!p0 [sflag:s0], s1  }
0x1a8: {  	s1 =	ssub.s32 @!p0 $0x0, s1;
	[sflag:s0] =	ssyncset.done @!p0 $0x0  }
0x1a9: {  	[sflag:s0] =	ssyncadd.s32 @!p0 s1  }
0x1aa: {  	[bflag:$0x3] =	sbarrier.arrive $0xFFFF  }
0x1ab: {  	_ =	shalt  }

</sc_bundles>
